<compile_context>
chip_gen: v7x
topology: tpu7x:2x2x1
jax: 0.10.2.dev20260603
libtpu: 0.0.44.dev20260713+nightly
codegen_flags: <defaults>
</compile_context>

<pallas_src>
import functools

import jax
import jax.numpy as jnp
from jax import lax
from jax.experimental import pallas as pl
from jax.experimental.pallas import tpu as pltpu
from jax.experimental.pallas import tpu_sc as plsc

NC = 2
NS = 16
LANES = 16
NW = NC * NS

G = 128
K = 2
C = G * K
EP = 128


@functools.partial(jax.jit, static_argnums=(3, 4))
def _embed(tok_pad, seg_plus, comb, N, E):
    npw = N // NW
    n_chunks = npw // C
    assert n_chunks % 2 == 0
    EV = E // LANES

    mesh = plsc.VectorSubcoreMesh(
        core_axis_name="c", subcore_axis_name="s", num_cores=NC, num_subcores=NS
    )

    @functools.partial(
        pl.kernel,
        out_type=jax.ShapeDtypeStruct((N, EP), jnp.float32),
        mesh=mesh,
        scratch_types=[
            pltpu.VMEM((npw,), jnp.int32),
            pltpu.VMEM((K, G), jnp.int32),
            pltpu.VMEM((K, G), jnp.int32),
            pltpu.VMEM((C, EP), jnp.float32),
            pltpu.VMEM((C, EP), jnp.float32),
            pltpu.VMEM((4 * E,), jnp.float32),
            pltpu.SemaphoreType.DMA,
            pltpu.SemaphoreType.DMA,
            pltpu.SemaphoreType.DMA,
            pltpu.SemaphoreType.DMA,
        ],
        compiler_params=pltpu.CompilerParams(use_tc_tiling_on_sc=False),
    )
    def k(tok_hbm, seg_hbm, comb_hbm, out_hbm,
          comb_v, idx0, idx1, rows0, rows1, seg_v,
          sg0, sg1, sw0, sw1):
        idx_b = (idx0, idx1)
        rows_b = (rows0, rows1)
        sg_b = (sg0, sg1)
        sw_b = (sw0, sw1)
        wid = lax.axis_index("s") * NC + lax.axis_index("c")
        base0 = pl.multiple_of(wid * npw, C)
        pltpu.sync_copy(seg_hbm, seg_v)
        pltpu.sync_copy(comb_hbm.at[pl.ds(base0, npw)], comb_v)

        def decode(i, buf):
            off = i * C
            for t in range(C // LANES):
                v = comb_v[pl.ds(off + t * LANES, LANES)]
                idx_b[buf][(t * LANES) // G, pl.ds((t * LANES) % G, LANES)] = (
                    lax.shift_right_logical(v, 2)
                )

        def fire_gathers(buf, i):
            for j in range(K):
                pltpu.async_copy(
                    tok_hbm.at[idx_b[buf].at[j]],
                    rows_b[buf].at[pl.ds(j * G, G)],
                    sg_b[buf],
                )

        def drain(sem, ref):
            pltpu.make_async_copy(tok_hbm.at[pl.ds(0, C)], ref, sem).wait()

        def seg_add(i, buf):
            rows = rows_b[buf]
            off = i * C
            d1 = [seg_v[pl.ds(1 * E + jj * LANES, LANES)] for jj in range(EV)]
            d2 = [seg_v[pl.ds(2 * E + jj * LANES, LANES)] for jj in range(EV)]
            lane_k = [jnp.full((LANES,), kk, jnp.int32) for kk in range(LANES)]

            def row_body(t, c2):
                v = comb_v[pl.ds(off + t * LANES, LANES)]
                a1v = lax.convert_element_type(lax.bitwise_and(v, 1), jnp.float32)
                a2v = lax.convert_element_type(
                    lax.bitwise_and(lax.shift_right_logical(v, 1), 1), jnp.float32)
                for kk in range(LANES):
                    b1 = a1v[lane_k[kk]]
                    b2 = a2v[lane_k[kk]]
                    r = t * LANES + kk
                    for jj in range(EV):
                        sl = pl.ds(jj * LANES, LANES)
                        plsc.addupdate(rows.at[r, sl], b1 * d1[jj] + b2 * d2[jj])
                return c2

            lax.fori_loop(0, C // LANES, row_body, 0)

        def fire_write(i, buf):
            base = pl.multiple_of(base0 + i * C, C)
            pltpu.async_copy(rows_b[buf], out_hbm.at[pl.ds(base, C)], sw_b[buf])

        decode(0, 0)
        fire_gathers(0, 0)

        def pair_body(t, carry):
            i = t * 2
            decode(i + 1, 1)

            @pl.when(t > 0)
            def _():
                drain(sw_b[1], rows_b[1])
            fire_gathers(1, i + 1)
            drain(sg_b[0], rows_b[0])
            seg_add(i, 0)
            fire_write(i, 0)

            @pl.when(t < n_chunks // 2 - 1)
            def _():
                decode(i + 2, 0)
                drain(sw_b[0], rows_b[0])
                fire_gathers(0, i + 2)
            drain(sg_b[1], rows_b[1])
            seg_add(i + 1, 1)
            fire_write(i + 1, 1)
            return carry

        lax.fori_loop(0, n_chunks // 2, pair_body, 0)
        drain(sw_b[0], rows_b[0])
        drain(sw_b[1], rows_b[1])

    return k(tok_pad, seg_plus, comb)


def kernel(token_table, segment_table, pe, sequence, segment_label):
    B, L = sequence.shape
    V, E = token_table.shape
    N = B * L
    pos = pe[0, L]
    seg_flat = jnp.concatenate(
        [segment_table, jnp.zeros((1, E), segment_table.dtype)], 0).reshape(-1)
    comb = (sequence * 4 + segment_label).reshape(N)
    tok_pad = jnp.pad(token_table + pos[None, :], ((0, 0), (0, EP - E)))
    out = _embed(tok_pad, seg_flat, comb, N, E)
    return out.reshape(B, L, EP)[:, :, :E]

# --- scband reference (transcript-rebuilt; emitter-appended) ---
"""Pipeline reference for scband-bert-embedding-85487029060257 (READ-ONLY COPY).

The authoritative reference and input builder live on the scoring server;
editing this copy changes nothing except your own understanding.
"""

import jax, jax.numpy as jnp
import numpy as np

VOCAB = 1000000
EMBED = 64
B = 4096
L = 200
MAX_LEN = 512


def _make_pe(embed_size, max_len=512):
    pe = np.zeros((max_len, embed_size), dtype=np.float32)
    position = np.arange(0, max_len, dtype=np.float32)[:, None]
    div = np.exp(np.arange(0.0, embed_size, 2, dtype=np.float32) * (-np.log(10000.0) / embed_size))
    pe[:, 0::2] = np.sin(position * div)
    pe[:, 1::2] = np.cos(position * div)
    return jnp.asarray(pe[None])  # [1, max_len, embed_size]


def setup_inputs(seed: int = 0):
    key = jax.random.key(seed)
    k1, k2, k3, k4 = jax.random.split(key, 4)
    sequence = jax.random.randint(k1, (B, L), 0, VOCAB, dtype=jnp.int32)
    segment_label = jax.random.randint(k2, (B, L), 0, 3, dtype=jnp.int32)
    token_table = jax.random.normal(k3, (VOCAB, EMBED), dtype=jnp.float32) * 0.02
    token_table = token_table.at[0].set(0.0)  # padding_idx=0
    segment_table = jax.random.normal(k4, (3, EMBED), dtype=jnp.float32) * 0.02
    segment_table = segment_table.at[0].set(0.0)  # padding_idx=0
    pe = _make_pe(EMBED, MAX_LEN)
    return {"token_table": token_table, "segment_table": segment_table, "pe": pe, "sequence": sequence, "segment_label": segment_label}


def reference(token_table, segment_table, pe, sequence, segment_label):
    # Faithful translation of BertEmbedding.forward (eval mode: dropout = identity).
    # Note: PositionalEmbedding.forward returns pe[:, x.size(1)] -> a single [1, E]
    # slice at position index L, broadcast over the whole batch/sequence (as in the
    # original torch code).
    seq_len = sequence.shape[1]
    pos = pe[:, seq_len]  # [1, EMBED]
    tok = jnp.take(token_table, sequence, axis=0)        # [B, L, EMBED] gather
    seg = jnp.take(segment_table, segment_label, axis=0)  # [B, L, EMBED] gather
    x = tok + pos + seg
    return x

if __name__ == "__main__":
    import jax
    _d = setup_inputs()
    print(jax.jit(kernel)(*tuple(_d.values())))

</pallas_src>

<mosaic_0001>
#map = affine_map<(d0, d1) -> (0, 0)>
#map1 = affine_map<(d0, d1) -> (0)>
module attributes {stable_mosaic.version = 14 : i64} {
  func.func @k(%arg0: i32, %arg1: i32, %arg2: memref<1000000x128xf32, #tpu.memory_space<hbm>>, %arg3: memref<256xf32, #tpu.memory_space<hbm>>, %arg4: memref<819200xi32, #tpu.memory_space<hbm>>, %arg5: memref<819200x128xf32, #tpu.memory_space<hbm>>, %arg6: memref<25600xi32, #tpu.memory_space<vmem>>, %arg7: memref<2x128xi32, #tpu.memory_space<vmem>>, %arg8: memref<2x128xi32, #tpu.memory_space<vmem>>, %arg9: memref<256x128xf32, #tpu.memory_space<vmem>>, %arg10: memref<256x128xf32, #tpu.memory_space<vmem>>, %arg11: memref<256xf32, #tpu.memory_space<vmem>>, %arg12: memref<!tpu.dma_semaphore, #tpu.memory_space<semaphore_mem>>, %arg13: memref<!tpu.dma_semaphore, #tpu.memory_space<semaphore_mem>>, %arg14: memref<!tpu.dma_semaphore, #tpu.memory_space<semaphore_mem>>, %arg15: memref<!tpu.dma_semaphore, #tpu.memory_space<semaphore_mem>>) attributes {dimension_semantics = [#tpu.dimension_semantics<core_parallel>, #tpu.dimension_semantics<subcore_parallel>], iteration_bounds = array<i64: 2, 16>, scalar_prefetch = 0 : i64, scratch_operands = 10 : i64, tpu.core_type = #tpu.core_type<sc_vector_subcore>, window_params = [{transform_indices = #map}, {transform_indices = #map1}, {transform_indices = #map1}, {transform_indices = #map}]} {
    %mul3A = arith.constant 2 : i32
    %mul3A_0 = arith.muli %arg1, %mul3A : i32
    %add3A = arith.addi %mul3A_0, %arg0 : i32
    %mul3A_1 = arith.constant 25600 : i32
    %mul3A_2 = arith.muli %add3A, %mul3A_1 : i32
    %multiple_of3A = tpu.assume_multiple %mul3A_2, 256 : i32
    "tpu.region"() ({
      %run_scoped3A = tpu.sem_alloc : memref<!tpu.dma_semaphore, #tpu.memory_space<semaphore_mem>>
      tpu.enqueue_dma source(%arg3 : memref<256xf32, #tpu.memory_space<hbm>>) target(%arg11 : memref<256xf32, #tpu.memory_space<vmem>>) target_semaphore(%run_scoped3A : memref<!tpu.dma_semaphore, #tpu.memory_space<semaphore_mem>>)
      tpu.wait_dma2 semaphore(%run_scoped3A : memref<!tpu.dma_semaphore, #tpu.memory_space<semaphore_mem>>) src(%arg3 : memref<256xf32, #tpu.memory_space<hbm>>) dst(%arg11 : memref<256xf32, #tpu.memory_space<vmem>>)
      tpu.yield
    }) : () -> ()
    "tpu.region"() ({
      %run_scoped3A = tpu.sem_alloc : memref<!tpu.dma_semaphore, #tpu.memory_space<semaphore_mem>>
      %dma_start3A_227 = tpu.memref_slice %arg4[%multiple_of3A] : memref<819200xi32, #tpu.memory_space<hbm>> -> memref<25600xi32, #tpu.memory_space<hbm>>
      %dma_start3A_228 = tpu.memref_slice %arg4[%multiple_of3A] : memref<819200xi32, #tpu.memory_space<hbm>> -> memref<25600xi32, #tpu.memory_space<hbm>>
      tpu.enqueue_dma source(%dma_start3A_228 : memref<25600xi32, #tpu.memory_space<hbm>>) target(%arg6 : memref<25600xi32, #tpu.memory_space<vmem>>) target_semaphore(%run_scoped3A : memref<!tpu.dma_semaphore, #tpu.memory_space<semaphore_mem>>)
      %dma_wait3A_229 = tpu.memref_slice %arg4[%multiple_of3A] : memref<819200xi32, #tpu.memory_space<hbm>> -> memref<25600xi32, #tpu.memory_space<hbm>>
      %dma_wait3A_230 = tpu.memref_slice %arg4[%multiple_of3A] : memref<819200xi32, #tpu.memory_space<hbm>> -> memref<25600xi32, #tpu.memory_space<hbm>>
      tpu.wait_dma2 semaphore(%run_scoped3A : memref<!tpu.dma_semaphore, #tpu.memory_space<semaphore_mem>>) src(%dma_wait3A_230 : memref<25600xi32, #tpu.memory_space<hbm>>) dst(%arg6 : memref<25600xi32, #tpu.memory_space<vmem>>)
      tpu.yield
    }) : () -> ()
    %get3A = arith.constant 0 : index
    %get3A_3 = tpu.vector_load %arg6[%get3A] {strides = array<i32>} : memref<25600xi32, #tpu.memory_space<vmem>>, vector<16xi32>,
    %get3A_4 = vector.shape_cast %get3A_3 : vector<16xi32> to vector<16xi32>
    %shift_right_logical3A = arith.constant 2 : i32
    %shift_right_logical3A_5 = vector.broadcast %shift_right_logical3A : i32 to vector<16xi32>
    %shift_right_logical3A_6 = arith.shrui %get3A_4, %shift_right_logical3A_5 : vector<16xi32>
    %swap3A = arith.constant 0 : i32
    %swap3A_7 = arith.index_cast %swap3A : i32 to index
    %swap3A_8 = arith.constant 0 : index
    %swap3A_9 = tpu.vector_load %arg7[%swap3A_7, %swap3A_8] {strides = array<i32>} : memref<2x128xi32, #tpu.memory_space<vmem>>, vector<1x16xi32>,
    %swap3A_10 = vector.shape_cast %swap3A_9 : vector<1x16xi32> to vector<16xi32>
    %swap3A_11 = vector.shape_cast %shift_right_logical3A_6 : vector<16xi32> to vector<1x16xi32>
    tpu.vector_store %arg7[%swap3A_7, %swap3A_8], %swap3A_11 {strides = array<i32>} : memref<2x128xi32, #tpu.memory_space<vmem>>, vector<1x16xi32>,
    %get3A_12 = arith.constant 16 : index
    %get3A_13 = tpu.vector_load %arg6[%get3A_12] {strides = array<i32>} : memref<25600xi32, #tpu.memory_space<vmem>>, vector<16xi32>,
    %get3A_14 = vector.shape_cast %get3A_13 : vector<16xi32> to vector<16xi32>
    %shift_right_logical3A_15 = arith.constant 2 : i32
    %shift_right_logical3A_16 = vector.broadcast %shift_right_logical3A_15 : i32 to vector<16xi32>
    %shift_right_logical3A_17 = arith.shrui %get3A_14, %shift_right_logical3A_16 : vector<16xi32>
    %swap3A_18 = arith.constant 0 : i32
    %swap3A_19 = arith.index_cast %swap3A_18 : i32 to index
    %swap3A_20 = arith.constant 16 : index
    %swap3A_21 = tpu.vector_load %arg7[%swap3A_19, %swap3A_20] {strides = array<i32>} : memref<2x128xi32, #tpu.memory_space<vmem>>, vector<1x16xi32>,
    %swap3A_22 = vector.shape_cast %swap3A_21 : vector<1x16xi32> to vector<16xi32>
    %swap3A_23 = vector.shape_cast %shift_right_logical3A_17 : vector<16xi32> to vector<1x16xi32>
    tpu.vector_store %arg7[%swap3A_19, %swap3A_20], %swap3A_23 {strides = array<i32>} : memref<2x128xi32, #tpu.memory_space<vmem>>, vector<1x16xi32>,
    %get3A_24 = arith.constant 32 : index
    %get3A_25 = tpu.vector_load %arg6[%get3A_24] {strides = array<i32>} : memref<25600xi32, #tpu.memory_space<vmem>>, vector<16xi32>,
    %get3A_26 = vector.shape_cast %get3A_25 : vector<16xi32> to vector<16xi32>
    %shift_right_logical3A_27 = arith.constant 2 : i32
    %shift_right_logical3A_28 = vector.broadcast %shift_right_logical3A_27 : i32 to vector<16xi32>
    %shift_right_logical3A_29 = arith.shrui %get3A_26, %shift_right_logical3A_28 : vector<16xi32>
    %swap3A_30 = arith.constant 0 : i32
    %swap3A_31 = arith.index_cast %swap3A_30 : i32 to index
    %swap3A_32 = arith.constant 32 : index
    %swap3A_33 = tpu.vector_load %arg7[%swap3A_31, %swap3A_32] {strides = array<i32>} : memref<2x128xi32, #tpu.memory_space<vmem>>, vector<1x16xi32>,
    %swap3A_34 = vector.shape_cast %swap3A_33 : vector<1x16xi32> to vector<16xi32>
    %swap3A_35 = vector.shape_cast %shift_right_logical3A_29 : vector<16xi32> to vector<1x16xi32>
    tpu.vector_store %arg7[%swap3A_31, %swap3A_32], %swap3A_35 {strides = array<i32>} : memref<2x128xi32, #tpu.memory_space<vmem>>, vector<1x16xi32>,
    %get3A_36 = arith.constant 48 : index
    %get3A_37 = tpu.vector_load %arg6[%get3A_36] {strides = array<i32>} : memref<25600xi32, #tpu.memory_space<vmem>>, vector<16xi32>,
    %get3A_38 = vector.shape_cast %get3A_37 : vector<16xi32> to vector<16xi32>
    %shift_right_logical3A_39 = arith.constant 2 : i32
    %shift_right_logical3A_40 = vector.broadcast %shift_right_logical3A_39 : i32 to vector<16xi32>
    %shift_right_logical3A_41 = arith.shrui %get3A_38, %shift_right_logical3A_40 : vector<16xi32>
    %swap3A_42 = arith.constant 0 : i32
    %swap3A_43 = arith.index_cast %swap3A_42 : i32 to index
    %swap3A_44 = arith.constant 48 : index
    %swap3A_45 = tpu.vector_load %arg7[%swap3A_43, %swap3A_44] {strides = array<i32>} : memref<2x128xi32, #tpu.memory_space<vmem>>, vector<1x16xi32>,
    %swap3A_46 = vector.shape_cast %swap3A_45 : vector<1x16xi32> to vector<16xi32>
    %swap3A_47 = vector.shape_cast %shift_right_logical3A_41 : vector<16xi32> to vector<1x16xi32>
    tpu.vector_store %arg7[%swap3A_43, %swap3A_44], %swap3A_47 {strides = array<i32>} : memref<2x128xi32, #tpu.memory_space<vmem>>, vector<1x16xi32>,
    %get3A_48 = arith.constant 64 : index
    %get3A_49 = tpu.vector_load %arg6[%get3A_48] {strides = array<i32>} : memref<25600xi32, #tpu.memory_space<vmem>>, vector<16xi32>,
    %get3A_50 = vector.shape_cast %get3A_49 : vector<16xi32> to vector<16xi32>
    %shift_right_logical3A_51 = arith.constant 2 : i32
    %shift_right_logical3A_52 = vector.broadcast %shift_right_logical3A_51 : i32 to vector<16xi32>
    %shift_right_logical3A_53 = arith.shrui %get3A_50, %shift_right_logical3A_52 : vector<16xi32>
    %swap3A_54 = arith.constant 0 : i32
    %swap3A_55 = arith.index_cast %swap3A_54 : i32 to index
    %swap3A_56 = arith.constant 64 : index
    %swap3A_57 = tpu.vector_load %arg7[%swap3A_55, %swap3A_56] {strides = array<i32>} : memref<2x128xi32, #tpu.memory_space<vmem>>, vector<1x16xi32>,
    %swap3A_58 = vector.shape_cast %swap3A_57 : vector<1x16xi32> to vector<16xi32>
    %swap3A_59 = vector.shape_cast %shift_right_logical3A_53 : vector<16xi32> to vector<1x16xi32>
    tpu.vector_store %arg7[%swap3A_55, %swap3A_56], %swap3A_59 {strides = array<i32>} : memref<2x128xi32, #tpu.memory_space<vmem>>, vector<1x16xi32>,
    %get3A_60 = arith.constant 80 : index
    %get3A_61 = tpu.vector_load %arg6[%get3A_60] {strides = array<i32>} : memref<25600xi32, #tpu.memory_space<vmem>>, vector<16xi32>,
    %get3A_62 = vector.shape_cast %get3A_61 : vector<16xi32> to vector<16xi32>
    %shift_right_logical3A_63 = arith.constant 2 : i32
    %shift_right_logical3A_64 = vector.broadcast %shift_right_logical3A_63 : i32 to vector<16xi32>
    %shift_right_logical3A_65 = arith.shrui %get3A_62, %shift_right_logical3A_64 : vector<16xi32>
    %swap3A_66 = arith.constant 0 : i32
    %swap3A_67 = arith.index_cast %swap3A_66 : i32 to index
    %swap3A_68 = arith.constant 80 : index
    %swap3A_69 = tpu.vector_load %arg7[%swap3A_67, %swap3A_68] {strides = array<i32>} : memref<2x128xi32, #tpu.memory_space<vmem>>, vector<1x16xi32>,
    %swap3A_70 = vector.shape_cast %swap3A_69 : vector<1x16xi32> to vector<16xi32>
    %swap3A_71 = vector.shape_cast %shift_right_logical3A_65 : vector<16xi32> to vector<1x16xi32>
    tpu.vector_store %arg7[%swap3A_67, %swap3A_68], %swap3A_71 {strides = array<i32>} : memref<2x128xi32, #tpu.memory_space<vmem>>, vector<1x16xi32>,
    %get3A_72 = arith.constant 96 : index
    %get3A_73 = tpu.vector_load %arg6[%get3A_72] {strides = array<i32>} : memref<25600xi32, #tpu.memory_space<vmem>>, vector<16xi32>,
    %get3A_74 = vector.shape_cast %get3A_73 : vector<16xi32> to vector<16xi32>
    %shift_right_logical3A_75 = arith.constant 2 : i32
    %shift_right_logical3A_76 = vector.broadcast %shift_right_logical3A_75 : i32 to vector<16xi32>
    %shift_right_logical3A_77 = arith.shrui %get3A_74, %shift_right_logical3A_76 : vector<16xi32>
    %swap3A_78 = arith.constant 0 : i32
    %swap3A_79 = arith.index_cast %swap3A_78 : i32 to index
    %swap3A_80 = arith.constant 96 : index
    %swap3A_81 = tpu.vector_load %arg7[%swap3A_79, %swap3A_80] {strides = array<i32>} : memref<2x128xi32, #tpu.memory_space<vmem>>, vector<1x16xi32>,
    %swap3A_82 = vector.shape_cast %swap3A_81 : vector<1x16xi32> to vector<16xi32>
    %swap3A_83 = vector.shape_cast %shift_right_logical3A_77 : vector<16xi32> to vector<1x16xi32>
    tpu.vector_store %arg7[%swap3A_79, %swap3A_80], %swap3A_83 {strides = array<i32>} : memref<2x128xi32, #tpu.memory_space<vmem>>, vector<1x16xi32>,
    %get3A_84 = arith.constant 112 : index
    %get3A_85 = tpu.vector_load %arg6[%get3A_84] {strides = array<i32>} : memref<25600xi32, #tpu.memory_space<vmem>>, vector<16xi32>,
    %get3A_86 = vector.shape_cast %get3A_85 : vector<16xi32> to vector<16xi32>
    %shift_right_logical3A_87 = arith.constant 2 : i32
    %shift_right_logical3A_88 = vector.broadcast %shift_right_logical3A_87 : i32 to vector<16xi32>
    %shift_right_logical3A_89 = arith.shrui %get3A_86, %shift_right_logical3A_88 : vector<16xi32>
    %swap3A_90 = arith.constant 0 : i32
    %swap3A_91 = arith.index_cast %swap3A_90 : i32 to index
    %swap3A_92 = arith.constant 112 : index
    %swap3A_93 = tpu.vector_load %arg7[%swap3A_91, %swap3A_92] {strides = array<i32>} : memref<2x128xi32, #tpu.memory_space<vmem>>, vector<1x16xi32>,
    %swap3A_94 = vector.shape_cast %swap3A_93 : vector<1x16xi32> to vector<16xi32>
    %swap3A_95 = vector.shape_cast %shift_right_logical3A_89 : vector<16xi32> to vector<1x16xi32>
    tpu.vector_store %arg7[%swap3A_91, %swap3A_92], %swap3A_95 {strides = array<i32>} : memref<2x128xi32, #tpu.memory_space<vmem>>, vector<1x16xi32>,
    %get3A_96 = arith.constant 128 : index
    %get3A_97 = tpu.vector_load %arg6[%get3A_96] {strides = array<i32>} : memref<25600xi32, #tpu.memory_space<vmem>>, vector<16xi32>,
    %get3A_98 = vector.shape_cast %get3A_97 : vector<16xi32> to vector<16xi32>
    %shift_right_logical3A_99 = arith.constant 2 : i32
    %shift_right_logical3A_100 = vector.broadcast %shift_right_logical3A_99 : i32 to vector<16xi32>
    %shift_right_logical3A_101 = arith.shrui %get3A_98, %shift_right_logical3A_100 : vector<16xi32>
    %swap3A_102 = arith.constant 1 : i32
    %swap3A_103 = arith.index_cast %swap3A_102 : i32 to index
    %swap3A_104 = arith.constant 0 : index
    %swap3A_105 = tpu.vector_load %arg7[%swap3A_103, %swap3A_104] {strides = array<i32>} : memref<2x128xi32, #tpu.memory_space<vmem>>, vector<1x16xi32>,
    %swap3A_106 = vector.shape_cast %swap3A_105 : vector<1x16xi32> to vector<16xi32>
    %swap3A_107 = vector.shape_cast %shift_right_logical3A_101 : vector<16xi32> to vector<1x16xi32>
    tpu.vector_store %arg7[%swap3A_103, %swap3A_104], %swap3A_107 {strides = array<i32>} : memref<2x128xi32, #tpu.memory_space<vmem>>, vector<1x16xi32>,
    %get3A_108 = arith.constant 144 : index
    %get3A_109 = tpu.vector_load %arg6[%get3A_108] {strides = array<i32>} : memref<25600xi32, #tpu.memory_space<vmem>>, vector<16xi32>,
    %get3A_110 = vector.shape_cast %get3A_109 : vector<16xi32> to vector<16xi32>
    %shift_right_logical3A_111 = arith.constant 2 : i32
    %shift_right_logical3A_112 = vector.broadcast %shift_right_logical3A_111 : i32 to vector<16xi32>
    %shift_right_logical3A_113 = arith.shrui %get3A_110, %shift_right_logical3A_112 : vector<16xi32>
    %swap3A_114 = arith.constant 1 : i32
    %swap3A_115 = arith.index_cast %swap3A_114 : i32 to index
    %swap3A_116 = arith.constant 16 : index
    %swap3A_117 = tpu.vector_load %arg7[%swap3A_115, %swap3A_116] {strides = array<i32>} : memref<2x128xi32, #tpu.memory_space<vmem>>, vector<1x16xi32>,
    %swap3A_118 = vector.shape_cast %swap3A_117 : vector<1x16xi32> to vector<16xi32>
    %swap3A_119 = vector.shape_cast %shift_right_logical3A_113 : vector<16xi32> to vector<1x16xi32>
    tpu.vector_store %arg7[%swap3A_115, %swap3A_116], %swap3A_119 {strides = array<i32>} : memref<2x128xi32, #tpu.memory_space<vmem>>, vector<1x16xi32>,
    %get3A_120 = arith.constant 160 : index
    %get3A_121 = tpu.vector_load %arg6[%get3A_120] {strides = array<i32>} : memref<25600xi32, #tpu.memory_space<vmem>>, vector<16xi32>,
    %get3A_122 = vector.shape_cast %get3A_121 : vector<16xi32> to vector<16xi32>
    %shift_right_logical3A_123 = arith.constant 2 : i32
    %shift_right_logical3A_124 = vector.broadcast %shift_right_logical3A_123 : i32 to vector<16xi32>
    %shift_right_logical3A_125 = arith.shrui %get3A_122, %shift_right_logical3A_124 : vector<16xi32>
    %swap3A_126 = arith.constant 1 : i32
    %swap3A_127 = arith.index_cast %swap3A_126 : i32 to index
    %swap3A_128 = arith.constant 32 : index
    %swap3A_129 = tpu.vector_load %arg7[%swap3A_127, %swap3A_128] {strides = array<i32>} : memref<2x128xi32, #tpu.memory_space<vmem>>, vector<1x16xi32>,
    %swap3A_130 = vector.shape_cast %swap3A_129 : vector<1x16xi32> to vector<16xi32>
    %swap3A_131 = vector.shape_cast %shift_right_logical3A_125 : vector<16xi32> to vector<1x16xi32>
    tpu.vector_store %arg7[%swap3A_127, %swap3A_128], %swap3A_131 {strides = array<i32>} : memref<2x128xi32, #tpu.memory_space<vmem>>, vector<1x16xi32>,
    %get3A_132 = arith.constant 176 : index
    %get3A_133 = tpu.vector_load %arg6[%get3A_132] {strides = array<i32>} : memref<25600xi32, #tpu.memory_space<vmem>>, vector<16xi32>,
    %get3A_134 = vector.shape_cast %get3A_133 : vector<16xi32> to vector<16xi32>
    %shift_right_logical3A_135 = arith.constant 2 : i32
    %shift_right_logical3A_136 = vector.broadcast %shift_right_logical3A_135 : i32 to vector<16xi32>
    %shift_right_logical3A_137 = arith.shrui %get3A_134, %shift_right_logical3A_136 : vector<16xi32>
    %swap3A_138 = arith.constant 1 : i32
    %swap3A_139 = arith.index_cast %swap3A_138 : i32 to index
    %swap3A_140 = arith.constant 48 : index
    %swap3A_141 = tpu.vector_load %arg7[%swap3A_139, %swap3A_140] {strides = array<i32>} : memref<2x128xi32, #tpu.memory_space<vmem>>, vector<1x16xi32>,
    %swap3A_142 = vector.shape_cast %swap3A_141 : vector<1x16xi32> to vector<16xi32>
    %swap3A_143 = vector.shape_cast %shift_right_logical3A_137 : vector<16xi32> to vector<1x16xi32>
    tpu.vector_store %arg7[%swap3A_139, %swap3A_140], %swap3A_143 {strides = array<i32>} : memref<2x128xi32, #tpu.memory_space<vmem>>, vector<1x16xi32>,
    %get3A_144 = arith.constant 192 : index
    %get3A_145 = tpu.vector_load %arg6[%get3A_144] {strides = array<i32>} : memref<25600xi32, #tpu.memory_space<vmem>>, vector<16xi32>,
    %get3A_146 = vector.shape_cast %get3A_145 : vector<16xi32> to vector<16xi32>
    %shift_right_logical3A_147 = arith.constant 2 : i32
    %shift_right_logical3A_148 = vector.broadcast %shift_right_logical3A_147 : i32 to vector<16xi32>
    %shift_right_logical3A_149 = arith.shrui %get3A_146, %shift_right_logical3A_148 : vector<16xi32>
    %swap3A_150 = arith.constant 1 : i32
    %swap3A_151 = arith.index_cast %swap3A_150 : i32 to index
    %swap3A_152 = arith.constant 64 : index
    %swap3A_153 = tpu.vector_load %arg7[%swap3A_151, %swap3A_152] {strides = array<i32>} : memref<2x128xi32, #tpu.memory_space<vmem>>, vector<1x16xi32>,
    %swap3A_154 = vector.shape_cast %swap3A_153 : vector<1x16xi32> to vector<16xi32>
    %swap3A_155 = vector.shape_cast %shift_right_logical3A_149 : vector<16xi32> to vector<1x16xi32>
    tpu.vector_store %arg7[%swap3A_151, %swap3A_152], %swap3A_155 {strides = array<i32>} : memref<2x128xi32, #tpu.memory_space<vmem>>, vector<1x16xi32>,
    %get3A_156 = arith.constant 208 : index
    %get3A_157 = tpu.vector_load %arg6[%get3A_156] {strides = array<i32>} : memref<25600xi32, #tpu.memory_space<vmem>>, vector<16xi32>,
    %get3A_158 = vector.shape_cast %get3A_157 : vector<16xi32> to vector<16xi32>
    %shift_right_logical3A_159 = arith.constant 2 : i32
    %shift_right_logical3A_160 = vector.broadcast %shift_right_logical3A_159 : i32 to vector<16xi32>
    %shift_right_logical3A_161 = arith.shrui %get3A_158, %shift_right_logical3A_160 : vector<16xi32>
    %swap3A_162 = arith.constant 1 : i32
    %swap3A_163 = arith.index_cast %swap3A_162 : i32 to index
    %swap3A_164 = arith.constant 80 : index
    %swap3A_165 = tpu.vector_load %arg7[%swap3A_163, %swap3A_164] {strides = array<i32>} : memref<2x128xi32, #tpu.memory_space<vmem>>, vector<1x16xi32>,
    %swap3A_166 = vector.shape_cast %swap3A_165 : vector<1x16xi32> to vector<16xi32>
    %swap3A_167 = vector.shape_cast %shift_right_logical3A_161 : vector<16xi32> to vector<1x16xi32>
    tpu.vector_store %arg7[%swap3A_163, %swap3A_164], %swap3A_167 {strides = array<i32>} : memref<2x128xi32, #tpu.memory_space<vmem>>, vector<1x16xi32>,
    %get3A_168 = arith.constant 224 : index
    %get3A_169 = tpu.vector_load %arg6[%get3A_168] {strides = array<i32>} : memref<25600xi32, #tpu.memory_space<vmem>>, vector<16xi32>,
    %get3A_170 = vector.shape_cast %get3A_169 : vector<16xi32> to vector<16xi32>
    %shift_right_logical3A_171 = arith.constant 2 : i32
    %shift_right_logical3A_172 = vector.broadcast %shift_right_logical3A_171 : i32 to vector<16xi32>
    %shift_right_logical3A_173 = arith.shrui %get3A_170, %shift_right_logical3A_172 : vector<16xi32>
    %swap3A_174 = arith.constant 1 : i32
    %swap3A_175 = arith.index_cast %swap3A_174 : i32 to index
    %swap3A_176 = arith.constant 96 : index
    %swap3A_177 = tpu.vector_load %arg7[%swap3A_175, %swap3A_176] {strides = array<i32>} : memref<2x128xi32, #tpu.memory_space<vmem>>, vector<1x16xi32>,
    %swap3A_178 = vector.shape_cast %swap3A_177 : vector<1x16xi32> to vector<16xi32>
    %swap3A_179 = vector.shape_cast %shift_right_logical3A_173 : vector<16xi32> to vector<1x16xi32>
    tpu.vector_store %arg7[%swap3A_175, %swap3A_176], %swap3A_179 {strides = array<i32>} : memref<2x128xi32, #tpu.memory_space<vmem>>, vector<1x16xi32>,
    %get3A_180 = arith.constant 240 : index
    %get3A_181 = tpu.vector_load %arg6[%get3A_180] {strides = array<i32>} : memref<25600xi32, #tpu.memory_space<vmem>>, vector<16xi32>,
    %get3A_182 = vector.shape_cast %get3A_181 : vector<16xi32> to vector<16xi32>
    %shift_right_logical3A_183 = arith.constant 2 : i32
    %shift_right_logical3A_184 = vector.broadcast %shift_right_logical3A_183 : i32 to vector<16xi32>
    %shift_right_logical3A_185 = arith.shrui %get3A_182, %shift_right_logical3A_184 : vector<16xi32>
    %swap3A_186 = arith.constant 1 : i32
    %swap3A_187 = arith.index_cast %swap3A_186 : i32 to index
    %swap3A_188 = arith.constant 112 : index
    %swap3A_189 = tpu.vector_load %arg7[%swap3A_187, %swap3A_188] {strides = array<i32>} : memref<2x128xi32, #tpu.memory_space<vmem>>, vector<1x16xi32>,
    %swap3A_190 = vector.shape_cast %swap3A_189 : vector<1x16xi32> to vector<16xi32>
    %swap3A_191 = vector.shape_cast %shift_right_logical3A_185 : vector<16xi32> to vector<1x16xi32>
    tpu.vector_store %arg7[%swap3A_187, %swap3A_188], %swap3A_191 {strides = array<i32>} : memref<2x128xi32, #tpu.memory_space<vmem>>, vector<1x16xi32>,
    %dma_start3A = arith.constant 0 : i32
    %dma_start3A_192 = arith.constant 0 : i32
    %dma_start3A_193 = arith.constant 0 : i32
    %dma_start3A_194 = tpu.memref_slice %arg9[%dma_start3A_192, %dma_start3A_193] : memref<256x128xf32, #tpu.memory_space<vmem>> -> memref<128x128xf32, #tpu.memory_space<vmem>>
    %dma_start3A_195 = arith.constant 0 : i32
    %dma_start3A_196 = tpu.memref_slice %arg7[%dma_start3A, %dma_start3A_195] : memref<2x128xi32, #tpu.memory_space<vmem>> -> memref<1x128xi32, #tpu.memory_space<vmem>>
    %dma_start3A_197 = tpu.memref_squeeze %dma_start3A_196 : memref<1x128xi32, #tpu.memory_space<vmem>> -> memref<128xi32, #tpu.memory_space<vmem>>
    %dma_start3A_198 = arith.constant 0 : i32
    %dma_start3A_199 = arith.constant 0 : i32
    %dma_start3A_200 = tpu.memref_slice %arg2[%dma_start3A_198, %dma_start3A_199] : memref<1000000x128xf32, #tpu.memory_space<hbm>> -> memref<1000000x128xf32, #tpu.memory_space<hbm>>
    tpu.enqueue_indirect_dma source(%dma_start3A_200 : memref<1000000x128xf32, #tpu.memory_space<hbm>>) target(%dma_start3A_194 : memref<128x128xf32, #tpu.memory_space<vmem>>) offsets(%dma_start3A_197 : memref<128xi32, #tpu.memory_space<vmem>>) semaphore(%arg12 : memref<!tpu.dma_semaphore, #tpu.memory_space<semaphore_mem>>)
    %dma_start3A_201 = arith.constant 1 : i32
    %dma_start3A_202 = arith.constant 128 : i32
    %dma_start3A_203 = arith.constant 0 : i32
    %dma_start3A_204 = tpu.memref_slice %arg9[%dma_start3A_202, %dma_start3A_203] : memref<256x128xf32, #tpu.memory_space<vmem>> -> memref<128x128xf32, #tpu.memory_space<vmem>>
    %dma_start3A_205 = arith.constant 0 : i32
    %dma_start3A_206 = tpu.memref_slice %arg7[%dma_start3A_201, %dma_start3A_205] : memref<2x128xi32, #tpu.memory_space<vmem>> -> memref<1x128xi32, #tpu.memory_space<vmem>>
    %dma_start3A_207 = tpu.memref_squeeze %dma_start3A_206 : memref<1x128xi32, #tpu.memory_space<vmem>> -> memref<128xi32, #tpu.memory_space<vmem>>
    %dma_start3A_208 = arith.constant 0 : i32
    %dma_start3A_209 = arith.constant 0 : i32
    %dma_start3A_210 = tpu.memref_slice %arg2[%dma_start3A_208, %dma_start3A_209] : memref<1000000x128xf32, #tpu.memory_space<hbm>> -> memref<1000000x128xf32, #tpu.memory_space<hbm>>
    tpu.enqueue_indirect_dma source(%dma_start3A_210 : memref<1000000x128xf32, #tpu.memory_space<hbm>>) target(%dma_start3A_204 : memref<128x128xf32, #tpu.memory_space<vmem>>) offsets(%dma_start3A_207 : memref<128xi32, #tpu.memory_space<vmem>>) semaphore(%arg12 : memref<!tpu.dma_semaphore, #tpu.memory_space<semaphore_mem>>)
    %scan3A = arith.constant 0 : i32
    %scan3A_211 = arith.constant 0 : i32
    %scan3A_212 = arith.constant 50 : i32
    %scan3A_213 = arith.addi %scan3A_211, %scan3A_212 : i32
    %scan3A_214 = arith.constant 1 : i32
    scf.for %scan3A_227 = %scan3A_211 to %scan3A_213 step %scan3A_214  : i32 {
      %mul3A_228 = arith.constant 2 : i32
      %mul3A_229 = arith.muli %scan3A_227, %mul3A_228 : i32
      %add3A_230 = arith.constant 1 : i32
      %add3A_231 = arith.addi %mul3A_229, %add3A_230 : i32
      %mul3A_232 = arith.constant 256 : i32
      %mul3A_233 = arith.muli %add3A_231, %mul3A_232 : i32
      %add3A_234 = arith.constant 0 : i32
      %add3A_235 = arith.addi %mul3A_233, %add3A_234 : i32
      %get3A_236 = arith.index_cast %add3A_235 : i32 to index
      %get3A_237 = tpu.vector_load %arg6[%get3A_236] {strides = array<i32>} : memref<25600xi32, #tpu.memory_space<vmem>>, vector<16xi32>,
      %get3A_238 = vector.shape_cast %get3A_237 : vector<16xi32> to vector<16xi32>
      %shift_right_logical3A_239 = arith.constant 2 : i32
      %shift_right_logical3A_240 = vector.broadcast %shift_right_logical3A_239 : i32 to vector<16xi32>
      %shift_right_logical3A_241 = arith.shrui %get3A_238, %shift_right_logical3A_240 : vector<16xi32>
      %swap3A_242 = arith.constant 0 : i32
      %swap3A_243 = arith.index_cast %swap3A_242 : i32 to index
      %swap3A_244 = arith.constant 0 : index
      %swap3A_245 = tpu.vector_load %arg8[%swap3A_243, %swap3A_244] {strides = array<i32>} : memref<2x128xi32, #tpu.memory_space<vmem>>, vector<1x16xi32>,
      %swap3A_246 = vector.shape_cast %swap3A_245 : vector<1x16xi32> to vector<16xi32>
      %swap3A_247 = vector.shape_cast %shift_right_logical3A_241 : vector<16xi32> to vector<1x16xi32>
      tpu.vector_store %arg8[%swap3A_243, %swap3A_244], %swap3A_247 {strides = array<i32>} : memref<2x128xi32, #tpu.memory_space<vmem>>, vector<1x16xi32>,
      %add3A_248 = arith.constant 16 : i32
      %add3A_249 = arith.addi %mul3A_233, %add3A_248 : i32
      %get3A_250 = arith.index_cast %add3A_249 : i32 to index
      %get3A_251 = tpu.vector_load %arg6[%get3A_250] {strides = array<i32>} : memref<25600xi32, #tpu.memory_space<vmem>>, vector<16xi32>,
      %get3A_252 = vector.shape_cast %get3A_251 : vector<16xi32> to vector<16xi32>
      %shift_right_logical3A_253 = arith.constant 2 : i32
      %shift_right_logical3A_254 = vector.broadcast %shift_right_logical3A_253 : i32 to vector<16xi32>
      %shift_right_logical3A_255 = arith.shrui %get3A_252, %shift_right_logical3A_254 : vector<16xi32>
      %swap3A_256 = arith.constant 0 : i32
      %swap3A_257 = arith.index_cast %swap3A_256 : i32 to index
      %swap3A_258 = arith.constant 16 : index
      %swap3A_259 = tpu.vector_load %arg8[%swap3A_257, %swap3A_258] {strides = array<i32>} : memref<2x128xi32, #tpu.memory_space<vmem>>, vector<1x16xi32>,
      %swap3A_260 = vector.shape_cast %swap3A_259 : vector<1x16xi32> to vector<16xi32>
      %swap3A_261 = vector.shape_cast %shift_right_logical3A_255 : vector<16xi32> to vector<1x16xi32>
      tpu.vector_store %arg8[%swap3A_257, %swap3A_258], %swap3A_261 {strides = array<i32>} : memref<2x128xi32, #tpu.memory_space<vmem>>, vector<1x16xi32>,
      %add3A_262 = arith.constant 32 : i32
      %add3A_263 = arith.addi %mul3A_233, %add3A_262 : i32
      %get3A_264 = arith.index_cast %add3A_263 : i32 to index
      %get3A_265 = tpu.vector_load %arg6[%get3A_264] {strides = array<i32>} : memref<25600xi32, #tpu.memory_space<vmem>>, vector<16xi32>,
      %get3A_266 = vector.shape_cast %get3A_265 : vector<16xi32> to vector<16xi32>
      %shift_right_logical3A_267 = arith.constant 2 : i32
      %shift_right_logical3A_268 = vector.broadcast %shift_right_logical3A_267 : i32 to vector<16xi32>
      %shift_right_logical3A_269 = arith.shrui %get3A_266, %shift_right_logical3A_268 : vector<16xi32>
      %swap3A_270 = arith.constant 0 : i32
      %swap3A_271 = arith.index_cast %swap3A_270 : i32 to index
      %swap3A_272 = arith.constant 32 : index
      %swap3A_273 = tpu.vector_load %arg8[%swap3A_271, %swap3A_272] {strides = array<i32>} : memref<2x128xi32, #tpu.memory_space<vmem>>, vector<1x16xi32>,
      %swap3A_274 = vector.shape_cast %swap3A_273 : vector<1x16xi32> to vector<16xi32>
      %swap3A_275 = vector.shape_cast %shift_right_logical3A_269 : vector<16xi32> to vector<1x16xi32>
      tpu.vector_store %arg8[%swap3A_271, %swap3A_272], %swap3A_275 {strides = array<i32>} : memref<2x128xi32, #tpu.memory_space<vmem>>, vector<1x16xi32>,
      %add3A_276 = arith.constant 48 : i32
      %add3A_277 = arith.addi %mul3A_233, %add3A_276 : i32
      %get3A_278 = arith.index_cast %add3A_277 : i32 to index
      %get3A_279 = tpu.vector_load %arg6[%get3A_278] {strides = array<i32>} : memref<25600xi32, #tpu.memory_space<vmem>>, vector<16xi32>,
      %get3A_280 = vector.shape_cast %get3A_279 : vector<16xi32> to vector<16xi32>
      %shift_right_logical3A_281 = arith.constant 2 : i32
      %shift_right_logical3A_282 = vector.broadcast %shift_right_logical3A_281 : i32 to vector<16xi32>
      %shift_right_logical3A_283 = arith.shrui %get3A_280, %shift_right_logical3A_282 : vector<16xi32>
      %swap3A_284 = arith.constant 0 : i32
      %swap3A_285 = arith.index_cast %swap3A_284 : i32 to index
      %swap3A_286 = arith.constant 48 : index
      %swap3A_287 = tpu.vector_load %arg8[%swap3A_285, %swap3A_286] {strides = array<i32>} : memref<2x128xi32, #tpu.memory_space<vmem>>, vector<1x16xi32>,
      %swap3A_288 = vector.shape_cast %swap3A_287 : vector<1x16xi32> to vector<16xi32>
      %swap3A_289 = vector.shape_cast %shift_right_logical3A_283 : vector<16xi32> to vector<1x16xi32>
      tpu.vector_store %arg8[%swap3A_285, %swap3A_286], %swap3A_289 {strides = array<i32>} : memref<2x128xi32, #tpu.memory_space<vmem>>, vector<1x16xi32>,
      %add3A_290 = arith.constant 64 : i32
      %add3A_291 = arith.addi %mul3A_233, %add3A_290 : i32
      %get3A_292 = arith.index_cast %add3A_291 : i32 to index
      %get3A_293 = tpu.vector_load %arg6[%get3A_292] {strides = array<i32>} : memref<25600xi32, #tpu.memory_space<vmem>>, vector<16xi32>,
      %get3A_294 = vector.shape_cast %get3A_293 : vector<16xi32> to vector<16xi32>
      %shift_right_logical3A_295 = arith.constant 2 : i32
      %shift_right_logical3A_296 = vector.broadcast %shift_right_logical3A_295 : i32 to vector<16xi32>
      %shift_right_logical3A_297 = arith.shrui %get3A_294, %shift_right_logical3A_296 : vector<16xi32>
      %swap3A_298 = arith.constant 0 : i32
      %swap3A_299 = arith.index_cast %swap3A_298 : i32 to index
      %swap3A_300 = arith.constant 64 : index
      %swap3A_301 = tpu.vector_load %arg8[%swap3A_299, %swap3A_300] {strides = array<i32>} : memref<2x128xi32, #tpu.memory_space<vmem>>, vector<1x16xi32>,
      %swap3A_302 = vector.shape_cast %swap3A_301 : vector<1x16xi32> to vector<16xi32>
      %swap3A_303 = vector.shape_cast %shift_right_logical3A_297 : vector<16xi32> to vector<1x16xi32>
      tpu.vector_store %arg8[%swap3A_299, %swap3A_300], %swap3A_303 {strides = array<i32>} : memref<2x128xi32, #tpu.memory_space<vmem>>, vector<1x16xi32>,
      %add3A_304 = arith.constant 80 : i32
      %add3A_305 = arith.addi %mul3A_233, %add3A_304 : i32
      %get3A_306 = arith.index_cast %add3A_305 : i32 to index
      %get3A_307 = tpu.vector_load %arg6[%get3A_306] {strides = array<i32>} : memref<25600xi32, #tpu.memory_space<vmem>>, vector<16xi32>,
      %get3A_308 = vector.shape_cast %get3A_307 : vector<16xi32> to vector<16xi32>
      %shift_right_logical3A_309 = arith.constant 2 : i32
      %shift_right_logical3A_310 = vector.broadcast %shift_right_logical3A_309 : i32 to vector<16xi32>
      %shift_right_logical3A_311 = arith.shrui %get3A_308, %shift_right_logical3A_310 : vector<16xi32>
      %swap3A_312 = arith.constant 0 : i32
      %swap3A_313 = arith.index_cast %swap3A_312 : i32 to index
      %swap3A_314 = arith.constant 80 : index
      %swap3A_315 = tpu.vector_load %arg8[%swap3A_313, %swap3A_314] {strides = array<i32>} : memref<2x128xi32, #tpu.memory_space<vmem>>, vector<1x16xi32>,
      %swap3A_316 = vector.shape_cast %swap3A_315 : vector<1x16xi32> to vector<16xi32>
      %swap3A_317 = vector.shape_cast %shift_right_logical3A_311 : vector<16xi32> to vector<1x16xi32>
      tpu.vector_store %arg8[%swap3A_313, %swap3A_314], %swap3A_317 {strides = array<i32>} : memref<2x128xi32, #tpu.memory_space<vmem>>, vector<1x16xi32>,
      %add3A_318 = arith.constant 96 : i32
      %add3A_319 = arith.addi %mul3A_233, %add3A_318 : i32
      %get3A_320 = arith.index_cast %add3A_319 : i32 to index
      %get3A_321 = tpu.vector_load %arg6[%get3A_320] {strides = array<i32>} : memref<25600xi32, #tpu.memory_space<vmem>>, vector<16xi32>,
      %get3A_322 = vector.shape_cast %get3A_321 : vector<16xi32> to vector<16xi32>
      %shift_right_logical3A_323 = arith.constant 2 : i32
      %shift_right_logical3A_324 = vector.broadcast %shift_right_logical3A_323 : i32 to vector<16xi32>
      %shift_right_logical3A_325 = arith.shrui %get3A_322, %shift_right_logical3A_324 : vector<16xi32>
      %swap3A_326 = arith.constant 0 : i32
      %swap3A_327 = arith.index_cast %swap3A_326 : i32 to index
      %swap3A_328 = arith.constant 96 : index
      %swap3A_329 = tpu.vector_load %arg8[%swap3A_327, %swap3A_328] {strides = array<i32>} : memref<2x128xi32, #tpu.memory_space<vmem>>, vector<1x16xi32>,
      %swap3A_330 = vector.shape_cast %swap3A_329 : vector<1x16xi32> to vector<16xi32>
      %swap3A_331 = vector.shape_cast %shift_right_logical3A_325 : vector<16xi32> to vector<1x16xi32>
      tpu.vector_store %arg8[%swap3A_327, %swap3A_328], %swap3A_331 {strides = array<i32>} : memref<2x128xi32, #tpu.memory_space<vmem>>, vector<1x16xi32>,
      %add3A_332 = arith.constant 112 : i32
      %add3A_333 = arith.addi %mul3A_233, %add3A_332 : i32
      %get3A_334 = arith.index_cast %add3A_333 : i32 to index
      %get3A_335 = tpu.vector_load %arg6[%get3A_334] {strides = array<i32>} : memref<25600xi32, #tpu.memory_space<vmem>>, vector<16xi32>,
      %get3A_336 = vector.shape_cast %get3A_335 : vector<16xi32> to vector<16xi32>
      %shift_right_logical3A_337 = arith.constant 2 : i32
      %shift_right_logical3A_338 = vector.broadcast %shift_right_logical3A_337 : i32 to vector<16xi32>
      %shift_right_logical3A_339 = arith.shrui %get3A_336, %shift_right_logical3A_338 : vector<16xi32>
      %swap3A_340 = arith.constant 0 : i32
      %swap3A_341 = arith.index_cast %swap3A_340 : i32 to index
      %swap3A_342 = arith.constant 112 : index
      %swap3A_343 = tpu.vector_load %arg8[%swap3A_341, %swap3A_342] {strides = array<i32>} : memref<2x128xi32, #tpu.memory_space<vmem>>, vector<1x16xi32>,
      %swap3A_344 = vector.shape_cast %swap3A_343 : vector<1x16xi32> to vector<16xi32>
      %swap3A_345 = vector.shape_cast %shift_right_logical3A_339 : vector<16xi32> to vector<1x16xi32>
      tpu.vector_store %arg8[%swap3A_341, %swap3A_342], %swap3A_345 {strides = array<i32>} : memref<2x128xi32, #tpu.memory_space<vmem>>, vector<1x16xi32>,
      %add3A_346 = arith.constant 128 : i32
      %add3A_347 = arith.addi %mul3A_233, %add3A_346 : i32
      %get3A_348 = arith.index_cast %add3A_347 : i32 to index
      %get3A_349 = tpu.vector_load %arg6[%get3A_348] {strides = array<i32>} : memref<25600xi32, #tpu.memory_space<vmem>>, vector<16xi32>,
      %get3A_350 = vector.shape_cast %get3A_349 : vector<16xi32> to vector<16xi32>
      %shift_right_logical3A_351 = arith.constant 2 : i32
      %shift_right_logical3A_352 = vector.broadcast %shift_right_logical3A_351 : i32 to vector<16xi32>
      %shift_right_logical3A_353 = arith.shrui %get3A_350, %shift_right_logical3A_352 : vector<16xi32>
      %swap3A_354 = arith.constant 1 : i32
      %swap3A_355 = arith.index_cast %swap3A_354 : i32 to index
      %swap3A_356 = arith.constant 0 : index
      %swap3A_357 = tpu.vector_load %arg8[%swap3A_355, %swap3A_356] {strides = array<i32>} : memref<2x128xi32, #tpu.memory_space<vmem>>, vector<1x16xi32>,
      %swap3A_358 = vector.shape_cast %swap3A_357 : vector<1x16xi32> to vector<16xi32>
      %swap3A_359 = vector.shape_cast %shift_right_logical3A_353 : vector<16xi32> to vector<1x16xi32>
      tpu.vector_store %arg8[%swap3A_355, %swap3A_356], %swap3A_359 {strides = array<i32>} : memref<2x128xi32, #tpu.memory_space<vmem>>, vector<1x16xi32>,
      %add3A_360 = arith.constant 144 : i32
      %add3A_361 = arith.addi %mul3A_233, %add3A_360 : i32
      %get3A_362 = arith.index_cast %add3A_361 : i32 to index
      %get3A_363 = tpu.vector_load %arg6[%get3A_362] {strides = array<i32>} : memref<25600xi32, #tpu.memory_space<vmem>>, vector<16xi32>,
      %get3A_364 = vector.shape_cast %get3A_363 : vector<16xi32> to vector<16xi32>
      %shift_right_logical3A_365 = arith.constant 2 : i32
      %shift_right_logical3A_366 = vector.broadcast %shift_right_logical3A_365 : i32 to vector<16xi32>
      %shift_right_logical3A_367 = arith.shrui %get3A_364, %shift_right_logical3A_366 : vector<16xi32>
      %swap3A_368 = arith.constant 1 : i32
      %swap3A_369 = arith.index_cast %swap3A_368 : i32 to index
      %swap3A_370 = arith.constant 16 : index
      %swap3A_371 = tpu.vector_load %arg8[%swap3A_369, %swap3A_370] {strides = array<i32>} : memref<2x128xi32, #tpu.memory_space<vmem>>, vector<1x16xi32>,
      %swap3A_372 = vector.shape_cast %swap3A_371 : vector<1x16xi32> to vector<16xi32>
      %swap3A_373 = vector.shape_cast %shift_right_logical3A_367 : vector<16xi32> to vector<1x16xi32>
      tpu.vector_store %arg8[%swap3A_369, %swap3A_370], %swap3A_373 {strides = array<i32>} : memref<2x128xi32, #tpu.memory_space<vmem>>, vector<1x16xi32>,
      %add3A_374 = arith.constant 160 : i32
      %add3A_375 = arith.addi %mul3A_233, %add3A_374 : i32
      %get3A_376 = arith.index_cast %add3A_375 : i32 to index
      %get3A_377 = tpu.vector_load %arg6[%get3A_376] {strides = array<i32>} : memref<25600xi32, #tpu.memory_space<vmem>>, vector<16xi32>,
      %get3A_378 = vector.shape_cast %get3A_377 : vector<16xi32> to vector<16xi32>
      %shift_right_logical3A_379 = arith.constant 2 : i32
      %shift_right_logical3A_380 = vector.broadcast %shift_right_logical3A_379 : i32 to vector<16xi32>
      %shift_right_logical3A_381 = arith.shrui %get3A_378, %shift_right_logical3A_380 : vector<16xi32>
      %swap3A_382 = arith.constant 1 : i32
      %swap3A_383 = arith.index_cast %swap3A_382 : i32 to index
      %swap3A_384 = arith.constant 32 : index
      %swap3A_385 = tpu.vector_load %arg8[%swap3A_383, %swap3A_384] {strides = array<i32>} : memref<2x128xi32, #tpu.memory_space<vmem>>, vector<1x16xi32>,
      %swap3A_386 = vector.shape_cast %swap3A_385 : vector<1x16xi32> to vector<16xi32>
      %swap3A_387 = vector.shape_cast %shift_right_logical3A_381 : vector<16xi32> to vector<1x16xi32>
      tpu.vector_store %arg8[%swap3A_383, %swap3A_384], %swap3A_387 {strides = array<i32>} : memref<2x128xi32, #tpu.memory_space<vmem>>, vector<1x16xi32>,
      %add3A_388 = arith.constant 176 : i32
      %add3A_389 = arith.addi %mul3A_233, %add3A_388 : i32
      %get3A_390 = arith.index_cast %add3A_389 : i32 to index
      %get3A_391 = tpu.vector_load %arg6[%get3A_390] {strides = array<i32>} : memref<25600xi32, #tpu.memory_space<vmem>>, vector<16xi32>,
      %get3A_392 = vector.shape_cast %get3A_391 : vector<16xi32> to vector<16xi32>
      %shift_right_logical3A_393 = arith.constant 2 : i32
      %shift_right_logical3A_394 = vector.broadcast %shift_right_logical3A_393 : i32 to vector<16xi32>
      %shift_right_logical3A_395 = arith.shrui %get3A_392, %shift_right_logical3A_394 : vector<16xi32>
      %swap3A_396 = arith.constant 1 : i32
      %swap3A_397 = arith.index_cast %swap3A_396 : i32 to index
      %swap3A_398 = arith.constant 48 : index
      %swap3A_399 = tpu.vector_load %arg8[%swap3A_397, %swap3A_398] {strides = array<i32>} : memref<2x128xi32, #tpu.memory_space<vmem>>, vector<1x16xi32>,
      %swap3A_400 = vector.shape_cast %swap3A_399 : vector<1x16xi32> to vector<16xi32>
      %swap3A_401 = vector.shape_cast %shift_right_logical3A_395 : vector<16xi32> to vector<1x16xi32>
      tpu.vector_store %arg8[%swap3A_397, %swap3A_398], %swap3A_401 {strides = array<i32>} : memref<2x128xi32, #tpu.memory_space<vmem>>, vector<1x16xi32>,
      %add3A_402 = arith.constant 192 : i32
      %add3A_403 = arith.addi %mul3A_233, %add3A_402 : i32
      %get3A_404 = arith.index_cast %add3A_403 : i32 to index
      %get3A_405 = tpu.vector_load %arg6[%get3A_404] {strides = array<i32>} : memref<25600xi32, #tpu.memory_space<vmem>>, vector<16xi32>,
      %get3A_406 = vector.shape_cast %get3A_405 : vector<16xi32> to vector<16xi32>
      %shift_right_logical3A_407 = arith.constant 2 : i32
      %shift_right_logical3A_408 = vector.broadcast %shift_right_logical3A_407 : i32 to vector<16xi32>
      %shift_right_logical3A_409 = arith.shrui %get3A_406, %shift_right_logical3A_408 : vector<16xi32>
      %swap3A_410 = arith.constant 1 : i32
      %swap3A_411 = arith.index_cast %swap3A_410 : i32 to index
      %swap3A_412 = arith.constant 64 : index
      %swap3A_413 = tpu.vector_load %arg8[%swap3A_411, %swap3A_412] {strides = array<i32>} : memref<2x128xi32, #tpu.memory_space<vmem>>, vector<1x16xi32>,
      %swap3A_414 = vector.shape_cast %swap3A_413 : vector<1x16xi32> to vector<16xi32>
      %swap3A_415 = vector.shape_cast %shift_right_logical3A_409 : vector<16xi32> to vector<1x16xi32>
      tpu.vector_store %arg8[%swap3A_411, %swap3A_412], %swap3A_415 {strides = array<i32>} : memref<2x128xi32, #tpu.memory_space<vmem>>, vector<1x16xi32>,
      %add3A_416 = arith.constant 208 : i32
      %add3A_417 = arith.addi %mul3A_233, %add3A_416 : i32
      %get3A_418 = arith.index_cast %add3A_417 : i32 to index
      %get3A_419 = tpu.vector_load %arg6[%get3A_418] {strides = array<i32>} : memref<25600xi32, #tpu.memory_space<vmem>>, vector<16xi32>,
      %get3A_420 = vector.shape_cast %get3A_419 : vector<16xi32> to vector<16xi32>
      %shift_right_logical3A_421 = arith.constant 2 : i32
      %shift_right_logical3A_422 = vector.broadcast %shift_right_logical3A_421 : i32 to vector<16xi32>
      %shift_right_logical3A_423 = arith.shrui %get3A_420, %shift_right_logical3A_422 : vector<16xi32>
      %swap3A_424 = arith.constant 1 : i32
      %swap3A_425 = arith.index_cast %swap3A_424 : i32 to index
      %swap3A_426 = arith.constant 80 : index
      %swap3A_427 = tpu.vector_load %arg8[%swap3A_425, %swap3A_426] {strides = array<i32>} : memref<2x128xi32, #tpu.memory_space<vmem>>, vector<1x16xi32>,
      %swap3A_428 = vector.shape_cast %swap3A_427 : vector<1x16xi32> to vector<16xi32>
      %swap3A_429 = vector.shape_cast %shift_right_logical3A_423 : vector<16xi32> to vector<1x16xi32>
      tpu.vector_store %arg8[%swap3A_425, %swap3A_426], %swap3A_429 {strides = array<i32>} : memref<2x128xi32, #tpu.memory_space<vmem>>, vector<1x16xi32>,
      %add3A_430 = arith.constant 224 : i32
      %add3A_431 = arith.addi %mul3A_233, %add3A_430 : i32
      %get3A_432 = arith.index_cast %add3A_431 : i32 to index
      %get3A_433 = tpu.vector_load %arg6[%get3A_432] {strides = array<i32>} : memref<25600xi32, #tpu.memory_space<vmem>>, vector<16xi32>,
      %get3A_434 = vector.shape_cast %get3A_433 : vector<16xi32> to vector<16xi32>
      %shift_right_logical3A_435 = arith.constant 2 : i32
      %shift_right_logical3A_436 = vector.broadcast %shift_right_logical3A_435 : i32 to vector<16xi32>
      %shift_right_logical3A_437 = arith.shrui %get3A_434, %shift_right_logical3A_436 : vector<16xi32>
      %swap3A_438 = arith.constant 1 : i32
      %swap3A_439 = arith.index_cast %swap3A_438 : i32 to index
      %swap3A_440 = arith.constant 96 : index
      %swap3A_441 = tpu.vector_load %arg8[%swap3A_439, %swap3A_440] {strides = array<i32>} : memref<2x128xi32, #tpu.memory_space<vmem>>, vector<1x16xi32>,
      %swap3A_442 = vector.shape_cast %swap3A_441 : vector<1x16xi32> to vector<16xi32>
      %swap3A_443 = vector.shape_cast %shift_right_logical3A_437 : vector<16xi32> to vector<1x16xi32>
      tpu.vector_store %arg8[%swap3A_439, %swap3A_440], %swap3A_443 {strides = array<i32>} : memref<2x128xi32, #tpu.memory_space<vmem>>, vector<1x16xi32>,
      %add3A_444 = arith.constant 240 : i32
      %add3A_445 = arith.addi %mul3A_233, %add3A_444 : i32
      %get3A_446 = arith.index_cast %add3A_445 : i32 to index
      %get3A_447 = tpu.vector_load %arg6[%get3A_446] {strides = array<i32>} : memref<25600xi32, #tpu.memory_space<vmem>>, vector<16xi32>,
      %get3A_448 = vector.shape_cast %get3A_447 : vector<16xi32> to vector<16xi32>
      %shift_right_logical3A_449 = arith.constant 2 : i32
      %shift_right_logical3A_450 = vector.broadcast %shift_right_logical3A_449 : i32 to vector<16xi32>
      %shift_right_logical3A_451 = arith.shrui %get3A_448, %shift_right_logical3A_450 : vector<16xi32>
      %swap3A_452 = arith.constant 1 : i32
      %swap3A_453 = arith.index_cast %swap3A_452 : i32 to index
      %swap3A_454 = arith.constant 112 : index
      %swap3A_455 = tpu.vector_load %arg8[%swap3A_453, %swap3A_454] {strides = array<i32>} : memref<2x128xi32, #tpu.memory_space<vmem>>, vector<1x16xi32>,
      %swap3A_456 = vector.shape_cast %swap3A_455 : vector<1x16xi32> to vector<16xi32>
      %swap3A_457 = vector.shape_cast %shift_right_logical3A_451 : vector<16xi32> to vector<1x16xi32>
      tpu.vector_store %arg8[%swap3A_453, %swap3A_454], %swap3A_457 {strides = array<i32>} : memref<2x128xi32, #tpu.memory_space<vmem>>, vector<1x16xi32>,
      %gt3A = arith.constant 0 : i32
      %gt3A_458 = arith.cmpi sgt, %scan3A_227, %gt3A : i32
      %convert_element_type3A = arith.extui %gt3A_458 : i1 to i32
      %cond3A = arith.constant 0 : i32
      %cond3A_459 = arith.cmpi ne, %convert_element_type3A, %cond3A : i32
      scf.if %cond3A_459 {
        %dma_wait3A_645 = arith.constant 0 : i32
        %dma_wait3A_646 = arith.constant 0 : i32
        %dma_wait3A_647 = tpu.memref_slice %arg2[%dma_wait3A_645, %dma_wait3A_646] : memref<1000000x128xf32, #tpu.memory_space<hbm>> -> memref<256x128xf32, #tpu.memory_space<hbm>>
        %dma_wait3A_648 = arith.constant 0 : i32
        %dma_wait3A_649 = arith.constant 0 : i32
        %dma_wait3A_650 = tpu.memref_slice %arg2[%dma_wait3A_648, %dma_wait3A_649] : memref<1000000x128xf32, #tpu.memory_space<hbm>> -> memref<256x128xf32, #tpu.memory_space<hbm>>
        tpu.wait_dma2 semaphore(%arg15 : memref<!tpu.dma_semaphore, #tpu.memory_space<semaphore_mem>>) src(%dma_wait3A_650 : memref<256x128xf32, #tpu.memory_space<hbm>>) dst(%arg10 : memref<256x128xf32, #tpu.memory_space<vmem>>)
      } else {
      }
      %add3A_460 = arith.constant 1 : i32
      %add3A_461 = arith.addi %mul3A_229, %add3A_460 : i32
      %dma_start3A_462 = arith.constant 0 : i32
      %dma_start3A_463 = arith.constant 0 : i32
      %dma_start3A_464 = arith.constant 0 : i32
      %dma_start3A_465 = tpu.memref_slice %arg10[%dma_start3A_463, %dma_start3A_464] : memref<256x128xf32, #tpu.memory_space<vmem>> -> memref<128x128xf32, #tpu.memory_space<vmem>>
      %dma_start3A_466 = arith.constant 0 : i32
      %dma_start3A_467 = tpu.memref_slice %arg8[%dma_start3A_462, %dma_start3A_466] : memref<2x128xi32, #tpu.memory_space<vmem>> -> memref<1x128xi32, #tpu.memory_space<vmem>>
      %dma_start3A_468 = tpu.memref_squeeze %dma_start3A_467 : memref<1x128xi32, #tpu.memory_space<vmem>> -> memref<128xi32, #tpu.memory_space<vmem>>
      %dma_start3A_469 = arith.constant 0 : i32
      %dma_start3A_470 = arith.constant 0 : i32
      %dma_start3A_471 = tpu.memref_slice %arg2[%dma_start3A_469, %dma_start3A_470] : memref<1000000x128xf32, #tpu.memory_space<hbm>> -> memref<1000000x128xf32, #tpu.memory_space<hbm>>
      tpu.enqueue_indirect_dma source(%dma_start3A_471 : memref<1000000x128xf32, #tpu.memory_space<hbm>>) target(%dma_start3A_465 : memref<128x128xf32, #tpu.memory_space<vmem>>) offsets(%dma_start3A_468 : memref<128xi32, #tpu.memory_space<vmem>>) semaphore(%arg13 : memref<!tpu.dma_semaphore, #tpu.memory_space<semaphore_mem>>)
      %dma_start3A_472 = arith.constant 1 : i32
      %dma_start3A_473 = arith.constant 128 : i32
      %dma_start3A_474 = arith.constant 0 : i32
      %dma_start3A_475 = tpu.memref_slice %arg10[%dma_start3A_473, %dma_start3A_474] : memref<256x128xf32, #tpu.memory_space<vmem>> -> memref<128x128xf32, #tpu.memory_space<vmem>>
      %dma_start3A_476 = arith.constant 0 : i32
      %dma_start3A_477 = tpu.memref_slice %arg8[%dma_start3A_472, %dma_start3A_476] : memref<2x128xi32, #tpu.memory_space<vmem>> -> memref<1x128xi32, #tpu.memory_space<vmem>>
      %dma_start3A_478 = tpu.memref_squeeze %dma_start3A_477 : memref<1x128xi32, #tpu.memory_space<vmem>> -> memref<128xi32, #tpu.memory_space<vmem>>
      %dma_start3A_479 = arith.constant 0 : i32
      %dma_start3A_480 = arith.constant 0 : i32
      %dma_start3A_481 = tpu.memref_slice %arg2[%dma_start3A_479, %dma_start3A_480] : memref<1000000x128xf32, #tpu.memory_space<hbm>> -> memref<1000000x128xf32, #tpu.memory_space<hbm>>
      tpu.enqueue_indirect_dma source(%dma_start3A_481 : memref<1000000x128xf32, #tpu.memory_space<hbm>>) target(%dma_start3A_475 : memref<128x128xf32, #tpu.memory_space<vmem>>) offsets(%dma_start3A_478 : memref<128xi32, #tpu.memory_space<vmem>>) semaphore(%arg13 : memref<!tpu.dma_semaphore, #tpu.memory_space<semaphore_mem>>)
      %dma_wait3A_482 = arith.constant 0 : i32
      %dma_wait3A_483 = arith.constant 0 : i32
      %dma_wait3A_484 = tpu.memref_slice %arg2[%dma_wait3A_482, %dma_wait3A_483] : memref<1000000x128xf32, #tpu.memory_space<hbm>> -> memref<256x128xf32, #tpu.memory_space<hbm>>
      %dma_wait3A_485 = arith.constant 0 : i32
      %dma_wait3A_486 = arith.constant 0 : i32
      %dma_wait3A_487 = tpu.memref_slice %arg2[%dma_wait3A_485, %dma_wait3A_486] : memref<1000000x128xf32, #tpu.memory_space<hbm>> -> memref<256x128xf32, #tpu.memory_space<hbm>>
      tpu.wait_dma2 semaphore(%arg12 : memref<!tpu.dma_semaphore, #tpu.memory_space<semaphore_mem>>) src(%dma_wait3A_487 : memref<256x128xf32, #tpu.memory_space<hbm>>) dst(%arg9 : memref<256x128xf32, #tpu.memory_space<vmem>>)
      %mul3A_488 = arith.constant 256 : i32
      %mul3A_489 = arith.muli %mul3A_229, %mul3A_488 : i32
      %get3A_490 = arith.constant 64 : index
      %get3A_491 = tpu.vector_load %arg11[%get3A_490] {strides = array<i32>} : memref<256xf32, #tpu.memory_space<vmem>>, vector<16xf32>,
      %get3A_492 = vector.shape_cast %get3A_491 : vector<16xf32> to vector<16xf32>
      %get3A_493 = arith.constant 80 : index
      %get3A_494 = tpu.vector_load %arg11[%get3A_493] {strides = array<i32>} : memref<256xf32, #tpu.memory_space<vmem>>, vector<16xf32>,
      %get3A_495 = vector.shape_cast %get3A_494 : vector<16xf32> to vector<16xf32>
      %get3A_496 = arith.constant 96 : index
      %get3A_497 = tpu.vector_load %arg11[%get3A_496] {strides = array<i32>} : memref<256xf32, #tpu.memory_space<vmem>>, vector<16xf32>,
      %get3A_498 = vector.shape_cast %get3A_497 : vector<16xf32> to vector<16xf32>
      %get3A_499 = arith.constant 112 : index
      %get3A_500 = tpu.vector_load %arg11[%get3A_499] {strides = array<i32>} : memref<256xf32, #tpu.memory_space<vmem>>, vector<16xf32>,
      %get3A_501 = vector.shape_cast %get3A_500 : vector<16xf32> to vector<16xf32>
      %get3A_502 = arith.constant 128 : index
      %get3A_503 = tpu.vector_load %arg11[%get3A_502] {strides = array<i32>} : memref<256xf32, #tpu.memory_space<vmem>>, vector<16xf32>,
      %get3A_504 = vector.shape_cast %get3A_503 : vector<16xf32> to vector<16xf32>
      %get3A_505 = arith.constant 144 : index
      %get3A_506 = tpu.vector_load %arg11[%get3A_505] {strides = array<i32>} : memref<256xf32, #tpu.memory_space<vmem>>, vector<16xf32>,
      %get3A_507 = vector.shape_cast %get3A_506 : vector<16xf32> to vector<16xf32>
      %get3A_508 = arith.constant 160 : index
      %get3A_509 = tpu.vector_load %arg11[%get3A_508] {strides = array<i32>} : memref<256xf32, #tpu.memory_space<vmem>>, vector<16xf32>,
      %get3A_510 = vector.shape_cast %get3A_509 : vector<16xf32> to vector<16xf32>
      %get3A_511 = arith.constant 176 : index
      %get3A_512 = tpu.vector_load %arg11[%get3A_511] {strides = array<i32>} : memref<256xf32, #tpu.memory_space<vmem>>, vector<16xf32>,
      %get3A_513 = vector.shape_cast %get3A_512 : vector<16xf32> to vector<16xf32>
      %broadcast_in_dim3A = arith.constant 0 : i32
      %broadcast_in_dim3A_514 = vector.broadcast %broadcast_in_dim3A : i32 to vector<16xi32>
      %broadcast_in_dim3A_515 = arith.constant 1 : i32
      %broadcast_in_dim3A_516 = vector.broadcast %broadcast_in_dim3A_515 : i32 to vector<16xi32>
      %broadcast_in_dim3A_517 = arith.constant 2 : i32
      %broadcast_in_dim3A_518 = vector.broadcast %broadcast_in_dim3A_517 : i32 to vector<16xi32>
      %broadcast_in_dim3A_519 = arith.constant 3 : i32
      %broadcast_in_dim3A_520 = vector.broadcast %broadcast_in_dim3A_519 : i32 to vector<16xi32>
      %broadcast_in_dim3A_521 = arith.constant 4 : i32
      %broadcast_in_dim3A_522 = vector.broadcast %broadcast_in_dim3A_521 : i32 to vector<16xi32>
      %broadcast_in_dim3A_523 = arith.constant 5 : i32
      %broadcast_in_dim3A_524 = vector.broadcast %broadcast_in_dim3A_523 : i32 to vector<16xi32>
      %broadcast_in_dim3A_525 = arith.constant 6 : i32
      %broadcast_in_dim3A_526 = vector.broadcast %broadcast_in_dim3A_525 : i32 to vector<16xi32>
      %broadcast_in_dim3A_527 = arith.constant 7 : i32
      %broadcast_in_dim3A_528 = vector.broadcast %broadcast_in_dim3A_527 : i32 to vector<16xi32>
      %broadcast_in_dim3A_529 = arith.constant 8 : i32
      %broadcast_in_dim3A_530 = vector.broadcast %broadcast_in_dim3A_529 : i32 to vector<16xi32>
      %broadcast_in_dim3A_531 = arith.constant 9 : i32
      %broadcast_in_dim3A_532 = vector.broadcast %broadcast_in_dim3A_531 : i32 to vector<16xi32>
      %broadcast_in_dim3A_533 = arith.constant 10 : i32
      %broadcast_in_dim3A_534 = vector.broadcast %broadcast_in_dim3A_533 : i32 to vector<16xi32>
      %broadcast_in_dim3A_535 = arith.constant 11 : i32
      %broadcast_in_dim3A_536 = vector.broadcast %broadcast_in_dim3A_535 : i32 to vector<16xi32>
      %broadcast_in_dim3A_537 = arith.constant 12 : i32
      %broadcast_in_dim3A_538 = vector.broadcast %broadcast_in_dim3A_537 : i32 to vector<16xi32>
      %broadcast_in_dim3A_539 = arith.constant 13 : i32
      %broadcast_in_dim3A_540 = vector.broadcast %broadcast_in_dim3A_539 : i32 to vector<16xi32>
      %broadcast_in_dim3A_541 = arith.constant 14 : i32
      %broadcast_in_dim3A_542 = vector.broadcast %broadcast_in_dim3A_541 : i32 to vector<16xi32>
      %broadcast_in_dim3A_543 = arith.constant 15 : i32
      %broadcast_in_dim3A_544 = vector.broadcast %broadcast_in_dim3A_543 : i32 to vector<16xi32>
      %scan3A_545 = arith.constant 0 : i32
      %scan3A_546 = arith.constant 0 : i32
      %scan3A_547 = arith.constant 16 : i32
      %scan3A_548 = arith.addi %scan3A_546, %scan3A_547 : i32
      %scan3A_549 = arith.constant 1 : i32
      scf.for %scan3A_645 = %scan3A_546 to %scan3A_548 step %scan3A_549  : i32 {
        %mul3A_646 = arith.constant 16 : i32
        %mul3A_647 = arith.muli %scan3A_645, %mul3A_646 : i32
        %add3A_648 = arith.addi %mul3A_489, %mul3A_647 : i32
        %get3A_649 = arith.index_cast %add3A_648 : i32 to index
        %get3A_650 = tpu.vector_load %arg6[%get3A_649] {strides = array<i32>} : memref<25600xi32, #tpu.memory_space<vmem>>, vector<16xi32>,
        %get3A_651 = vector.shape_cast %get3A_650 : vector<16xi32> to vector<16xi32>
        %and3A = arith.constant 1 : i32
        %and3A_652 = vector.broadcast %and3A : i32 to vector<16xi32>
        %and3A_653 = arith.andi %get3A_651, %and3A_652 : vector<16xi32>
        %convert_element_type3A_654 = arith.sitofp %and3A_653 : vector<16xi32> to vector<16xf32>
        %shift_right_logical3A_655 = arith.constant 1 : i32
        %shift_right_logical3A_656 = vector.broadcast %shift_right_logical3A_655 : i32 to vector<16xi32>
        %shift_right_logical3A_657 = arith.shrui %get3A_651, %shift_right_logical3A_656 : vector<16xi32>
        %and3A_658 = arith.constant 1 : i32
        %and3A_659 = vector.broadcast %and3A_658 : i32 to vector<16xi32>
        %and3A_660 = arith.andi %shift_right_logical3A_657, %and3A_659 : vector<16xi32>
        %convert_element_type3A_661 = arith.sitofp %and3A_660 : vector<16xi32> to vector<16xf32>
        %lt3A_662 = arith.constant 0 : i32
        %lt3A_663 = vector.broadcast %lt3A_662 : i32 to vector<16xi32>
        %lt3A_664 = arith.cmpi slt, %broadcast_in_dim3A_514, %lt3A_663 : vector<16xi32>
        %add3A_665 = arith.constant 16 : i32
        %add3A_666 = vector.broadcast %add3A_665 : i32 to vector<16xi32>
        %add3A_667 = arith.addi %broadcast_in_dim3A_514, %add3A_666 : vector<16xi32>
        %select_n3A = arith.select %lt3A_664, %add3A_667, %broadcast_in_dim3A_514 : vector<16xi1>, vector<16xi32>
        %broadcast_in_dim3A_668 = vector.shape_cast %select_n3A : vector<16xi32> to vector<16x1xi32>
        %gather3A = vector.shape_cast %broadcast_in_dim3A_668 : vector<16x1xi32> to vector<16xi32>
        %gather3A_669 = tpu.dynamic_gather %convert_element_type3A_654[%gather3A] in [0] : vector<16xf32>, vector<16xi32> -> vector<16xf32>
        %lt3A_670 = arith.constant 0 : i32
        %lt3A_671 = vector.broadcast %lt3A_670 : i32 to vector<16xi32>
        %lt3A_672 = arith.cmpi slt, %broadcast_in_dim3A_514, %lt3A_671 : vector<16xi32>
        %add3A_673 = arith.constant 16 : i32
        %add3A_674 = vector.broadcast %add3A_673 : i32 to vector<16xi32>
        %add3A_675 = arith.addi %broadcast_in_dim3A_514, %add3A_674 : vector<16xi32>
        %select_n3A_676 = arith.select %lt3A_672, %add3A_675, %broadcast_in_dim3A_514 : vector<16xi1>, vector<16xi32>
        %broadcast_in_dim3A_677 = vector.shape_cast %select_n3A_676 : vector<16xi32> to vector<16x1xi32>
        %gather3A_678 = vector.shape_cast %broadcast_in_dim3A_677 : vector<16x1xi32> to vector<16xi32>
        %gather3A_679 = tpu.dynamic_gather %convert_element_type3A_661[%gather3A_678] in [0] : vector<16xf32>, vector<16xi32> -> vector<16xf32>
        %mul3A_680 = arith.constant 16 : i32
        %mul3A_681 = arith.muli %scan3A_645, %mul3A_680 : i32
        %add3A_682 = arith.constant 0 : i32
        %add3A_683 = arith.addi %mul3A_681, %add3A_682 : i32
        %mul3A_684 = arith.mulf %gather3A_669, %get3A_492 : vector<16xf32>
        %mul3A_685 = arith.mulf %gather3A_679, %get3A_504 : vector<16xf32>
        %add3A_686 = arith.addf %mul3A_684, %mul3A_685 : vector<16xf32>
        %swap3A_687 = arith.index_cast %add3A_683 : i32 to index
        %swap3A_688 = arith.constant 0 : index
        %swap3A_689 = tpu.vector_load %arg9[%swap3A_687, %swap3A_688] {strides = array<i32>} : memref<256x128xf32, #tpu.memory_space<vmem>>, vector<1x16xf32>,
        %swap3A_690 = vector.shape_cast %swap3A_689 : vector<1x16xf32> to vector<16xf32>
        %swap3A_691 = vector.shape_cast %add3A_686 : vector<16xf32> to vector<1x16xf32>
        tpu.vector_store %arg9[%swap3A_687, %swap3A_688], %swap3A_691 {add = true, strides = array<i32>} : memref<256x128xf32, #tpu.memory_space<vmem>>, vector<1x16xf32>,
        %mul3A_692 = arith.mulf %gather3A_669, %get3A_495 : vector<16xf32>
        %mul3A_693 = arith.mulf %gather3A_679, %get3A_507 : vector<16xf32>
        %add3A_694 = arith.addf %mul3A_692, %mul3A_693 : vector<16xf32>
        %swap3A_695 = arith.index_cast %add3A_683 : i32 to index
        %swap3A_696 = arith.constant 16 : index
        %swap3A_697 = tpu.vector_load %arg9[%swap3A_695, %swap3A_696] {strides = array<i32>} : memref<256x128xf32, #tpu.memory_space<vmem>>, vector<1x16xf32>,
        %swap3A_698 = vector.shape_cast %swap3A_697 : vector<1x16xf32> to vector<16xf32>
        %swap3A_699 = vector.shape_cast %add3A_694 : vector<16xf32> to vector<1x16xf32>
        tpu.vector_store %arg9[%swap3A_695, %swap3A_696], %swap3A_699 {add = true, strides = array<i32>} : memref<256x128xf32, #tpu.memory_space<vmem>>, vector<1x16xf32>,
        %mul3A_700 = arith.mulf %gather3A_669, %get3A_498 : vector<16xf32>
        %mul3A_701 = arith.mulf %gather3A_679, %get3A_510 : vector<16xf32>
        %add3A_702 = arith.addf %mul3A_700, %mul3A_701 : vector<16xf32>
        %swap3A_703 = arith.index_cast %add3A_683 : i32 to index
        %swap3A_704 = arith.constant 32 : index
        %swap3A_705 = tpu.vector_load %arg9[%swap3A_703, %swap3A_704] {strides = array<i32>} : memref<256x128xf32, #tpu.memory_space<vmem>>, vector<1x16xf32>,
        %swap3A_706 = vector.shape_cast %swap3A_705 : vector<1x16xf32> to vector<16xf32>
        %swap3A_707 = vector.shape_cast %add3A_702 : vector<16xf32> to vector<1x16xf32>
        tpu.vector_store %arg9[%swap3A_703, %swap3A_704], %swap3A_707 {add = true, strides = array<i32>} : memref<256x128xf32, #tpu.memory_space<vmem>>, vector<1x16xf32>,
        %mul3A_708 = arith.mulf %gather3A_669, %get3A_501 : vector<16xf32>
        %mul3A_709 = arith.mulf %gather3A_679, %get3A_513 : vector<16xf32>
        %add3A_710 = arith.addf %mul3A_708, %mul3A_709 : vector<16xf32>
        %swap3A_711 = arith.index_cast %add3A_683 : i32 to index
        %swap3A_712 = arith.constant 48 : index
        %swap3A_713 = tpu.vector_load %arg9[%swap3A_711, %swap3A_712] {strides = array<i32>} : memref<256x128xf32, #tpu.memory_space<vmem>>, vector<1x16xf32>,
        %swap3A_714 = vector.shape_cast %swap3A_713 : vector<1x16xf32> to vector<16xf32>
        %swap3A_715 = vector.shape_cast %add3A_710 : vector<16xf32> to vector<1x16xf32>
        tpu.vector_store %arg9[%swap3A_711, %swap3A_712], %swap3A_715 {add = true, strides = array<i32>} : memref<256x128xf32, #tpu.memory_space<vmem>>, vector<1x16xf32>,
        %lt3A_716 = arith.constant 0 : i32
        %lt3A_717 = vector.broadcast %lt3A_716 : i32 to vector<16xi32>
        %lt3A_718 = arith.cmpi slt, %broadcast_in_dim3A_516, %lt3A_717 : vector<16xi32>
        %add3A_719 = arith.constant 16 : i32
        %add3A_720 = vector.broadcast %add3A_719 : i32 to vector<16xi32>
        %add3A_721 = arith.addi %broadcast_in_dim3A_516, %add3A_720 : vector<16xi32>
        %select_n3A_722 = arith.select %lt3A_718, %add3A_721, %broadcast_in_dim3A_516 : vector<16xi1>, vector<16xi32>
        %broadcast_in_dim3A_723 = vector.shape_cast %select_n3A_722 : vector<16xi32> to vector<16x1xi32>
        %gather3A_724 = vector.shape_cast %broadcast_in_dim3A_723 : vector<16x1xi32> to vector<16xi32>
        %gather3A_725 = tpu.dynamic_gather %convert_element_type3A_654[%gather3A_724] in [0] : vector<16xf32>, vector<16xi32> -> vector<16xf32>
        %lt3A_726 = arith.constant 0 : i32
        %lt3A_727 = vector.broadcast %lt3A_726 : i32 to vector<16xi32>
        %lt3A_728 = arith.cmpi slt, %broadcast_in_dim3A_516, %lt3A_727 : vector<16xi32>
        %add3A_729 = arith.constant 16 : i32
        %add3A_730 = vector.broadcast %add3A_729 : i32 to vector<16xi32>
        %add3A_731 = arith.addi %broadcast_in_dim3A_516, %add3A_730 : vector<16xi32>
        %select_n3A_732 = arith.select %lt3A_728, %add3A_731, %broadcast_in_dim3A_516 : vector<16xi1>, vector<16xi32>
        %broadcast_in_dim3A_733 = vector.shape_cast %select_n3A_732 : vector<16xi32> to vector<16x1xi32>
        %gather3A_734 = vector.shape_cast %broadcast_in_dim3A_733 : vector<16x1xi32> to vector<16xi32>
        %gather3A_735 = tpu.dynamic_gather %convert_element_type3A_661[%gather3A_734] in [0] : vector<16xf32>, vector<16xi32> -> vector<16xf32>
        %mul3A_736 = arith.constant 16 : i32
        %mul3A_737 = arith.muli %scan3A_645, %mul3A_736 : i32
        %add3A_738 = arith.constant 1 : i32
        %add3A_739 = arith.addi %mul3A_737, %add3A_738 : i32
        %mul3A_740 = arith.mulf %gather3A_725, %get3A_492 : vector<16xf32>
        %mul3A_741 = arith.mulf %gather3A_735, %get3A_504 : vector<16xf32>
        %add3A_742 = arith.addf %mul3A_740, %mul3A_741 : vector<16xf32>
        %swap3A_743 = arith.index_cast %add3A_739 : i32 to index
        %swap3A_744 = arith.constant 0 : index
        %swap3A_745 = tpu.vector_load %arg9[%swap3A_743, %swap3A_744] {strides = array<i32>} : memref<256x128xf32, #tpu.memory_space<vmem>>, vector<1x16xf32>,
        %swap3A_746 = vector.shape_cast %swap3A_745 : vector<1x16xf32> to vector<16xf32>
        %swap3A_747 = vector.shape_cast %add3A_742 : vector<16xf32> to vector<1x16xf32>
        tpu.vector_store %arg9[%swap3A_743, %swap3A_744], %swap3A_747 {add = true, strides = array<i32>} : memref<256x128xf32, #tpu.memory_space<vmem>>, vector<1x16xf32>,
        %mul3A_748 = arith.mulf %gather3A_725, %get3A_495 : vector<16xf32>
        %mul3A_749 = arith.mulf %gather3A_735, %get3A_507 : vector<16xf32>
        %add3A_750 = arith.addf %mul3A_748, %mul3A_749 : vector<16xf32>
        %swap3A_751 = arith.index_cast %add3A_739 : i32 to index
        %swap3A_752 = arith.constant 16 : index
        %swap3A_753 = tpu.vector_load %arg9[%swap3A_751, %swap3A_752] {strides = array<i32>} : memref<256x128xf32, #tpu.memory_space<vmem>>, vector<1x16xf32>,
        %swap3A_754 = vector.shape_cast %swap3A_753 : vector<1x16xf32> to vector<16xf32>
        %swap3A_755 = vector.shape_cast %add3A_750 : vector<16xf32> to vector<1x16xf32>
        tpu.vector_store %arg9[%swap3A_751, %swap3A_752], %swap3A_755 {add = true, strides = array<i32>} : memref<256x128xf32, #tpu.memory_space<vmem>>, vector<1x16xf32>,
        %mul3A_756 = arith.mulf %gather3A_725, %get3A_498 : vector<16xf32>
        %mul3A_757 = arith.mulf %gather3A_735, %get3A_510 : vector<16xf32>
        %add3A_758 = arith.addf %mul3A_756, %mul3A_757 : vector<16xf32>
        %swap3A_759 = arith.index_cast %add3A_739 : i32 to index
        %swap3A_760 = arith.constant 32 : index
        %swap3A_761 = tpu.vector_load %arg9[%swap3A_759, %swap3A_760] {strides = array<i32>} : memref<256x128xf32, #tpu.memory_space<vmem>>, vector<1x16xf32>,
        %swap3A_762 = vector.shape_cast %swap3A_761 : vector<1x16xf32> to vector<16xf32>
        %swap3A_763 = vector.shape_cast %add3A_758 : vector<16xf32> to vector<1x16xf32>
        tpu.vector_store %arg9[%swap3A_759, %swap3A_760], %swap3A_763 {add = true, strides = array<i32>} : memref<256x128xf32, #tpu.memory_space<vmem>>, vector<1x16xf32>,
        %mul3A_764 = arith.mulf %gather3A_725, %get3A_501 : vector<16xf32>
        %mul3A_765 = arith.mulf %gather3A_735, %get3A_513 : vector<16xf32>
        %add3A_766 = arith.addf %mul3A_764, %mul3A_765 : vector<16xf32>
        %swap3A_767 = arith.index_cast %add3A_739 : i32 to index
        %swap3A_768 = arith.constant 48 : index
        %swap3A_769 = tpu.vector_load %arg9[%swap3A_767, %swap3A_768] {strides = array<i32>} : memref<256x128xf32, #tpu.memory_space<vmem>>, vector<1x16xf32>,
        %swap3A_770 = vector.shape_cast %swap3A_769 : vector<1x16xf32> to vector<16xf32>
        %swap3A_771 = vector.shape_cast %add3A_766 : vector<16xf32> to vector<1x16xf32>
        tpu.vector_store %arg9[%swap3A_767, %swap3A_768], %swap3A_771 {add = true, strides = array<i32>} : memref<256x128xf32, #tpu.memory_space<vmem>>, vector<1x16xf32>,
        %lt3A_772 = arith.constant 0 : i32
        %lt3A_773 = vector.broadcast %lt3A_772 : i32 to vector<16xi32>
        %lt3A_774 = arith.cmpi slt, %broadcast_in_dim3A_518, %lt3A_773 : vector<16xi32>
        %add3A_775 = arith.constant 16 : i32
        %add3A_776 = vector.broadcast %add3A_775 : i32 to vector<16xi32>
        %add3A_777 = arith.addi %broadcast_in_dim3A_518, %add3A_776 : vector<16xi32>
        %select_n3A_778 = arith.select %lt3A_774, %add3A_777, %broadcast_in_dim3A_518 : vector<16xi1>, vector<16xi32>
        %broadcast_in_dim3A_779 = vector.shape_cast %select_n3A_778 : vector<16xi32> to vector<16x1xi32>
        %gather3A_780 = vector.shape_cast %broadcast_in_dim3A_779 : vector<16x1xi32> to vector<16xi32>
        %gather3A_781 = tpu.dynamic_gather %convert_element_type3A_654[%gather3A_780] in [0] : vector<16xf32>, vector<16xi32> -> vector<16xf32>
        %lt3A_782 = arith.constant 0 : i32
        %lt3A_783 = vector.broadcast %lt3A_782 : i32 to vector<16xi32>
        %lt3A_784 = arith.cmpi slt, %broadcast_in_dim3A_518, %lt3A_783 : vector<16xi32>
        %add3A_785 = arith.constant 16 : i32
        %add3A_786 = vector.broadcast %add3A_785 : i32 to vector<16xi32>
        %add3A_787 = arith.addi %broadcast_in_dim3A_518, %add3A_786 : vector<16xi32>
        %select_n3A_788 = arith.select %lt3A_784, %add3A_787, %broadcast_in_dim3A_518 : vector<16xi1>, vector<16xi32>
        %broadcast_in_dim3A_789 = vector.shape_cast %select_n3A_788 : vector<16xi32> to vector<16x1xi32>
        %gather3A_790 = vector.shape_cast %broadcast_in_dim3A_789 : vector<16x1xi32> to vector<16xi32>
        %gather3A_791 = tpu.dynamic_gather %convert_element_type3A_661[%gather3A_790] in [0] : vector<16xf32>, vector<16xi32> -> vector<16xf32>
        %mul3A_792 = arith.constant 16 : i32
        %mul3A_793 = arith.muli %scan3A_645, %mul3A_792 : i32
        %add3A_794 = arith.constant 2 : i32
        %add3A_795 = arith.addi %mul3A_793, %add3A_794 : i32
        %mul3A_796 = arith.mulf %gather3A_781, %get3A_492 : vector<16xf32>
        %mul3A_797 = arith.mulf %gather3A_791, %get3A_504 : vector<16xf32>
        %add3A_798 = arith.addf %mul3A_796, %mul3A_797 : vector<16xf32>
        %swap3A_799 = arith.index_cast %add3A_795 : i32 to index
        %swap3A_800 = arith.constant 0 : index
        %swap3A_801 = tpu.vector_load %arg9[%swap3A_799, %swap3A_800] {strides = array<i32>} : memref<256x128xf32, #tpu.memory_space<vmem>>, vector<1x16xf32>,
        %swap3A_802 = vector.shape_cast %swap3A_801 : vector<1x16xf32> to vector<16xf32>
        %swap3A_803 = vector.shape_cast %add3A_798 : vector<16xf32> to vector<1x16xf32>
        tpu.vector_store %arg9[%swap3A_799, %swap3A_800], %swap3A_803 {add = true, strides = array<i32>} : memref<256x128xf32, #tpu.memory_space<vmem>>, vector<1x16xf32>,
        %mul3A_804 = arith.mulf %gather3A_781, %get3A_495 : vector<16xf32>
        %mul3A_805 = arith.mulf %gather3A_791, %get3A_507 : vector<16xf32>
        %add3A_806 = arith.addf %mul3A_804, %mul3A_805 : vector<16xf32>
        %swap3A_807 = arith.index_cast %add3A_795 : i32 to index
        %swap3A_808 = arith.constant 16 : index
        %swap3A_809 = tpu.vector_load %arg9[%swap3A_807, %swap3A_808] {strides = array<i32>} : memref<256x128xf32, #tpu.memory_space<vmem>>, vector<1x16xf32>,
        %swap3A_810 = vector.shape_cast %swap3A_809 : vector<1x16xf32> to vector<16xf32>
        %swap3A_811 = vector.shape_cast %add3A_806 : vector<16xf32> to vector<1x16xf32>
        tpu.vector_store %arg9[%swap3A_807, %swap3A_808], %swap3A_811 {add = true, strides = array<i32>} : memref<256x128xf32, #tpu.memory_space<vmem>>, vector<1x16xf32>,
        %mul3A_812 = arith.mulf %gather3A_781, %get3A_498 : vector<16xf32>
        %mul3A_813 = arith.mulf %gather3A_791, %get3A_510 : vector<16xf32>
        %add3A_814 = arith.addf %mul3A_812, %mul3A_813 : vector<16xf32>
        %swap3A_815 = arith.index_cast %add3A_795 : i32 to index
        %swap3A_816 = arith.constant 32 : index
        %swap3A_817 = tpu.vector_load %arg9[%swap3A_815, %swap3A_816] {strides = array<i32>} : memref<256x128xf32, #tpu.memory_space<vmem>>, vector<1x16xf32>,
        %swap3A_818 = vector.shape_cast %swap3A_817 : vector<1x16xf32> to vector<16xf32>
        %swap3A_819 = vector.shape_cast %add3A_814 : vector<16xf32> to vector<1x16xf32>
        tpu.vector_store %arg9[%swap3A_815, %swap3A_816], %swap3A_819 {add = true, strides = array<i32>} : memref<256x128xf32, #tpu.memory_space<vmem>>, vector<1x16xf32>,
        %mul3A_820 = arith.mulf %gather3A_781, %get3A_501 : vector<16xf32>
        %mul3A_821 = arith.mulf %gather3A_791, %get3A_513 : vector<16xf32>
        %add3A_822 = arith.addf %mul3A_820, %mul3A_821 : vector<16xf32>
        %swap3A_823 = arith.index_cast %add3A_795 : i32 to index
        %swap3A_824 = arith.constant 48 : index
        %swap3A_825 = tpu.vector_load %arg9[%swap3A_823, %swap3A_824] {strides = array<i32>} : memref<256x128xf32, #tpu.memory_space<vmem>>, vector<1x16xf32>,
        %swap3A_826 = vector.shape_cast %swap3A_825 : vector<1x16xf32> to vector<16xf32>
        %swap3A_827 = vector.shape_cast %add3A_822 : vector<16xf32> to vector<1x16xf32>
        tpu.vector_store %arg9[%swap3A_823, %swap3A_824], %swap3A_827 {add = true, strides = array<i32>} : memref<256x128xf32, #tpu.memory_space<vmem>>, vector<1x16xf32>,
        %lt3A_828 = arith.constant 0 : i32
        %lt3A_829 = vector.broadcast %lt3A_828 : i32 to vector<16xi32>
        %lt3A_830 = arith.cmpi slt, %broadcast_in_dim3A_520, %lt3A_829 : vector<16xi32>
        %add3A_831 = arith.constant 16 : i32
        %add3A_832 = vector.broadcast %add3A_831 : i32 to vector<16xi32>
        %add3A_833 = arith.addi %broadcast_in_dim3A_520, %add3A_832 : vector<16xi32>
        %select_n3A_834 = arith.select %lt3A_830, %add3A_833, %broadcast_in_dim3A_520 : vector<16xi1>, vector<16xi32>
        %broadcast_in_dim3A_835 = vector.shape_cast %select_n3A_834 : vector<16xi32> to vector<16x1xi32>
        %gather3A_836 = vector.shape_cast %broadcast_in_dim3A_835 : vector<16x1xi32> to vector<16xi32>
        %gather3A_837 = tpu.dynamic_gather %convert_element_type3A_654[%gather3A_836] in [0] : vector<16xf32>, vector<16xi32> -> vector<16xf32>
        %lt3A_838 = arith.constant 0 : i32
        %lt3A_839 = vector.broadcast %lt3A_838 : i32 to vector<16xi32>
        %lt3A_840 = arith.cmpi slt, %broadcast_in_dim3A_520, %lt3A_839 : vector<16xi32>
        %add3A_841 = arith.constant 16 : i32
        %add3A_842 = vector.broadcast %add3A_841 : i32 to vector<16xi32>
        %add3A_843 = arith.addi %broadcast_in_dim3A_520, %add3A_842 : vector<16xi32>
        %select_n3A_844 = arith.select %lt3A_840, %add3A_843, %broadcast_in_dim3A_520 : vector<16xi1>, vector<16xi32>
        %broadcast_in_dim3A_845 = vector.shape_cast %select_n3A_844 : vector<16xi32> to vector<16x1xi32>
        %gather3A_846 = vector.shape_cast %broadcast_in_dim3A_845 : vector<16x1xi32> to vector<16xi32>
        %gather3A_847 = tpu.dynamic_gather %convert_element_type3A_661[%gather3A_846] in [0] : vector<16xf32>, vector<16xi32> -> vector<16xf32>
        %mul3A_848 = arith.constant 16 : i32
        %mul3A_849 = arith.muli %scan3A_645, %mul3A_848 : i32
        %add3A_850 = arith.constant 3 : i32
        %add3A_851 = arith.addi %mul3A_849, %add3A_850 : i32
        %mul3A_852 = arith.mulf %gather3A_837, %get3A_492 : vector<16xf32>
        %mul3A_853 = arith.mulf %gather3A_847, %get3A_504 : vector<16xf32>
        %add3A_854 = arith.addf %mul3A_852, %mul3A_853 : vector<16xf32>
        %swap3A_855 = arith.index_cast %add3A_851 : i32 to index
        %swap3A_856 = arith.constant 0 : index
        %swap3A_857 = tpu.vector_load %arg9[%swap3A_855, %swap3A_856] {strides = array<i32>} : memref<256x128xf32, #tpu.memory_space<vmem>>, vector<1x16xf32>,
        %swap3A_858 = vector.shape_cast %swap3A_857 : vector<1x16xf32> to vector<16xf32>
        %swap3A_859 = vector.shape_cast %add3A_854 : vector<16xf32> to vector<1x16xf32>
        tpu.vector_store %arg9[%swap3A_855, %swap3A_856], %swap3A_859 {add = true, strides = array<i32>} : memref<256x128xf32, #tpu.memory_space<vmem>>, vector<1x16xf32>,
        %mul3A_860 = arith.mulf %gather3A_837, %get3A_495 : vector<16xf32>
        %mul3A_861 = arith.mulf %gather3A_847, %get3A_507 : vector<16xf32>
        %add3A_862 = arith.addf %mul3A_860, %mul3A_861 : vector<16xf32>
        %swap3A_863 = arith.index_cast %add3A_851 : i32 to index
        %swap3A_864 = arith.constant 16 : index
        %swap3A_865 = tpu.vector_load %arg9[%swap3A_863, %swap3A_864] {strides = array<i32>} : memref<256x128xf32, #tpu.memory_space<vmem>>, vector<1x16xf32>,
        %swap3A_866 = vector.shape_cast %swap3A_865 : vector<1x16xf32> to vector<16xf32>
        %swap3A_867 = vector.shape_cast %add3A_862 : vector<16xf32> to vector<1x16xf32>
        tpu.vector_store %arg9[%swap3A_863, %swap3A_864], %swap3A_867 {add = true, strides = array<i32>} : memref<256x128xf32, #tpu.memory_space<vmem>>, vector<1x16xf32>,
        %mul3A_868 = arith.mulf %gather3A_837, %get3A_498 : vector<16xf32>
        %mul3A_869 = arith.mulf %gather3A_847, %get3A_510 : vector<16xf32>
        %add3A_870 = arith.addf %mul3A_868, %mul3A_869 : vector<16xf32>
        %swap3A_871 = arith.index_cast %add3A_851 : i32 to index
        %swap3A_872 = arith.constant 32 : index
        %swap3A_873 = tpu.vector_load %arg9[%swap3A_871, %swap3A_872] {strides = array<i32>} : memref<256x128xf32, #tpu.memory_space<vmem>>, vector<1x16xf32>,
        %swap3A_874 = vector.shape_cast %swap3A_873 : vector<1x16xf32> to vector<16xf32>
        %swap3A_875 = vector.shape_cast %add3A_870 : vector<16xf32> to vector<1x16xf32>
        tpu.vector_store %arg9[%swap3A_871, %swap3A_872], %swap3A_875 {add = true, strides = array<i32>} : memref<256x128xf32, #tpu.memory_space<vmem>>, vector<1x16xf32>,
        %mul3A_876 = arith.mulf %gather3A_837, %get3A_501 : vector<16xf32>
        %mul3A_877 = arith.mulf %gather3A_847, %get3A_513 : vector<16xf32>
        %add3A_878 = arith.addf %mul3A_876, %mul3A_877 : vector<16xf32>
        %swap3A_879 = arith.index_cast %add3A_851 : i32 to index
        %swap3A_880 = arith.constant 48 : index
        %swap3A_881 = tpu.vector_load %arg9[%swap3A_879, %swap3A_880] {strides = array<i32>} : memref<256x128xf32, #tpu.memory_space<vmem>>, vector<1x16xf32>,
        %swap3A_882 = vector.shape_cast %swap3A_881 : vector<1x16xf32> to vector<16xf32>
        %swap3A_883 = vector.shape_cast %add3A_878 : vector<16xf32> to vector<1x16xf32>
        tpu.vector_store %arg9[%swap3A_879, %swap3A_880], %swap3A_883 {add = true, strides = array<i32>} : memref<256x128xf32, #tpu.memory_space<vmem>>, vector<1x16xf32>,
        %lt3A_884 = arith.constant 0 : i32
        %lt3A_885 = vector.broadcast %lt3A_884 : i32 to vector<16xi32>
        %lt3A_886 = arith.cmpi slt, %broadcast_in_dim3A_522, %lt3A_885 : vector<16xi32>
        %add3A_887 = arith.constant 16 : i32
        %add3A_888 = vector.broadcast %add3A_887 : i32 to vector<16xi32>
        %add3A_889 = arith.addi %broadcast_in_dim3A_522, %add3A_888 : vector<16xi32>
        %select_n3A_890 = arith.select %lt3A_886, %add3A_889, %broadcast_in_dim3A_522 : vector<16xi1>, vector<16xi32>
        %broadcast_in_dim3A_891 = vector.shape_cast %select_n3A_890 : vector<16xi32> to vector<16x1xi32>
        %gather3A_892 = vector.shape_cast %broadcast_in_dim3A_891 : vector<16x1xi32> to vector<16xi32>
        %gather3A_893 = tpu.dynamic_gather %convert_element_type3A_654[%gather3A_892] in [0] : vector<16xf32>, vector<16xi32> -> vector<16xf32>
        %lt3A_894 = arith.constant 0 : i32
        %lt3A_895 = vector.broadcast %lt3A_894 : i32 to vector<16xi32>
        %lt3A_896 = arith.cmpi slt, %broadcast_in_dim3A_522, %lt3A_895 : vector<16xi32>
        %add3A_897 = arith.constant 16 : i32
        %add3A_898 = vector.broadcast %add3A_897 : i32 to vector<16xi32>
        %add3A_899 = arith.addi %broadcast_in_dim3A_522, %add3A_898 : vector<16xi32>
        %select_n3A_900 = arith.select %lt3A_896, %add3A_899, %broadcast_in_dim3A_522 : vector<16xi1>, vector<16xi32>
        %broadcast_in_dim3A_901 = vector.shape_cast %select_n3A_900 : vector<16xi32> to vector<16x1xi32>
        %gather3A_902 = vector.shape_cast %broadcast_in_dim3A_901 : vector<16x1xi32> to vector<16xi32>
        %gather3A_903 = tpu.dynamic_gather %convert_element_type3A_661[%gather3A_902] in [0] : vector<16xf32>, vector<16xi32> -> vector<16xf32>
        %mul3A_904 = arith.constant 16 : i32
        %mul3A_905 = arith.muli %scan3A_645, %mul3A_904 : i32
        %add3A_906 = arith.constant 4 : i32
        %add3A_907 = arith.addi %mul3A_905, %add3A_906 : i32
        %mul3A_908 = arith.mulf %gather3A_893, %get3A_492 : vector<16xf32>
        %mul3A_909 = arith.mulf %gather3A_903, %get3A_504 : vector<16xf32>
        %add3A_910 = arith.addf %mul3A_908, %mul3A_909 : vector<16xf32>
        %swap3A_911 = arith.index_cast %add3A_907 : i32 to index
        %swap3A_912 = arith.constant 0 : index
        %swap3A_913 = tpu.vector_load %arg9[%swap3A_911, %swap3A_912] {strides = array<i32>} : memref<256x128xf32, #tpu.memory_space<vmem>>, vector<1x16xf32>,
        %swap3A_914 = vector.shape_cast %swap3A_913 : vector<1x16xf32> to vector<16xf32>
        %swap3A_915 = vector.shape_cast %add3A_910 : vector<16xf32> to vector<1x16xf32>
        tpu.vector_store %arg9[%swap3A_911, %swap3A_912], %swap3A_915 {add = true, strides = array<i32>} : memref<256x128xf32, #tpu.memory_space<vmem>>, vector<1x16xf32>,
        %mul3A_916 = arith.mulf %gather3A_893, %get3A_495 : vector<16xf32>
        %mul3A_917 = arith.mulf %gather3A_903, %get3A_507 : vector<16xf32>
        %add3A_918 = arith.addf %mul3A_916, %mul3A_917 : vector<16xf32>
        %swap3A_919 = arith.index_cast %add3A_907 : i32 to index
        %swap3A_920 = arith.constant 16 : index
        %swap3A_921 = tpu.vector_load %arg9[%swap3A_919, %swap3A_920] {strides = array<i32>} : memref<256x128xf32, #tpu.memory_space<vmem>>, vector<1x16xf32>,
        %swap3A_922 = vector.shape_cast %swap3A_921 : vector<1x16xf32> to vector<16xf32>
        %swap3A_923 = vector.shape_cast %add3A_918 : vector<16xf32> to vector<1x16xf32>
        tpu.vector_store %arg9[%swap3A_919, %swap3A_920], %swap3A_923 {add = true, strides = array<i32>} : memref<256x128xf32, #tpu.memory_space<vmem>>, vector<1x16xf32>,
        %mul3A_924 = arith.mulf %gather3A_893, %get3A_498 : vector<16xf32>
        %mul3A_925 = arith.mulf %gather3A_903, %get3A_510 : vector<16xf32>
        %add3A_926 = arith.addf %mul3A_924, %mul3A_925 : vector<16xf32>
        %swap3A_927 = arith.index_cast %add3A_907 : i32 to index
        %swap3A_928 = arith.constant 32 : index
        %swap3A_929 = tpu.vector_load %arg9[%swap3A_927, %swap3A_928] {strides = array<i32>} : memref<256x128xf32, #tpu.memory_space<vmem>>, vector<1x16xf32>,
        %swap3A_930 = vector.shape_cast %swap3A_929 : vector<1x16xf32> to vector<16xf32>
        %swap3A_931 = vector.shape_cast %add3A_926 : vector<16xf32> to vector<1x16xf32>
        tpu.vector_store %arg9[%swap3A_927, %swap3A_928], %swap3A_931 {add = true, strides = array<i32>} : memref<256x128xf32, #tpu.memory_space<vmem>>, vector<1x16xf32>,
        %mul3A_932 = arith.mulf %gather3A_893, %get3A_501 : vector<16xf32>
        %mul3A_933 = arith.mulf %gather3A_903, %get3A_513 : vector<16xf32>
        %add3A_934 = arith.addf %mul3A_932, %mul3A_933 : vector<16xf32>
        %swap3A_935 = arith.index_cast %add3A_907 : i32 to index
        %swap3A_936 = arith.constant 48 : index
        %swap3A_937 = tpu.vector_load %arg9[%swap3A_935, %swap3A_936] {strides = array<i32>} : memref<256x128xf32, #tpu.memory_space<vmem>>, vector<1x16xf32>,
        %swap3A_938 = vector.shape_cast %swap3A_937 : vector<1x16xf32> to vector<16xf32>
        %swap3A_939 = vector.shape_cast %add3A_934 : vector<16xf32> to vector<1x16xf32>
        tpu.vector_store %arg9[%swap3A_935, %swap3A_936], %swap3A_939 {add = true, strides = array<i32>} : memref<256x128xf32, #tpu.memory_space<vmem>>, vector<1x16xf32>,
        %lt3A_940 = arith.constant 0 : i32
        %lt3A_941 = vector.broadcast %lt3A_940 : i32 to vector<16xi32>
        %lt3A_942 = arith.cmpi slt, %broadcast_in_dim3A_524, %lt3A_941 : vector<16xi32>
        %add3A_943 = arith.constant 16 : i32
        %add3A_944 = vector.broadcast %add3A_943 : i32 to vector<16xi32>
        %add3A_945 = arith.addi %broadcast_in_dim3A_524, %add3A_944 : vector<16xi32>
        %select_n3A_946 = arith.select %lt3A_942, %add3A_945, %broadcast_in_dim3A_524 : vector<16xi1>, vector<16xi32>
        %broadcast_in_dim3A_947 = vector.shape_cast %select_n3A_946 : vector<16xi32> to vector<16x1xi32>
        %gather3A_948 = vector.shape_cast %broadcast_in_dim3A_947 : vector<16x1xi32> to vector<16xi32>
        %gather3A_949 = tpu.dynamic_gather %convert_element_type3A_654[%gather3A_948] in [0] : vector<16xf32>, vector<16xi32> -> vector<16xf32>
        %lt3A_950 = arith.constant 0 : i32
        %lt3A_951 = vector.broadcast %lt3A_950 : i32 to vector<16xi32>
        %lt3A_952 = arith.cmpi slt, %broadcast_in_dim3A_524, %lt3A_951 : vector<16xi32>
        %add3A_953 = arith.constant 16 : i32
        %add3A_954 = vector.broadcast %add3A_953 : i32 to vector<16xi32>
        %add3A_955 = arith.addi %broadcast_in_dim3A_524, %add3A_954 : vector<16xi32>
        %select_n3A_956 = arith.select %lt3A_952, %add3A_955, %broadcast_in_dim3A_524 : vector<16xi1>, vector<16xi32>
        %broadcast_in_dim3A_957 = vector.shape_cast %select_n3A_956 : vector<16xi32> to vector<16x1xi32>
        %gather3A_958 = vector.shape_cast %broadcast_in_dim3A_957 : vector<16x1xi32> to vector<16xi32>
        %gather3A_959 = tpu.dynamic_gather %convert_element_type3A_661[%gather3A_958] in [0] : vector<16xf32>, vector<16xi32> -> vector<16xf32>
        %mul3A_960 = arith.constant 16 : i32
        %mul3A_961 = arith.muli %scan3A_645, %mul3A_960 : i32
        %add3A_962 = arith.constant 5 : i32
        %add3A_963 = arith.addi %mul3A_961, %add3A_962 : i32
        %mul3A_964 = arith.mulf %gather3A_949, %get3A_492 : vector<16xf32>
        %mul3A_965 = arith.mulf %gather3A_959, %get3A_504 : vector<16xf32>
        %add3A_966 = arith.addf %mul3A_964, %mul3A_965 : vector<16xf32>
        %swap3A_967 = arith.index_cast %add3A_963 : i32 to index
        %swap3A_968 = arith.constant 0 : index
        %swap3A_969 = tpu.vector_load %arg9[%swap3A_967, %swap3A_968] {strides = array<i32>} : memref<256x128xf32, #tpu.memory_space<vmem>>, vector<1x16xf32>,
        %swap3A_970 = vector.shape_cast %swap3A_969 : vector<1x16xf32> to vector<16xf32>
        %swap3A_971 = vector.shape_cast %add3A_966 : vector<16xf32> to vector<1x16xf32>
        tpu.vector_store %arg9[%swap3A_967, %swap3A_968], %swap3A_971 {add = true, strides = array<i32>} : memref<256x128xf32, #tpu.memory_space<vmem>>, vector<1x16xf32>,
        %mul3A_972 = arith.mulf %gather3A_949, %get3A_495 : vector<16xf32>
        %mul3A_973 = arith.mulf %gather3A_959, %get3A_507 : vector<16xf32>
        %add3A_974 = arith.addf %mul3A_972, %mul3A_973 : vector<16xf32>
        %swap3A_975 = arith.index_cast %add3A_963 : i32 to index
        %swap3A_976 = arith.constant 16 : index
        %swap3A_977 = tpu.vector_load %arg9[%swap3A_975, %swap3A_976] {strides = array<i32>} : memref<256x128xf32, #tpu.memory_space<vmem>>, vector<1x16xf32>,
        %swap3A_978 = vector.shape_cast %swap3A_977 : vector<1x16xf32> to vector<16xf32>
        %swap3A_979 = vector.shape_cast %add3A_974 : vector<16xf32> to vector<1x16xf32>
        tpu.vector_store %arg9[%swap3A_975, %swap3A_976], %swap3A_979 {add = true, strides = array<i32>} : memref<256x128xf32, #tpu.memory_space<vmem>>, vector<1x16xf32>,
        %mul3A_980 = arith.mulf %gather3A_949, %get3A_498 : vector<16xf32>
        %mul3A_981 = arith.mulf %gather3A_959, %get3A_510 : vector<16xf32>
        %add3A_982 = arith.addf %mul3A_980, %mul3A_981 : vector<16xf32>
        %swap3A_983 = arith.index_cast %add3A_963 : i32 to index
        %swap3A_984 = arith.constant 32 : index
        %swap3A_985 = tpu.vector_load %arg9[%swap3A_983, %swap3A_984] {strides = array<i32>} : memref<256x128xf32, #tpu.memory_space<vmem>>, vector<1x16xf32>,
        %swap3A_986 = vector.shape_cast %swap3A_985 : vector<1x16xf32> to vector<16xf32>
        %swap3A_987 = vector.shape_cast %add3A_982 : vector<16xf32> to vector<1x16xf32>
        tpu.vector_store %arg9[%swap3A_983, %swap3A_984], %swap3A_987 {add = true, strides = array<i32>} : memref<256x128xf32, #tpu.memory_space<vmem>>, vector<1x16xf32>,
        %mul3A_988 = arith.mulf %gather3A_949, %get3A_501 : vector<16xf32>
        %mul3A_989 = arith.mulf %gather3A_959, %get3A_513 : vector<16xf32>
        %add3A_990 = arith.addf %mul3A_988, %mul3A_989 : vector<16xf32>
        %swap3A_991 = arith.index_cast %add3A_963 : i32 to index
        %swap3A_992 = arith.constant 48 : index
        %swap3A_993 = tpu.vector_load %arg9[%swap3A_991, %swap3A_992] {strides = array<i32>} : memref<256x128xf32, #tpu.memory_space<vmem>>, vector<1x16xf32>,
        %swap3A_994 = vector.shape_cast %swap3A_993 : vector<1x16xf32> to vector<16xf32>
        %swap3A_995 = vector.shape_cast %add3A_990 : vector<16xf32> to vector<1x16xf32>
        tpu.vector_store %arg9[%swap3A_991, %swap3A_992], %swap3A_995 {add = true, strides = array<i32>} : memref<256x128xf32, #tpu.memory_space<vmem>>, vector<1x16xf32>,
        %lt3A_996 = arith.constant 0 : i32
        %lt3A_997 = vector.broadcast %lt3A_996 : i32 to vector<16xi32>
        %lt3A_998 = arith.cmpi slt, %broadcast_in_dim3A_526, %lt3A_997 : vector<16xi32>
        %add3A_999 = arith.constant 16 : i32
        %add3A_1000 = vector.broadcast %add3A_999 : i32 to vector<16xi32>
        %add3A_1001 = arith.addi %broadcast_in_dim3A_526, %add3A_1000 : vector<16xi32>
        %select_n3A_1002 = arith.select %lt3A_998, %add3A_1001, %broadcast_in_dim3A_526 : vector<16xi1>, vector<16xi32>
        %broadcast_in_dim3A_1003 = vector.shape_cast %select_n3A_1002 : vector<16xi32> to vector<16x1xi32>
        %gather3A_1004 = vector.shape_cast %broadcast_in_dim3A_1003 : vector<16x1xi32> to vector<16xi32>
        %gather3A_1005 = tpu.dynamic_gather %convert_element_type3A_654[%gather3A_1004] in [0] : vector<16xf32>, vector<16xi32> -> vector<16xf32>
        %lt3A_1006 = arith.constant 0 : i32
        %lt3A_1007 = vector.broadcast %lt3A_1006 : i32 to vector<16xi32>
        %lt3A_1008 = arith.cmpi slt, %broadcast_in_dim3A_526, %lt3A_1007 : vector<16xi32>
        %add3A_1009 = arith.constant 16 : i32
        %add3A_1010 = vector.broadcast %add3A_1009 : i32 to vector<16xi32>
        %add3A_1011 = arith.addi %broadcast_in_dim3A_526, %add3A_1010 : vector<16xi32>
        %select_n3A_1012 = arith.select %lt3A_1008, %add3A_1011, %broadcast_in_dim3A_526 : vector<16xi1>, vector<16xi32>
        %broadcast_in_dim3A_1013 = vector.shape_cast %select_n3A_1012 : vector<16xi32> to vector<16x1xi32>
        %gather3A_1014 = vector.shape_cast %broadcast_in_dim3A_1013 : vector<16x1xi32> to vector<16xi32>
        %gather3A_1015 = tpu.dynamic_gather %convert_element_type3A_661[%gather3A_1014] in [0] : vector<16xf32>, vector<16xi32> -> vector<16xf32>
        %mul3A_1016 = arith.constant 16 : i32
        %mul3A_1017 = arith.muli %scan3A_645, %mul3A_1016 : i32
        %add3A_1018 = arith.constant 6 : i32
        %add3A_1019 = arith.addi %mul3A_1017, %add3A_1018 : i32
        %mul3A_1020 = arith.mulf %gather3A_1005, %get3A_492 : vector<16xf32>
        %mul3A_1021 = arith.mulf %gather3A_1015, %get3A_504 : vector<16xf32>
        %add3A_1022 = arith.addf %mul3A_1020, %mul3A_1021 : vector<16xf32>
        %swap3A_1023 = arith.index_cast %add3A_1019 : i32 to index
        %swap3A_1024 = arith.constant 0 : index
        %swap3A_1025 = tpu.vector_load %arg9[%swap3A_1023, %swap3A_1024] {strides = array<i32>} : memref<256x128xf32, #tpu.memory_space<vmem>>, vector<1x16xf32>,
        %swap3A_1026 = vector.shape_cast %swap3A_1025 : vector<1x16xf32> to vector<16xf32>
        %swap3A_1027 = vector.shape_cast %add3A_1022 : vector<16xf32> to vector<1x16xf32>
        tpu.vector_store %arg9[%swap3A_1023, %swap3A_1024], %swap3A_1027 {add = true, strides = array<i32>} : memref<256x128xf32, #tpu.memory_space<vmem>>, vector<1x16xf32>,
        %mul3A_1028 = arith.mulf %gather3A_1005, %get3A_495 : vector<16xf32>
        %mul3A_1029 = arith.mulf %gather3A_1015, %get3A_507 : vector<16xf32>
        %add3A_1030 = arith.addf %mul3A_1028, %mul3A_1029 : vector<16xf32>
        %swap3A_1031 = arith.index_cast %add3A_1019 : i32 to index
        %swap3A_1032 = arith.constant 16 : index
        %swap3A_1033 = tpu.vector_load %arg9[%swap3A_1031, %swap3A_1032] {strides = array<i32>} : memref<256x128xf32, #tpu.memory_space<vmem>>, vector<1x16xf32>,
        %swap3A_1034 = vector.shape_cast %swap3A_1033 : vector<1x16xf32> to vector<16xf32>
        %swap3A_1035 = vector.shape_cast %add3A_1030 : vector<16xf32> to vector<1x16xf32>
        tpu.vector_store %arg9[%swap3A_1031, %swap3A_1032], %swap3A_1035 {add = true, strides = array<i32>} : memref<256x128xf32, #tpu.memory_space<vmem>>, vector<1x16xf32>,
        %mul3A_1036 = arith.mulf %gather3A_1005, %get3A_498 : vector<16xf32>
        %mul3A_1037 = arith.mulf %gather3A_1015, %get3A_510 : vector<16xf32>
        %add3A_1038 = arith.addf %mul3A_1036, %mul3A_1037 : vector<16xf32>
        %swap3A_1039 = arith.index_cast %add3A_1019 : i32 to index
        %swap3A_1040 = arith.constant 32 : index
        %swap3A_1041 = tpu.vector_load %arg9[%swap3A_1039, %swap3A_1040] {strides = array<i32>} : memref<256x128xf32, #tpu.memory_space<vmem>>, vector<1x16xf32>,
        %swap3A_1042 = vector.shape_cast %swap3A_1041 : vector<1x16xf32> to vector<16xf32>
        %swap3A_1043 = vector.shape_cast %add3A_1038 : vector<16xf32> to vector<1x16xf32>
        tpu.vector_store %arg9[%swap3A_1039, %swap3A_1040], %swap3A_1043 {add = true, strides = array<i32>} : memref<256x128xf32, #tpu.memory_space<vmem>>, vector<1x16xf32>,
        %mul3A_1044 = arith.mulf %gather3A_1005, %get3A_501 : vector<16xf32>
        %mul3A_1045 = arith.mulf %gather3A_1015, %get3A_513 : vector<16xf32>
        %add3A_1046 = arith.addf %mul3A_1044, %mul3A_1045 : vector<16xf32>
        %swap3A_1047 = arith.index_cast %add3A_1019 : i32 to index
        %swap3A_1048 = arith.constant 48 : index
        %swap3A_1049 = tpu.vector_load %arg9[%swap3A_1047, %swap3A_1048] {strides = array<i32>} : memref<256x128xf32, #tpu.memory_space<vmem>>, vector<1x16xf32>,
        %swap3A_1050 = vector.shape_cast %swap3A_1049 : vector<1x16xf32> to vector<16xf32>
        %swap3A_1051 = vector.shape_cast %add3A_1046 : vector<16xf32> to vector<1x16xf32>
        tpu.vector_store %arg9[%swap3A_1047, %swap3A_1048], %swap3A_1051 {add = true, strides = array<i32>} : memref<256x128xf32, #tpu.memory_space<vmem>>, vector<1x16xf32>,
        %lt3A_1052 = arith.constant 0 : i32
        %lt3A_1053 = vector.broadcast %lt3A_1052 : i32 to vector<16xi32>
        %lt3A_1054 = arith.cmpi slt, %broadcast_in_dim3A_528, %lt3A_1053 : vector<16xi32>
        %add3A_1055 = arith.constant 16 : i32
        %add3A_1056 = vector.broadcast %add3A_1055 : i32 to vector<16xi32>
        %add3A_1057 = arith.addi %broadcast_in_dim3A_528, %add3A_1056 : vector<16xi32>
        %select_n3A_1058 = arith.select %lt3A_1054, %add3A_1057, %broadcast_in_dim3A_528 : vector<16xi1>, vector<16xi32>
        %broadcast_in_dim3A_1059 = vector.shape_cast %select_n3A_1058 : vector<16xi32> to vector<16x1xi32>
        %gather3A_1060 = vector.shape_cast %broadcast_in_dim3A_1059 : vector<16x1xi32> to vector<16xi32>
        %gather3A_1061 = tpu.dynamic_gather %convert_element_type3A_654[%gather3A_1060] in [0] : vector<16xf32>, vector<16xi32> -> vector<16xf32>
        %lt3A_1062 = arith.constant 0 : i32
        %lt3A_1063 = vector.broadcast %lt3A_1062 : i32 to vector<16xi32>
        %lt3A_1064 = arith.cmpi slt, %broadcast_in_dim3A_528, %lt3A_1063 : vector<16xi32>
        %add3A_1065 = arith.constant 16 : i32
        %add3A_1066 = vector.broadcast %add3A_1065 : i32 to vector<16xi32>
        %add3A_1067 = arith.addi %broadcast_in_dim3A_528, %add3A_1066 : vector<16xi32>
        %select_n3A_1068 = arith.select %lt3A_1064, %add3A_1067, %broadcast_in_dim3A_528 : vector<16xi1>, vector<16xi32>
        %broadcast_in_dim3A_1069 = vector.shape_cast %select_n3A_1068 : vector<16xi32> to vector<16x1xi32>
        %gather3A_1070 = vector.shape_cast %broadcast_in_dim3A_1069 : vector<16x1xi32> to vector<16xi32>
        %gather3A_1071 = tpu.dynamic_gather %convert_element_type3A_661[%gather3A_1070] in [0] : vector<16xf32>, vector<16xi32> -> vector<16xf32>
        %mul3A_1072 = arith.constant 16 : i32
        %mul3A_1073 = arith.muli %scan3A_645, %mul3A_1072 : i32
        %add3A_1074 = arith.constant 7 : i32
        %add3A_1075 = arith.addi %mul3A_1073, %add3A_1074 : i32
        %mul3A_1076 = arith.mulf %gather3A_1061, %get3A_492 : vector<16xf32>
        %mul3A_1077 = arith.mulf %gather3A_1071, %get3A_504 : vector<16xf32>
        %add3A_1078 = arith.addf %mul3A_1076, %mul3A_1077 : vector<16xf32>
        %swap3A_1079 = arith.index_cast %add3A_1075 : i32 to index
        %swap3A_1080 = arith.constant 0 : index
        %swap3A_1081 = tpu.vector_load %arg9[%swap3A_1079, %swap3A_1080] {strides = array<i32>} : memref<256x128xf32, #tpu.memory_space<vmem>>, vector<1x16xf32>,
        %swap3A_1082 = vector.shape_cast %swap3A_1081 : vector<1x16xf32> to vector<16xf32>
        %swap3A_1083 = vector.shape_cast %add3A_1078 : vector<16xf32> to vector<1x16xf32>
        tpu.vector_store %arg9[%swap3A_1079, %swap3A_1080], %swap3A_1083 {add = true, strides = array<i32>} : memref<256x128xf32, #tpu.memory_space<vmem>>, vector<1x16xf32>,
        %mul3A_1084 = arith.mulf %gather3A_1061, %get3A_495 : vector<16xf32>
        %mul3A_1085 = arith.mulf %gather3A_1071, %get3A_507 : vector<16xf32>
        %add3A_1086 = arith.addf %mul3A_1084, %mul3A_1085 : vector<16xf32>
        %swap3A_1087 = arith.index_cast %add3A_1075 : i32 to index
        %swap3A_1088 = arith.constant 16 : index
        %swap3A_1089 = tpu.vector_load %arg9[%swap3A_1087, %swap3A_1088] {strides = array<i32>} : memref<256x128xf32, #tpu.memory_space<vmem>>, vector<1x16xf32>,
        %swap3A_1090 = vector.shape_cast %swap3A_1089 : vector<1x16xf32> to vector<16xf32>
        %swap3A_1091 = vector.shape_cast %add3A_1086 : vector<16xf32> to vector<1x16xf32>
        tpu.vector_store %arg9[%swap3A_1087, %swap3A_1088], %swap3A_1091 {add = true, strides = array<i32>} : memref<256x128xf32, #tpu.memory_space<vmem>>, vector<1x16xf32>,
        %mul3A_1092 = arith.mulf %gather3A_1061, %get3A_498 : vector<16xf32>
        %mul3A_1093 = arith.mulf %gather3A_1071, %get3A_510 : vector<16xf32>
        %add3A_1094 = arith.addf %mul3A_1092, %mul3A_1093 : vector<16xf32>
        %swap3A_1095 = arith.index_cast %add3A_1075 : i32 to index
        %swap3A_1096 = arith.constant 32 : index
        %swap3A_1097 = tpu.vector_load %arg9[%swap3A_1095, %swap3A_1096] {strides = array<i32>} : memref<256x128xf32, #tpu.memory_space<vmem>>, vector<1x16xf32>,
        %swap3A_1098 = vector.shape_cast %swap3A_1097 : vector<1x16xf32> to vector<16xf32>
        %swap3A_1099 = vector.shape_cast %add3A_1094 : vector<16xf32> to vector<1x16xf32>
        tpu.vector_store %arg9[%swap3A_1095, %swap3A_1096], %swap3A_1099 {add = true, strides = array<i32>} : memref<256x128xf32, #tpu.memory_space<vmem>>, vector<1x16xf32>,
        %mul3A_1100 = arith.mulf %gather3A_1061, %get3A_501 : vector<16xf32>
        %mul3A_1101 = arith.mulf %gather3A_1071, %get3A_513 : vector<16xf32>
        %add3A_1102 = arith.addf %mul3A_1100, %mul3A_1101 : vector<16xf32>
        %swap3A_1103 = arith.index_cast %add3A_1075 : i32 to index
        %swap3A_1104 = arith.constant 48 : index
        %swap3A_1105 = tpu.vector_load %arg9[%swap3A_1103, %swap3A_1104] {strides = array<i32>} : memref<256x128xf32, #tpu.memory_space<vmem>>, vector<1x16xf32>,
        %swap3A_1106 = vector.shape_cast %swap3A_1105 : vector<1x16xf32> to vector<16xf32>
        %swap3A_1107 = vector.shape_cast %add3A_1102 : vector<16xf32> to vector<1x16xf32>
        tpu.vector_store %arg9[%swap3A_1103, %swap3A_1104], %swap3A_1107 {add = true, strides = array<i32>} : memref<256x128xf32, #tpu.memory_space<vmem>>, vector<1x16xf32>,
        %lt3A_1108 = arith.constant 0 : i32
        %lt3A_1109 = vector.broadcast %lt3A_1108 : i32 to vector<16xi32>
        %lt3A_1110 = arith.cmpi slt, %broadcast_in_dim3A_530, %lt3A_1109 : vector<16xi32>
        %add3A_1111 = arith.constant 16 : i32
        %add3A_1112 = vector.broadcast %add3A_1111 : i32 to vector<16xi32>
        %add3A_1113 = arith.addi %broadcast_in_dim3A_530, %add3A_1112 : vector<16xi32>
        %select_n3A_1114 = arith.select %lt3A_1110, %add3A_1113, %broadcast_in_dim3A_530 : vector<16xi1>, vector<16xi32>
        %broadcast_in_dim3A_1115 = vector.shape_cast %select_n3A_1114 : vector<16xi32> to vector<16x1xi32>
        %gather3A_1116 = vector.shape_cast %broadcast_in_dim3A_1115 : vector<16x1xi32> to vector<16xi32>
        %gather3A_1117 = tpu.dynamic_gather %convert_element_type3A_654[%gather3A_1116] in [0] : vector<16xf32>, vector<16xi32> -> vector<16xf32>
        %lt3A_1118 = arith.constant 0 : i32
        %lt3A_1119 = vector.broadcast %lt3A_1118 : i32 to vector<16xi32>
        %lt3A_1120 = arith.cmpi slt, %broadcast_in_dim3A_530, %lt3A_1119 : vector<16xi32>
        %add3A_1121 = arith.constant 16 : i32
        %add3A_1122 = vector.broadcast %add3A_1121 : i32 to vector<16xi32>
        %add3A_1123 = arith.addi %broadcast_in_dim3A_530, %add3A_1122 : vector<16xi32>
        %select_n3A_1124 = arith.select %lt3A_1120, %add3A_1123, %broadcast_in_dim3A_530 : vector<16xi1>, vector<16xi32>
        %broadcast_in_dim3A_1125 = vector.shape_cast %select_n3A_1124 : vector<16xi32> to vector<16x1xi32>
        %gather3A_1126 = vector.shape_cast %broadcast_in_dim3A_1125 : vector<16x1xi32> to vector<16xi32>
        %gather3A_1127 = tpu.dynamic_gather %convert_element_type3A_661[%gather3A_1126] in [0] : vector<16xf32>, vector<16xi32> -> vector<16xf32>
        %mul3A_1128 = arith.constant 16 : i32
        %mul3A_1129 = arith.muli %scan3A_645, %mul3A_1128 : i32
        %add3A_1130 = arith.constant 8 : i32
        %add3A_1131 = arith.addi %mul3A_1129, %add3A_1130 : i32
        %mul3A_1132 = arith.mulf %gather3A_1117, %get3A_492 : vector<16xf32>
        %mul3A_1133 = arith.mulf %gather3A_1127, %get3A_504 : vector<16xf32>
        %add3A_1134 = arith.addf %mul3A_1132, %mul3A_1133 : vector<16xf32>
        %swap3A_1135 = arith.index_cast %add3A_1131 : i32 to index
        %swap3A_1136 = arith.constant 0 : index
        %swap3A_1137 = tpu.vector_load %arg9[%swap3A_1135, %swap3A_1136] {strides = array<i32>} : memref<256x128xf32, #tpu.memory_space<vmem>>, vector<1x16xf32>,
        %swap3A_1138 = vector.shape_cast %swap3A_1137 : vector<1x16xf32> to vector<16xf32>
        %swap3A_1139 = vector.shape_cast %add3A_1134 : vector<16xf32> to vector<1x16xf32>
        tpu.vector_store %arg9[%swap3A_1135, %swap3A_1136], %swap3A_1139 {add = true, strides = array<i32>} : memref<256x128xf32, #tpu.memory_space<vmem>>, vector<1x16xf32>,
        %mul3A_1140 = arith.mulf %gather3A_1117, %get3A_495 : vector<16xf32>
        %mul3A_1141 = arith.mulf %gather3A_1127, %get3A_507 : vector<16xf32>
        %add3A_1142 = arith.addf %mul3A_1140, %mul3A_1141 : vector<16xf32>
        %swap3A_1143 = arith.index_cast %add3A_1131 : i32 to index
        %swap3A_1144 = arith.constant 16 : index
        %swap3A_1145 = tpu.vector_load %arg9[%swap3A_1143, %swap3A_1144] {strides = array<i32>} : memref<256x128xf32, #tpu.memory_space<vmem>>, vector<1x16xf32>,
        %swap3A_1146 = vector.shape_cast %swap3A_1145 : vector<1x16xf32> to vector<16xf32>
        %swap3A_1147 = vector.shape_cast %add3A_1142 : vector<16xf32> to vector<1x16xf32>
        tpu.vector_store %arg9[%swap3A_1143, %swap3A_1144], %swap3A_1147 {add = true, strides = array<i32>} : memref<256x128xf32, #tpu.memory_space<vmem>>, vector<1x16xf32>,
        %mul3A_1148 = arith.mulf %gather3A_1117, %get3A_498 : vector<16xf32>
        %mul3A_1149 = arith.mulf %gather3A_1127, %get3A_510 : vector<16xf32>
        %add3A_1150 = arith.addf %mul3A_1148, %mul3A_1149 : vector<16xf32>
        %swap3A_1151 = arith.index_cast %add3A_1131 : i32 to index
        %swap3A_1152 = arith.constant 32 : index
        %swap3A_1153 = tpu.vector_load %arg9[%swap3A_1151, %swap3A_1152] {strides = array<i32>} : memref<256x128xf32, #tpu.memory_space<vmem>>, vector<1x16xf32>,
        %swap3A_1154 = vector.shape_cast %swap3A_1153 : vector<1x16xf32> to vector<16xf32>
        %swap3A_1155 = vector.shape_cast %add3A_1150 : vector<16xf32> to vector<1x16xf32>
        tpu.vector_store %arg9[%swap3A_1151, %swap3A_1152], %swap3A_1155 {add = true, strides = array<i32>} : memref<256x128xf32, #tpu.memory_space<vmem>>, vector<1x16xf32>,
        %mul3A_1156 = arith.mulf %gather3A_1117, %get3A_501 : vector<16xf32>
        %mul3A_1157 = arith.mulf %gather3A_1127, %get3A_513 : vector<16xf32>
        %add3A_1158 = arith.addf %mul3A_1156, %mul3A_1157 : vector<16xf32>
        %swap3A_1159 = arith.index_cast %add3A_1131 : i32 to index
        %swap3A_1160 = arith.constant 48 : index
        %swap3A_1161 = tpu.vector_load %arg9[%swap3A_1159, %swap3A_1160] {strides = array<i32>} : memref<256x128xf32, #tpu.memory_space<vmem>>, vector<1x16xf32>,
        %swap3A_1162 = vector.shape_cast %swap3A_1161 : vector<1x16xf32> to vector<16xf32>
        %swap3A_1163 = vector.shape_cast %add3A_1158 : vector<16xf32> to vector<1x16xf32>
        tpu.vector_store %arg9[%swap3A_1159, %swap3A_1160], %swap3A_1163 {add = true, strides = array<i32>} : memref<256x128xf32, #tpu.memory_space<vmem>>, vector<1x16xf32>,
        %lt3A_1164 = arith.constant 0 : i32
        %lt3A_1165 = vector.broadcast %lt3A_1164 : i32 to vector<16xi32>
        %lt3A_1166 = arith.cmpi slt, %broadcast_in_dim3A_532, %lt3A_1165 : vector<16xi32>
        %add3A_1167 = arith.constant 16 : i32
        %add3A_1168 = vector.broadcast %add3A_1167 : i32 to vector<16xi32>
        %add3A_1169 = arith.addi %broadcast_in_dim3A_532, %add3A_1168 : vector<16xi32>
        %select_n3A_1170 = arith.select %lt3A_1166, %add3A_1169, %broadcast_in_dim3A_532 : vector<16xi1>, vector<16xi32>
        %broadcast_in_dim3A_1171 = vector.shape_cast %select_n3A_1170 : vector<16xi32> to vector<16x1xi32>
        %gather3A_1172 = vector.shape_cast %broadcast_in_dim3A_1171 : vector<16x1xi32> to vector<16xi32>
        %gather3A_1173 = tpu.dynamic_gather %convert_element_type3A_654[%gather3A_1172] in [0] : vector<16xf32>, vector<16xi32> -> vector<16xf32>
        %lt3A_1174 = arith.constant 0 : i32
        %lt3A_1175 = vector.broadcast %lt3A_1174 : i32 to vector<16xi32>
        %lt3A_1176 = arith.cmpi slt, %broadcast_in_dim3A_532, %lt3A_1175 : vector<16xi32>
        %add3A_1177 = arith.constant 16 : i32
        %add3A_1178 = vector.broadcast %add3A_1177 : i32 to vector<16xi32>
        %add3A_1179 = arith.addi %broadcast_in_dim3A_532, %add3A_1178 : vector<16xi32>
        %select_n3A_1180 = arith.select %lt3A_1176, %add3A_1179, %broadcast_in_dim3A_532 : vector<16xi1>, vector<16xi32>
        %broadcast_in_dim3A_1181 = vector.shape_cast %select_n3A_1180 : vector<16xi32> to vector<16x1xi32>
        %gather3A_1182 = vector.shape_cast %broadcast_in_dim3A_1181 : vector<16x1xi32> to vector<16xi32>
        %gather3A_1183 = tpu.dynamic_gather %convert_element_type3A_661[%gather3A_1182] in [0] : vector<16xf32>, vector<16xi32> -> vector<16xf32>
        %mul3A_1184 = arith.constant 16 : i32
        %mul3A_1185 = arith.muli %scan3A_645, %mul3A_1184 : i32
        %add3A_1186 = arith.constant 9 : i32
        %add3A_1187 = arith.addi %mul3A_1185, %add3A_1186 : i32
        %mul3A_1188 = arith.mulf %gather3A_1173, %get3A_492 : vector<16xf32>
        %mul3A_1189 = arith.mulf %gather3A_1183, %get3A_504 : vector<16xf32>
        %add3A_1190 = arith.addf %mul3A_1188, %mul3A_1189 : vector<16xf32>
        %swap3A_1191 = arith.index_cast %add3A_1187 : i32 to index
        %swap3A_1192 = arith.constant 0 : index
        %swap3A_1193 = tpu.vector_load %arg9[%swap3A_1191, %swap3A_1192] {strides = array<i32>} : memref<256x128xf32, #tpu.memory_space<vmem>>, vector<1x16xf32>,
        %swap3A_1194 = vector.shape_cast %swap3A_1193 : vector<1x16xf32> to vector<16xf32>
        %swap3A_1195 = vector.shape_cast %add3A_1190 : vector<16xf32> to vector<1x16xf32>
        tpu.vector_store %arg9[%swap3A_1191, %swap3A_1192], %swap3A_1195 {add = true, strides = array<i32>} : memref<256x128xf32, #tpu.memory_space<vmem>>, vector<1x16xf32>,
        %mul3A_1196 = arith.mulf %gather3A_1173, %get3A_495 : vector<16xf32>
        %mul3A_1197 = arith.mulf %gather3A_1183, %get3A_507 : vector<16xf32>
        %add3A_1198 = arith.addf %mul3A_1196, %mul3A_1197 : vector<16xf32>
        %swap3A_1199 = arith.index_cast %add3A_1187 : i32 to index
        %swap3A_1200 = arith.constant 16 : index
        %swap3A_1201 = tpu.vector_load %arg9[%swap3A_1199, %swap3A_1200] {strides = array<i32>} : memref<256x128xf32, #tpu.memory_space<vmem>>, vector<1x16xf32>,
        %swap3A_1202 = vector.shape_cast %swap3A_1201 : vector<1x16xf32> to vector<16xf32>
        %swap3A_1203 = vector.shape_cast %add3A_1198 : vector<16xf32> to vector<1x16xf32>
        tpu.vector_store %arg9[%swap3A_1199, %swap3A_1200], %swap3A_1203 {add = true, strides = array<i32>} : memref<256x128xf32, #tpu.memory_space<vmem>>, vector<1x16xf32>,
        %mul3A_1204 = arith.mulf %gather3A_1173, %get3A_498 : vector<16xf32>
        %mul3A_1205 = arith.mulf %gather3A_1183, %get3A_510 : vector<16xf32>
        %add3A_1206 = arith.addf %mul3A_1204, %mul3A_1205 : vector<16xf32>
        %swap3A_1207 = arith.index_cast %add3A_1187 : i32 to index
        %swap3A_1208 = arith.constant 32 : index
        %swap3A_1209 = tpu.vector_load %arg9[%swap3A_1207, %swap3A_1208] {strides = array<i32>} : memref<256x128xf32, #tpu.memory_space<vmem>>, vector<1x16xf32>,
        %swap3A_1210 = vector.shape_cast %swap3A_1209 : vector<1x16xf32> to vector<16xf32>
        %swap3A_1211 = vector.shape_cast %add3A_1206 : vector<16xf32> to vector<1x16xf32>
        tpu.vector_store %arg9[%swap3A_1207, %swap3A_1208], %swap3A_1211 {add = true, strides = array<i32>} : memref<256x128xf32, #tpu.memory_space<vmem>>, vector<1x16xf32>,
        %mul3A_1212 = arith.mulf %gather3A_1173, %get3A_501 : vector<16xf32>
        %mul3A_1213 = arith.mulf %gather3A_1183, %get3A_513 : vector<16xf32>
        %add3A_1214 = arith.addf %mul3A_1212, %mul3A_1213 : vector<16xf32>
        %swap3A_1215 = arith.index_cast %add3A_1187 : i32 to index
        %swap3A_1216 = arith.constant 48 : index
        %swap3A_1217 = tpu.vector_load %arg9[%swap3A_1215, %swap3A_1216] {strides = array<i32>} : memref<256x128xf32, #tpu.memory_space<vmem>>, vector<1x16xf32>,
        %swap3A_1218 = vector.shape_cast %swap3A_1217 : vector<1x16xf32> to vector<16xf32>
        %swap3A_1219 = vector.shape_cast %add3A_1214 : vector<16xf32> to vector<1x16xf32>
        tpu.vector_store %arg9[%swap3A_1215, %swap3A_1216], %swap3A_1219 {add = true, strides = array<i32>} : memref<256x128xf32, #tpu.memory_space<vmem>>, vector<1x16xf32>,
        %lt3A_1220 = arith.constant 0 : i32
        %lt3A_1221 = vector.broadcast %lt3A_1220 : i32 to vector<16xi32>
        %lt3A_1222 = arith.cmpi slt, %broadcast_in_dim3A_534, %lt3A_1221 : vector<16xi32>
        %add3A_1223 = arith.constant 16 : i32
        %add3A_1224 = vector.broadcast %add3A_1223 : i32 to vector<16xi32>
        %add3A_1225 = arith.addi %broadcast_in_dim3A_534, %add3A_1224 : vector<16xi32>
        %select_n3A_1226 = arith.select %lt3A_1222, %add3A_1225, %broadcast_in_dim3A_534 : vector<16xi1>, vector<16xi32>
        %broadcast_in_dim3A_1227 = vector.shape_cast %select_n3A_1226 : vector<16xi32> to vector<16x1xi32>
        %gather3A_1228 = vector.shape_cast %broadcast_in_dim3A_1227 : vector<16x1xi32> to vector<16xi32>
        %gather3A_1229 = tpu.dynamic_gather %convert_element_type3A_654[%gather3A_1228] in [0] : vector<16xf32>, vector<16xi32> -> vector<16xf32>
        %lt3A_1230 = arith.constant 0 : i32
        %lt3A_1231 = vector.broadcast %lt3A_1230 : i32 to vector<16xi32>
        %lt3A_1232 = arith.cmpi slt, %broadcast_in_dim3A_534, %lt3A_1231 : vector<16xi32>
        %add3A_1233 = arith.constant 16 : i32
        %add3A_1234 = vector.broadcast %add3A_1233 : i32 to vector<16xi32>
        %add3A_1235 = arith.addi %broadcast_in_dim3A_534, %add3A_1234 : vector<16xi32>
        %select_n3A_1236 = arith.select %lt3A_1232, %add3A_1235, %broadcast_in_dim3A_534 : vector<16xi1>, vector<16xi32>
        %broadcast_in_dim3A_1237 = vector.shape_cast %select_n3A_1236 : vector<16xi32> to vector<16x1xi32>
        %gather3A_1238 = vector.shape_cast %broadcast_in_dim3A_1237 : vector<16x1xi32> to vector<16xi32>
        %gather3A_1239 = tpu.dynamic_gather %convert_element_type3A_661[%gather3A_1238] in [0] : vector<16xf32>, vector<16xi32> -> vector<16xf32>
        %mul3A_1240 = arith.constant 16 : i32
        %mul3A_1241 = arith.muli %scan3A_645, %mul3A_1240 : i32
        %add3A_1242 = arith.constant 10 : i32
        %add3A_1243 = arith.addi %mul3A_1241, %add3A_1242 : i32
        %mul3A_1244 = arith.mulf %gather3A_1229, %get3A_492 : vector<16xf32>
        %mul3A_1245 = arith.mulf %gather3A_1239, %get3A_504 : vector<16xf32>
        %add3A_1246 = arith.addf %mul3A_1244, %mul3A_1245 : vector<16xf32>
        %swap3A_1247 = arith.index_cast %add3A_1243 : i32 to index
        %swap3A_1248 = arith.constant 0 : index
        %swap3A_1249 = tpu.vector_load %arg9[%swap3A_1247, %swap3A_1248] {strides = array<i32>} : memref<256x128xf32, #tpu.memory_space<vmem>>, vector<1x16xf32>,
        %swap3A_1250 = vector.shape_cast %swap3A_1249 : vector<1x16xf32> to vector<16xf32>
        %swap3A_1251 = vector.shape_cast %add3A_1246 : vector<16xf32> to vector<1x16xf32>
        tpu.vector_store %arg9[%swap3A_1247, %swap3A_1248], %swap3A_1251 {add = true, strides = array<i32>} : memref<256x128xf32, #tpu.memory_space<vmem>>, vector<1x16xf32>,
        %mul3A_1252 = arith.mulf %gather3A_1229, %get3A_495 : vector<16xf32>
        %mul3A_1253 = arith.mulf %gather3A_1239, %get3A_507 : vector<16xf32>
        %add3A_1254 = arith.addf %mul3A_1252, %mul3A_1253 : vector<16xf32>
        %swap3A_1255 = arith.index_cast %add3A_1243 : i32 to index
        %swap3A_1256 = arith.constant 16 : index
        %swap3A_1257 = tpu.vector_load %arg9[%swap3A_1255, %swap3A_1256] {strides = array<i32>} : memref<256x128xf32, #tpu.memory_space<vmem>>, vector<1x16xf32>,
        %swap3A_1258 = vector.shape_cast %swap3A_1257 : vector<1x16xf32> to vector<16xf32>
        %swap3A_1259 = vector.shape_cast %add3A_1254 : vector<16xf32> to vector<1x16xf32>
        tpu.vector_store %arg9[%swap3A_1255, %swap3A_1256], %swap3A_1259 {add = true, strides = array<i32>} : memref<256x128xf32, #tpu.memory_space<vmem>>, vector<1x16xf32>,
        %mul3A_1260 = arith.mulf %gather3A_1229, %get3A_498 : vector<16xf32>
        %mul3A_1261 = arith.mulf %gather3A_1239, %get3A_510 : vector<16xf32>
        %add3A_1262 = arith.addf %mul3A_1260, %mul3A_1261 : vector<16xf32>
        %swap3A_1263 = arith.index_cast %add3A_1243 : i32 to index
        %swap3A_1264 = arith.constant 32 : index
        %swap3A_1265 = tpu.vector_load %arg9[%swap3A_1263, %swap3A_1264] {strides = array<i32>} : memref<256x128xf32, #tpu.memory_space<vmem>>, vector<1x16xf32>,
        %swap3A_1266 = vector.shape_cast %swap3A_1265 : vector<1x16xf32> to vector<16xf32>
        %swap3A_1267 = vector.shape_cast %add3A_1262 : vector<16xf32> to vector<1x16xf32>
        tpu.vector_store %arg9[%swap3A_1263, %swap3A_1264], %swap3A_1267 {add = true, strides = array<i32>} : memref<256x128xf32, #tpu.memory_space<vmem>>, vector<1x16xf32>,
        %mul3A_1268 = arith.mulf %gather3A_1229, %get3A_501 : vector<16xf32>
        %mul3A_1269 = arith.mulf %gather3A_1239, %get3A_513 : vector<16xf32>
        %add3A_1270 = arith.addf %mul3A_1268, %mul3A_1269 : vector<16xf32>
        %swap3A_1271 = arith.index_cast %add3A_1243 : i32 to index
        %swap3A_1272 = arith.constant 48 : index
        %swap3A_1273 = tpu.vector_load %arg9[%swap3A_1271, %swap3A_1272] {strides = array<i32>} : memref<256x128xf32, #tpu.memory_space<vmem>>, vector<1x16xf32>,
        %swap3A_1274 = vector.shape_cast %swap3A_1273 : vector<1x16xf32> to vector<16xf32>
        %swap3A_1275 = vector.shape_cast %add3A_1270 : vector<16xf32> to vector<1x16xf32>
        tpu.vector_store %arg9[%swap3A_1271, %swap3A_1272], %swap3A_1275 {add = true, strides = array<i32>} : memref<256x128xf32, #tpu.memory_space<vmem>>, vector<1x16xf32>,
        %lt3A_1276 = arith.constant 0 : i32
        %lt3A_1277 = vector.broadcast %lt3A_1276 : i32 to vector<16xi32>
        %lt3A_1278 = arith.cmpi slt, %broadcast_in_dim3A_536, %lt3A_1277 : vector<16xi32>
        %add3A_1279 = arith.constant 16 : i32
        %add3A_1280 = vector.broadcast %add3A_1279 : i32 to vector<16xi32>
        %add3A_1281 = arith.addi %broadcast_in_dim3A_536, %add3A_1280 : vector<16xi32>
        %select_n3A_1282 = arith.select %lt3A_1278, %add3A_1281, %broadcast_in_dim3A_536 : vector<16xi1>, vector<16xi32>
        %broadcast_in_dim3A_1283 = vector.shape_cast %select_n3A_1282 : vector<16xi32> to vector<16x1xi32>
        %gather3A_1284 = vector.shape_cast %broadcast_in_dim3A_1283 : vector<16x1xi32> to vector<16xi32>
        %gather3A_1285 = tpu.dynamic_gather %convert_element_type3A_654[%gather3A_1284] in [0] : vector<16xf32>, vector<16xi32> -> vector<16xf32>
        %lt3A_1286 = arith.constant 0 : i32
        %lt3A_1287 = vector.broadcast %lt3A_1286 : i32 to vector<16xi32>
        %lt3A_1288 = arith.cmpi slt, %broadcast_in_dim3A_536, %lt3A_1287 : vector<16xi32>
        %add3A_1289 = arith.constant 16 : i32
        %add3A_1290 = vector.broadcast %add3A_1289 : i32 to vector<16xi32>
        %add3A_1291 = arith.addi %broadcast_in_dim3A_536, %add3A_1290 : vector<16xi32>
        %select_n3A_1292 = arith.select %lt3A_1288, %add3A_1291, %broadcast_in_dim3A_536 : vector<16xi1>, vector<16xi32>
        %broadcast_in_dim3A_1293 = vector.shape_cast %select_n3A_1292 : vector<16xi32> to vector<16x1xi32>
        %gather3A_1294 = vector.shape_cast %broadcast_in_dim3A_1293 : vector<16x1xi32> to vector<16xi32>
        %gather3A_1295 = tpu.dynamic_gather %convert_element_type3A_661[%gather3A_1294] in [0] : vector<16xf32>, vector<16xi32> -> vector<16xf32>
        %mul3A_1296 = arith.constant 16 : i32
        %mul3A_1297 = arith.muli %scan3A_645, %mul3A_1296 : i32
        %add3A_1298 = arith.constant 11 : i32
        %add3A_1299 = arith.addi %mul3A_1297, %add3A_1298 : i32
        %mul3A_1300 = arith.mulf %gather3A_1285, %get3A_492 : vector<16xf32>
        %mul3A_1301 = arith.mulf %gather3A_1295, %get3A_504 : vector<16xf32>
        %add3A_1302 = arith.addf %mul3A_1300, %mul3A_1301 : vector<16xf32>
        %swap3A_1303 = arith.index_cast %add3A_1299 : i32 to index
        %swap3A_1304 = arith.constant 0 : index
        %swap3A_1305 = tpu.vector_load %arg9[%swap3A_1303, %swap3A_1304] {strides = array<i32>} : memref<256x128xf32, #tpu.memory_space<vmem>>, vector<1x16xf32>,
        %swap3A_1306 = vector.shape_cast %swap3A_1305 : vector<1x16xf32> to vector<16xf32>
        %swap3A_1307 = vector.shape_cast %add3A_1302 : vector<16xf32> to vector<1x16xf32>
        tpu.vector_store %arg9[%swap3A_1303, %swap3A_1304], %swap3A_1307 {add = true, strides = array<i32>} : memref<256x128xf32, #tpu.memory_space<vmem>>, vector<1x16xf32>,
        %mul3A_1308 = arith.mulf %gather3A_1285, %get3A_495 : vector<16xf32>
        %mul3A_1309 = arith.mulf %gather3A_1295, %get3A_507 : vector<16xf32>
        %add3A_1310 = arith.addf %mul3A_1308, %mul3A_1309 : vector<16xf32>
        %swap3A_1311 = arith.index_cast %add3A_1299 : i32 to index
        %swap3A_1312 = arith.constant 16 : index
        %swap3A_1313 = tpu.vector_load %arg9[%swap3A_1311, %swap3A_1312] {strides = array<i32>} : memref<256x128xf32, #tpu.memory_space<vmem>>, vector<1x16xf32>,
        %swap3A_1314 = vector.shape_cast %swap3A_1313 : vector<1x16xf32> to vector<16xf32>
        %swap3A_1315 = vector.shape_cast %add3A_1310 : vector<16xf32> to vector<1x16xf32>
        tpu.vector_store %arg9[%swap3A_1311, %swap3A_1312], %swap3A_1315 {add = true, strides = array<i32>} : memref<256x128xf32, #tpu.memory_space<vmem>>, vector<1x16xf32>,
        %mul3A_1316 = arith.mulf %gather3A_1285, %get3A_498 : vector<16xf32>
        %mul3A_1317 = arith.mulf %gather3A_1295, %get3A_510 : vector<16xf32>
        %add3A_1318 = arith.addf %mul3A_1316, %mul3A_1317 : vector<16xf32>
        %swap3A_1319 = arith.index_cast %add3A_1299 : i32 to index
        %swap3A_1320 = arith.constant 32 : index
        %swap3A_1321 = tpu.vector_load %arg9[%swap3A_1319, %swap3A_1320] {strides = array<i32>} : memref<256x128xf32, #tpu.memory_space<vmem>>, vector<1x16xf32>,
        %swap3A_1322 = vector.shape_cast %swap3A_1321 : vector<1x16xf32> to vector<16xf32>
        %swap3A_1323 = vector.shape_cast %add3A_1318 : vector<16xf32> to vector<1x16xf32>
        tpu.vector_store %arg9[%swap3A_1319, %swap3A_1320], %swap3A_1323 {add = true, strides = array<i32>} : memref<256x128xf32, #tpu.memory_space<vmem>>, vector<1x16xf32>,
        %mul3A_1324 = arith.mulf %gather3A_1285, %get3A_501 : vector<16xf32>
        %mul3A_1325 = arith.mulf %gather3A_1295, %get3A_513 : vector<16xf32>
        %add3A_1326 = arith.addf %mul3A_1324, %mul3A_1325 : vector<16xf32>
        %swap3A_1327 = arith.index_cast %add3A_1299 : i32 to index
        %swap3A_1328 = arith.constant 48 : index
        %swap3A_1329 = tpu.vector_load %arg9[%swap3A_1327, %swap3A_1328] {strides = array<i32>} : memref<256x128xf32, #tpu.memory_space<vmem>>, vector<1x16xf32>,
        %swap3A_1330 = vector.shape_cast %swap3A_1329 : vector<1x16xf32> to vector<16xf32>
        %swap3A_1331 = vector.shape_cast %add3A_1326 : vector<16xf32> to vector<1x16xf32>
        tpu.vector_store %arg9[%swap3A_1327, %swap3A_1328], %swap3A_1331 {add = true, strides = array<i32>} : memref<256x128xf32, #tpu.memory_space<vmem>>, vector<1x16xf32>,
        %lt3A_1332 = arith.constant 0 : i32
        %lt3A_1333 = vector.broadcast %lt3A_1332 : i32 to vector<16xi32>
        %lt3A_1334 = arith.cmpi slt, %broadcast_in_dim3A_538, %lt3A_1333 : vector<16xi32>
        %add3A_1335 = arith.constant 16 : i32
        %add3A_1336 = vector.broadcast %add3A_1335 : i32 to vector<16xi32>
        %add3A_1337 = arith.addi %broadcast_in_dim3A_538, %add3A_1336 : vector<16xi32>
        %select_n3A_1338 = arith.select %lt3A_1334, %add3A_1337, %broadcast_in_dim3A_538 : vector<16xi1>, vector<16xi32>
        %broadcast_in_dim3A_1339 = vector.shape_cast %select_n3A_1338 : vector<16xi32> to vector<16x1xi32>
        %gather3A_1340 = vector.shape_cast %broadcast_in_dim3A_1339 : vector<16x1xi32> to vector<16xi32>
        %gather3A_1341 = tpu.dynamic_gather %convert_element_type3A_654[%gather3A_1340] in [0] : vector<16xf32>, vector<16xi32> -> vector<16xf32>
        %lt3A_1342 = arith.constant 0 : i32
        %lt3A_1343 = vector.broadcast %lt3A_1342 : i32 to vector<16xi32>
        %lt3A_1344 = arith.cmpi slt, %broadcast_in_dim3A_538, %lt3A_1343 : vector<16xi32>
        %add3A_1345 = arith.constant 16 : i32
        %add3A_1346 = vector.broadcast %add3A_1345 : i32 to vector<16xi32>
        %add3A_1347 = arith.addi %broadcast_in_dim3A_538, %add3A_1346 : vector<16xi32>
        %select_n3A_1348 = arith.select %lt3A_1344, %add3A_1347, %broadcast_in_dim3A_538 : vector<16xi1>, vector<16xi32>
        %broadcast_in_dim3A_1349 = vector.shape_cast %select_n3A_1348 : vector<16xi32> to vector<16x1xi32>
        %gather3A_1350 = vector.shape_cast %broadcast_in_dim3A_1349 : vector<16x1xi32> to vector<16xi32>
        %gather3A_1351 = tpu.dynamic_gather %convert_element_type3A_661[%gather3A_1350] in [0] : vector<16xf32>, vector<16xi32> -> vector<16xf32>
        %mul3A_1352 = arith.constant 16 : i32
        %mul3A_1353 = arith.muli %scan3A_645, %mul3A_1352 : i32
        %add3A_1354 = arith.constant 12 : i32
        %add3A_1355 = arith.addi %mul3A_1353, %add3A_1354 : i32
        %mul3A_1356 = arith.mulf %gather3A_1341, %get3A_492 : vector<16xf32>
        %mul3A_1357 = arith.mulf %gather3A_1351, %get3A_504 : vector<16xf32>
        %add3A_1358 = arith.addf %mul3A_1356, %mul3A_1357 : vector<16xf32>
        %swap3A_1359 = arith.index_cast %add3A_1355 : i32 to index
        %swap3A_1360 = arith.constant 0 : index
        %swap3A_1361 = tpu.vector_load %arg9[%swap3A_1359, %swap3A_1360] {strides = array<i32>} : memref<256x128xf32, #tpu.memory_space<vmem>>, vector<1x16xf32>,
        %swap3A_1362 = vector.shape_cast %swap3A_1361 : vector<1x16xf32> to vector<16xf32>
        %swap3A_1363 = vector.shape_cast %add3A_1358 : vector<16xf32> to vector<1x16xf32>
        tpu.vector_store %arg9[%swap3A_1359, %swap3A_1360], %swap3A_1363 {add = true, strides = array<i32>} : memref<256x128xf32, #tpu.memory_space<vmem>>, vector<1x16xf32>,
        %mul3A_1364 = arith.mulf %gather3A_1341, %get3A_495 : vector<16xf32>
        %mul3A_1365 = arith.mulf %gather3A_1351, %get3A_507 : vector<16xf32>
        %add3A_1366 = arith.addf %mul3A_1364, %mul3A_1365 : vector<16xf32>
        %swap3A_1367 = arith.index_cast %add3A_1355 : i32 to index
        %swap3A_1368 = arith.constant 16 : index
        %swap3A_1369 = tpu.vector_load %arg9[%swap3A_1367, %swap3A_1368] {strides = array<i32>} : memref<256x128xf32, #tpu.memory_space<vmem>>, vector<1x16xf32>,
        %swap3A_1370 = vector.shape_cast %swap3A_1369 : vector<1x16xf32> to vector<16xf32>
        %swap3A_1371 = vector.shape_cast %add3A_1366 : vector<16xf32> to vector<1x16xf32>
        tpu.vector_store %arg9[%swap3A_1367, %swap3A_1368], %swap3A_1371 {add = true, strides = array<i32>} : memref<256x128xf32, #tpu.memory_space<vmem>>, vector<1x16xf32>,
        %mul3A_1372 = arith.mulf %gather3A_1341, %get3A_498 : vector<16xf32>
        %mul3A_1373 = arith.mulf %gather3A_1351, %get3A_510 : vector<16xf32>
        %add3A_1374 = arith.addf %mul3A_1372, %mul3A_1373 : vector<16xf32>
        %swap3A_1375 = arith.index_cast %add3A_1355 : i32 to index
        %swap3A_1376 = arith.constant 32 : index
        %swap3A_1377 = tpu.vector_load %arg9[%swap3A_1375, %swap3A_1376] {strides = array<i32>} : memref<256x128xf32, #tpu.memory_space<vmem>>, vector<1x16xf32>,
        %swap3A_1378 = vector.shape_cast %swap3A_1377 : vector<1x16xf32> to vector<16xf32>
        %swap3A_1379 = vector.shape_cast %add3A_1374 : vector<16xf32> to vector<1x16xf32>
        tpu.vector_store %arg9[%swap3A_1375, %swap3A_1376], %swap3A_1379 {add = true, strides = array<i32>} : memref<256x128xf32, #tpu.memory_space<vmem>>, vector<1x16xf32>,
        %mul3A_1380 = arith.mulf %gather3A_1341, %get3A_501 : vector<16xf32>
        %mul3A_1381 = arith.mulf %gather3A_1351, %get3A_513 : vector<16xf32>
        %add3A_1382 = arith.addf %mul3A_1380, %mul3A_1381 : vector<16xf32>
        %swap3A_1383 = arith.index_cast %add3A_1355 : i32 to index
        %swap3A_1384 = arith.constant 48 : index
        %swap3A_1385 = tpu.vector_load %arg9[%swap3A_1383, %swap3A_1384] {strides = array<i32>} : memref<256x128xf32, #tpu.memory_space<vmem>>, vector<1x16xf32>,
        %swap3A_1386 = vector.shape_cast %swap3A_1385 : vector<1x16xf32> to vector<16xf32>
        %swap3A_1387 = vector.shape_cast %add3A_1382 : vector<16xf32> to vector<1x16xf32>
        tpu.vector_store %arg9[%swap3A_1383, %swap3A_1384], %swap3A_1387 {add = true, strides = array<i32>} : memref<256x128xf32, #tpu.memory_space<vmem>>, vector<1x16xf32>,
        %lt3A_1388 = arith.constant 0 : i32
        %lt3A_1389 = vector.broadcast %lt3A_1388 : i32 to vector<16xi32>
        %lt3A_1390 = arith.cmpi slt, %broadcast_in_dim3A_540, %lt3A_1389 : vector<16xi32>
        %add3A_1391 = arith.constant 16 : i32
        %add3A_1392 = vector.broadcast %add3A_1391 : i32 to vector<16xi32>
        %add3A_1393 = arith.addi %broadcast_in_dim3A_540, %add3A_1392 : vector<16xi32>
        %select_n3A_1394 = arith.select %lt3A_1390, %add3A_1393, %broadcast_in_dim3A_540 : vector<16xi1>, vector<16xi32>
        %broadcast_in_dim3A_1395 = vector.shape_cast %select_n3A_1394 : vector<16xi32> to vector<16x1xi32>
        %gather3A_1396 = vector.shape_cast %broadcast_in_dim3A_1395 : vector<16x1xi32> to vector<16xi32>
        %gather3A_1397 = tpu.dynamic_gather %convert_element_type3A_654[%gather3A_1396] in [0] : vector<16xf32>, vector<16xi32> -> vector<16xf32>
        %lt3A_1398 = arith.constant 0 : i32
        %lt3A_1399 = vector.broadcast %lt3A_1398 : i32 to vector<16xi32>
        %lt3A_1400 = arith.cmpi slt, %broadcast_in_dim3A_540, %lt3A_1399 : vector<16xi32>
        %add3A_1401 = arith.constant 16 : i32
        %add3A_1402 = vector.broadcast %add3A_1401 : i32 to vector<16xi32>
        %add3A_1403 = arith.addi %broadcast_in_dim3A_540, %add3A_1402 : vector<16xi32>
        %select_n3A_1404 = arith.select %lt3A_1400, %add3A_1403, %broadcast_in_dim3A_540 : vector<16xi1>, vector<16xi32>
        %broadcast_in_dim3A_1405 = vector.shape_cast %select_n3A_1404 : vector<16xi32> to vector<16x1xi32>
        %gather3A_1406 = vector.shape_cast %broadcast_in_dim3A_1405 : vector<16x1xi32> to vector<16xi32>
        %gather3A_1407 = tpu.dynamic_gather %convert_element_type3A_661[%gather3A_1406] in [0] : vector<16xf32>, vector<16xi32> -> vector<16xf32>
        %mul3A_1408 = arith.constant 16 : i32
        %mul3A_1409 = arith.muli %scan3A_645, %mul3A_1408 : i32
        %add3A_1410 = arith.constant 13 : i32
        %add3A_1411 = arith.addi %mul3A_1409, %add3A_1410 : i32
        %mul3A_1412 = arith.mulf %gather3A_1397, %get3A_492 : vector<16xf32>
        %mul3A_1413 = arith.mulf %gather3A_1407, %get3A_504 : vector<16xf32>
        %add3A_1414 = arith.addf %mul3A_1412, %mul3A_1413 : vector<16xf32>
        %swap3A_1415 = arith.index_cast %add3A_1411 : i32 to index
        %swap3A_1416 = arith.constant 0 : index
        %swap3A_1417 = tpu.vector_load %arg9[%swap3A_1415, %swap3A_1416] {strides = array<i32>} : memref<256x128xf32, #tpu.memory_space<vmem>>, vector<1x16xf32>,
        %swap3A_1418 = vector.shape_cast %swap3A_1417 : vector<1x16xf32> to vector<16xf32>
        %swap3A_1419 = vector.shape_cast %add3A_1414 : vector<16xf32> to vector<1x16xf32>
        tpu.vector_store %arg9[%swap3A_1415, %swap3A_1416], %swap3A_1419 {add = true, strides = array<i32>} : memref<256x128xf32, #tpu.memory_space<vmem>>, vector<1x16xf32>,
        %mul3A_1420 = arith.mulf %gather3A_1397, %get3A_495 : vector<16xf32>
        %mul3A_1421 = arith.mulf %gather3A_1407, %get3A_507 : vector<16xf32>
        %add3A_1422 = arith.addf %mul3A_1420, %mul3A_1421 : vector<16xf32>
        %swap3A_1423 = arith.index_cast %add3A_1411 : i32 to index
        %swap3A_1424 = arith.constant 16 : index
        %swap3A_1425 = tpu.vector_load %arg9[%swap3A_1423, %swap3A_1424] {strides = array<i32>} : memref<256x128xf32, #tpu.memory_space<vmem>>, vector<1x16xf32>,
        %swap3A_1426 = vector.shape_cast %swap3A_1425 : vector<1x16xf32> to vector<16xf32>
        %swap3A_1427 = vector.shape_cast %add3A_1422 : vector<16xf32> to vector<1x16xf32>
        tpu.vector_store %arg9[%swap3A_1423, %swap3A_1424], %swap3A_1427 {add = true, strides = array<i32>} : memref<256x128xf32, #tpu.memory_space<vmem>>, vector<1x16xf32>,
        %mul3A_1428 = arith.mulf %gather3A_1397, %get3A_498 : vector<16xf32>
        %mul3A_1429 = arith.mulf %gather3A_1407, %get3A_510 : vector<16xf32>
        %add3A_1430 = arith.addf %mul3A_1428, %mul3A_1429 : vector<16xf32>
        %swap3A_1431 = arith.index_cast %add3A_1411 : i32 to index
        %swap3A_1432 = arith.constant 32 : index
        %swap3A_1433 = tpu.vector_load %arg9[%swap3A_1431, %swap3A_1432] {strides = array<i32>} : memref<256x128xf32, #tpu.memory_space<vmem>>, vector<1x16xf32>,
        %swap3A_1434 = vector.shape_cast %swap3A_1433 : vector<1x16xf32> to vector<16xf32>
        %swap3A_1435 = vector.shape_cast %add3A_1430 : vector<16xf32> to vector<1x16xf32>
        tpu.vector_store %arg9[%swap3A_1431, %swap3A_1432], %swap3A_1435 {add = true, strides = array<i32>} : memref<256x128xf32, #tpu.memory_space<vmem>>, vector<1x16xf32>,
        %mul3A_1436 = arith.mulf %gather3A_1397, %get3A_501 : vector<16xf32>
        %mul3A_1437 = arith.mulf %gather3A_1407, %get3A_513 : vector<16xf32>
        %add3A_1438 = arith.addf %mul3A_1436, %mul3A_1437 : vector<16xf32>
        %swap3A_1439 = arith.index_cast %add3A_1411 : i32 to index
        %swap3A_1440 = arith.constant 48 : index
        %swap3A_1441 = tpu.vector_load %arg9[%swap3A_1439, %swap3A_1440] {strides = array<i32>} : memref<256x128xf32, #tpu.memory_space<vmem>>, vector<1x16xf32>,
        %swap3A_1442 = vector.shape_cast %swap3A_1441 : vector<1x16xf32> to vector<16xf32>
        %swap3A_1443 = vector.shape_cast %add3A_1438 : vector<16xf32> to vector<1x16xf32>
        tpu.vector_store %arg9[%swap3A_1439, %swap3A_1440], %swap3A_1443 {add = true, strides = array<i32>} : memref<256x128xf32, #tpu.memory_space<vmem>>, vector<1x16xf32>,
        %lt3A_1444 = arith.constant 0 : i32
        %lt3A_1445 = vector.broadcast %lt3A_1444 : i32 to vector<16xi32>
        %lt3A_1446 = arith.cmpi slt, %broadcast_in_dim3A_542, %lt3A_1445 : vector<16xi32>
        %add3A_1447 = arith.constant 16 : i32
        %add3A_1448 = vector.broadcast %add3A_1447 : i32 to vector<16xi32>
        %add3A_1449 = arith.addi %broadcast_in_dim3A_542, %add3A_1448 : vector<16xi32>
        %select_n3A_1450 = arith.select %lt3A_1446, %add3A_1449, %broadcast_in_dim3A_542 : vector<16xi1>, vector<16xi32>
        %broadcast_in_dim3A_1451 = vector.shape_cast %select_n3A_1450 : vector<16xi32> to vector<16x1xi32>
        %gather3A_1452 = vector.shape_cast %broadcast_in_dim3A_1451 : vector<16x1xi32> to vector<16xi32>
        %gather3A_1453 = tpu.dynamic_gather %convert_element_type3A_654[%gather3A_1452] in [0] : vector<16xf32>, vector<16xi32> -> vector<16xf32>
        %lt3A_1454 = arith.constant 0 : i32
        %lt3A_1455 = vector.broadcast %lt3A_1454 : i32 to vector<16xi32>
        %lt3A_1456 = arith.cmpi slt, %broadcast_in_dim3A_542, %lt3A_1455 : vector<16xi32>
        %add3A_1457 = arith.constant 16 : i32
        %add3A_1458 = vector.broadcast %add3A_1457 : i32 to vector<16xi32>
        %add3A_1459 = arith.addi %broadcast_in_dim3A_542, %add3A_1458 : vector<16xi32>
        %select_n3A_1460 = arith.select %lt3A_1456, %add3A_1459, %broadcast_in_dim3A_542 : vector<16xi1>, vector<16xi32>
        %broadcast_in_dim3A_1461 = vector.shape_cast %select_n3A_1460 : vector<16xi32> to vector<16x1xi32>
        %gather3A_1462 = vector.shape_cast %broadcast_in_dim3A_1461 : vector<16x1xi32> to vector<16xi32>
        %gather3A_1463 = tpu.dynamic_gather %convert_element_type3A_661[%gather3A_1462] in [0] : vector<16xf32>, vector<16xi32> -> vector<16xf32>
        %mul3A_1464 = arith.constant 16 : i32
        %mul3A_1465 = arith.muli %scan3A_645, %mul3A_1464 : i32
        %add3A_1466 = arith.constant 14 : i32
        %add3A_1467 = arith.addi %mul3A_1465, %add3A_1466 : i32
        %mul3A_1468 = arith.mulf %gather3A_1453, %get3A_492 : vector<16xf32>
        %mul3A_1469 = arith.mulf %gather3A_1463, %get3A_504 : vector<16xf32>
        %add3A_1470 = arith.addf %mul3A_1468, %mul3A_1469 : vector<16xf32>
        %swap3A_1471 = arith.index_cast %add3A_1467 : i32 to index
        %swap3A_1472 = arith.constant 0 : index
        %swap3A_1473 = tpu.vector_load %arg9[%swap3A_1471, %swap3A_1472] {strides = array<i32>} : memref<256x128xf32, #tpu.memory_space<vmem>>, vector<1x16xf32>,
        %swap3A_1474 = vector.shape_cast %swap3A_1473 : vector<1x16xf32> to vector<16xf32>
        %swap3A_1475 = vector.shape_cast %add3A_1470 : vector<16xf32> to vector<1x16xf32>
        tpu.vector_store %arg9[%swap3A_1471, %swap3A_1472], %swap3A_1475 {add = true, strides = array<i32>} : memref<256x128xf32, #tpu.memory_space<vmem>>, vector<1x16xf32>,
        %mul3A_1476 = arith.mulf %gather3A_1453, %get3A_495 : vector<16xf32>
        %mul3A_1477 = arith.mulf %gather3A_1463, %get3A_507 : vector<16xf32>
        %add3A_1478 = arith.addf %mul3A_1476, %mul3A_1477 : vector<16xf32>
        %swap3A_1479 = arith.index_cast %add3A_1467 : i32 to index
        %swap3A_1480 = arith.constant 16 : index
        %swap3A_1481 = tpu.vector_load %arg9[%swap3A_1479, %swap3A_1480] {strides = array<i32>} : memref<256x128xf32, #tpu.memory_space<vmem>>, vector<1x16xf32>,
        %swap3A_1482 = vector.shape_cast %swap3A_1481 : vector<1x16xf32> to vector<16xf32>
        %swap3A_1483 = vector.shape_cast %add3A_1478 : vector<16xf32> to vector<1x16xf32>
        tpu.vector_store %arg9[%swap3A_1479, %swap3A_1480], %swap3A_1483 {add = true, strides = array<i32>} : memref<256x128xf32, #tpu.memory_space<vmem>>, vector<1x16xf32>,
        %mul3A_1484 = arith.mulf %gather3A_1453, %get3A_498 : vector<16xf32>
        %mul3A_1485 = arith.mulf %gather3A_1463, %get3A_510 : vector<16xf32>
        %add3A_1486 = arith.addf %mul3A_1484, %mul3A_1485 : vector<16xf32>
        %swap3A_1487 = arith.index_cast %add3A_1467 : i32 to index
        %swap3A_1488 = arith.constant 32 : index
        %swap3A_1489 = tpu.vector_load %arg9[%swap3A_1487, %swap3A_1488] {strides = array<i32>} : memref<256x128xf32, #tpu.memory_space<vmem>>, vector<1x16xf32>,
        %swap3A_1490 = vector.shape_cast %swap3A_1489 : vector<1x16xf32> to vector<16xf32>
        %swap3A_1491 = vector.shape_cast %add3A_1486 : vector<16xf32> to vector<1x16xf32>
        tpu.vector_store %arg9[%swap3A_1487, %swap3A_1488], %swap3A_1491 {add = true, strides = array<i32>} : memref<256x128xf32, #tpu.memory_space<vmem>>, vector<1x16xf32>,
        %mul3A_1492 = arith.mulf %gather3A_1453, %get3A_501 : vector<16xf32>
        %mul3A_1493 = arith.mulf %gather3A_1463, %get3A_513 : vector<16xf32>
        %add3A_1494 = arith.addf %mul3A_1492, %mul3A_1493 : vector<16xf32>
        %swap3A_1495 = arith.index_cast %add3A_1467 : i32 to index
        %swap3A_1496 = arith.constant 48 : index
        %swap3A_1497 = tpu.vector_load %arg9[%swap3A_1495, %swap3A_1496] {strides = array<i32>} : memref<256x128xf32, #tpu.memory_space<vmem>>, vector<1x16xf32>,
        %swap3A_1498 = vector.shape_cast %swap3A_1497 : vector<1x16xf32> to vector<16xf32>
        %swap3A_1499 = vector.shape_cast %add3A_1494 : vector<16xf32> to vector<1x16xf32>
        tpu.vector_store %arg9[%swap3A_1495, %swap3A_1496], %swap3A_1499 {add = true, strides = array<i32>} : memref<256x128xf32, #tpu.memory_space<vmem>>, vector<1x16xf32>,
        %lt3A_1500 = arith.constant 0 : i32
        %lt3A_1501 = vector.broadcast %lt3A_1500 : i32 to vector<16xi32>
        %lt3A_1502 = arith.cmpi slt, %broadcast_in_dim3A_544, %lt3A_1501 : vector<16xi32>
        %add3A_1503 = arith.constant 16 : i32
        %add3A_1504 = vector.broadcast %add3A_1503 : i32 to vector<16xi32>
        %add3A_1505 = arith.addi %broadcast_in_dim3A_544, %add3A_1504 : vector<16xi32>
        %select_n3A_1506 = arith.select %lt3A_1502, %add3A_1505, %broadcast_in_dim3A_544 : vector<16xi1>, vector<16xi32>
        %broadcast_in_dim3A_1507 = vector.shape_cast %select_n3A_1506 : vector<16xi32> to vector<16x1xi32>
        %gather3A_1508 = vector.shape_cast %broadcast_in_dim3A_1507 : vector<16x1xi32> to vector<16xi32>
        %gather3A_1509 = tpu.dynamic_gather %convert_element_type3A_654[%gather3A_1508] in [0] : vector<16xf32>, vector<16xi32> -> vector<16xf32>
        %lt3A_1510 = arith.constant 0 : i32
        %lt3A_1511 = vector.broadcast %lt3A_1510 : i32 to vector<16xi32>
        %lt3A_1512 = arith.cmpi slt, %broadcast_in_dim3A_544, %lt3A_1511 : vector<16xi32>
        %add3A_1513 = arith.constant 16 : i32
        %add3A_1514 = vector.broadcast %add3A_1513 : i32 to vector<16xi32>
        %add3A_1515 = arith.addi %broadcast_in_dim3A_544, %add3A_1514 : vector<16xi32>
        %select_n3A_1516 = arith.select %lt3A_1512, %add3A_1515, %broadcast_in_dim3A_544 : vector<16xi1>, vector<16xi32>
        %broadcast_in_dim3A_1517 = vector.shape_cast %select_n3A_1516 : vector<16xi32> to vector<16x1xi32>
        %gather3A_1518 = vector.shape_cast %broadcast_in_dim3A_1517 : vector<16x1xi32> to vector<16xi32>
        %gather3A_1519 = tpu.dynamic_gather %convert_element_type3A_661[%gather3A_1518] in [0] : vector<16xf32>, vector<16xi32> -> vector<16xf32>
        %mul3A_1520 = arith.constant 16 : i32
        %mul3A_1521 = arith.muli %scan3A_645, %mul3A_1520 : i32
        %add3A_1522 = arith.constant 15 : i32
        %add3A_1523 = arith.addi %mul3A_1521, %add3A_1522 : i32
        %mul3A_1524 = arith.mulf %gather3A_1509, %get3A_492 : vector<16xf32>
        %mul3A_1525 = arith.mulf %gather3A_1519, %get3A_504 : vector<16xf32>
        %add3A_1526 = arith.addf %mul3A_1524, %mul3A_1525 : vector<16xf32>
        %swap3A_1527 = arith.index_cast %add3A_1523 : i32 to index
        %swap3A_1528 = arith.constant 0 : index
        %swap3A_1529 = tpu.vector_load %arg9[%swap3A_1527, %swap3A_1528] {strides = array<i32>} : memref<256x128xf32, #tpu.memory_space<vmem>>, vector<1x16xf32>,
        %swap3A_1530 = vector.shape_cast %swap3A_1529 : vector<1x16xf32> to vector<16xf32>
        %swap3A_1531 = vector.shape_cast %add3A_1526 : vector<16xf32> to vector<1x16xf32>
        tpu.vector_store %arg9[%swap3A_1527, %swap3A_1528], %swap3A_1531 {add = true, strides = array<i32>} : memref<256x128xf32, #tpu.memory_space<vmem>>, vector<1x16xf32>,
        %mul3A_1532 = arith.mulf %gather3A_1509, %get3A_495 : vector<16xf32>
        %mul3A_1533 = arith.mulf %gather3A_1519, %get3A_507 : vector<16xf32>
        %add3A_1534 = arith.addf %mul3A_1532, %mul3A_1533 : vector<16xf32>
        %swap3A_1535 = arith.index_cast %add3A_1523 : i32 to index
        %swap3A_1536 = arith.constant 16 : index
        %swap3A_1537 = tpu.vector_load %arg9[%swap3A_1535, %swap3A_1536] {strides = array<i32>} : memref<256x128xf32, #tpu.memory_space<vmem>>, vector<1x16xf32>,
        %swap3A_1538 = vector.shape_cast %swap3A_1537 : vector<1x16xf32> to vector<16xf32>
        %swap3A_1539 = vector.shape_cast %add3A_1534 : vector<16xf32> to vector<1x16xf32>
        tpu.vector_store %arg9[%swap3A_1535, %swap3A_1536], %swap3A_1539 {add = true, strides = array<i32>} : memref<256x128xf32, #tpu.memory_space<vmem>>, vector<1x16xf32>,
        %mul3A_1540 = arith.mulf %gather3A_1509, %get3A_498 : vector<16xf32>
        %mul3A_1541 = arith.mulf %gather3A_1519, %get3A_510 : vector<16xf32>
        %add3A_1542 = arith.addf %mul3A_1540, %mul3A_1541 : vector<16xf32>
        %swap3A_1543 = arith.index_cast %add3A_1523 : i32 to index
        %swap3A_1544 = arith.constant 32 : index
        %swap3A_1545 = tpu.vector_load %arg9[%swap3A_1543, %swap3A_1544] {strides = array<i32>} : memref<256x128xf32, #tpu.memory_space<vmem>>, vector<1x16xf32>,
        %swap3A_1546 = vector.shape_cast %swap3A_1545 : vector<1x16xf32> to vector<16xf32>
        %swap3A_1547 = vector.shape_cast %add3A_1542 : vector<16xf32> to vector<1x16xf32>
        tpu.vector_store %arg9[%swap3A_1543, %swap3A_1544], %swap3A_1547 {add = true, strides = array<i32>} : memref<256x128xf32, #tpu.memory_space<vmem>>, vector<1x16xf32>,
        %mul3A_1548 = arith.mulf %gather3A_1509, %get3A_501 : vector<16xf32>
        %mul3A_1549 = arith.mulf %gather3A_1519, %get3A_513 : vector<16xf32>
        %add3A_1550 = arith.addf %mul3A_1548, %mul3A_1549 : vector<16xf32>
        %swap3A_1551 = arith.index_cast %add3A_1523 : i32 to index
        %swap3A_1552 = arith.constant 48 : index
        %swap3A_1553 = tpu.vector_load %arg9[%swap3A_1551, %swap3A_1552] {strides = array<i32>} : memref<256x128xf32, #tpu.memory_space<vmem>>, vector<1x16xf32>,
        %swap3A_1554 = vector.shape_cast %swap3A_1553 : vector<1x16xf32> to vector<16xf32>
        %swap3A_1555 = vector.shape_cast %add3A_1550 : vector<16xf32> to vector<1x16xf32>
        tpu.vector_store %arg9[%swap3A_1551, %swap3A_1552], %swap3A_1555 {add = true, strides = array<i32>} : memref<256x128xf32, #tpu.memory_space<vmem>>, vector<1x16xf32>,
      }
      %scan3A_550 = arith.constant 16 : i32
      %mul3A_551 = arith.constant 256 : i32
      %mul3A_552 = arith.muli %mul3A_229, %mul3A_551 : i32
      %add3A_553 = arith.addi %multiple_of3A, %mul3A_552 : i32
      %multiple_of3A_554 = tpu.assume_multiple %add3A_553, 256 : i32
      %dma_start3A_555 = arith.constant 0 : i32
      %dma_start3A_556 = tpu.memref_slice %arg5[%multiple_of3A_554, %dma_start3A_555] : memref<819200x128xf32, #tpu.memory_space<hbm>> -> memref<256x128xf32, #tpu.memory_space<hbm>>
      %dma_start3A_557 = arith.constant 0 : i32
      %dma_start3A_558 = tpu.memref_slice %arg5[%multiple_of3A_554, %dma_start3A_557] : memref<819200x128xf32, #tpu.memory_space<hbm>> -> memref<256x128xf32, #tpu.memory_space<hbm>>
      tpu.enqueue_dma source(%arg9 : memref<256x128xf32, #tpu.memory_space<vmem>>) target(%dma_start3A_558 : memref<256x128xf32, #tpu.memory_space<hbm>>) target_semaphore(%arg14 : memref<!tpu.dma_semaphore, #tpu.memory_space<semaphore_mem>>)
      %lt3A = arith.constant 49 : i32
      %lt3A_559 = arith.cmpi slt, %scan3A_227, %lt3A : i32
      %convert_element_type3A_560 = arith.extui %lt3A_559 : i1 to i32
      %cond3A_561 = arith.constant 0 : i32
      %cond3A_562 = arith.cmpi ne, %convert_element_type3A_560, %cond3A_561 : i32
      scf.if %cond3A_562 {
        %add3A_645 = arith.constant 2 : i32
        %add3A_646 = arith.addi %mul3A_229, %add3A_645 : i32
        %mul3A_647 = arith.constant 256 : i32
        %mul3A_648 = arith.muli %add3A_646, %mul3A_647 : i32
        %add3A_649 = arith.constant 0 : i32
        %add3A_650 = arith.addi %mul3A_648, %add3A_649 : i32
        %get3A_651 = arith.index_cast %add3A_650 : i32 to index
        %get3A_652 = tpu.vector_load %arg6[%get3A_651] {strides = array<i32>} : memref<25600xi32, #tpu.memory_space<vmem>>, vector<16xi32>,
        %get3A_653 = vector.shape_cast %get3A_652 : vector<16xi32> to vector<16xi32>
        %shift_right_logical3A_654 = arith.constant 2 : i32
        %shift_right_logical3A_655 = vector.broadcast %shift_right_logical3A_654 : i32 to vector<16xi32>
        %shift_right_logical3A_656 = arith.shrui %get3A_653, %shift_right_logical3A_655 : vector<16xi32>
        %swap3A_657 = arith.constant 0 : i32
        %swap3A_658 = arith.index_cast %swap3A_657 : i32 to index
        %swap3A_659 = arith.constant 0 : index
        %swap3A_660 = tpu.vector_load %arg7[%swap3A_658, %swap3A_659] {strides = array<i32>} : memref<2x128xi32, #tpu.memory_space<vmem>>, vector<1x16xi32>,
        %swap3A_661 = vector.shape_cast %swap3A_660 : vector<1x16xi32> to vector<16xi32>
        %swap3A_662 = vector.shape_cast %shift_right_logical3A_656 : vector<16xi32> to vector<1x16xi32>
        tpu.vector_store %arg7[%swap3A_658, %swap3A_659], %swap3A_662 {strides = array<i32>} : memref<2x128xi32, #tpu.memory_space<vmem>>, vector<1x16xi32>,
        %add3A_663 = arith.constant 16 : i32
        %add3A_664 = arith.addi %mul3A_648, %add3A_663 : i32
        %get3A_665 = arith.index_cast %add3A_664 : i32 to index
        %get3A_666 = tpu.vector_load %arg6[%get3A_665] {strides = array<i32>} : memref<25600xi32, #tpu.memory_space<vmem>>, vector<16xi32>,
        %get3A_667 = vector.shape_cast %get3A_666 : vector<16xi32> to vector<16xi32>
        %shift_right_logical3A_668 = arith.constant 2 : i32
        %shift_right_logical3A_669 = vector.broadcast %shift_right_logical3A_668 : i32 to vector<16xi32>
        %shift_right_logical3A_670 = arith.shrui %get3A_667, %shift_right_logical3A_669 : vector<16xi32>
        %swap3A_671 = arith.constant 0 : i32
        %swap3A_672 = arith.index_cast %swap3A_671 : i32 to index
        %swap3A_673 = arith.constant 16 : index
        %swap3A_674 = tpu.vector_load %arg7[%swap3A_672, %swap3A_673] {strides = array<i32>} : memref<2x128xi32, #tpu.memory_space<vmem>>, vector<1x16xi32>,
        %swap3A_675 = vector.shape_cast %swap3A_674 : vector<1x16xi32> to vector<16xi32>
        %swap3A_676 = vector.shape_cast %shift_right_logical3A_670 : vector<16xi32> to vector<1x16xi32>
        tpu.vector_store %arg7[%swap3A_672, %swap3A_673], %swap3A_676 {strides = array<i32>} : memref<2x128xi32, #tpu.memory_space<vmem>>, vector<1x16xi32>,
        %add3A_677 = arith.constant 32 : i32
        %add3A_678 = arith.addi %mul3A_648, %add3A_677 : i32
        %get3A_679 = arith.index_cast %add3A_678 : i32 to index
        %get3A_680 = tpu.vector_load %arg6[%get3A_679] {strides = array<i32>} : memref<25600xi32, #tpu.memory_space<vmem>>, vector<16xi32>,
        %get3A_681 = vector.shape_cast %get3A_680 : vector<16xi32> to vector<16xi32>
        %shift_right_logical3A_682 = arith.constant 2 : i32
        %shift_right_logical3A_683 = vector.broadcast %shift_right_logical3A_682 : i32 to vector<16xi32>
        %shift_right_logical3A_684 = arith.shrui %get3A_681, %shift_right_logical3A_683 : vector<16xi32>
        %swap3A_685 = arith.constant 0 : i32
        %swap3A_686 = arith.index_cast %swap3A_685 : i32 to index
        %swap3A_687 = arith.constant 32 : index
        %swap3A_688 = tpu.vector_load %arg7[%swap3A_686, %swap3A_687] {strides = array<i32>} : memref<2x128xi32, #tpu.memory_space<vmem>>, vector<1x16xi32>,
        %swap3A_689 = vector.shape_cast %swap3A_688 : vector<1x16xi32> to vector<16xi32>
        %swap3A_690 = vector.shape_cast %shift_right_logical3A_684 : vector<16xi32> to vector<1x16xi32>
        tpu.vector_store %arg7[%swap3A_686, %swap3A_687], %swap3A_690 {strides = array<i32>} : memref<2x128xi32, #tpu.memory_space<vmem>>, vector<1x16xi32>,
        %add3A_691 = arith.constant 48 : i32
        %add3A_692 = arith.addi %mul3A_648, %add3A_691 : i32
        %get3A_693 = arith.index_cast %add3A_692 : i32 to index
        %get3A_694 = tpu.vector_load %arg6[%get3A_693] {strides = array<i32>} : memref<25600xi32, #tpu.memory_space<vmem>>, vector<16xi32>,
        %get3A_695 = vector.shape_cast %get3A_694 : vector<16xi32> to vector<16xi32>
        %shift_right_logical3A_696 = arith.constant 2 : i32
        %shift_right_logical3A_697 = vector.broadcast %shift_right_logical3A_696 : i32 to vector<16xi32>
        %shift_right_logical3A_698 = arith.shrui %get3A_695, %shift_right_logical3A_697 : vector<16xi32>
        %swap3A_699 = arith.constant 0 : i32
        %swap3A_700 = arith.index_cast %swap3A_699 : i32 to index
        %swap3A_701 = arith.constant 48 : index
        %swap3A_702 = tpu.vector_load %arg7[%swap3A_700, %swap3A_701] {strides = array<i32>} : memref<2x128xi32, #tpu.memory_space<vmem>>, vector<1x16xi32>,
        %swap3A_703 = vector.shape_cast %swap3A_702 : vector<1x16xi32> to vector<16xi32>
        %swap3A_704 = vector.shape_cast %shift_right_logical3A_698 : vector<16xi32> to vector<1x16xi32>
        tpu.vector_store %arg7[%swap3A_700, %swap3A_701], %swap3A_704 {strides = array<i32>} : memref<2x128xi32, #tpu.memory_space<vmem>>, vector<1x16xi32>,
        %add3A_705 = arith.constant 64 : i32
        %add3A_706 = arith.addi %mul3A_648, %add3A_705 : i32
        %get3A_707 = arith.index_cast %add3A_706 : i32 to index
        %get3A_708 = tpu.vector_load %arg6[%get3A_707] {strides = array<i32>} : memref<25600xi32, #tpu.memory_space<vmem>>, vector<16xi32>,
        %get3A_709 = vector.shape_cast %get3A_708 : vector<16xi32> to vector<16xi32>
        %shift_right_logical3A_710 = arith.constant 2 : i32
        %shift_right_logical3A_711 = vector.broadcast %shift_right_logical3A_710 : i32 to vector<16xi32>
        %shift_right_logical3A_712 = arith.shrui %get3A_709, %shift_right_logical3A_711 : vector<16xi32>
        %swap3A_713 = arith.constant 0 : i32
        %swap3A_714 = arith.index_cast %swap3A_713 : i32 to index
        %swap3A_715 = arith.constant 64 : index
        %swap3A_716 = tpu.vector_load %arg7[%swap3A_714, %swap3A_715] {strides = array<i32>} : memref<2x128xi32, #tpu.memory_space<vmem>>, vector<1x16xi32>,
        %swap3A_717 = vector.shape_cast %swap3A_716 : vector<1x16xi32> to vector<16xi32>
        %swap3A_718 = vector.shape_cast %shift_right_logical3A_712 : vector<16xi32> to vector<1x16xi32>
        tpu.vector_store %arg7[%swap3A_714, %swap3A_715], %swap3A_718 {strides = array<i32>} : memref<2x128xi32, #tpu.memory_space<vmem>>, vector<1x16xi32>,
        %add3A_719 = arith.constant 80 : i32
        %add3A_720 = arith.addi %mul3A_648, %add3A_719 : i32
        %get3A_721 = arith.index_cast %add3A_720 : i32 to index
        %get3A_722 = tpu.vector_load %arg6[%get3A_721] {strides = array<i32>} : memref<25600xi32, #tpu.memory_space<vmem>>, vector<16xi32>,
        %get3A_723 = vector.shape_cast %get3A_722 : vector<16xi32> to vector<16xi32>
        %shift_right_logical3A_724 = arith.constant 2 : i32
        %shift_right_logical3A_725 = vector.broadcast %shift_right_logical3A_724 : i32 to vector<16xi32>
        %shift_right_logical3A_726 = arith.shrui %get3A_723, %shift_right_logical3A_725 : vector<16xi32>
        %swap3A_727 = arith.constant 0 : i32
        %swap3A_728 = arith.index_cast %swap3A_727 : i32 to index
        %swap3A_729 = arith.constant 80 : index
        %swap3A_730 = tpu.vector_load %arg7[%swap3A_728, %swap3A_729] {strides = array<i32>} : memref<2x128xi32, #tpu.memory_space<vmem>>, vector<1x16xi32>,
        %swap3A_731 = vector.shape_cast %swap3A_730 : vector<1x16xi32> to vector<16xi32>
        %swap3A_732 = vector.shape_cast %shift_right_logical3A_726 : vector<16xi32> to vector<1x16xi32>
        tpu.vector_store %arg7[%swap3A_728, %swap3A_729], %swap3A_732 {strides = array<i32>} : memref<2x128xi32, #tpu.memory_space<vmem>>, vector<1x16xi32>,
        %add3A_733 = arith.constant 96 : i32
        %add3A_734 = arith.addi %mul3A_648, %add3A_733 : i32
        %get3A_735 = arith.index_cast %add3A_734 : i32 to index
        %get3A_736 = tpu.vector_load %arg6[%get3A_735] {strides = array<i32>} : memref<25600xi32, #tpu.memory_space<vmem>>, vector<16xi32>,
        %get3A_737 = vector.shape_cast %get3A_736 : vector<16xi32> to vector<16xi32>
        %shift_right_logical3A_738 = arith.constant 2 : i32
        %shift_right_logical3A_739 = vector.broadcast %shift_right_logical3A_738 : i32 to vector<16xi32>
        %shift_right_logical3A_740 = arith.shrui %get3A_737, %shift_right_logical3A_739 : vector<16xi32>
        %swap3A_741 = arith.constant 0 : i32
        %swap3A_742 = arith.index_cast %swap3A_741 : i32 to index
        %swap3A_743 = arith.constant 96 : index
        %swap3A_744 = tpu.vector_load %arg7[%swap3A_742, %swap3A_743] {strides = array<i32>} : memref<2x128xi32, #tpu.memory_space<vmem>>, vector<1x16xi32>,
        %swap3A_745 = vector.shape_cast %swap3A_744 : vector<1x16xi32> to vector<16xi32>
        %swap3A_746 = vector.shape_cast %shift_right_logical3A_740 : vector<16xi32> to vector<1x16xi32>
        tpu.vector_store %arg7[%swap3A_742, %swap3A_743], %swap3A_746 {strides = array<i32>} : memref<2x128xi32, #tpu.memory_space<vmem>>, vector<1x16xi32>,
        %add3A_747 = arith.constant 112 : i32
        %add3A_748 = arith.addi %mul3A_648, %add3A_747 : i32
        %get3A_749 = arith.index_cast %add3A_748 : i32 to index
        %get3A_750 = tpu.vector_load %arg6[%get3A_749] {strides = array<i32>} : memref<25600xi32, #tpu.memory_space<vmem>>, vector<16xi32>,
        %get3A_751 = vector.shape_cast %get3A_750 : vector<16xi32> to vector<16xi32>
        %shift_right_logical3A_752 = arith.constant 2 : i32
        %shift_right_logical3A_753 = vector.broadcast %shift_right_logical3A_752 : i32 to vector<16xi32>
        %shift_right_logical3A_754 = arith.shrui %get3A_751, %shift_right_logical3A_753 : vector<16xi32>
        %swap3A_755 = arith.constant 0 : i32
        %swap3A_756 = arith.index_cast %swap3A_755 : i32 to index
        %swap3A_757 = arith.constant 112 : index
        %swap3A_758 = tpu.vector_load %arg7[%swap3A_756, %swap3A_757] {strides = array<i32>} : memref<2x128xi32, #tpu.memory_space<vmem>>, vector<1x16xi32>,
        %swap3A_759 = vector.shape_cast %swap3A_758 : vector<1x16xi32> to vector<16xi32>
        %swap3A_760 = vector.shape_cast %shift_right_logical3A_754 : vector<16xi32> to vector<1x16xi32>
        tpu.vector_store %arg7[%swap3A_756, %swap3A_757], %swap3A_760 {strides = array<i32>} : memref<2x128xi32, #tpu.memory_space<vmem>>, vector<1x16xi32>,
        %add3A_761 = arith.constant 128 : i32
        %add3A_762 = arith.addi %mul3A_648, %add3A_761 : i32
        %get3A_763 = arith.index_cast %add3A_762 : i32 to index
        %get3A_764 = tpu.vector_load %arg6[%get3A_763] {strides = array<i32>} : memref<25600xi32, #tpu.memory_space<vmem>>, vector<16xi32>,
        %get3A_765 = vector.shape_cast %get3A_764 : vector<16xi32> to vector<16xi32>
        %shift_right_logical3A_766 = arith.constant 2 : i32
        %shift_right_logical3A_767 = vector.broadcast %shift_right_logical3A_766 : i32 to vector<16xi32>
        %shift_right_logical3A_768 = arith.shrui %get3A_765, %shift_right_logical3A_767 : vector<16xi32>
        %swap3A_769 = arith.constant 1 : i32
        %swap3A_770 = arith.index_cast %swap3A_769 : i32 to index
        %swap3A_771 = arith.constant 0 : index
        %swap3A_772 = tpu.vector_load %arg7[%swap3A_770, %swap3A_771] {strides = array<i32>} : memref<2x128xi32, #tpu.memory_space<vmem>>, vector<1x16xi32>,
        %swap3A_773 = vector.shape_cast %swap3A_772 : vector<1x16xi32> to vector<16xi32>
        %swap3A_774 = vector.shape_cast %shift_right_logical3A_768 : vector<16xi32> to vector<1x16xi32>
        tpu.vector_store %arg7[%swap3A_770, %swap3A_771], %swap3A_774 {strides = array<i32>} : memref<2x128xi32, #tpu.memory_space<vmem>>, vector<1x16xi32>,
        %add3A_775 = arith.constant 144 : i32
        %add3A_776 = arith.addi %mul3A_648, %add3A_775 : i32
        %get3A_777 = arith.index_cast %add3A_776 : i32 to index
        %get3A_778 = tpu.vector_load %arg6[%get3A_777] {strides = array<i32>} : memref<25600xi32, #tpu.memory_space<vmem>>, vector<16xi32>,
        %get3A_779 = vector.shape_cast %get3A_778 : vector<16xi32> to vector<16xi32>
        %shift_right_logical3A_780 = arith.constant 2 : i32
        %shift_right_logical3A_781 = vector.broadcast %shift_right_logical3A_780 : i32 to vector<16xi32>
        %shift_right_logical3A_782 = arith.shrui %get3A_779, %shift_right_logical3A_781 : vector<16xi32>
        %swap3A_783 = arith.constant 1 : i32
        %swap3A_784 = arith.index_cast %swap3A_783 : i32 to index
        %swap3A_785 = arith.constant 16 : index
        %swap3A_786 = tpu.vector_load %arg7[%swap3A_784, %swap3A_785] {strides = array<i32>} : memref<2x128xi32, #tpu.memory_space<vmem>>, vector<1x16xi32>,
        %swap3A_787 = vector.shape_cast %swap3A_786 : vector<1x16xi32> to vector<16xi32>
        %swap3A_788 = vector.shape_cast %shift_right_logical3A_782 : vector<16xi32> to vector<1x16xi32>
        tpu.vector_store %arg7[%swap3A_784, %swap3A_785], %swap3A_788 {strides = array<i32>} : memref<2x128xi32, #tpu.memory_space<vmem>>, vector<1x16xi32>,
        %add3A_789 = arith.constant 160 : i32
        %add3A_790 = arith.addi %mul3A_648, %add3A_789 : i32
        %get3A_791 = arith.index_cast %add3A_790 : i32 to index
        %get3A_792 = tpu.vector_load %arg6[%get3A_791] {strides = array<i32>} : memref<25600xi32, #tpu.memory_space<vmem>>, vector<16xi32>,
        %get3A_793 = vector.shape_cast %get3A_792 : vector<16xi32> to vector<16xi32>
        %shift_right_logical3A_794 = arith.constant 2 : i32
        %shift_right_logical3A_795 = vector.broadcast %shift_right_logical3A_794 : i32 to vector<16xi32>
        %shift_right_logical3A_796 = arith.shrui %get3A_793, %shift_right_logical3A_795 : vector<16xi32>
        %swap3A_797 = arith.constant 1 : i32
        %swap3A_798 = arith.index_cast %swap3A_797 : i32 to index
        %swap3A_799 = arith.constant 32 : index
        %swap3A_800 = tpu.vector_load %arg7[%swap3A_798, %swap3A_799] {strides = array<i32>} : memref<2x128xi32, #tpu.memory_space<vmem>>, vector<1x16xi32>,
        %swap3A_801 = vector.shape_cast %swap3A_800 : vector<1x16xi32> to vector<16xi32>
        %swap3A_802 = vector.shape_cast %shift_right_logical3A_796 : vector<16xi32> to vector<1x16xi32>
        tpu.vector_store %arg7[%swap3A_798, %swap3A_799], %swap3A_802 {strides = array<i32>} : memref<2x128xi32, #tpu.memory_space<vmem>>, vector<1x16xi32>,
        %add3A_803 = arith.constant 176 : i32
        %add3A_804 = arith.addi %mul3A_648, %add3A_803 : i32
        %get3A_805 = arith.index_cast %add3A_804 : i32 to index
        %get3A_806 = tpu.vector_load %arg6[%get3A_805] {strides = array<i32>} : memref<25600xi32, #tpu.memory_space<vmem>>, vector<16xi32>,
        %get3A_807 = vector.shape_cast %get3A_806 : vector<16xi32> to vector<16xi32>
        %shift_right_logical3A_808 = arith.constant 2 : i32
        %shift_right_logical3A_809 = vector.broadcast %shift_right_logical3A_808 : i32 to vector<16xi32>
        %shift_right_logical3A_810 = arith.shrui %get3A_807, %shift_right_logical3A_809 : vector<16xi32>
        %swap3A_811 = arith.constant 1 : i32
        %swap3A_812 = arith.index_cast %swap3A_811 : i32 to index
        %swap3A_813 = arith.constant 48 : index
        %swap3A_814 = tpu.vector_load %arg7[%swap3A_812, %swap3A_813] {strides = array<i32>} : memref<2x128xi32, #tpu.memory_space<vmem>>, vector<1x16xi32>,
        %swap3A_815 = vector.shape_cast %swap3A_814 : vector<1x16xi32> to vector<16xi32>
        %swap3A_816 = vector.shape_cast %shift_right_logical3A_810 : vector<16xi32> to vector<1x16xi32>
        tpu.vector_store %arg7[%swap3A_812, %swap3A_813], %swap3A_816 {strides = array<i32>} : memref<2x128xi32, #tpu.memory_space<vmem>>, vector<1x16xi32>,
        %add3A_817 = arith.constant 192 : i32
        %add3A_818 = arith.addi %mul3A_648, %add3A_817 : i32
        %get3A_819 = arith.index_cast %add3A_818 : i32 to index
        %get3A_820 = tpu.vector_load %arg6[%get3A_819] {strides = array<i32>} : memref<25600xi32, #tpu.memory_space<vmem>>, vector<16xi32>,
        %get3A_821 = vector.shape_cast %get3A_820 : vector<16xi32> to vector<16xi32>
        %shift_right_logical3A_822 = arith.constant 2 : i32
        %shift_right_logical3A_823 = vector.broadcast %shift_right_logical3A_822 : i32 to vector<16xi32>
        %shift_right_logical3A_824 = arith.shrui %get3A_821, %shift_right_logical3A_823 : vector<16xi32>
        %swap3A_825 = arith.constant 1 : i32
        %swap3A_826 = arith.index_cast %swap3A_825 : i32 to index
        %swap3A_827 = arith.constant 64 : index
        %swap3A_828 = tpu.vector_load %arg7[%swap3A_826, %swap3A_827] {strides = array<i32>} : memref<2x128xi32, #tpu.memory_space<vmem>>, vector<1x16xi32>,
        %swap3A_829 = vector.shape_cast %swap3A_828 : vector<1x16xi32> to vector<16xi32>
        %swap3A_830 = vector.shape_cast %shift_right_logical3A_824 : vector<16xi32> to vector<1x16xi32>
        tpu.vector_store %arg7[%swap3A_826, %swap3A_827], %swap3A_830 {strides = array<i32>} : memref<2x128xi32, #tpu.memory_space<vmem>>, vector<1x16xi32>,
        %add3A_831 = arith.constant 208 : i32
        %add3A_832 = arith.addi %mul3A_648, %add3A_831 : i32
        %get3A_833 = arith.index_cast %add3A_832 : i32 to index
        %get3A_834 = tpu.vector_load %arg6[%get3A_833] {strides = array<i32>} : memref<25600xi32, #tpu.memory_space<vmem>>, vector<16xi32>,
        %get3A_835 = vector.shape_cast %get3A_834 : vector<16xi32> to vector<16xi32>
        %shift_right_logical3A_836 = arith.constant 2 : i32
        %shift_right_logical3A_837 = vector.broadcast %shift_right_logical3A_836 : i32 to vector<16xi32>
        %shift_right_logical3A_838 = arith.shrui %get3A_835, %shift_right_logical3A_837 : vector<16xi32>
        %swap3A_839 = arith.constant 1 : i32
        %swap3A_840 = arith.index_cast %swap3A_839 : i32 to index
        %swap3A_841 = arith.constant 80 : index
        %swap3A_842 = tpu.vector_load %arg7[%swap3A_840, %swap3A_841] {strides = array<i32>} : memref<2x128xi32, #tpu.memory_space<vmem>>, vector<1x16xi32>,
        %swap3A_843 = vector.shape_cast %swap3A_842 : vector<1x16xi32> to vector<16xi32>
        %swap3A_844 = vector.shape_cast %shift_right_logical3A_838 : vector<16xi32> to vector<1x16xi32>
        tpu.vector_store %arg7[%swap3A_840, %swap3A_841], %swap3A_844 {strides = array<i32>} : memref<2x128xi32, #tpu.memory_space<vmem>>, vector<1x16xi32>,
        %add3A_845 = arith.constant 224 : i32
        %add3A_846 = arith.addi %mul3A_648, %add3A_845 : i32
        %get3A_847 = arith.index_cast %add3A_846 : i32 to index
        %get3A_848 = tpu.vector_load %arg6[%get3A_847] {strides = array<i32>} : memref<25600xi32, #tpu.memory_space<vmem>>, vector<16xi32>,
        %get3A_849 = vector.shape_cast %get3A_848 : vector<16xi32> to vector<16xi32>
        %shift_right_logical3A_850 = arith.constant 2 : i32
        %shift_right_logical3A_851 = vector.broadcast %shift_right_logical3A_850 : i32 to vector<16xi32>
        %shift_right_logical3A_852 = arith.shrui %get3A_849, %shift_right_logical3A_851 : vector<16xi32>
        %swap3A_853 = arith.constant 1 : i32
        %swap3A_854 = arith.index_cast %swap3A_853 : i32 to index
        %swap3A_855 = arith.constant 96 : index
        %swap3A_856 = tpu.vector_load %arg7[%swap3A_854, %swap3A_855] {strides = array<i32>} : memref<2x128xi32, #tpu.memory_space<vmem>>, vector<1x16xi32>,
        %swap3A_857 = vector.shape_cast %swap3A_856 : vector<1x16xi32> to vector<16xi32>
        %swap3A_858 = vector.shape_cast %shift_right_logical3A_852 : vector<16xi32> to vector<1x16xi32>
        tpu.vector_store %arg7[%swap3A_854, %swap3A_855], %swap3A_858 {strides = array<i32>} : memref<2x128xi32, #tpu.memory_space<vmem>>, vector<1x16xi32>,
        %add3A_859 = arith.constant 240 : i32
        %add3A_860 = arith.addi %mul3A_648, %add3A_859 : i32
        %get3A_861 = arith.index_cast %add3A_860 : i32 to index
        %get3A_862 = tpu.vector_load %arg6[%get3A_861] {strides = array<i32>} : memref<25600xi32, #tpu.memory_space<vmem>>, vector<16xi32>,
        %get3A_863 = vector.shape_cast %get3A_862 : vector<16xi32> to vector<16xi32>
        %shift_right_logical3A_864 = arith.constant 2 : i32
        %shift_right_logical3A_865 = vector.broadcast %shift_right_logical3A_864 : i32 to vector<16xi32>
        %shift_right_logical3A_866 = arith.shrui %get3A_863, %shift_right_logical3A_865 : vector<16xi32>
        %swap3A_867 = arith.constant 1 : i32
        %swap3A_868 = arith.index_cast %swap3A_867 : i32 to index
        %swap3A_869 = arith.constant 112 : index
        %swap3A_870 = tpu.vector_load %arg7[%swap3A_868, %swap3A_869] {strides = array<i32>} : memref<2x128xi32, #tpu.memory_space<vmem>>, vector<1x16xi32>,
        %swap3A_871 = vector.shape_cast %swap3A_870 : vector<1x16xi32> to vector<16xi32>
        %swap3A_872 = vector.shape_cast %shift_right_logical3A_866 : vector<16xi32> to vector<1x16xi32>
        tpu.vector_store %arg7[%swap3A_868, %swap3A_869], %swap3A_872 {strides = array<i32>} : memref<2x128xi32, #tpu.memory_space<vmem>>, vector<1x16xi32>,
        %dma_wait3A_873 = arith.constant 0 : i32
        %dma_wait3A_874 = arith.constant 0 : i32
        %dma_wait3A_875 = tpu.memref_slice %arg2[%dma_wait3A_873, %dma_wait3A_874] : memref<1000000x128xf32, #tpu.memory_space<hbm>> -> memref<256x128xf32, #tpu.memory_space<hbm>>
        %dma_wait3A_876 = arith.constant 0 : i32
        %dma_wait3A_877 = arith.constant 0 : i32
        %dma_wait3A_878 = tpu.memref_slice %arg2[%dma_wait3A_876, %dma_wait3A_877] : memref<1000000x128xf32, #tpu.memory_space<hbm>> -> memref<256x128xf32, #tpu.memory_space<hbm>>
        tpu.wait_dma2 semaphore(%arg14 : memref<!tpu.dma_semaphore, #tpu.memory_space<semaphore_mem>>) src(%dma_wait3A_878 : memref<256x128xf32, #tpu.memory_space<hbm>>) dst(%arg9 : memref<256x128xf32, #tpu.memory_space<vmem>>)
        %add3A_879 = arith.constant 2 : i32
        %add3A_880 = arith.addi %mul3A_229, %add3A_879 : i32
        %dma_start3A_881 = arith.constant 0 : i32
        %dma_start3A_882 = arith.constant 0 : i32
        %dma_start3A_883 = arith.constant 0 : i32
        %dma_start3A_884 = tpu.memref_slice %arg9[%dma_start3A_882, %dma_start3A_883] : memref<256x128xf32, #tpu.memory_space<vmem>> -> memref<128x128xf32, #tpu.memory_space<vmem>>
        %dma_start3A_885 = arith.constant 0 : i32
        %dma_start3A_886 = tpu.memref_slice %arg7[%dma_start3A_881, %dma_start3A_885] : memref<2x128xi32, #tpu.memory_space<vmem>> -> memref<1x128xi32, #tpu.memory_space<vmem>>
        %dma_start3A_887 = tpu.memref_squeeze %dma_start3A_886 : memref<1x128xi32, #tpu.memory_space<vmem>> -> memref<128xi32, #tpu.memory_space<vmem>>
        %dma_start3A_888 = arith.constant 0 : i32
        %dma_start3A_889 = arith.constant 0 : i32
        %dma_start3A_890 = tpu.memref_slice %arg2[%dma_start3A_888, %dma_start3A_889] : memref<1000000x128xf32, #tpu.memory_space<hbm>> -> memref<1000000x128xf32, #tpu.memory_space<hbm>>
        tpu.enqueue_indirect_dma source(%dma_start3A_890 : memref<1000000x128xf32, #tpu.memory_space<hbm>>) target(%dma_start3A_884 : memref<128x128xf32, #tpu.memory_space<vmem>>) offsets(%dma_start3A_887 : memref<128xi32, #tpu.memory_space<vmem>>) semaphore(%arg12 : memref<!tpu.dma_semaphore, #tpu.memory_space<semaphore_mem>>)
        %dma_start3A_891 = arith.constant 1 : i32
        %dma_start3A_892 = arith.constant 128 : i32
        %dma_start3A_893 = arith.constant 0 : i32
        %dma_start3A_894 = tpu.memref_slice %arg9[%dma_start3A_892, %dma_start3A_893] : memref<256x128xf32, #tpu.memory_space<vmem>> -> memref<128x128xf32, #tpu.memory_space<vmem>>
        %dma_start3A_895 = arith.constant 0 : i32
        %dma_start3A_896 = tpu.memref_slice %arg7[%dma_start3A_891, %dma_start3A_895] : memref<2x128xi32, #tpu.memory_space<vmem>> -> memref<1x128xi32, #tpu.memory_space<vmem>>
        %dma_start3A_897 = tpu.memref_squeeze %dma_start3A_896 : memref<1x128xi32, #tpu.memory_space<vmem>> -> memref<128xi32, #tpu.memory_space<vmem>>
        %dma_start3A_898 = arith.constant 0 : i32
        %dma_start3A_899 = arith.constant 0 : i32
        %dma_start3A_900 = tpu.memref_slice %arg2[%dma_start3A_898, %dma_start3A_899] : memref<1000000x128xf32, #tpu.memory_space<hbm>> -> memref<1000000x128xf32, #tpu.memory_space<hbm>>
        tpu.enqueue_indirect_dma source(%dma_start3A_900 : memref<1000000x128xf32, #tpu.memory_space<hbm>>) target(%dma_start3A_894 : memref<128x128xf32, #tpu.memory_space<vmem>>) offsets(%dma_start3A_897 : memref<128xi32, #tpu.memory_space<vmem>>) semaphore(%arg12 : memref<!tpu.dma_semaphore, #tpu.memory_space<semaphore_mem>>)
      } else {
      }
      %dma_wait3A_563 = arith.constant 0 : i32
      %dma_wait3A_564 = arith.constant 0 : i32
      %dma_wait3A_565 = tpu.memref_slice %arg2[%dma_wait3A_563, %dma_wait3A_564] : memref<1000000x128xf32, #tpu.memory_space<hbm>> -> memref<256x128xf32, #tpu.memory_space<hbm>>
      %dma_wait3A_566 = arith.constant 0 : i32
      %dma_wait3A_567 = arith.constant 0 : i32
      %dma_wait3A_568 = tpu.memref_slice %arg2[%dma_wait3A_566, %dma_wait3A_567] : memref<1000000x128xf32, #tpu.memory_space<hbm>> -> memref<256x128xf32, #tpu.memory_space<hbm>>
      tpu.wait_dma2 semaphore(%arg13 : memref<!tpu.dma_semaphore, #tpu.memory_space<semaphore_mem>>) src(%dma_wait3A_568 : memref<256x128xf32, #tpu.memory_space<hbm>>) dst(%arg10 : memref<256x128xf32, #tpu.memory_space<vmem>>)
      %add3A_569 = arith.constant 1 : i32
      %add3A_570 = arith.addi %mul3A_229, %add3A_569 : i32
      %mul3A_571 = arith.constant 256 : i32
      %mul3A_572 = arith.muli %add3A_570, %mul3A_571 : i32
      %get3A_573 = arith.constant 64 : index
      %get3A_574 = tpu.vector_load %arg11[%get3A_573] {strides = array<i32>} : memref<256xf32, #tpu.memory_space<vmem>>, vector<16xf32>,
      %get3A_575 = vector.shape_cast %get3A_574 : vector<16xf32> to vector<16xf32>
      %get3A_576 = arith.constant 80 : index
      %get3A_577 = tpu.vector_load %arg11[%get3A_576] {strides = array<i32>} : memref<256xf32, #tpu.memory_space<vmem>>, vector<16xf32>,
      %get3A_578 = vector.shape_cast %get3A_577 : vector<16xf32> to vector<16xf32>
      %get3A_579 = arith.constant 96 : index
      %get3A_580 = tpu.vector_load %arg11[%get3A_579] {strides = array<i32>} : memref<256xf32, #tpu.memory_space<vmem>>, vector<16xf32>,
      %get3A_581 = vector.shape_cast %get3A_580 : vector<16xf32> to vector<16xf32>
      %get3A_582 = arith.constant 112 : index
      %get3A_583 = tpu.vector_load %arg11[%get3A_582] {strides = array<i32>} : memref<256xf32, #tpu.memory_space<vmem>>, vector<16xf32>,
      %get3A_584 = vector.shape_cast %get3A_583 : vector<16xf32> to vector<16xf32>
      %get3A_585 = arith.constant 128 : index
      %get3A_586 = tpu.vector_load %arg11[%get3A_585] {strides = array<i32>} : memref<256xf32, #tpu.memory_space<vmem>>, vector<16xf32>,
      %get3A_587 = vector.shape_cast %get3A_586 : vector<16xf32> to vector<16xf32>
      %get3A_588 = arith.constant 144 : index
      %get3A_589 = tpu.vector_load %arg11[%get3A_588] {strides = array<i32>} : memref<256xf32, #tpu.memory_space<vmem>>, vector<16xf32>,
      %get3A_590 = vector.shape_cast %get3A_589 : vector<16xf32> to vector<16xf32>
      %get3A_591 = arith.constant 160 : index
      %get3A_592 = tpu.vector_load %arg11[%get3A_591] {strides = array<i32>} : memref<256xf32, #tpu.memory_space<vmem>>, vector<16xf32>,
      %get3A_593 = vector.shape_cast %get3A_592 : vector<16xf32> to vector<16xf32>
      %get3A_594 = arith.constant 176 : index
      %get3A_595 = tpu.vector_load %arg11[%get3A_594] {strides = array<i32>} : memref<256xf32, #tpu.memory_space<vmem>>, vector<16xf32>,
      %get3A_596 = vector.shape_cast %get3A_595 : vector<16xf32> to vector<16xf32>
      %broadcast_in_dim3A_597 = arith.constant 0 : i32
      %broadcast_in_dim3A_598 = vector.broadcast %broadcast_in_dim3A_597 : i32 to vector<16xi32>
      %broadcast_in_dim3A_599 = arith.constant 1 : i32
      %broadcast_in_dim3A_600 = vector.broadcast %broadcast_in_dim3A_599 : i32 to vector<16xi32>
      %broadcast_in_dim3A_601 = arith.constant 2 : i32
      %broadcast_in_dim3A_602 = vector.broadcast %broadcast_in_dim3A_601 : i32 to vector<16xi32>
      %broadcast_in_dim3A_603 = arith.constant 3 : i32
      %broadcast_in_dim3A_604 = vector.broadcast %broadcast_in_dim3A_603 : i32 to vector<16xi32>
      %broadcast_in_dim3A_605 = arith.constant 4 : i32
      %broadcast_in_dim3A_606 = vector.broadcast %broadcast_in_dim3A_605 : i32 to vector<16xi32>
      %broadcast_in_dim3A_607 = arith.constant 5 : i32
      %broadcast_in_dim3A_608 = vector.broadcast %broadcast_in_dim3A_607 : i32 to vector<16xi32>
      %broadcast_in_dim3A_609 = arith.constant 6 : i32
      %broadcast_in_dim3A_610 = vector.broadcast %broadcast_in_dim3A_609 : i32 to vector<16xi32>
      %broadcast_in_dim3A_611 = arith.constant 7 : i32
      %broadcast_in_dim3A_612 = vector.broadcast %broadcast_in_dim3A_611 : i32 to vector<16xi32>
      %broadcast_in_dim3A_613 = arith.constant 8 : i32
      %broadcast_in_dim3A_614 = vector.broadcast %broadcast_in_dim3A_613 : i32 to vector<16xi32>
      %broadcast_in_dim3A_615 = arith.constant 9 : i32
      %broadcast_in_dim3A_616 = vector.broadcast %broadcast_in_dim3A_615 : i32 to vector<16xi32>
      %broadcast_in_dim3A_617 = arith.constant 10 : i32
      %broadcast_in_dim3A_618 = vector.broadcast %broadcast_in_dim3A_617 : i32 to vector<16xi32>
      %broadcast_in_dim3A_619 = arith.constant 11 : i32
      %broadcast_in_dim3A_620 = vector.broadcast %broadcast_in_dim3A_619 : i32 to vector<16xi32>
      %broadcast_in_dim3A_621 = arith.constant 12 : i32
      %broadcast_in_dim3A_622 = vector.broadcast %broadcast_in_dim3A_621 : i32 to vector<16xi32>
      %broadcast_in_dim3A_623 = arith.constant 13 : i32
      %broadcast_in_dim3A_624 = vector.broadcast %broadcast_in_dim3A_623 : i32 to vector<16xi32>
      %broadcast_in_dim3A_625 = arith.constant 14 : i32
      %broadcast_in_dim3A_626 = vector.broadcast %broadcast_in_dim3A_625 : i32 to vector<16xi32>
      %broadcast_in_dim3A_627 = arith.constant 15 : i32
      %broadcast_in_dim3A_628 = vector.broadcast %broadcast_in_dim3A_627 : i32 to vector<16xi32>
      %scan3A_629 = arith.constant 0 : i32
      %scan3A_630 = arith.constant 0 : i32
      %scan3A_631 = arith.constant 16 : i32
      %scan3A_632 = arith.addi %scan3A_630, %scan3A_631 : i32
      %scan3A_633 = arith.constant 1 : i32
      scf.for %scan3A_645 = %scan3A_630 to %scan3A_632 step %scan3A_633  : i32 {
        %mul3A_646 = arith.constant 16 : i32
        %mul3A_647 = arith.muli %scan3A_645, %mul3A_646 : i32
        %add3A_648 = arith.addi %mul3A_572, %mul3A_647 : i32
        %get3A_649 = arith.index_cast %add3A_648 : i32 to index
        %get3A_650 = tpu.vector_load %arg6[%get3A_649] {strides = array<i32>} : memref<25600xi32, #tpu.memory_space<vmem>>, vector<16xi32>,
        %get3A_651 = vector.shape_cast %get3A_650 : vector<16xi32> to vector<16xi32>
        %and3A = arith.constant 1 : i32
        %and3A_652 = vector.broadcast %and3A : i32 to vector<16xi32>
        %and3A_653 = arith.andi %get3A_651, %and3A_652 : vector<16xi32>
        %convert_element_type3A_654 = arith.sitofp %and3A_653 : vector<16xi32> to vector<16xf32>
        %shift_right_logical3A_655 = arith.constant 1 : i32
        %shift_right_logical3A_656 = vector.broadcast %shift_right_logical3A_655 : i32 to vector<16xi32>
        %shift_right_logical3A_657 = arith.shrui %get3A_651, %shift_right_logical3A_656 : vector<16xi32>
        %and3A_658 = arith.constant 1 : i32
        %and3A_659 = vector.broadcast %and3A_658 : i32 to vector<16xi32>
        %and3A_660 = arith.andi %shift_right_logical3A_657, %and3A_659 : vector<16xi32>
        %convert_element_type3A_661 = arith.sitofp %and3A_660 : vector<16xi32> to vector<16xf32>
        %lt3A_662 = arith.constant 0 : i32
        %lt3A_663 = vector.broadcast %lt3A_662 : i32 to vector<16xi32>
        %lt3A_664 = arith.cmpi slt, %broadcast_in_dim3A_598, %lt3A_663 : vector<16xi32>
        %add3A_665 = arith.constant 16 : i32
        %add3A_666 = vector.broadcast %add3A_665 : i32 to vector<16xi32>
        %add3A_667 = arith.addi %broadcast_in_dim3A_598, %add3A_666 : vector<16xi32>
        %select_n3A = arith.select %lt3A_664, %add3A_667, %broadcast_in_dim3A_598 : vector<16xi1>, vector<16xi32>
        %broadcast_in_dim3A_668 = vector.shape_cast %select_n3A : vector<16xi32> to vector<16x1xi32>
        %gather3A = vector.shape_cast %broadcast_in_dim3A_668 : vector<16x1xi32> to vector<16xi32>
        %gather3A_669 = tpu.dynamic_gather %convert_element_type3A_654[%gather3A] in [0] : vector<16xf32>, vector<16xi32> -> vector<16xf32>
        %lt3A_670 = arith.constant 0 : i32
        %lt3A_671 = vector.broadcast %lt3A_670 : i32 to vector<16xi32>
        %lt3A_672 = arith.cmpi slt, %broadcast_in_dim3A_598, %lt3A_671 : vector<16xi32>
        %add3A_673 = arith.constant 16 : i32
        %add3A_674 = vector.broadcast %add3A_673 : i32 to vector<16xi32>
        %add3A_675 = arith.addi %broadcast_in_dim3A_598, %add3A_674 : vector<16xi32>
        %select_n3A_676 = arith.select %lt3A_672, %add3A_675, %broadcast_in_dim3A_598 : vector<16xi1>, vector<16xi32>
        %broadcast_in_dim3A_677 = vector.shape_cast %select_n3A_676 : vector<16xi32> to vector<16x1xi32>
        %gather3A_678 = vector.shape_cast %broadcast_in_dim3A_677 : vector<16x1xi32> to vector<16xi32>
        %gather3A_679 = tpu.dynamic_gather %convert_element_type3A_661[%gather3A_678] in [0] : vector<16xf32>, vector<16xi32> -> vector<16xf32>
        %mul3A_680 = arith.constant 16 : i32
        %mul3A_681 = arith.muli %scan3A_645, %mul3A_680 : i32
        %add3A_682 = arith.constant 0 : i32
        %add3A_683 = arith.addi %mul3A_681, %add3A_682 : i32
        %mul3A_684 = arith.mulf %gather3A_669, %get3A_575 : vector<16xf32>
        %mul3A_685 = arith.mulf %gather3A_679, %get3A_587 : vector<16xf32>
        %add3A_686 = arith.addf %mul3A_684, %mul3A_685 : vector<16xf32>
        %swap3A_687 = arith.index_cast %add3A_683 : i32 to index
        %swap3A_688 = arith.constant 0 : index
        %swap3A_689 = tpu.vector_load %arg10[%swap3A_687, %swap3A_688] {strides = array<i32>} : memref<256x128xf32, #tpu.memory_space<vmem>>, vector<1x16xf32>,
        %swap3A_690 = vector.shape_cast %swap3A_689 : vector<1x16xf32> to vector<16xf32>
        %swap3A_691 = vector.shape_cast %add3A_686 : vector<16xf32> to vector<1x16xf32>
        tpu.vector_store %arg10[%swap3A_687, %swap3A_688], %swap3A_691 {add = true, strides = array<i32>} : memref<256x128xf32, #tpu.memory_space<vmem>>, vector<1x16xf32>,
        %mul3A_692 = arith.mulf %gather3A_669, %get3A_578 : vector<16xf32>
        %mul3A_693 = arith.mulf %gather3A_679, %get3A_590 : vector<16xf32>
        %add3A_694 = arith.addf %mul3A_692, %mul3A_693 : vector<16xf32>
        %swap3A_695 = arith.index_cast %add3A_683 : i32 to index
        %swap3A_696 = arith.constant 16 : index
        %swap3A_697 = tpu.vector_load %arg10[%swap3A_695, %swap3A_696] {strides = array<i32>} : memref<256x128xf32, #tpu.memory_space<vmem>>, vector<1x16xf32>,
        %swap3A_698 = vector.shape_cast %swap3A_697 : vector<1x16xf32> to vector<16xf32>
        %swap3A_699 = vector.shape_cast %add3A_694 : vector<16xf32> to vector<1x16xf32>
        tpu.vector_store %arg10[%swap3A_695, %swap3A_696], %swap3A_699 {add = true, strides = array<i32>} : memref<256x128xf32, #tpu.memory_space<vmem>>, vector<1x16xf32>,
        %mul3A_700 = arith.mulf %gather3A_669, %get3A_581 : vector<16xf32>
        %mul3A_701 = arith.mulf %gather3A_679, %get3A_593 : vector<16xf32>
        %add3A_702 = arith.addf %mul3A_700, %mul3A_701 : vector<16xf32>
        %swap3A_703 = arith.index_cast %add3A_683 : i32 to index
        %swap3A_704 = arith.constant 32 : index
        %swap3A_705 = tpu.vector_load %arg10[%swap3A_703, %swap3A_704] {strides = array<i32>} : memref<256x128xf32, #tpu.memory_space<vmem>>, vector<1x16xf32>,
        %swap3A_706 = vector.shape_cast %swap3A_705 : vector<1x16xf32> to vector<16xf32>
        %swap3A_707 = vector.shape_cast %add3A_702 : vector<16xf32> to vector<1x16xf32>
        tpu.vector_store %arg10[%swap3A_703, %swap3A_704], %swap3A_707 {add = true, strides = array<i32>} : memref<256x128xf32, #tpu.memory_space<vmem>>, vector<1x16xf32>,
        %mul3A_708 = arith.mulf %gather3A_669, %get3A_584 : vector<16xf32>
        %mul3A_709 = arith.mulf %gather3A_679, %get3A_596 : vector<16xf32>
        %add3A_710 = arith.addf %mul3A_708, %mul3A_709 : vector<16xf32>
        %swap3A_711 = arith.index_cast %add3A_683 : i32 to index
        %swap3A_712 = arith.constant 48 : index
        %swap3A_713 = tpu.vector_load %arg10[%swap3A_711, %swap3A_712] {strides = array<i32>} : memref<256x128xf32, #tpu.memory_space<vmem>>, vector<1x16xf32>,
        %swap3A_714 = vector.shape_cast %swap3A_713 : vector<1x16xf32> to vector<16xf32>
        %swap3A_715 = vector.shape_cast %add3A_710 : vector<16xf32> to vector<1x16xf32>
        tpu.vector_store %arg10[%swap3A_711, %swap3A_712], %swap3A_715 {add = true, strides = array<i32>} : memref<256x128xf32, #tpu.memory_space<vmem>>, vector<1x16xf32>,
        %lt3A_716 = arith.constant 0 : i32
        %lt3A_717 = vector.broadcast %lt3A_716 : i32 to vector<16xi32>
        %lt3A_718 = arith.cmpi slt, %broadcast_in_dim3A_600, %lt3A_717 : vector<16xi32>
        %add3A_719 = arith.constant 16 : i32
        %add3A_720 = vector.broadcast %add3A_719 : i32 to vector<16xi32>
        %add3A_721 = arith.addi %broadcast_in_dim3A_600, %add3A_720 : vector<16xi32>
        %select_n3A_722 = arith.select %lt3A_718, %add3A_721, %broadcast_in_dim3A_600 : vector<16xi1>, vector<16xi32>
        %broadcast_in_dim3A_723 = vector.shape_cast %select_n3A_722 : vector<16xi32> to vector<16x1xi32>
        %gather3A_724 = vector.shape_cast %broadcast_in_dim3A_723 : vector<16x1xi32> to vector<16xi32>
        %gather3A_725 = tpu.dynamic_gather %convert_element_type3A_654[%gather3A_724] in [0] : vector<16xf32>, vector<16xi32> -> vector<16xf32>
        %lt3A_726 = arith.constant 0 : i32
        %lt3A_727 = vector.broadcast %lt3A_726 : i32 to vector<16xi32>
        %lt3A_728 = arith.cmpi slt, %broadcast_in_dim3A_600, %lt3A_727 : vector<16xi32>
        %add3A_729 = arith.constant 16 : i32
        %add3A_730 = vector.broadcast %add3A_729 : i32 to vector<16xi32>
        %add3A_731 = arith.addi %broadcast_in_dim3A_600, %add3A_730 : vector<16xi32>
        %select_n3A_732 = arith.select %lt3A_728, %add3A_731, %broadcast_in_dim3A_600 : vector<16xi1>, vector<16xi32>
        %broadcast_in_dim3A_733 = vector.shape_cast %select_n3A_732 : vector<16xi32> to vector<16x1xi32>
        %gather3A_734 = vector.shape_cast %broadcast_in_dim3A_733 : vector<16x1xi32> to vector<16xi32>
        %gather3A_735 = tpu.dynamic_gather %convert_element_type3A_661[%gather3A_734] in [0] : vector<16xf32>, vector<16xi32> -> vector<16xf32>
        %mul3A_736 = arith.constant 16 : i32
        %mul3A_737 = arith.muli %scan3A_645, %mul3A_736 : i32
        %add3A_738 = arith.constant 1 : i32
        %add3A_739 = arith.addi %mul3A_737, %add3A_738 : i32
        %mul3A_740 = arith.mulf %gather3A_725, %get3A_575 : vector<16xf32>
        %mul3A_741 = arith.mulf %gather3A_735, %get3A_587 : vector<16xf32>
        %add3A_742 = arith.addf %mul3A_740, %mul3A_741 : vector<16xf32>
        %swap3A_743 = arith.index_cast %add3A_739 : i32 to index
        %swap3A_744 = arith.constant 0 : index
        %swap3A_745 = tpu.vector_load %arg10[%swap3A_743, %swap3A_744] {strides = array<i32>} : memref<256x128xf32, #tpu.memory_space<vmem>>, vector<1x16xf32>,
        %swap3A_746 = vector.shape_cast %swap3A_745 : vector<1x16xf32> to vector<16xf32>
        %swap3A_747 = vector.shape_cast %add3A_742 : vector<16xf32> to vector<1x16xf32>
        tpu.vector_store %arg10[%swap3A_743, %swap3A_744], %swap3A_747 {add = true, strides = array<i32>} : memref<256x128xf32, #tpu.memory_space<vmem>>, vector<1x16xf32>,
        %mul3A_748 = arith.mulf %gather3A_725, %get3A_578 : vector<16xf32>
        %mul3A_749 = arith.mulf %gather3A_735, %get3A_590 : vector<16xf32>
        %add3A_750 = arith.addf %mul3A_748, %mul3A_749 : vector<16xf32>
        %swap3A_751 = arith.index_cast %add3A_739 : i32 to index
        %swap3A_752 = arith.constant 16 : index
        %swap3A_753 = tpu.vector_load %arg10[%swap3A_751, %swap3A_752] {strides = array<i32>} : memref<256x128xf32, #tpu.memory_space<vmem>>, vector<1x16xf32>,
        %swap3A_754 = vector.shape_cast %swap3A_753 : vector<1x16xf32> to vector<16xf32>
        %swap3A_755 = vector.shape_cast %add3A_750 : vector<16xf32> to vector<1x16xf32>
        tpu.vector_store %arg10[%swap3A_751, %swap3A_752], %swap3A_755 {add = true, strides = array<i32>} : memref<256x128xf32, #tpu.memory_space<vmem>>, vector<1x16xf32>,
        %mul3A_756 = arith.mulf %gather3A_725, %get3A_581 : vector<16xf32>
        %mul3A_757 = arith.mulf %gather3A_735, %get3A_593 : vector<16xf32>
        %add3A_758 = arith.addf %mul3A_756, %mul3A_757 : vector<16xf32>
        %swap3A_759 = arith.index_cast %add3A_739 : i32 to index
        %swap3A_760 = arith.constant 32 : index
        %swap3A_761 = tpu.vector_load %arg10[%swap3A_759, %swap3A_760] {strides = array<i32>} : memref<256x128xf32, #tpu.memory_space<vmem>>, vector<1x16xf32>,
        %swap3A_762 = vector.shape_cast %swap3A_761 : vector<1x16xf32> to vector<16xf32>
        %swap3A_763 = vector.shape_cast %add3A_758 : vector<16xf32> to vector<1x16xf32>
        tpu.vector_store %arg10[%swap3A_759, %swap3A_760], %swap3A_763 {add = true, strides = array<i32>} : memref<256x128xf32, #tpu.memory_space<vmem>>, vector<1x16xf32>,
        %mul3A_764 = arith.mulf %gather3A_725, %get3A_584 : vector<16xf32>
        %mul3A_765 = arith.mulf %gather3A_735, %get3A_596 : vector<16xf32>
        %add3A_766 = arith.addf %mul3A_764, %mul3A_765 : vector<16xf32>
        %swap3A_767 = arith.index_cast %add3A_739 : i32 to index
        %swap3A_768 = arith.constant 48 : index
        %swap3A_769 = tpu.vector_load %arg10[%swap3A_767, %swap3A_768] {strides = array<i32>} : memref<256x128xf32, #tpu.memory_space<vmem>>, vector<1x16xf32>,
        %swap3A_770 = vector.shape_cast %swap3A_769 : vector<1x16xf32> to vector<16xf32>
        %swap3A_771 = vector.shape_cast %add3A_766 : vector<16xf32> to vector<1x16xf32>
        tpu.vector_store %arg10[%swap3A_767, %swap3A_768], %swap3A_771 {add = true, strides = array<i32>} : memref<256x128xf32, #tpu.memory_space<vmem>>, vector<1x16xf32>,
        %lt3A_772 = arith.constant 0 : i32
        %lt3A_773 = vector.broadcast %lt3A_772 : i32 to vector<16xi32>
        %lt3A_774 = arith.cmpi slt, %broadcast_in_dim3A_602, %lt3A_773 : vector<16xi32>
        %add3A_775 = arith.constant 16 : i32
        %add3A_776 = vector.broadcast %add3A_775 : i32 to vector<16xi32>
        %add3A_777 = arith.addi %broadcast_in_dim3A_602, %add3A_776 : vector<16xi32>
        %select_n3A_778 = arith.select %lt3A_774, %add3A_777, %broadcast_in_dim3A_602 : vector<16xi1>, vector<16xi32>
        %broadcast_in_dim3A_779 = vector.shape_cast %select_n3A_778 : vector<16xi32> to vector<16x1xi32>
        %gather3A_780 = vector.shape_cast %broadcast_in_dim3A_779 : vector<16x1xi32> to vector<16xi32>
        %gather3A_781 = tpu.dynamic_gather %convert_element_type3A_654[%gather3A_780] in [0] : vector<16xf32>, vector<16xi32> -> vector<16xf32>
        %lt3A_782 = arith.constant 0 : i32
        %lt3A_783 = vector.broadcast %lt3A_782 : i32 to vector<16xi32>
        %lt3A_784 = arith.cmpi slt, %broadcast_in_dim3A_602, %lt3A_783 : vector<16xi32>
        %add3A_785 = arith.constant 16 : i32
        %add3A_786 = vector.broadcast %add3A_785 : i32 to vector<16xi32>
        %add3A_787 = arith.addi %broadcast_in_dim3A_602, %add3A_786 : vector<16xi32>
        %select_n3A_788 = arith.select %lt3A_784, %add3A_787, %broadcast_in_dim3A_602 : vector<16xi1>, vector<16xi32>
        %broadcast_in_dim3A_789 = vector.shape_cast %select_n3A_788 : vector<16xi32> to vector<16x1xi32>
        %gather3A_790 = vector.shape_cast %broadcast_in_dim3A_789 : vector<16x1xi32> to vector<16xi32>
        %gather3A_791 = tpu.dynamic_gather %convert_element_type3A_661[%gather3A_790] in [0] : vector<16xf32>, vector<16xi32> -> vector<16xf32>
        %mul3A_792 = arith.constant 16 : i32
        %mul3A_793 = arith.muli %scan3A_645, %mul3A_792 : i32
        %add3A_794 = arith.constant 2 : i32
        %add3A_795 = arith.addi %mul3A_793, %add3A_794 : i32
        %mul3A_796 = arith.mulf %gather3A_781, %get3A_575 : vector<16xf32>
        %mul3A_797 = arith.mulf %gather3A_791, %get3A_587 : vector<16xf32>
        %add3A_798 = arith.addf %mul3A_796, %mul3A_797 : vector<16xf32>
        %swap3A_799 = arith.index_cast %add3A_795 : i32 to index
        %swap3A_800 = arith.constant 0 : index
        %swap3A_801 = tpu.vector_load %arg10[%swap3A_799, %swap3A_800] {strides = array<i32>} : memref<256x128xf32, #tpu.memory_space<vmem>>, vector<1x16xf32>,
        %swap3A_802 = vector.shape_cast %swap3A_801 : vector<1x16xf32> to vector<16xf32>
        %swap3A_803 = vector.shape_cast %add3A_798 : vector<16xf32> to vector<1x16xf32>
        tpu.vector_store %arg10[%swap3A_799, %swap3A_800], %swap3A_803 {add = true, strides = array<i32>} : memref<256x128xf32, #tpu.memory_space<vmem>>, vector<1x16xf32>,
        %mul3A_804 = arith.mulf %gather3A_781, %get3A_578 : vector<16xf32>
        %mul3A_805 = arith.mulf %gather3A_791, %get3A_590 : vector<16xf32>
        %add3A_806 = arith.addf %mul3A_804, %mul3A_805 : vector<16xf32>
        %swap3A_807 = arith.index_cast %add3A_795 : i32 to index
        %swap3A_808 = arith.constant 16 : index
        %swap3A_809 = tpu.vector_load %arg10[%swap3A_807, %swap3A_808] {strides = array<i32>} : memref<256x128xf32, #tpu.memory_space<vmem>>, vector<1x16xf32>,
        %swap3A_810 = vector.shape_cast %swap3A_809 : vector<1x16xf32> to vector<16xf32>
        %swap3A_811 = vector.shape_cast %add3A_806 : vector<16xf32> to vector<1x16xf32>
        tpu.vector_store %arg10[%swap3A_807, %swap3A_808], %swap3A_811 {add = true, strides = array<i32>} : memref<256x128xf32, #tpu.memory_space<vmem>>, vector<1x16xf32>,
        %mul3A_812 = arith.mulf %gather3A_781, %get3A_581 : vector<16xf32>
        %mul3A_813 = arith.mulf %gather3A_791, %get3A_593 : vector<16xf32>
        %add3A_814 = arith.addf %mul3A_812, %mul3A_813 : vector<16xf32>
        %swap3A_815 = arith.index_cast %add3A_795 : i32 to index
        %swap3A_816 = arith.constant 32 : index
        %swap3A_817 = tpu.vector_load %arg10[%swap3A_815, %swap3A_816] {strides = array<i32>} : memref<256x128xf32, #tpu.memory_space<vmem>>, vector<1x16xf32>,
        %swap3A_818 = vector.shape_cast %swap3A_817 : vector<1x16xf32> to vector<16xf32>
        %swap3A_819 = vector.shape_cast %add3A_814 : vector<16xf32> to vector<1x16xf32>
        tpu.vector_store %arg10[%swap3A_815, %swap3A_816], %swap3A_819 {add = true, strides = array<i32>} : memref<256x128xf32, #tpu.memory_space<vmem>>, vector<1x16xf32>,
        %mul3A_820 = arith.mulf %gather3A_781, %get3A_584 : vector<16xf32>
        %mul3A_821 = arith.mulf %gather3A_791, %get3A_596 : vector<16xf32>
        %add3A_822 = arith.addf %mul3A_820, %mul3A_821 : vector<16xf32>
        %swap3A_823 = arith.index_cast %add3A_795 : i32 to index
        %swap3A_824 = arith.constant 48 : index
        %swap3A_825 = tpu.vector_load %arg10[%swap3A_823, %swap3A_824] {strides = array<i32>} : memref<256x128xf32, #tpu.memory_space<vmem>>, vector<1x16xf32>,
        %swap3A_826 = vector.shape_cast %swap3A_825 : vector<1x16xf32> to vector<16xf32>
        %swap3A_827 = vector.shape_cast %add3A_822 : vector<16xf32> to vector<1x16xf32>
        tpu.vector_store %arg10[%swap3A_823, %swap3A_824], %swap3A_827 {add = true, strides = array<i32>} : memref<256x128xf32, #tpu.memory_space<vmem>>, vector<1x16xf32>,
        %lt3A_828 = arith.constant 0 : i32
        %lt3A_829 = vector.broadcast %lt3A_828 : i32 to vector<16xi32>
        %lt3A_830 = arith.cmpi slt, %broadcast_in_dim3A_604, %lt3A_829 : vector<16xi32>
        %add3A_831 = arith.constant 16 : i32
        %add3A_832 = vector.broadcast %add3A_831 : i32 to vector<16xi32>
        %add3A_833 = arith.addi %broadcast_in_dim3A_604, %add3A_832 : vector<16xi32>
        %select_n3A_834 = arith.select %lt3A_830, %add3A_833, %broadcast_in_dim3A_604 : vector<16xi1>, vector<16xi32>
        %broadcast_in_dim3A_835 = vector.shape_cast %select_n3A_834 : vector<16xi32> to vector<16x1xi32>
        %gather3A_836 = vector.shape_cast %broadcast_in_dim3A_835 : vector<16x1xi32> to vector<16xi32>
        %gather3A_837 = tpu.dynamic_gather %convert_element_type3A_654[%gather3A_836] in [0] : vector<16xf32>, vector<16xi32> -> vector<16xf32>
        %lt3A_838 = arith.constant 0 : i32
        %lt3A_839 = vector.broadcast %lt3A_838 : i32 to vector<16xi32>
        %lt3A_840 = arith.cmpi slt, %broadcast_in_dim3A_604, %lt3A_839 : vector<16xi32>
        %add3A_841 = arith.constant 16 : i32
        %add3A_842 = vector.broadcast %add3A_841 : i32 to vector<16xi32>
        %add3A_843 = arith.addi %broadcast_in_dim3A_604, %add3A_842 : vector<16xi32>
        %select_n3A_844 = arith.select %lt3A_840, %add3A_843, %broadcast_in_dim3A_604 : vector<16xi1>, vector<16xi32>
        %broadcast_in_dim3A_845 = vector.shape_cast %select_n3A_844 : vector<16xi32> to vector<16x1xi32>
        %gather3A_846 = vector.shape_cast %broadcast_in_dim3A_845 : vector<16x1xi32> to vector<16xi32>
        %gather3A_847 = tpu.dynamic_gather %convert_element_type3A_661[%gather3A_846] in [0] : vector<16xf32>, vector<16xi32> -> vector<16xf32>
        %mul3A_848 = arith.constant 16 : i32
        %mul3A_849 = arith.muli %scan3A_645, %mul3A_848 : i32
        %add3A_850 = arith.constant 3 : i32
        %add3A_851 = arith.addi %mul3A_849, %add3A_850 : i32
        %mul3A_852 = arith.mulf %gather3A_837, %get3A_575 : vector<16xf32>
        %mul3A_853 = arith.mulf %gather3A_847, %get3A_587 : vector<16xf32>
        %add3A_854 = arith.addf %mul3A_852, %mul3A_853 : vector<16xf32>
        %swap3A_855 = arith.index_cast %add3A_851 : i32 to index
        %swap3A_856 = arith.constant 0 : index
        %swap3A_857 = tpu.vector_load %arg10[%swap3A_855, %swap3A_856] {strides = array<i32>} : memref<256x128xf32, #tpu.memory_space<vmem>>, vector<1x16xf32>,
        %swap3A_858 = vector.shape_cast %swap3A_857 : vector<1x16xf32> to vector<16xf32>
        %swap3A_859 = vector.shape_cast %add3A_854 : vector<16xf32> to vector<1x16xf32>
        tpu.vector_store %arg10[%swap3A_855, %swap3A_856], %swap3A_859 {add = true, strides = array<i32>} : memref<256x128xf32, #tpu.memory_space<vmem>>, vector<1x16xf32>,
        %mul3A_860 = arith.mulf %gather3A_837, %get3A_578 : vector<16xf32>
        %mul3A_861 = arith.mulf %gather3A_847, %get3A_590 : vector<16xf32>
        %add3A_862 = arith.addf %mul3A_860, %mul3A_861 : vector<16xf32>
        %swap3A_863 = arith.index_cast %add3A_851 : i32 to index
        %swap3A_864 = arith.constant 16 : index
        %swap3A_865 = tpu.vector_load %arg10[%swap3A_863, %swap3A_864] {strides = array<i32>} : memref<256x128xf32, #tpu.memory_space<vmem>>, vector<1x16xf32>,
        %swap3A_866 = vector.shape_cast %swap3A_865 : vector<1x16xf32> to vector<16xf32>
        %swap3A_867 = vector.shape_cast %add3A_862 : vector<16xf32> to vector<1x16xf32>
        tpu.vector_store %arg10[%swap3A_863, %swap3A_864], %swap3A_867 {add = true, strides = array<i32>} : memref<256x128xf32, #tpu.memory_space<vmem>>, vector<1x16xf32>,
        %mul3A_868 = arith.mulf %gather3A_837, %get3A_581 : vector<16xf32>
        %mul3A_869 = arith.mulf %gather3A_847, %get3A_593 : vector<16xf32>
        %add3A_870 = arith.addf %mul3A_868, %mul3A_869 : vector<16xf32>
        %swap3A_871 = arith.index_cast %add3A_851 : i32 to index
        %swap3A_872 = arith.constant 32 : index
        %swap3A_873 = tpu.vector_load %arg10[%swap3A_871, %swap3A_872] {strides = array<i32>} : memref<256x128xf32, #tpu.memory_space<vmem>>, vector<1x16xf32>,
        %swap3A_874 = vector.shape_cast %swap3A_873 : vector<1x16xf32> to vector<16xf32>
        %swap3A_875 = vector.shape_cast %add3A_870 : vector<16xf32> to vector<1x16xf32>
        tpu.vector_store %arg10[%swap3A_871, %swap3A_872], %swap3A_875 {add = true, strides = array<i32>} : memref<256x128xf32, #tpu.memory_space<vmem>>, vector<1x16xf32>,
        %mul3A_876 = arith.mulf %gather3A_837, %get3A_584 : vector<16xf32>
        %mul3A_877 = arith.mulf %gather3A_847, %get3A_596 : vector<16xf32>
        %add3A_878 = arith.addf %mul3A_876, %mul3A_877 : vector<16xf32>
        %swap3A_879 = arith.index_cast %add3A_851 : i32 to index
        %swap3A_880 = arith.constant 48 : index
        %swap3A_881 = tpu.vector_load %arg10[%swap3A_879, %swap3A_880] {strides = array<i32>} : memref<256x128xf32, #tpu.memory_space<vmem>>, vector<1x16xf32>,
        %swap3A_882 = vector.shape_cast %swap3A_881 : vector<1x16xf32> to vector<16xf32>
        %swap3A_883 = vector.shape_cast %add3A_878 : vector<16xf32> to vector<1x16xf32>
        tpu.vector_store %arg10[%swap3A_879, %swap3A_880], %swap3A_883 {add = true, strides = array<i32>} : memref<256x128xf32, #tpu.memory_space<vmem>>, vector<1x16xf32>,
        %lt3A_884 = arith.constant 0 : i32
        %lt3A_885 = vector.broadcast %lt3A_884 : i32 to vector<16xi32>
        %lt3A_886 = arith.cmpi slt, %broadcast_in_dim3A_606, %lt3A_885 : vector<16xi32>
        %add3A_887 = arith.constant 16 : i32
        %add3A_888 = vector.broadcast %add3A_887 : i32 to vector<16xi32>
        %add3A_889 = arith.addi %broadcast_in_dim3A_606, %add3A_888 : vector<16xi32>
        %select_n3A_890 = arith.select %lt3A_886, %add3A_889, %broadcast_in_dim3A_606 : vector<16xi1>, vector<16xi32>
        %broadcast_in_dim3A_891 = vector.shape_cast %select_n3A_890 : vector<16xi32> to vector<16x1xi32>
        %gather3A_892 = vector.shape_cast %broadcast_in_dim3A_891 : vector<16x1xi32> to vector<16xi32>
        %gather3A_893 = tpu.dynamic_gather %convert_element_type3A_654[%gather3A_892] in [0] : vector<16xf32>, vector<16xi32> -> vector<16xf32>
        %lt3A_894 = arith.constant 0 : i32
        %lt3A_895 = vector.broadcast %lt3A_894 : i32 to vector<16xi32>
        %lt3A_896 = arith.cmpi slt, %broadcast_in_dim3A_606, %lt3A_895 : vector<16xi32>
        %add3A_897 = arith.constant 16 : i32
        %add3A_898 = vector.broadcast %add3A_897 : i32 to vector<16xi32>
        %add3A_899 = arith.addi %broadcast_in_dim3A_606, %add3A_898 : vector<16xi32>
        %select_n3A_900 = arith.select %lt3A_896, %add3A_899, %broadcast_in_dim3A_606 : vector<16xi1>, vector<16xi32>
        %broadcast_in_dim3A_901 = vector.shape_cast %select_n3A_900 : vector<16xi32> to vector<16x1xi32>
        %gather3A_902 = vector.shape_cast %broadcast_in_dim3A_901 : vector<16x1xi32> to vector<16xi32>
        %gather3A_903 = tpu.dynamic_gather %convert_element_type3A_661[%gather3A_902] in [0] : vector<16xf32>, vector<16xi32> -> vector<16xf32>
        %mul3A_904 = arith.constant 16 : i32
        %mul3A_905 = arith.muli %scan3A_645, %mul3A_904 : i32
        %add3A_906 = arith.constant 4 : i32
        %add3A_907 = arith.addi %mul3A_905, %add3A_906 : i32
        %mul3A_908 = arith.mulf %gather3A_893, %get3A_575 : vector<16xf32>
        %mul3A_909 = arith.mulf %gather3A_903, %get3A_587 : vector<16xf32>
        %add3A_910 = arith.addf %mul3A_908, %mul3A_909 : vector<16xf32>
        %swap3A_911 = arith.index_cast %add3A_907 : i32 to index
        %swap3A_912 = arith.constant 0 : index
        %swap3A_913 = tpu.vector_load %arg10[%swap3A_911, %swap3A_912] {strides = array<i32>} : memref<256x128xf32, #tpu.memory_space<vmem>>, vector<1x16xf32>,
        %swap3A_914 = vector.shape_cast %swap3A_913 : vector<1x16xf32> to vector<16xf32>
        %swap3A_915 = vector.shape_cast %add3A_910 : vector<16xf32> to vector<1x16xf32>
        tpu.vector_store %arg10[%swap3A_911, %swap3A_912], %swap3A_915 {add = true, strides = array<i32>} : memref<256x128xf32, #tpu.memory_space<vmem>>, vector<1x16xf32>,
        %mul3A_916 = arith.mulf %gather3A_893, %get3A_578 : vector<16xf32>
        %mul3A_917 = arith.mulf %gather3A_903, %get3A_590 : vector<16xf32>
        %add3A_918 = arith.addf %mul3A_916, %mul3A_917 : vector<16xf32>
        %swap3A_919 = arith.index_cast %add3A_907 : i32 to index
        %swap3A_920 = arith.constant 16 : index
        %swap3A_921 = tpu.vector_load %arg10[%swap3A_919, %swap3A_920] {strides = array<i32>} : memref<256x128xf32, #tpu.memory_space<vmem>>, vector<1x16xf32>,
        %swap3A_922 = vector.shape_cast %swap3A_921 : vector<1x16xf32> to vector<16xf32>
        %swap3A_923 = vector.shape_cast %add3A_918 : vector<16xf32> to vector<1x16xf32>
        tpu.vector_store %arg10[%swap3A_919, %swap3A_920], %swap3A_923 {add = true, strides = array<i32>} : memref<256x128xf32, #tpu.memory_space<vmem>>, vector<1x16xf32>,
        %mul3A_924 = arith.mulf %gather3A_893, %get3A_581 : vector<16xf32>
        %mul3A_925 = arith.mulf %gather3A_903, %get3A_593 : vector<16xf32>
        %add3A_926 = arith.addf %mul3A_924, %mul3A_925 : vector<16xf32>
        %swap3A_927 = arith.index_cast %add3A_907 : i32 to index
        %swap3A_928 = arith.constant 32 : index
        %swap3A_929 = tpu.vector_load %arg10[%swap3A_927, %swap3A_928] {strides = array<i32>} : memref<256x128xf32, #tpu.memory_space<vmem>>, vector<1x16xf32>,
        %swap3A_930 = vector.shape_cast %swap3A_929 : vector<1x16xf32> to vector<16xf32>
        %swap3A_931 = vector.shape_cast %add3A_926 : vector<16xf32> to vector<1x16xf32>
        tpu.vector_store %arg10[%swap3A_927, %swap3A_928], %swap3A_931 {add = true, strides = array<i32>} : memref<256x128xf32, #tpu.memory_space<vmem>>, vector<1x16xf32>,
        %mul3A_932 = arith.mulf %gather3A_893, %get3A_584 : vector<16xf32>
        %mul3A_933 = arith.mulf %gather3A_903, %get3A_596 : vector<16xf32>
        %add3A_934 = arith.addf %mul3A_932, %mul3A_933 : vector<16xf32>
        %swap3A_935 = arith.index_cast %add3A_907 : i32 to index
        %swap3A_936 = arith.constant 48 : index
        %swap3A_937 = tpu.vector_load %arg10[%swap3A_935, %swap3A_936] {strides = array<i32>} : memref<256x128xf32, #tpu.memory_space<vmem>>, vector<1x16xf32>,
        %swap3A_938 = vector.shape_cast %swap3A_937 : vector<1x16xf32> to vector<16xf32>
        %swap3A_939 = vector.shape_cast %add3A_934 : vector<16xf32> to vector<1x16xf32>
        tpu.vector_store %arg10[%swap3A_935, %swap3A_936], %swap3A_939 {add = true, strides = array<i32>} : memref<256x128xf32, #tpu.memory_space<vmem>>, vector<1x16xf32>,
        %lt3A_940 = arith.constant 0 : i32
        %lt3A_941 = vector.broadcast %lt3A_940 : i32 to vector<16xi32>
        %lt3A_942 = arith.cmpi slt, %broadcast_in_dim3A_608, %lt3A_941 : vector<16xi32>
        %add3A_943 = arith.constant 16 : i32
        %add3A_944 = vector.broadcast %add3A_943 : i32 to vector<16xi32>
        %add3A_945 = arith.addi %broadcast_in_dim3A_608, %add3A_944 : vector<16xi32>
        %select_n3A_946 = arith.select %lt3A_942, %add3A_945, %broadcast_in_dim3A_608 : vector<16xi1>, vector<16xi32>
        %broadcast_in_dim3A_947 = vector.shape_cast %select_n3A_946 : vector<16xi32> to vector<16x1xi32>
        %gather3A_948 = vector.shape_cast %broadcast_in_dim3A_947 : vector<16x1xi32> to vector<16xi32>
        %gather3A_949 = tpu.dynamic_gather %convert_element_type3A_654[%gather3A_948] in [0] : vector<16xf32>, vector<16xi32> -> vector<16xf32>
        %lt3A_950 = arith.constant 0 : i32
        %lt3A_951 = vector.broadcast %lt3A_950 : i32 to vector<16xi32>
        %lt3A_952 = arith.cmpi slt, %broadcast_in_dim3A_608, %lt3A_951 : vector<16xi32>
        %add3A_953 = arith.constant 16 : i32
        %add3A_954 = vector.broadcast %add3A_953 : i32 to vector<16xi32>
        %add3A_955 = arith.addi %broadcast_in_dim3A_608, %add3A_954 : vector<16xi32>
        %select_n3A_956 = arith.select %lt3A_952, %add3A_955, %broadcast_in_dim3A_608 : vector<16xi1>, vector<16xi32>
        %broadcast_in_dim3A_957 = vector.shape_cast %select_n3A_956 : vector<16xi32> to vector<16x1xi32>
        %gather3A_958 = vector.shape_cast %broadcast_in_dim3A_957 : vector<16x1xi32> to vector<16xi32>
        %gather3A_959 = tpu.dynamic_gather %convert_element_type3A_661[%gather3A_958] in [0] : vector<16xf32>, vector<16xi32> -> vector<16xf32>
        %mul3A_960 = arith.constant 16 : i32
        %mul3A_961 = arith.muli %scan3A_645, %mul3A_960 : i32
        %add3A_962 = arith.constant 5 : i32
        %add3A_963 = arith.addi %mul3A_961, %add3A_962 : i32
        %mul3A_964 = arith.mulf %gather3A_949, %get3A_575 : vector<16xf32>
        %mul3A_965 = arith.mulf %gather3A_959, %get3A_587 : vector<16xf32>
        %add3A_966 = arith.addf %mul3A_964, %mul3A_965 : vector<16xf32>
        %swap3A_967 = arith.index_cast %add3A_963 : i32 to index
        %swap3A_968 = arith.constant 0 : index
        %swap3A_969 = tpu.vector_load %arg10[%swap3A_967, %swap3A_968] {strides = array<i32>} : memref<256x128xf32, #tpu.memory_space<vmem>>, vector<1x16xf32>,
        %swap3A_970 = vector.shape_cast %swap3A_969 : vector<1x16xf32> to vector<16xf32>
        %swap3A_971 = vector.shape_cast %add3A_966 : vector<16xf32> to vector<1x16xf32>
        tpu.vector_store %arg10[%swap3A_967, %swap3A_968], %swap3A_971 {add = true, strides = array<i32>} : memref<256x128xf32, #tpu.memory_space<vmem>>, vector<1x16xf32>,
        %mul3A_972 = arith.mulf %gather3A_949, %get3A_578 : vector<16xf32>
        %mul3A_973 = arith.mulf %gather3A_959, %get3A_590 : vector<16xf32>
        %add3A_974 = arith.addf %mul3A_972, %mul3A_973 : vector<16xf32>
        %swap3A_975 = arith.index_cast %add3A_963 : i32 to index
        %swap3A_976 = arith.constant 16 : index
        %swap3A_977 = tpu.vector_load %arg10[%swap3A_975, %swap3A_976] {strides = array<i32>} : memref<256x128xf32, #tpu.memory_space<vmem>>, vector<1x16xf32>,
        %swap3A_978 = vector.shape_cast %swap3A_977 : vector<1x16xf32> to vector<16xf32>
        %swap3A_979 = vector.shape_cast %add3A_974 : vector<16xf32> to vector<1x16xf32>
        tpu.vector_store %arg10[%swap3A_975, %swap3A_976], %swap3A_979 {add = true, strides = array<i32>} : memref<256x128xf32, #tpu.memory_space<vmem>>, vector<1x16xf32>,
        %mul3A_980 = arith.mulf %gather3A_949, %get3A_581 : vector<16xf32>
        %mul3A_981 = arith.mulf %gather3A_959, %get3A_593 : vector<16xf32>
        %add3A_982 = arith.addf %mul3A_980, %mul3A_981 : vector<16xf32>
        %swap3A_983 = arith.index_cast %add3A_963 : i32 to index
        %swap3A_984 = arith.constant 32 : index
        %swap3A_985 = tpu.vector_load %arg10[%swap3A_983, %swap3A_984] {strides = array<i32>} : memref<256x128xf32, #tpu.memory_space<vmem>>, vector<1x16xf32>,
        %swap3A_986 = vector.shape_cast %swap3A_985 : vector<1x16xf32> to vector<16xf32>
        %swap3A_987 = vector.shape_cast %add3A_982 : vector<16xf32> to vector<1x16xf32>
        tpu.vector_store %arg10[%swap3A_983, %swap3A_984], %swap3A_987 {add = true, strides = array<i32>} : memref<256x128xf32, #tpu.memory_space<vmem>>, vector<1x16xf32>,
        %mul3A_988 = arith.mulf %gather3A_949, %get3A_584 : vector<16xf32>
        %mul3A_989 = arith.mulf %gather3A_959, %get3A_596 : vector<16xf32>
        %add3A_990 = arith.addf %mul3A_988, %mul3A_989 : vector<16xf32>
        %swap3A_991 = arith.index_cast %add3A_963 : i32 to index
        %swap3A_992 = arith.constant 48 : index
        %swap3A_993 = tpu.vector_load %arg10[%swap3A_991, %swap3A_992] {strides = array<i32>} : memref<256x128xf32, #tpu.memory_space<vmem>>, vector<1x16xf32>,
        %swap3A_994 = vector.shape_cast %swap3A_993 : vector<1x16xf32> to vector<16xf32>
        %swap3A_995 = vector.shape_cast %add3A_990 : vector<16xf32> to vector<1x16xf32>
        tpu.vector_store %arg10[%swap3A_991, %swap3A_992], %swap3A_995 {add = true, strides = array<i32>} : memref<256x128xf32, #tpu.memory_space<vmem>>, vector<1x16xf32>,
        %lt3A_996 = arith.constant 0 : i32
        %lt3A_997 = vector.broadcast %lt3A_996 : i32 to vector<16xi32>
        %lt3A_998 = arith.cmpi slt, %broadcast_in_dim3A_610, %lt3A_997 : vector<16xi32>
        %add3A_999 = arith.constant 16 : i32
        %add3A_1000 = vector.broadcast %add3A_999 : i32 to vector<16xi32>
        %add3A_1001 = arith.addi %broadcast_in_dim3A_610, %add3A_1000 : vector<16xi32>
        %select_n3A_1002 = arith.select %lt3A_998, %add3A_1001, %broadcast_in_dim3A_610 : vector<16xi1>, vector<16xi32>
        %broadcast_in_dim3A_1003 = vector.shape_cast %select_n3A_1002 : vector<16xi32> to vector<16x1xi32>
        %gather3A_1004 = vector.shape_cast %broadcast_in_dim3A_1003 : vector<16x1xi32> to vector<16xi32>
        %gather3A_1005 = tpu.dynamic_gather %convert_element_type3A_654[%gather3A_1004] in [0] : vector<16xf32>, vector<16xi32> -> vector<16xf32>
        %lt3A_1006 = arith.constant 0 : i32
        %lt3A_1007 = vector.broadcast %lt3A_1006 : i32 to vector<16xi32>
        %lt3A_1008 = arith.cmpi slt, %broadcast_in_dim3A_610, %lt3A_1007 : vector<16xi32>
        %add3A_1009 = arith.constant 16 : i32
        %add3A_1010 = vector.broadcast %add3A_1009 : i32 to vector<16xi32>
        %add3A_1011 = arith.addi %broadcast_in_dim3A_610, %add3A_1010 : vector<16xi32>
        %select_n3A_1012 = arith.select %lt3A_1008, %add3A_1011, %broadcast_in_dim3A_610 : vector<16xi1>, vector<16xi32>
        %broadcast_in_dim3A_1013 = vector.shape_cast %select_n3A_1012 : vector<16xi32> to vector<16x1xi32>
        %gather3A_1014 = vector.shape_cast %broadcast_in_dim3A_1013 : vector<16x1xi32> to vector<16xi32>
        %gather3A_1015 = tpu.dynamic_gather %convert_element_type3A_661[%gather3A_1014] in [0] : vector<16xf32>, vector<16xi32> -> vector<16xf32>
        %mul3A_1016 = arith.constant 16 : i32
        %mul3A_1017 = arith.muli %scan3A_645, %mul3A_1016 : i32
        %add3A_1018 = arith.constant 6 : i32
        %add3A_1019 = arith.addi %mul3A_1017, %add3A_1018 : i32
        %mul3A_1020 = arith.mulf %gather3A_1005, %get3A_575 : vector<16xf32>
        %mul3A_1021 = arith.mulf %gather3A_1015, %get3A_587 : vector<16xf32>
        %add3A_1022 = arith.addf %mul3A_1020, %mul3A_1021 : vector<16xf32>
        %swap3A_1023 = arith.index_cast %add3A_1019 : i32 to index
        %swap3A_1024 = arith.constant 0 : index
        %swap3A_1025 = tpu.vector_load %arg10[%swap3A_1023, %swap3A_1024] {strides = array<i32>} : memref<256x128xf32, #tpu.memory_space<vmem>>, vector<1x16xf32>,
        %swap3A_1026 = vector.shape_cast %swap3A_1025 : vector<1x16xf32> to vector<16xf32>
        %swap3A_1027 = vector.shape_cast %add3A_1022 : vector<16xf32> to vector<1x16xf32>
        tpu.vector_store %arg10[%swap3A_1023, %swap3A_1024], %swap3A_1027 {add = true, strides = array<i32>} : memref<256x128xf32, #tpu.memory_space<vmem>>, vector<1x16xf32>,
        %mul3A_1028 = arith.mulf %gather3A_1005, %get3A_578 : vector<16xf32>
        %mul3A_1029 = arith.mulf %gather3A_1015, %get3A_590 : vector<16xf32>
        %add3A_1030 = arith.addf %mul3A_1028, %mul3A_1029 : vector<16xf32>
        %swap3A_1031 = arith.index_cast %add3A_1019 : i32 to index
        %swap3A_1032 = arith.constant 16 : index
        %swap3A_1033 = tpu.vector_load %arg10[%swap3A_1031, %swap3A_1032] {strides = array<i32>} : memref<256x128xf32, #tpu.memory_space<vmem>>, vector<1x16xf32>,
        %swap3A_1034 = vector.shape_cast %swap3A_1033 : vector<1x16xf32> to vector<16xf32>
        %swap3A_1035 = vector.shape_cast %add3A_1030 : vector<16xf32> to vector<1x16xf32>
        tpu.vector_store %arg10[%swap3A_1031, %swap3A_1032], %swap3A_1035 {add = true, strides = array<i32>} : memref<256x128xf32, #tpu.memory_space<vmem>>, vector<1x16xf32>,
        %mul3A_1036 = arith.mulf %gather3A_1005, %get3A_581 : vector<16xf32>
        %mul3A_1037 = arith.mulf %gather3A_1015, %get3A_593 : vector<16xf32>
        %add3A_1038 = arith.addf %mul3A_1036, %mul3A_1037 : vector<16xf32>
        %swap3A_1039 = arith.index_cast %add3A_1019 : i32 to index
        %swap3A_1040 = arith.constant 32 : index
        %swap3A_1041 = tpu.vector_load %arg10[%swap3A_1039, %swap3A_1040] {strides = array<i32>} : memref<256x128xf32, #tpu.memory_space<vmem>>, vector<1x16xf32>,
        %swap3A_1042 = vector.shape_cast %swap3A_1041 : vector<1x16xf32> to vector<16xf32>
        %swap3A_1043 = vector.shape_cast %add3A_1038 : vector<16xf32> to vector<1x16xf32>
        tpu.vector_store %arg10[%swap3A_1039, %swap3A_1040], %swap3A_1043 {add = true, strides = array<i32>} : memref<256x128xf32, #tpu.memory_space<vmem>>, vector<1x16xf32>,
        %mul3A_1044 = arith.mulf %gather3A_1005, %get3A_584 : vector<16xf32>
        %mul3A_1045 = arith.mulf %gather3A_1015, %get3A_596 : vector<16xf32>
        %add3A_1046 = arith.addf %mul3A_1044, %mul3A_1045 : vector<16xf32>
        %swap3A_1047 = arith.index_cast %add3A_1019 : i32 to index
        %swap3A_1048 = arith.constant 48 : index
        %swap3A_1049 = tpu.vector_load %arg10[%swap3A_1047, %swap3A_1048] {strides = array<i32>} : memref<256x128xf32, #tpu.memory_space<vmem>>, vector<1x16xf32>,
        %swap3A_1050 = vector.shape_cast %swap3A_1049 : vector<1x16xf32> to vector<16xf32>
        %swap3A_1051 = vector.shape_cast %add3A_1046 : vector<16xf32> to vector<1x16xf32>
        tpu.vector_store %arg10[%swap3A_1047, %swap3A_1048], %swap3A_1051 {add = true, strides = array<i32>} : memref<256x128xf32, #tpu.memory_space<vmem>>, vector<1x16xf32>,
        %lt3A_1052 = arith.constant 0 : i32
        %lt3A_1053 = vector.broadcast %lt3A_1052 : i32 to vector<16xi32>
        %lt3A_1054 = arith.cmpi slt, %broadcast_in_dim3A_612, %lt3A_1053 : vector<16xi32>
        %add3A_1055 = arith.constant 16 : i32
        %add3A_1056 = vector.broadcast %add3A_1055 : i32 to vector<16xi32>
        %add3A_1057 = arith.addi %broadcast_in_dim3A_612, %add3A_1056 : vector<16xi32>
        %select_n3A_1058 = arith.select %lt3A_1054, %add3A_1057, %broadcast_in_dim3A_612 : vector<16xi1>, vector<16xi32>
        %broadcast_in_dim3A_1059 = vector.shape_cast %select_n3A_1058 : vector<16xi32> to vector<16x1xi32>
        %gather3A_1060 = vector.shape_cast %broadcast_in_dim3A_1059 : vector<16x1xi32> to vector<16xi32>
        %gather3A_1061 = tpu.dynamic_gather %convert_element_type3A_654[%gather3A_1060] in [0] : vector<16xf32>, vector<16xi32> -> vector<16xf32>
        %lt3A_1062 = arith.constant 0 : i32
        %lt3A_1063 = vector.broadcast %lt3A_1062 : i32 to vector<16xi32>
        %lt3A_1064 = arith.cmpi slt, %broadcast_in_dim3A_612, %lt3A_1063 : vector<16xi32>
        %add3A_1065 = arith.constant 16 : i32
        %add3A_1066 = vector.broadcast %add3A_1065 : i32 to vector<16xi32>
        %add3A_1067 = arith.addi %broadcast_in_dim3A_612, %add3A_1066 : vector<16xi32>
        %select_n3A_1068 = arith.select %lt3A_1064, %add3A_1067, %broadcast_in_dim3A_612 : vector<16xi1>, vector<16xi32>
        %broadcast_in_dim3A_1069 = vector.shape_cast %select_n3A_1068 : vector<16xi32> to vector<16x1xi32>
        %gather3A_1070 = vector.shape_cast %broadcast_in_dim3A_1069 : vector<16x1xi32> to vector<16xi32>
        %gather3A_1071 = tpu.dynamic_gather %convert_element_type3A_661[%gather3A_1070] in [0] : vector<16xf32>, vector<16xi32> -> vector<16xf32>
        %mul3A_1072 = arith.constant 16 : i32
        %mul3A_1073 = arith.muli %scan3A_645, %mul3A_1072 : i32
        %add3A_1074 = arith.constant 7 : i32
        %add3A_1075 = arith.addi %mul3A_1073, %add3A_1074 : i32
        %mul3A_1076 = arith.mulf %gather3A_1061, %get3A_575 : vector<16xf32>
        %mul3A_1077 = arith.mulf %gather3A_1071, %get3A_587 : vector<16xf32>
        %add3A_1078 = arith.addf %mul3A_1076, %mul3A_1077 : vector<16xf32>
        %swap3A_1079 = arith.index_cast %add3A_1075 : i32 to index
        %swap3A_1080 = arith.constant 0 : index
        %swap3A_1081 = tpu.vector_load %arg10[%swap3A_1079, %swap3A_1080] {strides = array<i32>} : memref<256x128xf32, #tpu.memory_space<vmem>>, vector<1x16xf32>,
        %swap3A_1082 = vector.shape_cast %swap3A_1081 : vector<1x16xf32> to vector<16xf32>
        %swap3A_1083 = vector.shape_cast %add3A_1078 : vector<16xf32> to vector<1x16xf32>
        tpu.vector_store %arg10[%swap3A_1079, %swap3A_1080], %swap3A_1083 {add = true, strides = array<i32>} : memref<256x128xf32, #tpu.memory_space<vmem>>, vector<1x16xf32>,
        %mul3A_1084 = arith.mulf %gather3A_1061, %get3A_578 : vector<16xf32>
        %mul3A_1085 = arith.mulf %gather3A_1071, %get3A_590 : vector<16xf32>
        %add3A_1086 = arith.addf %mul3A_1084, %mul3A_1085 : vector<16xf32>
        %swap3A_1087 = arith.index_cast %add3A_1075 : i32 to index
        %swap3A_1088 = arith.constant 16 : index
        %swap3A_1089 = tpu.vector_load %arg10[%swap3A_1087, %swap3A_1088] {strides = array<i32>} : memref<256x128xf32, #tpu.memory_space<vmem>>, vector<1x16xf32>,
        %swap3A_1090 = vector.shape_cast %swap3A_1089 : vector<1x16xf32> to vector<16xf32>
        %swap3A_1091 = vector.shape_cast %add3A_1086 : vector<16xf32> to vector<1x16xf32>
        tpu.vector_store %arg10[%swap3A_1087, %swap3A_1088], %swap3A_1091 {add = true, strides = array<i32>} : memref<256x128xf32, #tpu.memory_space<vmem>>, vector<1x16xf32>,
        %mul3A_1092 = arith.mulf %gather3A_1061, %get3A_581 : vector<16xf32>
        %mul3A_1093 = arith.mulf %gather3A_1071, %get3A_593 : vector<16xf32>
        %add3A_1094 = arith.addf %mul3A_1092, %mul3A_1093 : vector<16xf32>
        %swap3A_1095 = arith.index_cast %add3A_1075 : i32 to index
        %swap3A_1096 = arith.constant 32 : index
        %swap3A_1097 = tpu.vector_load %arg10[%swap3A_1095, %swap3A_1096] {strides = array<i32>} : memref<256x128xf32, #tpu.memory_space<vmem>>, vector<1x16xf32>,
        %swap3A_1098 = vector.shape_cast %swap3A_1097 : vector<1x16xf32> to vector<16xf32>
        %swap3A_1099 = vector.shape_cast %add3A_1094 : vector<16xf32> to vector<1x16xf32>
        tpu.vector_store %arg10[%swap3A_1095, %swap3A_1096], %swap3A_1099 {add = true, strides = array<i32>} : memref<256x128xf32, #tpu.memory_space<vmem>>, vector<1x16xf32>,
        %mul3A_1100 = arith.mulf %gather3A_1061, %get3A_584 : vector<16xf32>
        %mul3A_1101 = arith.mulf %gather3A_1071, %get3A_596 : vector<16xf32>
        %add3A_1102 = arith.addf %mul3A_1100, %mul3A_1101 : vector<16xf32>
        %swap3A_1103 = arith.index_cast %add3A_1075 : i32 to index
        %swap3A_1104 = arith.constant 48 : index
        %swap3A_1105 = tpu.vector_load %arg10[%swap3A_1103, %swap3A_1104] {strides = array<i32>} : memref<256x128xf32, #tpu.memory_space<vmem>>, vector<1x16xf32>,
        %swap3A_1106 = vector.shape_cast %swap3A_1105 : vector<1x16xf32> to vector<16xf32>
        %swap3A_1107 = vector.shape_cast %add3A_1102 : vector<16xf32> to vector<1x16xf32>
        tpu.vector_store %arg10[%swap3A_1103, %swap3A_1104], %swap3A_1107 {add = true, strides = array<i32>} : memref<256x128xf32, #tpu.memory_space<vmem>>, vector<1x16xf32>,
        %lt3A_1108 = arith.constant 0 : i32
        %lt3A_1109 = vector.broadcast %lt3A_1108 : i32 to vector<16xi32>
        %lt3A_1110 = arith.cmpi slt, %broadcast_in_dim3A_614, %lt3A_1109 : vector<16xi32>
        %add3A_1111 = arith.constant 16 : i32
        %add3A_1112 = vector.broadcast %add3A_1111 : i32 to vector<16xi32>
        %add3A_1113 = arith.addi %broadcast_in_dim3A_614, %add3A_1112 : vector<16xi32>
        %select_n3A_1114 = arith.select %lt3A_1110, %add3A_1113, %broadcast_in_dim3A_614 : vector<16xi1>, vector<16xi32>
        %broadcast_in_dim3A_1115 = vector.shape_cast %select_n3A_1114 : vector<16xi32> to vector<16x1xi32>
        %gather3A_1116 = vector.shape_cast %broadcast_in_dim3A_1115 : vector<16x1xi32> to vector<16xi32>
        %gather3A_1117 = tpu.dynamic_gather %convert_element_type3A_654[%gather3A_1116] in [0] : vector<16xf32>, vector<16xi32> -> vector<16xf32>
        %lt3A_1118 = arith.constant 0 : i32
        %lt3A_1119 = vector.broadcast %lt3A_1118 : i32 to vector<16xi32>
        %lt3A_1120 = arith.cmpi slt, %broadcast_in_dim3A_614, %lt3A_1119 : vector<16xi32>
        %add3A_1121 = arith.constant 16 : i32
        %add3A_1122 = vector.broadcast %add3A_1121 : i32 to vector<16xi32>
        %add3A_1123 = arith.addi %broadcast_in_dim3A_614, %add3A_1122 : vector<16xi32>
        %select_n3A_1124 = arith.select %lt3A_1120, %add3A_1123, %broadcast_in_dim3A_614 : vector<16xi1>, vector<16xi32>
        %broadcast_in_dim3A_1125 = vector.shape_cast %select_n3A_1124 : vector<16xi32> to vector<16x1xi32>
        %gather3A_1126 = vector.shape_cast %broadcast_in_dim3A_1125 : vector<16x1xi32> to vector<16xi32>
        %gather3A_1127 = tpu.dynamic_gather %convert_element_type3A_661[%gather3A_1126] in [0] : vector<16xf32>, vector<16xi32> -> vector<16xf32>
        %mul3A_1128 = arith.constant 16 : i32
        %mul3A_1129 = arith.muli %scan3A_645, %mul3A_1128 : i32
        %add3A_1130 = arith.constant 8 : i32
        %add3A_1131 = arith.addi %mul3A_1129, %add3A_1130 : i32
        %mul3A_1132 = arith.mulf %gather3A_1117, %get3A_575 : vector<16xf32>
        %mul3A_1133 = arith.mulf %gather3A_1127, %get3A_587 : vector<16xf32>
        %add3A_1134 = arith.addf %mul3A_1132, %mul3A_1133 : vector<16xf32>
        %swap3A_1135 = arith.index_cast %add3A_1131 : i32 to index
        %swap3A_1136 = arith.constant 0 : index
        %swap3A_1137 = tpu.vector_load %arg10[%swap3A_1135, %swap3A_1136] {strides = array<i32>} : memref<256x128xf32, #tpu.memory_space<vmem>>, vector<1x16xf32>,
        %swap3A_1138 = vector.shape_cast %swap3A_1137 : vector<1x16xf32> to vector<16xf32>
        %swap3A_1139 = vector.shape_cast %add3A_1134 : vector<16xf32> to vector<1x16xf32>
        tpu.vector_store %arg10[%swap3A_1135, %swap3A_1136], %swap3A_1139 {add = true, strides = array<i32>} : memref<256x128xf32, #tpu.memory_space<vmem>>, vector<1x16xf32>,
        %mul3A_1140 = arith.mulf %gather3A_1117, %get3A_578 : vector<16xf32>
        %mul3A_1141 = arith.mulf %gather3A_1127, %get3A_590 : vector<16xf32>
        %add3A_1142 = arith.addf %mul3A_1140, %mul3A_1141 : vector<16xf32>
        %swap3A_1143 = arith.index_cast %add3A_1131 : i32 to index
        %swap3A_1144 = arith.constant 16 : index
        %swap3A_1145 = tpu.vector_load %arg10[%swap3A_1143, %swap3A_1144] {strides = array<i32>} : memref<256x128xf32, #tpu.memory_space<vmem>>, vector<1x16xf32>,
        %swap3A_1146 = vector.shape_cast %swap3A_1145 : vector<1x16xf32> to vector<16xf32>
        %swap3A_1147 = vector.shape_cast %add3A_1142 : vector<16xf32> to vector<1x16xf32>
        tpu.vector_store %arg10[%swap3A_1143, %swap3A_1144], %swap3A_1147 {add = true, strides = array<i32>} : memref<256x128xf32, #tpu.memory_space<vmem>>, vector<1x16xf32>,
        %mul3A_1148 = arith.mulf %gather3A_1117, %get3A_581 : vector<16xf32>
        %mul3A_1149 = arith.mulf %gather3A_1127, %get3A_593 : vector<16xf32>
        %add3A_1150 = arith.addf %mul3A_1148, %mul3A_1149 : vector<16xf32>
        %swap3A_1151 = arith.index_cast %add3A_1131 : i32 to index
        %swap3A_1152 = arith.constant 32 : index
        %swap3A_1153 = tpu.vector_load %arg10[%swap3A_1151, %swap3A_1152] {strides = array<i32>} : memref<256x128xf32, #tpu.memory_space<vmem>>, vector<1x16xf32>,
        %swap3A_1154 = vector.shape_cast %swap3A_1153 : vector<1x16xf32> to vector<16xf32>
        %swap3A_1155 = vector.shape_cast %add3A_1150 : vector<16xf32> to vector<1x16xf32>
        tpu.vector_store %arg10[%swap3A_1151, %swap3A_1152], %swap3A_1155 {add = true, strides = array<i32>} : memref<256x128xf32, #tpu.memory_space<vmem>>, vector<1x16xf32>,
        %mul3A_1156 = arith.mulf %gather3A_1117, %get3A_584 : vector<16xf32>
        %mul3A_1157 = arith.mulf %gather3A_1127, %get3A_596 : vector<16xf32>
        %add3A_1158 = arith.addf %mul3A_1156, %mul3A_1157 : vector<16xf32>
        %swap3A_1159 = arith.index_cast %add3A_1131 : i32 to index
        %swap3A_1160 = arith.constant 48 : index
        %swap3A_1161 = tpu.vector_load %arg10[%swap3A_1159, %swap3A_1160] {strides = array<i32>} : memref<256x128xf32, #tpu.memory_space<vmem>>, vector<1x16xf32>,
        %swap3A_1162 = vector.shape_cast %swap3A_1161 : vector<1x16xf32> to vector<16xf32>
        %swap3A_1163 = vector.shape_cast %add3A_1158 : vector<16xf32> to vector<1x16xf32>
        tpu.vector_store %arg10[%swap3A_1159, %swap3A_1160], %swap3A_1163 {add = true, strides = array<i32>} : memref<256x128xf32, #tpu.memory_space<vmem>>, vector<1x16xf32>,
        %lt3A_1164 = arith.constant 0 : i32
        %lt3A_1165 = vector.broadcast %lt3A_1164 : i32 to vector<16xi32>
        %lt3A_1166 = arith.cmpi slt, %broadcast_in_dim3A_616, %lt3A_1165 : vector<16xi32>
        %add3A_1167 = arith.constant 16 : i32
        %add3A_1168 = vector.broadcast %add3A_1167 : i32 to vector<16xi32>
        %add3A_1169 = arith.addi %broadcast_in_dim3A_616, %add3A_1168 : vector<16xi32>
        %select_n3A_1170 = arith.select %lt3A_1166, %add3A_1169, %broadcast_in_dim3A_616 : vector<16xi1>, vector<16xi32>
        %broadcast_in_dim3A_1171 = vector.shape_cast %select_n3A_1170 : vector<16xi32> to vector<16x1xi32>
        %gather3A_1172 = vector.shape_cast %broadcast_in_dim3A_1171 : vector<16x1xi32> to vector<16xi32>
        %gather3A_1173 = tpu.dynamic_gather %convert_element_type3A_654[%gather3A_1172] in [0] : vector<16xf32>, vector<16xi32> -> vector<16xf32>
        %lt3A_1174 = arith.constant 0 : i32
        %lt3A_1175 = vector.broadcast %lt3A_1174 : i32 to vector<16xi32>
        %lt3A_1176 = arith.cmpi slt, %broadcast_in_dim3A_616, %lt3A_1175 : vector<16xi32>
        %add3A_1177 = arith.constant 16 : i32
        %add3A_1178 = vector.broadcast %add3A_1177 : i32 to vector<16xi32>
        %add3A_1179 = arith.addi %broadcast_in_dim3A_616, %add3A_1178 : vector<16xi32>
        %select_n3A_1180 = arith.select %lt3A_1176, %add3A_1179, %broadcast_in_dim3A_616 : vector<16xi1>, vector<16xi32>
        %broadcast_in_dim3A_1181 = vector.shape_cast %select_n3A_1180 : vector<16xi32> to vector<16x1xi32>
        %gather3A_1182 = vector.shape_cast %broadcast_in_dim3A_1181 : vector<16x1xi32> to vector<16xi32>
        %gather3A_1183 = tpu.dynamic_gather %convert_element_type3A_661[%gather3A_1182] in [0] : vector<16xf32>, vector<16xi32> -> vector<16xf32>
        %mul3A_1184 = arith.constant 16 : i32
        %mul3A_1185 = arith.muli %scan3A_645, %mul3A_1184 : i32
        %add3A_1186 = arith.constant 9 : i32
        %add3A_1187 = arith.addi %mul3A_1185, %add3A_1186 : i32
        %mul3A_1188 = arith.mulf %gather3A_1173, %get3A_575 : vector<16xf32>
        %mul3A_1189 = arith.mulf %gather3A_1183, %get3A_587 : vector<16xf32>
        %add3A_1190 = arith.addf %mul3A_1188, %mul3A_1189 : vector<16xf32>
        %swap3A_1191 = arith.index_cast %add3A_1187 : i32 to index
        %swap3A_1192 = arith.constant 0 : index
        %swap3A_1193 = tpu.vector_load %arg10[%swap3A_1191, %swap3A_1192] {strides = array<i32>} : memref<256x128xf32, #tpu.memory_space<vmem>>, vector<1x16xf32>,
        %swap3A_1194 = vector.shape_cast %swap3A_1193 : vector<1x16xf32> to vector<16xf32>
        %swap3A_1195 = vector.shape_cast %add3A_1190 : vector<16xf32> to vector<1x16xf32>
        tpu.vector_store %arg10[%swap3A_1191, %swap3A_1192], %swap3A_1195 {add = true, strides = array<i32>} : memref<256x128xf32, #tpu.memory_space<vmem>>, vector<1x16xf32>,
        %mul3A_1196 = arith.mulf %gather3A_1173, %get3A_578 : vector<16xf32>
        %mul3A_1197 = arith.mulf %gather3A_1183, %get3A_590 : vector<16xf32>
        %add3A_1198 = arith.addf %mul3A_1196, %mul3A_1197 : vector<16xf32>
        %swap3A_1199 = arith.index_cast %add3A_1187 : i32 to index
        %swap3A_1200 = arith.constant 16 : index
        %swap3A_1201 = tpu.vector_load %arg10[%swap3A_1199, %swap3A_1200] {strides = array<i32>} : memref<256x128xf32, #tpu.memory_space<vmem>>, vector<1x16xf32>,
        %swap3A_1202 = vector.shape_cast %swap3A_1201 : vector<1x16xf32> to vector<16xf32>
        %swap3A_1203 = vector.shape_cast %add3A_1198 : vector<16xf32> to vector<1x16xf32>
        tpu.vector_store %arg10[%swap3A_1199, %swap3A_1200], %swap3A_1203 {add = true, strides = array<i32>} : memref<256x128xf32, #tpu.memory_space<vmem>>, vector<1x16xf32>,
        %mul3A_1204 = arith.mulf %gather3A_1173, %get3A_581 : vector<16xf32>
        %mul3A_1205 = arith.mulf %gather3A_1183, %get3A_593 : vector<16xf32>
        %add3A_1206 = arith.addf %mul3A_1204, %mul3A_1205 : vector<16xf32>
        %swap3A_1207 = arith.index_cast %add3A_1187 : i32 to index
        %swap3A_1208 = arith.constant 32 : index
        %swap3A_1209 = tpu.vector_load %arg10[%swap3A_1207, %swap3A_1208] {strides = array<i32>} : memref<256x128xf32, #tpu.memory_space<vmem>>, vector<1x16xf32>,
        %swap3A_1210 = vector.shape_cast %swap3A_1209 : vector<1x16xf32> to vector<16xf32>
        %swap3A_1211 = vector.shape_cast %add3A_1206 : vector<16xf32> to vector<1x16xf32>
        tpu.vector_store %arg10[%swap3A_1207, %swap3A_1208], %swap3A_1211 {add = true, strides = array<i32>} : memref<256x128xf32, #tpu.memory_space<vmem>>, vector<1x16xf32>,
        %mul3A_1212 = arith.mulf %gather3A_1173, %get3A_584 : vector<16xf32>
        %mul3A_1213 = arith.mulf %gather3A_1183, %get3A_596 : vector<16xf32>
        %add3A_1214 = arith.addf %mul3A_1212, %mul3A_1213 : vector<16xf32>
        %swap3A_1215 = arith.index_cast %add3A_1187 : i32 to index
        %swap3A_1216 = arith.constant 48 : index
        %swap3A_1217 = tpu.vector_load %arg10[%swap3A_1215, %swap3A_1216] {strides = array<i32>} : memref<256x128xf32, #tpu.memory_space<vmem>>, vector<1x16xf32>,
        %swap3A_1218 = vector.shape_cast %swap3A_1217 : vector<1x16xf32> to vector<16xf32>
        %swap3A_1219 = vector.shape_cast %add3A_1214 : vector<16xf32> to vector<1x16xf32>
        tpu.vector_store %arg10[%swap3A_1215, %swap3A_1216], %swap3A_1219 {add = true, strides = array<i32>} : memref<256x128xf32, #tpu.memory_space<vmem>>, vector<1x16xf32>,
        %lt3A_1220 = arith.constant 0 : i32
        %lt3A_1221 = vector.broadcast %lt3A_1220 : i32 to vector<16xi32>
        %lt3A_1222 = arith.cmpi slt, %broadcast_in_dim3A_618, %lt3A_1221 : vector<16xi32>
        %add3A_1223 = arith.constant 16 : i32
        %add3A_1224 = vector.broadcast %add3A_1223 : i32 to vector<16xi32>
        %add3A_1225 = arith.addi %broadcast_in_dim3A_618, %add3A_1224 : vector<16xi32>
        %select_n3A_1226 = arith.select %lt3A_1222, %add3A_1225, %broadcast_in_dim3A_618 : vector<16xi1>, vector<16xi32>
        %broadcast_in_dim3A_1227 = vector.shape_cast %select_n3A_1226 : vector<16xi32> to vector<16x1xi32>
        %gather3A_1228 = vector.shape_cast %broadcast_in_dim3A_1227 : vector<16x1xi32> to vector<16xi32>
        %gather3A_1229 = tpu.dynamic_gather %convert_element_type3A_654[%gather3A_1228] in [0] : vector<16xf32>, vector<16xi32> -> vector<16xf32>
        %lt3A_1230 = arith.constant 0 : i32
        %lt3A_1231 = vector.broadcast %lt3A_1230 : i32 to vector<16xi32>
        %lt3A_1232 = arith.cmpi slt, %broadcast_in_dim3A_618, %lt3A_1231 : vector<16xi32>
        %add3A_1233 = arith.constant 16 : i32
        %add3A_1234 = vector.broadcast %add3A_1233 : i32 to vector<16xi32>
        %add3A_1235 = arith.addi %broadcast_in_dim3A_618, %add3A_1234 : vector<16xi32>
        %select_n3A_1236 = arith.select %lt3A_1232, %add3A_1235, %broadcast_in_dim3A_618 : vector<16xi1>, vector<16xi32>
        %broadcast_in_dim3A_1237 = vector.shape_cast %select_n3A_1236 : vector<16xi32> to vector<16x1xi32>
        %gather3A_1238 = vector.shape_cast %broadcast_in_dim3A_1237 : vector<16x1xi32> to vector<16xi32>
        %gather3A_1239 = tpu.dynamic_gather %convert_element_type3A_661[%gather3A_1238] in [0] : vector<16xf32>, vector<16xi32> -> vector<16xf32>
        %mul3A_1240 = arith.constant 16 : i32
        %mul3A_1241 = arith.muli %scan3A_645, %mul3A_1240 : i32
        %add3A_1242 = arith.constant 10 : i32
        %add3A_1243 = arith.addi %mul3A_1241, %add3A_1242 : i32
        %mul3A_1244 = arith.mulf %gather3A_1229, %get3A_575 : vector<16xf32>
        %mul3A_1245 = arith.mulf %gather3A_1239, %get3A_587 : vector<16xf32>
        %add3A_1246 = arith.addf %mul3A_1244, %mul3A_1245 : vector<16xf32>
        %swap3A_1247 = arith.index_cast %add3A_1243 : i32 to index
        %swap3A_1248 = arith.constant 0 : index
        %swap3A_1249 = tpu.vector_load %arg10[%swap3A_1247, %swap3A_1248] {strides = array<i32>} : memref<256x128xf32, #tpu.memory_space<vmem>>, vector<1x16xf32>,
        %swap3A_1250 = vector.shape_cast %swap3A_1249 : vector<1x16xf32> to vector<16xf32>
        %swap3A_1251 = vector.shape_cast %add3A_1246 : vector<16xf32> to vector<1x16xf32>
        tpu.vector_store %arg10[%swap3A_1247, %swap3A_1248], %swap3A_1251 {add = true, strides = array<i32>} : memref<256x128xf32, #tpu.memory_space<vmem>>, vector<1x16xf32>,
        %mul3A_1252 = arith.mulf %gather3A_1229, %get3A_578 : vector<16xf32>
        %mul3A_1253 = arith.mulf %gather3A_1239, %get3A_590 : vector<16xf32>
        %add3A_1254 = arith.addf %mul3A_1252, %mul3A_1253 : vector<16xf32>
        %swap3A_1255 = arith.index_cast %add3A_1243 : i32 to index
        %swap3A_1256 = arith.constant 16 : index
        %swap3A_1257 = tpu.vector_load %arg10[%swap3A_1255, %swap3A_1256] {strides = array<i32>} : memref<256x128xf32, #tpu.memory_space<vmem>>, vector<1x16xf32>,
        %swap3A_1258 = vector.shape_cast %swap3A_1257 : vector<1x16xf32> to vector<16xf32>
        %swap3A_1259 = vector.shape_cast %add3A_1254 : vector<16xf32> to vector<1x16xf32>
        tpu.vector_store %arg10[%swap3A_1255, %swap3A_1256], %swap3A_1259 {add = true, strides = array<i32>} : memref<256x128xf32, #tpu.memory_space<vmem>>, vector<1x16xf32>,
        %mul3A_1260 = arith.mulf %gather3A_1229, %get3A_581 : vector<16xf32>
        %mul3A_1261 = arith.mulf %gather3A_1239, %get3A_593 : vector<16xf32>
        %add3A_1262 = arith.addf %mul3A_1260, %mul3A_1261 : vector<16xf32>
        %swap3A_1263 = arith.index_cast %add3A_1243 : i32 to index
        %swap3A_1264 = arith.constant 32 : index
        %swap3A_1265 = tpu.vector_load %arg10[%swap3A_1263, %swap3A_1264] {strides = array<i32>} : memref<256x128xf32, #tpu.memory_space<vmem>>, vector<1x16xf32>,
        %swap3A_1266 = vector.shape_cast %swap3A_1265 : vector<1x16xf32> to vector<16xf32>
        %swap3A_1267 = vector.shape_cast %add3A_1262 : vector<16xf32> to vector<1x16xf32>
        tpu.vector_store %arg10[%swap3A_1263, %swap3A_1264], %swap3A_1267 {add = true, strides = array<i32>} : memref<256x128xf32, #tpu.memory_space<vmem>>, vector<1x16xf32>,
        %mul3A_1268 = arith.mulf %gather3A_1229, %get3A_584 : vector<16xf32>
        %mul3A_1269 = arith.mulf %gather3A_1239, %get3A_596 : vector<16xf32>
        %add3A_1270 = arith.addf %mul3A_1268, %mul3A_1269 : vector<16xf32>
        %swap3A_1271 = arith.index_cast %add3A_1243 : i32 to index
        %swap3A_1272 = arith.constant 48 : index
        %swap3A_1273 = tpu.vector_load %arg10[%swap3A_1271, %swap3A_1272] {strides = array<i32>} : memref<256x128xf32, #tpu.memory_space<vmem>>, vector<1x16xf32>,
        %swap3A_1274 = vector.shape_cast %swap3A_1273 : vector<1x16xf32> to vector<16xf32>
        %swap3A_1275 = vector.shape_cast %add3A_1270 : vector<16xf32> to vector<1x16xf32>
        tpu.vector_store %arg10[%swap3A_1271, %swap3A_1272], %swap3A_1275 {add = true, strides = array<i32>} : memref<256x128xf32, #tpu.memory_space<vmem>>, vector<1x16xf32>,
        %lt3A_1276 = arith.constant 0 : i32
        %lt3A_1277 = vector.broadcast %lt3A_1276 : i32 to vector<16xi32>
        %lt3A_1278 = arith.cmpi slt, %broadcast_in_dim3A_620, %lt3A_1277 : vector<16xi32>
        %add3A_1279 = arith.constant 16 : i32
        %add3A_1280 = vector.broadcast %add3A_1279 : i32 to vector<16xi32>
        %add3A_1281 = arith.addi %broadcast_in_dim3A_620, %add3A_1280 : vector<16xi32>
        %select_n3A_1282 = arith.select %lt3A_1278, %add3A_1281, %broadcast_in_dim3A_620 : vector<16xi1>, vector<16xi32>
        %broadcast_in_dim3A_1283 = vector.shape_cast %select_n3A_1282 : vector<16xi32> to vector<16x1xi32>
        %gather3A_1284 = vector.shape_cast %broadcast_in_dim3A_1283 : vector<16x1xi32> to vector<16xi32>
        %gather3A_1285 = tpu.dynamic_gather %convert_element_type3A_654[%gather3A_1284] in [0] : vector<16xf32>, vector<16xi32> -> vector<16xf32>
        %lt3A_1286 = arith.constant 0 : i32
        %lt3A_1287 = vector.broadcast %lt3A_1286 : i32 to vector<16xi32>
        %lt3A_1288 = arith.cmpi slt, %broadcast_in_dim3A_620, %lt3A_1287 : vector<16xi32>
        %add3A_1289 = arith.constant 16 : i32
        %add3A_1290 = vector.broadcast %add3A_1289 : i32 to vector<16xi32>
        %add3A_1291 = arith.addi %broadcast_in_dim3A_620, %add3A_1290 : vector<16xi32>
        %select_n3A_1292 = arith.select %lt3A_1288, %add3A_1291, %broadcast_in_dim3A_620 : vector<16xi1>, vector<16xi32>
        %broadcast_in_dim3A_1293 = vector.shape_cast %select_n3A_1292 : vector<16xi32> to vector<16x1xi32>
        %gather3A_1294 = vector.shape_cast %broadcast_in_dim3A_1293 : vector<16x1xi32> to vector<16xi32>
        %gather3A_1295 = tpu.dynamic_gather %convert_element_type3A_661[%gather3A_1294] in [0] : vector<16xf32>, vector<16xi32> -> vector<16xf32>
        %mul3A_1296 = arith.constant 16 : i32
        %mul3A_1297 = arith.muli %scan3A_645, %mul3A_1296 : i32
        %add3A_1298 = arith.constant 11 : i32
        %add3A_1299 = arith.addi %mul3A_1297, %add3A_1298 : i32
        %mul3A_1300 = arith.mulf %gather3A_1285, %get3A_575 : vector<16xf32>
        %mul3A_1301 = arith.mulf %gather3A_1295, %get3A_587 : vector<16xf32>
        %add3A_1302 = arith.addf %mul3A_1300, %mul3A_1301 : vector<16xf32>
        %swap3A_1303 = arith.index_cast %add3A_1299 : i32 to index
        %swap3A_1304 = arith.constant 0 : index
        %swap3A_1305 = tpu.vector_load %arg10[%swap3A_1303, %swap3A_1304] {strides = array<i32>} : memref<256x128xf32, #tpu.memory_space<vmem>>, vector<1x16xf32>,
        %swap3A_1306 = vector.shape_cast %swap3A_1305 : vector<1x16xf32> to vector<16xf32>
        %swap3A_1307 = vector.shape_cast %add3A_1302 : vector<16xf32> to vector<1x16xf32>
        tpu.vector_store %arg10[%swap3A_1303, %swap3A_1304], %swap3A_1307 {add = true, strides = array<i32>} : memref<256x128xf32, #tpu.memory_space<vmem>>, vector<1x16xf32>,
        %mul3A_1308 = arith.mulf %gather3A_1285, %get3A_578 : vector<16xf32>
        %mul3A_1309 = arith.mulf %gather3A_1295, %get3A_590 : vector<16xf32>
        %add3A_1310 = arith.addf %mul3A_1308, %mul3A_1309 : vector<16xf32>
        %swap3A_1311 = arith.index_cast %add3A_1299 : i32 to index
        %swap3A_1312 = arith.constant 16 : index
        %swap3A_1313 = tpu.vector_load %arg10[%swap3A_1311, %swap3A_1312] {strides = array<i32>} : memref<256x128xf32, #tpu.memory_space<vmem>>, vector<1x16xf32>,
        %swap3A_1314 = vector.shape_cast %swap3A_1313 : vector<1x16xf32> to vector<16xf32>
        %swap3A_1315 = vector.shape_cast %add3A_1310 : vector<16xf32> to vector<1x16xf32>
        tpu.vector_store %arg10[%swap3A_1311, %swap3A_1312], %swap3A_1315 {add = true, strides = array<i32>} : memref<256x128xf32, #tpu.memory_space<vmem>>, vector<1x16xf32>,
        %mul3A_1316 = arith.mulf %gather3A_1285, %get3A_581 : vector<16xf32>
        %mul3A_1317 = arith.mulf %gather3A_1295, %get3A_593 : vector<16xf32>
        %add3A_1318 = arith.addf %mul3A_1316, %mul3A_1317 : vector<16xf32>
        %swap3A_1319 = arith.index_cast %add3A_1299 : i32 to index
        %swap3A_1320 = arith.constant 32 : index
        %swap3A_1321 = tpu.vector_load %arg10[%swap3A_1319, %swap3A_1320] {strides = array<i32>} : memref<256x128xf32, #tpu.memory_space<vmem>>, vector<1x16xf32>,
        %swap3A_1322 = vector.shape_cast %swap3A_1321 : vector<1x16xf32> to vector<16xf32>
        %swap3A_1323 = vector.shape_cast %add3A_1318 : vector<16xf32> to vector<1x16xf32>
        tpu.vector_store %arg10[%swap3A_1319, %swap3A_1320], %swap3A_1323 {add = true, strides = array<i32>} : memref<256x128xf32, #tpu.memory_space<vmem>>, vector<1x16xf32>,
        %mul3A_1324 = arith.mulf %gather3A_1285, %get3A_584 : vector<16xf32>
        %mul3A_1325 = arith.mulf %gather3A_1295, %get3A_596 : vector<16xf32>
        %add3A_1326 = arith.addf %mul3A_1324, %mul3A_1325 : vector<16xf32>
        %swap3A_1327 = arith.index_cast %add3A_1299 : i32 to index
        %swap3A_1328 = arith.constant 48 : index
        %swap3A_1329 = tpu.vector_load %arg10[%swap3A_1327, %swap3A_1328] {strides = array<i32>} : memref<256x128xf32, #tpu.memory_space<vmem>>, vector<1x16xf32>,
        %swap3A_1330 = vector.shape_cast %swap3A_1329 : vector<1x16xf32> to vector<16xf32>
        %swap3A_1331 = vector.shape_cast %add3A_1326 : vector<16xf32> to vector<1x16xf32>
        tpu.vector_store %arg10[%swap3A_1327, %swap3A_1328], %swap3A_1331 {add = true, strides = array<i32>} : memref<256x128xf32, #tpu.memory_space<vmem>>, vector<1x16xf32>,
        %lt3A_1332 = arith.constant 0 : i32
        %lt3A_1333 = vector.broadcast %lt3A_1332 : i32 to vector<16xi32>
        %lt3A_1334 = arith.cmpi slt, %broadcast_in_dim3A_622, %lt3A_1333 : vector<16xi32>
        %add3A_1335 = arith.constant 16 : i32
        %add3A_1336 = vector.broadcast %add3A_1335 : i32 to vector<16xi32>
        %add3A_1337 = arith.addi %broadcast_in_dim3A_622, %add3A_1336 : vector<16xi32>
        %select_n3A_1338 = arith.select %lt3A_1334, %add3A_1337, %broadcast_in_dim3A_622 : vector<16xi1>, vector<16xi32>
        %broadcast_in_dim3A_1339 = vector.shape_cast %select_n3A_1338 : vector<16xi32> to vector<16x1xi32>
        %gather3A_1340 = vector.shape_cast %broadcast_in_dim3A_1339 : vector<16x1xi32> to vector<16xi32>
        %gather3A_1341 = tpu.dynamic_gather %convert_element_type3A_654[%gather3A_1340] in [0] : vector<16xf32>, vector<16xi32> -> vector<16xf32>
        %lt3A_1342 = arith.constant 0 : i32
        %lt3A_1343 = vector.broadcast %lt3A_1342 : i32 to vector<16xi32>
        %lt3A_1344 = arith.cmpi slt, %broadcast_in_dim3A_622, %lt3A_1343 : vector<16xi32>
        %add3A_1345 = arith.constant 16 : i32
        %add3A_1346 = vector.broadcast %add3A_1345 : i32 to vector<16xi32>
        %add3A_1347 = arith.addi %broadcast_in_dim3A_622, %add3A_1346 : vector<16xi32>
        %select_n3A_1348 = arith.select %lt3A_1344, %add3A_1347, %broadcast_in_dim3A_622 : vector<16xi1>, vector<16xi32>
        %broadcast_in_dim3A_1349 = vector.shape_cast %select_n3A_1348 : vector<16xi32> to vector<16x1xi32>
        %gather3A_1350 = vector.shape_cast %broadcast_in_dim3A_1349 : vector<16x1xi32> to vector<16xi32>
        %gather3A_1351 = tpu.dynamic_gather %convert_element_type3A_661[%gather3A_1350] in [0] : vector<16xf32>, vector<16xi32> -> vector<16xf32>
        %mul3A_1352 = arith.constant 16 : i32
        %mul3A_1353 = arith.muli %scan3A_645, %mul3A_1352 : i32
        %add3A_1354 = arith.constant 12 : i32
        %add3A_1355 = arith.addi %mul3A_1353, %add3A_1354 : i32
        %mul3A_1356 = arith.mulf %gather3A_1341, %get3A_575 : vector<16xf32>
        %mul3A_1357 = arith.mulf %gather3A_1351, %get3A_587 : vector<16xf32>
        %add3A_1358 = arith.addf %mul3A_1356, %mul3A_1357 : vector<16xf32>
        %swap3A_1359 = arith.index_cast %add3A_1355 : i32 to index
        %swap3A_1360 = arith.constant 0 : index
        %swap3A_1361 = tpu.vector_load %arg10[%swap3A_1359, %swap3A_1360] {strides = array<i32>} : memref<256x128xf32, #tpu.memory_space<vmem>>, vector<1x16xf32>,
        %swap3A_1362 = vector.shape_cast %swap3A_1361 : vector<1x16xf32> to vector<16xf32>
        %swap3A_1363 = vector.shape_cast %add3A_1358 : vector<16xf32> to vector<1x16xf32>
        tpu.vector_store %arg10[%swap3A_1359, %swap3A_1360], %swap3A_1363 {add = true, strides = array<i32>} : memref<256x128xf32, #tpu.memory_space<vmem>>, vector<1x16xf32>,
        %mul3A_1364 = arith.mulf %gather3A_1341, %get3A_578 : vector<16xf32>
        %mul3A_1365 = arith.mulf %gather3A_1351, %get3A_590 : vector<16xf32>
        %add3A_1366 = arith.addf %mul3A_1364, %mul3A_1365 : vector<16xf32>
        %swap3A_1367 = arith.index_cast %add3A_1355 : i32 to index
        %swap3A_1368 = arith.constant 16 : index
        %swap3A_1369 = tpu.vector_load %arg10[%swap3A_1367, %swap3A_1368] {strides = array<i32>} : memref<256x128xf32, #tpu.memory_space<vmem>>, vector<1x16xf32>,
        %swap3A_1370 = vector.shape_cast %swap3A_1369 : vector<1x16xf32> to vector<16xf32>
        %swap3A_1371 = vector.shape_cast %add3A_1366 : vector<16xf32> to vector<1x16xf32>
        tpu.vector_store %arg10[%swap3A_1367, %swap3A_1368], %swap3A_1371 {add = true, strides = array<i32>} : memref<256x128xf32, #tpu.memory_space<vmem>>, vector<1x16xf32>,
        %mul3A_1372 = arith.mulf %gather3A_1341, %get3A_581 : vector<16xf32>
        %mul3A_1373 = arith.mulf %gather3A_1351, %get3A_593 : vector<16xf32>
        %add3A_1374 = arith.addf %mul3A_1372, %mul3A_1373 : vector<16xf32>
        %swap3A_1375 = arith.index_cast %add3A_1355 : i32 to index
        %swap3A_1376 = arith.constant 32 : index
        %swap3A_1377 = tpu.vector_load %arg10[%swap3A_1375, %swap3A_1376] {strides = array<i32>} : memref<256x128xf32, #tpu.memory_space<vmem>>, vector<1x16xf32>,
        %swap3A_1378 = vector.shape_cast %swap3A_1377 : vector<1x16xf32> to vector<16xf32>
        %swap3A_1379 = vector.shape_cast %add3A_1374 : vector<16xf32> to vector<1x16xf32>
        tpu.vector_store %arg10[%swap3A_1375, %swap3A_1376], %swap3A_1379 {add = true, strides = array<i32>} : memref<256x128xf32, #tpu.memory_space<vmem>>, vector<1x16xf32>,
        %mul3A_1380 = arith.mulf %gather3A_1341, %get3A_584 : vector<16xf32>
        %mul3A_1381 = arith.mulf %gather3A_1351, %get3A_596 : vector<16xf32>
        %add3A_1382 = arith.addf %mul3A_1380, %mul3A_1381 : vector<16xf32>
        %swap3A_1383 = arith.index_cast %add3A_1355 : i32 to index
        %swap3A_1384 = arith.constant 48 : index
        %swap3A_1385 = tpu.vector_load %arg10[%swap3A_1383, %swap3A_1384] {strides = array<i32>} : memref<256x128xf32, #tpu.memory_space<vmem>>, vector<1x16xf32>,
        %swap3A_1386 = vector.shape_cast %swap3A_1385 : vector<1x16xf32> to vector<16xf32>
        %swap3A_1387 = vector.shape_cast %add3A_1382 : vector<16xf32> to vector<1x16xf32>
        tpu.vector_store %arg10[%swap3A_1383, %swap3A_1384], %swap3A_1387 {add = true, strides = array<i32>} : memref<256x128xf32, #tpu.memory_space<vmem>>, vector<1x16xf32>,
        %lt3A_1388 = arith.constant 0 : i32
        %lt3A_1389 = vector.broadcast %lt3A_1388 : i32 to vector<16xi32>
        %lt3A_1390 = arith.cmpi slt, %broadcast_in_dim3A_624, %lt3A_1389 : vector<16xi32>
        %add3A_1391 = arith.constant 16 : i32
        %add3A_1392 = vector.broadcast %add3A_1391 : i32 to vector<16xi32>
        %add3A_1393 = arith.addi %broadcast_in_dim3A_624, %add3A_1392 : vector<16xi32>
        %select_n3A_1394 = arith.select %lt3A_1390, %add3A_1393, %broadcast_in_dim3A_624 : vector<16xi1>, vector<16xi32>
        %broadcast_in_dim3A_1395 = vector.shape_cast %select_n3A_1394 : vector<16xi32> to vector<16x1xi32>
        %gather3A_1396 = vector.shape_cast %broadcast_in_dim3A_1395 : vector<16x1xi32> to vector<16xi32>
        %gather3A_1397 = tpu.dynamic_gather %convert_element_type3A_654[%gather3A_1396] in [0] : vector<16xf32>, vector<16xi32> -> vector<16xf32>
        %lt3A_1398 = arith.constant 0 : i32
        %lt3A_1399 = vector.broadcast %lt3A_1398 : i32 to vector<16xi32>
        %lt3A_1400 = arith.cmpi slt, %broadcast_in_dim3A_624, %lt3A_1399 : vector<16xi32>
        %add3A_1401 = arith.constant 16 : i32
        %add3A_1402 = vector.broadcast %add3A_1401 : i32 to vector<16xi32>
        %add3A_1403 = arith.addi %broadcast_in_dim3A_624, %add3A_1402 : vector<16xi32>
        %select_n3A_1404 = arith.select %lt3A_1400, %add3A_1403, %broadcast_in_dim3A_624 : vector<16xi1>, vector<16xi32>
        %broadcast_in_dim3A_1405 = vector.shape_cast %select_n3A_1404 : vector<16xi32> to vector<16x1xi32>
        %gather3A_1406 = vector.shape_cast %broadcast_in_dim3A_1405 : vector<16x1xi32> to vector<16xi32>
        %gather3A_1407 = tpu.dynamic_gather %convert_element_type3A_661[%gather3A_1406] in [0] : vector<16xf32>, vector<16xi32> -> vector<16xf32>
        %mul3A_1408 = arith.constant 16 : i32
        %mul3A_1409 = arith.muli %scan3A_645, %mul3A_1408 : i32
        %add3A_1410 = arith.constant 13 : i32
        %add3A_1411 = arith.addi %mul3A_1409, %add3A_1410 : i32
        %mul3A_1412 = arith.mulf %gather3A_1397, %get3A_575 : vector<16xf32>
        %mul3A_1413 = arith.mulf %gather3A_1407, %get3A_587 : vector<16xf32>
        %add3A_1414 = arith.addf %mul3A_1412, %mul3A_1413 : vector<16xf32>
        %swap3A_1415 = arith.index_cast %add3A_1411 : i32 to index
        %swap3A_1416 = arith.constant 0 : index
        %swap3A_1417 = tpu.vector_load %arg10[%swap3A_1415, %swap3A_1416] {strides = array<i32>} : memref<256x128xf32, #tpu.memory_space<vmem>>, vector<1x16xf32>,
        %swap3A_1418 = vector.shape_cast %swap3A_1417 : vector<1x16xf32> to vector<16xf32>
        %swap3A_1419 = vector.shape_cast %add3A_1414 : vector<16xf32> to vector<1x16xf32>
        tpu.vector_store %arg10[%swap3A_1415, %swap3A_1416], %swap3A_1419 {add = true, strides = array<i32>} : memref<256x128xf32, #tpu.memory_space<vmem>>, vector<1x16xf32>,
        %mul3A_1420 = arith.mulf %gather3A_1397, %get3A_578 : vector<16xf32>
        %mul3A_1421 = arith.mulf %gather3A_1407, %get3A_590 : vector<16xf32>
        %add3A_1422 = arith.addf %mul3A_1420, %mul3A_1421 : vector<16xf32>
        %swap3A_1423 = arith.index_cast %add3A_1411 : i32 to index
        %swap3A_1424 = arith.constant 16 : index
        %swap3A_1425 = tpu.vector_load %arg10[%swap3A_1423, %swap3A_1424] {strides = array<i32>} : memref<256x128xf32, #tpu.memory_space<vmem>>, vector<1x16xf32>,
        %swap3A_1426 = vector.shape_cast %swap3A_1425 : vector<1x16xf32> to vector<16xf32>
        %swap3A_1427 = vector.shape_cast %add3A_1422 : vector<16xf32> to vector<1x16xf32>
        tpu.vector_store %arg10[%swap3A_1423, %swap3A_1424], %swap3A_1427 {add = true, strides = array<i32>} : memref<256x128xf32, #tpu.memory_space<vmem>>, vector<1x16xf32>,
        %mul3A_1428 = arith.mulf %gather3A_1397, %get3A_581 : vector<16xf32>
        %mul3A_1429 = arith.mulf %gather3A_1407, %get3A_593 : vector<16xf32>
        %add3A_1430 = arith.addf %mul3A_1428, %mul3A_1429 : vector<16xf32>
        %swap3A_1431 = arith.index_cast %add3A_1411 : i32 to index
        %swap3A_1432 = arith.constant 32 : index
        %swap3A_1433 = tpu.vector_load %arg10[%swap3A_1431, %swap3A_1432] {strides = array<i32>} : memref<256x128xf32, #tpu.memory_space<vmem>>, vector<1x16xf32>,
        %swap3A_1434 = vector.shape_cast %swap3A_1433 : vector<1x16xf32> to vector<16xf32>
        %swap3A_1435 = vector.shape_cast %add3A_1430 : vector<16xf32> to vector<1x16xf32>
        tpu.vector_store %arg10[%swap3A_1431, %swap3A_1432], %swap3A_1435 {add = true, strides = array<i32>} : memref<256x128xf32, #tpu.memory_space<vmem>>, vector<1x16xf32>,
        %mul3A_1436 = arith.mulf %gather3A_1397, %get3A_584 : vector<16xf32>
        %mul3A_1437 = arith.mulf %gather3A_1407, %get3A_596 : vector<16xf32>
        %add3A_1438 = arith.addf %mul3A_1436, %mul3A_1437 : vector<16xf32>
        %swap3A_1439 = arith.index_cast %add3A_1411 : i32 to index
        %swap3A_1440 = arith.constant 48 : index
        %swap3A_1441 = tpu.vector_load %arg10[%swap3A_1439, %swap3A_1440] {strides = array<i32>} : memref<256x128xf32, #tpu.memory_space<vmem>>, vector<1x16xf32>,
        %swap3A_1442 = vector.shape_cast %swap3A_1441 : vector<1x16xf32> to vector<16xf32>
        %swap3A_1443 = vector.shape_cast %add3A_1438 : vector<16xf32> to vector<1x16xf32>
        tpu.vector_store %arg10[%swap3A_1439, %swap3A_1440], %swap3A_1443 {add = true, strides = array<i32>} : memref<256x128xf32, #tpu.memory_space<vmem>>, vector<1x16xf32>,
        %lt3A_1444 = arith.constant 0 : i32
        %lt3A_1445 = vector.broadcast %lt3A_1444 : i32 to vector<16xi32>
        %lt3A_1446 = arith.cmpi slt, %broadcast_in_dim3A_626, %lt3A_1445 : vector<16xi32>
        %add3A_1447 = arith.constant 16 : i32
        %add3A_1448 = vector.broadcast %add3A_1447 : i32 to vector<16xi32>
        %add3A_1449 = arith.addi %broadcast_in_dim3A_626, %add3A_1448 : vector<16xi32>
        %select_n3A_1450 = arith.select %lt3A_1446, %add3A_1449, %broadcast_in_dim3A_626 : vector<16xi1>, vector<16xi32>
        %broadcast_in_dim3A_1451 = vector.shape_cast %select_n3A_1450 : vector<16xi32> to vector<16x1xi32>
        %gather3A_1452 = vector.shape_cast %broadcast_in_dim3A_1451 : vector<16x1xi32> to vector<16xi32>
        %gather3A_1453 = tpu.dynamic_gather %convert_element_type3A_654[%gather3A_1452] in [0] : vector<16xf32>, vector<16xi32> -> vector<16xf32>
        %lt3A_1454 = arith.constant 0 : i32
        %lt3A_1455 = vector.broadcast %lt3A_1454 : i32 to vector<16xi32>
        %lt3A_1456 = arith.cmpi slt, %broadcast_in_dim3A_626, %lt3A_1455 : vector<16xi32>
        %add3A_1457 = arith.constant 16 : i32
        %add3A_1458 = vector.broadcast %add3A_1457 : i32 to vector<16xi32>
        %add3A_1459 = arith.addi %broadcast_in_dim3A_626, %add3A_1458 : vector<16xi32>
        %select_n3A_1460 = arith.select %lt3A_1456, %add3A_1459, %broadcast_in_dim3A_626 : vector<16xi1>, vector<16xi32>
        %broadcast_in_dim3A_1461 = vector.shape_cast %select_n3A_1460 : vector<16xi32> to vector<16x1xi32>
        %gather3A_1462 = vector.shape_cast %broadcast_in_dim3A_1461 : vector<16x1xi32> to vector<16xi32>
        %gather3A_1463 = tpu.dynamic_gather %convert_element_type3A_661[%gather3A_1462] in [0] : vector<16xf32>, vector<16xi32> -> vector<16xf32>
        %mul3A_1464 = arith.constant 16 : i32
        %mul3A_1465 = arith.muli %scan3A_645, %mul3A_1464 : i32
        %add3A_1466 = arith.constant 14 : i32
        %add3A_1467 = arith.addi %mul3A_1465, %add3A_1466 : i32
        %mul3A_1468 = arith.mulf %gather3A_1453, %get3A_575 : vector<16xf32>
        %mul3A_1469 = arith.mulf %gather3A_1463, %get3A_587 : vector<16xf32>
        %add3A_1470 = arith.addf %mul3A_1468, %mul3A_1469 : vector<16xf32>
        %swap3A_1471 = arith.index_cast %add3A_1467 : i32 to index
        %swap3A_1472 = arith.constant 0 : index
        %swap3A_1473 = tpu.vector_load %arg10[%swap3A_1471, %swap3A_1472] {strides = array<i32>} : memref<256x128xf32, #tpu.memory_space<vmem>>, vector<1x16xf32>,
        %swap3A_1474 = vector.shape_cast %swap3A_1473 : vector<1x16xf32> to vector<16xf32>
        %swap3A_1475 = vector.shape_cast %add3A_1470 : vector<16xf32> to vector<1x16xf32>
        tpu.vector_store %arg10[%swap3A_1471, %swap3A_1472], %swap3A_1475 {add = true, strides = array<i32>} : memref<256x128xf32, #tpu.memory_space<vmem>>, vector<1x16xf32>,
        %mul3A_1476 = arith.mulf %gather3A_1453, %get3A_578 : vector<16xf32>
        %mul3A_1477 = arith.mulf %gather3A_1463, %get3A_590 : vector<16xf32>
        %add3A_1478 = arith.addf %mul3A_1476, %mul3A_1477 : vector<16xf32>
        %swap3A_1479 = arith.index_cast %add3A_1467 : i32 to index
        %swap3A_1480 = arith.constant 16 : index
        %swap3A_1481 = tpu.vector_load %arg10[%swap3A_1479, %swap3A_1480] {strides = array<i32>} : memref<256x128xf32, #tpu.memory_space<vmem>>, vector<1x16xf32>,
        %swap3A_1482 = vector.shape_cast %swap3A_1481 : vector<1x16xf32> to vector<16xf32>
        %swap3A_1483 = vector.shape_cast %add3A_1478 : vector<16xf32> to vector<1x16xf32>
        tpu.vector_store %arg10[%swap3A_1479, %swap3A_1480], %swap3A_1483 {add = true, strides = array<i32>} : memref<256x128xf32, #tpu.memory_space<vmem>>, vector<1x16xf32>,
        %mul3A_1484 = arith.mulf %gather3A_1453, %get3A_581 : vector<16xf32>
        %mul3A_1485 = arith.mulf %gather3A_1463, %get3A_593 : vector<16xf32>
        %add3A_1486 = arith.addf %mul3A_1484, %mul3A_1485 : vector<16xf32>
        %swap3A_1487 = arith.index_cast %add3A_1467 : i32 to index
        %swap3A_1488 = arith.constant 32 : index
        %swap3A_1489 = tpu.vector_load %arg10[%swap3A_1487, %swap3A_1488] {strides = array<i32>} : memref<256x128xf32, #tpu.memory_space<vmem>>, vector<1x16xf32>,
        %swap3A_1490 = vector.shape_cast %swap3A_1489 : vector<1x16xf32> to vector<16xf32>
        %swap3A_1491 = vector.shape_cast %add3A_1486 : vector<16xf32> to vector<1x16xf32>
        tpu.vector_store %arg10[%swap3A_1487, %swap3A_1488], %swap3A_1491 {add = true, strides = array<i32>} : memref<256x128xf32, #tpu.memory_space<vmem>>, vector<1x16xf32>,
        %mul3A_1492 = arith.mulf %gather3A_1453, %get3A_584 : vector<16xf32>
        %mul3A_1493 = arith.mulf %gather3A_1463, %get3A_596 : vector<16xf32>
        %add3A_1494 = arith.addf %mul3A_1492, %mul3A_1493 : vector<16xf32>
        %swap3A_1495 = arith.index_cast %add3A_1467 : i32 to index
        %swap3A_1496 = arith.constant 48 : index
        %swap3A_1497 = tpu.vector_load %arg10[%swap3A_1495, %swap3A_1496] {strides = array<i32>} : memref<256x128xf32, #tpu.memory_space<vmem>>, vector<1x16xf32>,
        %swap3A_1498 = vector.shape_cast %swap3A_1497 : vector<1x16xf32> to vector<16xf32>
        %swap3A_1499 = vector.shape_cast %add3A_1494 : vector<16xf32> to vector<1x16xf32>
        tpu.vector_store %arg10[%swap3A_1495, %swap3A_1496], %swap3A_1499 {add = true, strides = array<i32>} : memref<256x128xf32, #tpu.memory_space<vmem>>, vector<1x16xf32>,
        %lt3A_1500 = arith.constant 0 : i32
        %lt3A_1501 = vector.broadcast %lt3A_1500 : i32 to vector<16xi32>
        %lt3A_1502 = arith.cmpi slt, %broadcast_in_dim3A_628, %lt3A_1501 : vector<16xi32>
        %add3A_1503 = arith.constant 16 : i32
        %add3A_1504 = vector.broadcast %add3A_1503 : i32 to vector<16xi32>
        %add3A_1505 = arith.addi %broadcast_in_dim3A_628, %add3A_1504 : vector<16xi32>
        %select_n3A_1506 = arith.select %lt3A_1502, %add3A_1505, %broadcast_in_dim3A_628 : vector<16xi1>, vector<16xi32>
        %broadcast_in_dim3A_1507 = vector.shape_cast %select_n3A_1506 : vector<16xi32> to vector<16x1xi32>
        %gather3A_1508 = vector.shape_cast %broadcast_in_dim3A_1507 : vector<16x1xi32> to vector<16xi32>
        %gather3A_1509 = tpu.dynamic_gather %convert_element_type3A_654[%gather3A_1508] in [0] : vector<16xf32>, vector<16xi32> -> vector<16xf32>
        %lt3A_1510 = arith.constant 0 : i32
        %lt3A_1511 = vector.broadcast %lt3A_1510 : i32 to vector<16xi32>
        %lt3A_1512 = arith.cmpi slt, %broadcast_in_dim3A_628, %lt3A_1511 : vector<16xi32>
        %add3A_1513 = arith.constant 16 : i32
        %add3A_1514 = vector.broadcast %add3A_1513 : i32 to vector<16xi32>
        %add3A_1515 = arith.addi %broadcast_in_dim3A_628, %add3A_1514 : vector<16xi32>
        %select_n3A_1516 = arith.select %lt3A_1512, %add3A_1515, %broadcast_in_dim3A_628 : vector<16xi1>, vector<16xi32>
        %broadcast_in_dim3A_1517 = vector.shape_cast %select_n3A_1516 : vector<16xi32> to vector<16x1xi32>
        %gather3A_1518 = vector.shape_cast %broadcast_in_dim3A_1517 : vector<16x1xi32> to vector<16xi32>
        %gather3A_1519 = tpu.dynamic_gather %convert_element_type3A_661[%gather3A_1518] in [0] : vector<16xf32>, vector<16xi32> -> vector<16xf32>
        %mul3A_1520 = arith.constant 16 : i32
        %mul3A_1521 = arith.muli %scan3A_645, %mul3A_1520 : i32
        %add3A_1522 = arith.constant 15 : i32
        %add3A_1523 = arith.addi %mul3A_1521, %add3A_1522 : i32
        %mul3A_1524 = arith.mulf %gather3A_1509, %get3A_575 : vector<16xf32>
        %mul3A_1525 = arith.mulf %gather3A_1519, %get3A_587 : vector<16xf32>
        %add3A_1526 = arith.addf %mul3A_1524, %mul3A_1525 : vector<16xf32>
        %swap3A_1527 = arith.index_cast %add3A_1523 : i32 to index
        %swap3A_1528 = arith.constant 0 : index
        %swap3A_1529 = tpu.vector_load %arg10[%swap3A_1527, %swap3A_1528] {strides = array<i32>} : memref<256x128xf32, #tpu.memory_space<vmem>>, vector<1x16xf32>,
        %swap3A_1530 = vector.shape_cast %swap3A_1529 : vector<1x16xf32> to vector<16xf32>
        %swap3A_1531 = vector.shape_cast %add3A_1526 : vector<16xf32> to vector<1x16xf32>
        tpu.vector_store %arg10[%swap3A_1527, %swap3A_1528], %swap3A_1531 {add = true, strides = array<i32>} : memref<256x128xf32, #tpu.memory_space<vmem>>, vector<1x16xf32>,
        %mul3A_1532 = arith.mulf %gather3A_1509, %get3A_578 : vector<16xf32>
        %mul3A_1533 = arith.mulf %gather3A_1519, %get3A_590 : vector<16xf32>
        %add3A_1534 = arith.addf %mul3A_1532, %mul3A_1533 : vector<16xf32>
        %swap3A_1535 = arith.index_cast %add3A_1523 : i32 to index
        %swap3A_1536 = arith.constant 16 : index
        %swap3A_1537 = tpu.vector_load %arg10[%swap3A_1535, %swap3A_1536] {strides = array<i32>} : memref<256x128xf32, #tpu.memory_space<vmem>>, vector<1x16xf32>,
        %swap3A_1538 = vector.shape_cast %swap3A_1537 : vector<1x16xf32> to vector<16xf32>
        %swap3A_1539 = vector.shape_cast %add3A_1534 : vector<16xf32> to vector<1x16xf32>
        tpu.vector_store %arg10[%swap3A_1535, %swap3A_1536], %swap3A_1539 {add = true, strides = array<i32>} : memref<256x128xf32, #tpu.memory_space<vmem>>, vector<1x16xf32>,
        %mul3A_1540 = arith.mulf %gather3A_1509, %get3A_581 : vector<16xf32>
        %mul3A_1541 = arith.mulf %gather3A_1519, %get3A_593 : vector<16xf32>
        %add3A_1542 = arith.addf %mul3A_1540, %mul3A_1541 : vector<16xf32>
        %swap3A_1543 = arith.index_cast %add3A_1523 : i32 to index
        %swap3A_1544 = arith.constant 32 : index
        %swap3A_1545 = tpu.vector_load %arg10[%swap3A_1543, %swap3A_1544] {strides = array<i32>} : memref<256x128xf32, #tpu.memory_space<vmem>>, vector<1x16xf32>,
        %swap3A_1546 = vector.shape_cast %swap3A_1545 : vector<1x16xf32> to vector<16xf32>
        %swap3A_1547 = vector.shape_cast %add3A_1542 : vector<16xf32> to vector<1x16xf32>
        tpu.vector_store %arg10[%swap3A_1543, %swap3A_1544], %swap3A_1547 {add = true, strides = array<i32>} : memref<256x128xf32, #tpu.memory_space<vmem>>, vector<1x16xf32>,
        %mul3A_1548 = arith.mulf %gather3A_1509, %get3A_584 : vector<16xf32>
        %mul3A_1549 = arith.mulf %gather3A_1519, %get3A_596 : vector<16xf32>
        %add3A_1550 = arith.addf %mul3A_1548, %mul3A_1549 : vector<16xf32>
        %swap3A_1551 = arith.index_cast %add3A_1523 : i32 to index
        %swap3A_1552 = arith.constant 48 : index
        %swap3A_1553 = tpu.vector_load %arg10[%swap3A_1551, %swap3A_1552] {strides = array<i32>} : memref<256x128xf32, #tpu.memory_space<vmem>>, vector<1x16xf32>,
        %swap3A_1554 = vector.shape_cast %swap3A_1553 : vector<1x16xf32> to vector<16xf32>
        %swap3A_1555 = vector.shape_cast %add3A_1550 : vector<16xf32> to vector<1x16xf32>
        tpu.vector_store %arg10[%swap3A_1551, %swap3A_1552], %swap3A_1555 {add = true, strides = array<i32>} : memref<256x128xf32, #tpu.memory_space<vmem>>, vector<1x16xf32>,
      }
      %scan3A_634 = arith.constant 16 : i32
      %add3A_635 = arith.constant 1 : i32
      %add3A_636 = arith.addi %mul3A_229, %add3A_635 : i32
      %mul3A_637 = arith.constant 256 : i32
      %mul3A_638 = arith.muli %add3A_636, %mul3A_637 : i32
      %add3A_639 = arith.addi %multiple_of3A, %mul3A_638 : i32
      %multiple_of3A_640 = tpu.assume_multiple %add3A_639, 256 : i32
      %dma_start3A_641 = arith.constant 0 : i32
      %dma_start3A_642 = tpu.memref_slice %arg5[%multiple_of3A_640, %dma_start3A_641] : memref<819200x128xf32, #tpu.memory_space<hbm>> -> memref<256x128xf32, #tpu.memory_space<hbm>>
      %dma_start3A_643 = arith.constant 0 : i32
      %dma_start3A_644 = tpu.memref_slice %arg5[%multiple_of3A_640, %dma_start3A_643] : memref<819200x128xf32, #tpu.memory_space<hbm>> -> memref<256x128xf32, #tpu.memory_space<hbm>>
      tpu.enqueue_dma source(%arg10 : memref<256x128xf32, #tpu.memory_space<vmem>>) target(%dma_start3A_644 : memref<256x128xf32, #tpu.memory_space<hbm>>) target_semaphore(%arg15 : memref<!tpu.dma_semaphore, #tpu.memory_space<semaphore_mem>>)
    }
    %scan3A_215 = arith.constant 50 : i32
    %dma_wait3A = arith.constant 0 : i32
    %dma_wait3A_216 = arith.constant 0 : i32
    %dma_wait3A_217 = tpu.memref_slice %arg2[%dma_wait3A, %dma_wait3A_216] : memref<1000000x128xf32, #tpu.memory_space<hbm>> -> memref<256x128xf32, #tpu.memory_space<hbm>>
    %dma_wait3A_218 = arith.constant 0 : i32
    %dma_wait3A_219 = arith.constant 0 : i32
    %dma_wait3A_220 = tpu.memref_slice %arg2[%dma_wait3A_218, %dma_wait3A_219] : memref<1000000x128xf32, #tpu.memory_space<hbm>> -> memref<256x128xf32, #tpu.memory_space<hbm>>
    tpu.wait_dma2 semaphore(%arg14 : memref<!tpu.dma_semaphore, #tpu.memory_space<semaphore_mem>>) src(%dma_wait3A_220 : memref<256x128xf32, #tpu.memory_space<hbm>>) dst(%arg9 : memref<256x128xf32, #tpu.memory_space<vmem>>)
    %dma_wait3A_221 = arith.constant 0 : i32
    %dma_wait3A_222 = arith.constant 0 : i32
    %dma_wait3A_223 = tpu.memref_slice %arg2[%dma_wait3A_221, %dma_wait3A_222] : memref<1000000x128xf32, #tpu.memory_space<hbm>> -> memref<256x128xf32, #tpu.memory_space<hbm>>
    %dma_wait3A_224 = arith.constant 0 : i32
    %dma_wait3A_225 = arith.constant 0 : i32
    %dma_wait3A_226 = tpu.memref_slice %arg2[%dma_wait3A_224, %dma_wait3A_225] : memref<1000000x128xf32, #tpu.memory_space<hbm>> -> memref<256x128xf32, #tpu.memory_space<hbm>>
    tpu.wait_dma2 semaphore(%arg15 : memref<!tpu.dma_semaphore, #tpu.memory_space<semaphore_mem>>) src(%dma_wait3A_226 : memref<256x128xf32, #tpu.memory_space<hbm>>) dst(%arg10 : memref<256x128xf32, #tpu.memory_space<vmem>>)
    return
  }
}

</mosaic_0001>

<sc_bundles>
// kernel: _embed.3.cloned.1.call-start
scs
__scs_entry_jumppad:
0x0: {  	(pc) =	sbr.rel $0x88, $3  }
0x1: {  	(tag) =	ssettag $0x0;
	lr =	simm.s32 $0x1  }
0x2: {  	[smem:$0x3F9E] =	sst lr;
	_ =	strace $0xD0000000  }
0x3: {  	_ = 	snop  }
0x4: {  	_ = 	snop  }
0x5: {  	_ = 	snop  }
0x6: {  	_ = 	snop  }
0x7: {  	_ = 	snop  }
__scs_overlays_trampoline_lowered:
0x8: {  	[smem:$0x3FAD] =	sst s0  }
0x9: {  	[smem:$0x3FAE] =	sst s1  }
0xa: {  	[smem:$0x3FAF] =	sst s2  }
0xb: {  	[smem:$0x3FB0] =	sst s3  }
0xc: {  	[smem:$0x3FB1] =	sst s4  }
0xd: {  	[smem:$0x3FB2] =	sst s5  }
0xe: {  	[smem:$0x3FB3] =	sst s6  }
0xf: {  	[smem:$0x3FB4] =	sst s7  }
0x10: {  	[smem:$0x3FB5] =	sst s8  }
0x11: {  	[smem:$0x3FB6] =	sst s9;
	s0 =	simm.s32 @!p0 $0x0  }
0x12: {  	s1 =	sld [smem:$0x3F9C];
	s0 =	simm.s32 @p0 $0x1  }
0x13: {  	[smem:$0x3FB7] =	sst s0;
	s0 =	simm.s32 @!p1 $0x0  }
0x14: {  	s2 =	sld [smem:$0x3F9B];
	s0 =	simm.s32 @p1 $0x1  }
0x15: {  	[smem:$0x3FB8] =	sst s0;
	s0 =	simm.s32 @!p2 $0x0  }
0x16: {  	s3 =	sld [smem:$0x3FDB];
	s0 =	simm.s32 @p2 $0x1  }
0x17: {  	s4 =	simm.s32 $0x1BF5;
	[smem:$0x3FBA] =	sst s0  }
0x18: {  	s0 =	sld [smem:$0x3F9D];
	_ =	swait.ge [sflag:s4], $0x0  }
0x19: {  	s7 =	sld [smem:$0x3F9E]  }
0x1a: {  	s8 =	sadd.s32 $0xFFFFE003, lr  }
0x1b: {  	s9 =	sadd.s32 $0xFFFFFEF7, lr;
	s5 =	simm.s32 $0xFFFFFFFF;
	p2 =	slt.u32 s8, $0xFFFFF086  }
0x1c: {  	p1 =	slt.u32 s9, $0xF7A;
	s5 =	simm.s32 @!p2 $0x0  }
0x1d: {  	s5 =	simm.s32 @p1 $0x1;
	p0 =	seq.s32 s7, s2  }
0x1e: {  	s7 =	smul.u32 @!p0 $0xF7A, s2;
	p2 =	seq.s32 @!p0 s5, $0x0  }
0x1f: {  	s9 =	smul.u32 $0xF7A, s1;
	s8 =	simm.s32 @!p0 $0x1BF5;
	p2 =	por !p2, p0  }
0x20: {  	[sflag:s8] =	ssyncset.s32 @!p0 $0xFFFFF086;
	s6 =	sadd.s32 @!p0 s3, s7;
	s7 =	simm.s32 @!p0 $0x108  }
0x21: {  	s3 =	sadd.s32 s3, s9;
	s6 =	sadd.s32 @!p0 $0x88, s6;
	s7 =	simm.s32 @p2 $0x1082  }
0x22: {  	[simem:s7], [sflag:s8] =	dma.local @!p0 [hbm:s6], $0xF7A  }
0x23: {  	s9 =	sor.u32 $0xD0000000, s2;
	s6 =	simm.s32 $0x108;
	_ =	swait.ge @!p0 [sflag:s8], $0x0  }
0x24: {  	s3 =	sadd.s32 $0x88, s3;
	s6 =	simm.s32 @!p1 $0x1082;
	[sflag:s4] =	ssyncset.s32 $0xFFFFF086  }
0x25: {  	[simem:s6], [sflag:s4] =	dma.local [hbm:s3], $0xF7A  }
0x26: {  	[smem:$0x3F9E] =	sst s1;
	(tag) =	ssettag s2;
	_ =	strace s9  }
0x27: {  	s1 =	sld [smem:$0x3FAE]  }
0x28: {  	s2 =	sld [smem:$0x3FAF]  }
0x29: {  	s4 =	sld [smem:$0x3FB1]  }
0x2a: {  	p0 =	seq.s32 s5, $0x0;
	s5 =	sld [smem:$0x3FB2]  }
0x2b: {  	s6 =	sld [smem:$0x3FB3]  }
0x2c: {  	s7 =	sld [smem:$0x3FB4]  }
0x2d: {  	s3 =	simm.s32 $0x108;
	s8 =	sld [smem:$0x3FB5]  }
0x2e: {  	s3 =	simm.s32 @!p0 $0x1082;
	s9 =	sld [smem:$0x3FB6]  }
0x2f: {  	lr =	sadd.s32 s0, s3;
	s0 =	sld [smem:$0x3FAD]  }
0x30: {  	s3 =	sld [smem:$0x3FB0]  }
0x31: {  	[smem:$0x3FB9] =	sst s10  }
0x32: {  	s10 =	sld [smem:$0x3FB7];
	_ =	sdelay $0x3  }
0x33: {  	p0 =	seq.s32 s10, $0x1;
	s10 =	sld [smem:$0x3FB9];
	_ =	sdelay $0x3  }
0x34: {  	[smem:$0x3FB9] =	sst s10  }
0x35: {  	s10 =	sld [smem:$0x3FB8];
	_ =	sdelay $0x3  }
0x36: {  	p1 =	seq.s32 s10, $0x1;
	s10 =	sld [smem:$0x3FB9];
	_ =	sdelay $0x3  }
0x37: {  	[smem:$0x3FB9] =	sst s10  }
0x38: {  	s10 =	sld [smem:$0x3FBA]  }
0x39: {  	_ = 	snop;
	(pc) =	sbr.ind lr, $3  }
0x3a: {  	_ = 	snop  }
0x3b: {  	_ = 	snop  }
0x3c: {  	p2 =	seq.s32 s10, $0x1;
	s10 =	sld [smem:$0x3FB9]  }
0x3d: {  	_ =	shalt  }
0x3e: {  	_ =	shalt  }
0x3f: {  	_ =	shalt  }
0x40: {  	_ =	shalt  }
0x41: {  	_ =	shalt  }
0x42: {  	_ =	shalt  }
0x43: {  	_ =	shalt  }
0x44: {  	_ =	shalt  }
0x45: {  	_ =	shalt  }
0x46: {  	_ =	shalt  }
0x47: {  	_ =	shalt  }
0x48: {  	_ =	shalt  }
0x49: {  	_ =	shalt  }
0x4a: {  	_ =	shalt  }
0x4b: {  	_ =	shalt  }
0x4c: {  	_ =	shalt  }
0x4d: {  	_ =	shalt  }
0x4e: {  	_ =	shalt  }
0x4f: {  	_ =	shalt  }
0x50: {  	_ =	shalt  }
0x51: {  	_ =	shalt  }
0x52: {  	_ =	shalt  }
0x53: {  	_ =	shalt  }
0x54: {  	_ =	shalt  }
0x55: {  	_ =	shalt  }
0x56: {  	_ =	shalt  }
0x57: {  	_ =	shalt  }
0x58: {  	_ =	shalt  }
0x59: {  	_ =	shalt  }
0x5a: {  	_ =	shalt  }
0x5b: {  	_ =	shalt  }
0x5c: {  	_ =	shalt  }
0x5d: {  	_ =	shalt  }
0x5e: {  	_ =	shalt  }
0x5f: {  	_ =	shalt  }
0x60: {  	_ =	shalt  }
0x61: {  	_ =	shalt  }
0x62: {  	_ =	shalt  }
0x63: {  	_ =	shalt  }
0x64: {  	_ =	shalt  }
0x65: {  	_ =	shalt  }
0x66: {  	_ =	shalt  }
0x67: {  	_ =	shalt  }
0x68: {  	_ =	shalt  }
0x69: {  	_ =	shalt  }
0x6a: {  	_ =	shalt  }
0x6b: {  	_ =	shalt  }
0x6c: {  	_ =	shalt  }
0x6d: {  	_ =	shalt  }
0x6e: {  	_ =	shalt  }
0x6f: {  	_ =	shalt  }
0x70: {  	_ =	shalt  }
0x71: {  	_ =	shalt  }
0x72: {  	_ =	shalt  }
0x73: {  	_ =	shalt  }
0x74: {  	_ =	shalt  }
0x75: {  	_ =	shalt  }
0x76: {  	_ =	shalt  }
0x77: {  	_ =	shalt  }
0x78: {  	_ =	shalt  }
0x79: {  	_ =	shalt  }
0x7a: {  	_ =	shalt  }
0x7b: {  	_ =	shalt  }
0x7c: {  	_ =	shalt  }
0x7d: {  	_ =	shalt  }
0x7e: {  	_ =	shalt  }
0x7f: {  	_ =	shalt  }
0x80: {  	_ =	shalt  }
0x81: {  	_ =	shalt  }
0x82: {  	_ =	shalt  }
0x83: {  	_ =	shalt  }
0x84: {  	_ =	shalt  }
0x85: {  	_ =	shalt  }
0x86: {  	_ =	shalt  }
0x87: {  	_ =	shalt  }
.Lfunc_end0:
.L_simem_size_0:
called_computation_lowered:
.L_overlay_start_0:
0x88: {  	s2 =	sld [smem:$0x3FD9]  }
0x89: {  	s3 =	sld [smem:$0x3FFE];
	_ =	sdelay $0x1  }
0x8a: {  	s1 =	srdreg.scid  }
0x8b: {  	s0 =	sand.u32 $0x1, s1  }
0x8c: {  	s18 =	sshll.u32 s0, $0xA;
	s2 =	sadd.s32 s3, s2  }
0x8d: {  	s2 =	sadd.s32 s2, s18  }
0x8e: {  	[smem:$0x3FC5] =	sst s2  }
0x8f: {  	_ = 	snop  }
0x90: {  	s2 =	sld [smem:$0x3FC9]  }
0x91: {  	s19 =	sld [smem:$0x3FC8]  }
0x92: {  	s4 =	sld [smem:$0x3FC7]  }
0x93: {  	s5 =	sld [smem:$0x3FD0];
	(tm) =	ssettm $0x1  }
0x94: {  	s6 =	sld [smem:$0x3FFB];
	_ =	sdelay $0x3  }
0x95: {  	_ =	strace s6  }
0x96: {  	s6 =	sld [smem:$0x3FFC];
	_ =	sdelay $0x3  }
0x97: {  	_ =	strace s6  }
0x98: {  	s6 =	sld [smem:$0x3FFD];
	_ =	sdelay $0x3  }
0x99: {  	_ =	strace s6  }
0x9a: {  	_ =	strace $0x8FFFFFFF  }
0x9b: {  	s20 =	sld [smem:$0x3FDB];
	_ =	sdelay $0x1  }
0x9c: {  	s7 =	simm.s32 $_scs_section_size  }
0x9d: {  	s8 =	simm.s32 $_size__tile_overlayer_lowered;
	s9 =	simm.s32 $_tile_overlayer_lowered  }
0x9e: {  	s23 =	simm.s32 $0x1BFF;
	s22 =	sshll.u32 s9, $0x1;
	s6 =	sadd.s32 s7, s20  }
0x9f: {  	s10 =	simm.s32 $0x0;
	s21 =	sshll.u32 s8, $0x1;
	s8 =	sadd.s32 s22, s6  }
0xa0: {  	[timem:s10], [sflag:s23] =	dma.local [hbm:s8], s21  }
0xa1: {  	_ =	swait.ge [sflag:s23], s21  }
0xa2: {  	s7 =	ssub.s32 $0x0, s21;
	[sflag:s23] =	ssyncset.done $0x0  }
0xa3: {  	[sflag:s23] =	ssyncadd.s32 s7;
	_ =	sdelay $0x1  }
0xa4: {  	s24 =	simm.s32 $0x1B8B  }
0xa5: {  	_ =	swait.ge [sflag:s24], $0x1  }
0xa6: {  	[sflag:s24] =	ssyncset.done $0x0  }
0xa7: {  	s25 =	simm.s32 $0x1B8E;
	[sflag:s24] =	ssyncadd.s32 $0xFFFFFFFF  }
0xa8: {  	s26 =	simm.s32 $execute0_lowered;
	[smem:$0x3FD2] =	sst s25  }
0xa9: {  	s7 =	sshll.u32 s26, $0x1;
	_ =	strace $0x80000046;
	[dreg:$0x1] =	wrdreg $0xFFFFFFFF  }
0xaa: {  	s28 =	simm.s32 $_size_execute0_lowered;
	s6 =	sadd.s32 s6, s7;
	[dreg:$0x0] =	wrdreg $0x0  }
0xab: {  	s7 =	sshll.u32 s28, $0x1;
	[dreg:$0x2] =	wrdreg s6  }
0xac: {  	[dreg:$0x3] =	wrdreg s7  }
0xad: {  	[dreg:$0x4] =	wrdreg $0xC0  }
0xae: {  	_ =	task [dreg:s10], $0x5FFFF  }
0xaf: {  	[dreg:$0x1] =	wrdreg $0xFFFFFFFF  }
0xb0: {  	[dreg:$0x0] =	wrdreg $0x60  }
0xb1: {  	[dreg:$0x2] =	wrdreg s2  }
0xb2: {  	[dreg:$0x3] =	wrdreg s19  }
0xb3: {  	[dreg:$0x4] =	wrdreg s4  }
0xb4: {  	[dreg:$0x5] =	wrdreg s5  }
0xb5: {  	[dreg:$0x6] =	wrdreg $0x9  }
0xb6: {  	_ =	task.clear_ibuf [dreg:s10], $0x7FFFF;
	_ =	strace $0x90000046  }
0xb7: {  	s29 =	simm.s32 $0x9;
	_ =	strace $0x80000048  }
0xb8: {  	_ =	swait.ge [sflag:s29], $0x1  }
0xb9: {  	[sflag:s29] =	ssyncadd.s32 $0xFFFFFFFF  }
0xba: {  	_ =	strace $0x90000048  }
0xbb: {  	_ =	sfence  }
0xbc: {  	s30 =	sld [smem:$0x0];
	_ =	sdelay $0x2  }
0xbd: {  	s31 =	sshll.u32 s1, $0xD;
	s1 =	sshrl.u32 s1, $0x2  }
0xbe: {  	s3 =	sand.u32 $0x4000, s31;
	s1 =	sadd.s32 s1, s30  }
0xbf: {  	s0 =	sor.u32 s3, s0;
	s1 =	sshll.u32 s1, $0x11  }
0xc0: {  	s0 =	sor.u32 s1, s0  }
0xc1: {  	s0 =	sadd.s32 $0x8F2B, s0  }
0xc2: {  	[sflag:s0] =	ssyncadd.remote.s32 $0x1  }
0xc3: {  	_ =	sfence.sel $0xFFFF  }
0xc4: {  	[dreg:$0x0] =	wrdreg $0xFFFFFFFF;
	(pc) =	sbr.abs _section_cstart, $3  }
0xc5: {  	[dreg:$0x1] =	wrdreg $0xFFFFFFFF  }
0xc6: {  	_ =	task.clear_ibuf [dreg:s10], $0x2FFFF;
	_ =	strace $0x9FFFFFFF  }
0xc7: {  	(tm) =	ssettm $0x7FFFFFFF  }
tec
execute0_lowered:
.L_overlay_start_1:
0x0: {  	(tag) =	ssettag $0x1  }
0x1: {  	s1 =	rddreg [dreg:$0x0]  }
0x2: {  	s0 =	rddreg [dreg:$0x2]  }
0x3: {  	s2 =	srdreg.scid;
	s3 =	stileid.u32  }
0x4: {  	s4 =	rddreg [dreg:$0x3];
	s5 =	simm.s32 $0x0;
	s9 =	simm.s32 $0x16600  }
0x5: {  	s10 =	simm.s32 $0x5;
	s11 =	simm.s32 $0x80;
	s12 =	simm.s32 $0x6400  }
0x6: {  	s13 =	simm.s32 $0x6600;
	s14 =	simm.s32 $0x6480;
	s15 =	simm.s32 $0xA600  }
0x7: {  	s16 =	simm.s32 $0x6500;
	s17 =	simm.s32 $0xE600;
	s18 =	simm.s32 $0x6580  }
0x8: {  	v0 =	vimm.s32 $0x1;
	s19 =	simm.s32 $0x12600;
	s2 =	sand.u32 $0x1, s2;
	s3 =	sshll.u32 s3, $0x1  }
0x9: {  	v1 =	vimm.s32 $0x0;
	v2 =	vimm.s32 $0x2;
	v3 =	vimm.s32 $0x3;
	s20 =	simm.s32 $0x1;
	s21 =	simm.s32 $0x2;
	s3 =	sor.u32 s2, s3  }
0xa: {  	v4 =	vimm.s32 $0x4;
	v5 =	vimm.s32 $0x5;
	v6 =	vimm.s32 $0x6;
	s22 =	simm.s32 $0x3;
	s2 =	ssub.s32 $0x2, s2;
	s6 =	smul.u32 $0x6400, s3  }
0xb: {  	v7 =	vimm.s32 $0x7;
	v8 =	vimm.s32 $0x8;
	v9 =	vimm.s32 $0x9;
	s23 =	simm.s32 $0x4;
	s24 =	simm.s32 $0x0;
	s30 =	sshrl.u32 s2, $0x1  }
0xc: {  	v10 =	vimm.s32 $0xA;
	v11 =	vimm.s32 $0xB;
	v12 =	vimm.s32 $0xC;
	[smem:$0x7FF] =	sst s5;
	s2 =	ssub.s32 s2, s30;
	s31 =	sshrl.u32 s6, $0x3  }
0xd: {  	v13 =	vimm.s32 $0xD;
	v14 =	vimm.s32 $0xE;
	v15 =	vimm.s32 $0xF;
	_ =	strace $0x80000047;
	s8 =	smax.u32 s2, $0x1;
	s7 =	sadd.s32 s0, s31  }
.LBB2_1:
0xe: {  	s0 =	rddreg [dreg:$0x1]  }
0xf: {  	[tilespmem:s9], [sflag:$0x5] =	stream.linear.gather [hbm4b:s0+s5], $0x100, $0x38;
	[tilespmem:$0x16700] =	vst v63  }
0x10: {  	_ =	swait.ge [sflag:s10], $0x100  }
0x11: {  	[sflag:s10] =	ssyncset.done $0x0  }
0x12: {  	[sflag:s10] =	ssyncadd.s32 $0xFFFFFF00  }
0x13: {  	[tilespmem:s5], [sflag:$0x5] =	stream.linear.gather [hbm4b:s7+s5], $0x6400, $0x38;
	[tilespmem:$0x16700] =	vst v63  }
0x14: {  	_ =	swait.ge [sflag:s10], $0x6400  }
0x15: {  	[sflag:s10] =	ssyncset.done $0x0  }
0x16: {  	[sflag:s10] =	ssyncadd.s32 $0xFFFF9C00  }
0x17: {  	v16 =	vld [tilespmem:$0x0]  }
0x18: {  	v17 =	vld [tilespmem:$0x10]  }
0x19: {  	v18 =	vld [tilespmem:$0x20]  }
0x1a: {  	v19 =	vld [tilespmem:$0x30]  }
0x1b: {  	v20 =	vld [tilespmem:$0x40]  }
0x1c: {  	v21 =	vld [tilespmem:$0x50];
	v16 =	vshrl.u32 v16, $0x2  }
0x1d: {  	[tilespmem:$0x6400] =	vst v16;
	v16 =	vshrl.u32 v17, $0x2;
	v17 =	vld [tilespmem:$0x60]  }
0x1e: {  	v56 =	vld [tilespmem:$0x70];
	[tilespmem:$0x6410] =	vst v16;
	v16 =	vshrl.u32 v18, $0x2  }
0x1f: {  	v57 =	vld [tilespmem:$0x80];
	[tilespmem:$0x6420] =	vst v16;
	v16 =	vshrl.u32 v19, $0x2  }
0x20: {  	v58 =	vld [tilespmem:$0x90];
	[tilespmem:$0x6430] =	vst v16;
	v16 =	vshrl.u32 v20, $0x2  }
0x21: {  	v59 =	vld [tilespmem:$0xA0];
	[tilespmem:$0x6440] =	vst v16;
	v16 =	vshrl.u32 v21, $0x2  }
0x22: {  	[tilespmem:$0x6450] =	vst v16;
	v16 =	vshrl.u32 v17, $0x2;
	v17 =	vld [tilespmem:$0xB0]  }
0x23: {  	v60 =	vld [tilespmem:$0xC0];
	[tilespmem:$0x6460] =	vst v16;
	v16 =	vshrl.u32 v56, $0x2  }
0x24: {  	v61 =	vld [tilespmem:$0xD0];
	[tilespmem:$0x6470] =	vst v16;
	v16 =	vshrl.u32 v57, $0x2  }
0x25: {  	v62 =	vld [tilespmem:$0xE0];
	[tilespmem:$0x6480] =	vst v16;
	v16 =	vshrl.u32 v58, $0x2  }
0x26: {  	v63 =	vld [tilespmem:$0xF0];
	[tilespmem:$0x6490] =	vst v16;
	v16 =	vshrl.u32 v59, $0x2  }
0x27: {  	[tilespmem:$0x64A0] =	vst v16;
	v16 =	vshrl.u32 v17, $0x2  }
0x28: {  	[tilespmem:$0x64B0] =	vst v16;
	v16 =	vshrl.u32 v60, $0x2  }
0x29: {  	[tilespmem:$0x64C0] =	vst v16;
	v16 =	vshrl.u32 v61, $0x2  }
0x2a: {  	[tilespmem:$0x64D0] =	vst v16;
	v16 =	vshrl.u32 v62, $0x2  }
0x2b: {  	[tilespmem:$0x64E0] =	vst v16;
	v16 =	vshrl.u32 v63, $0x2  }
0x2c: {  	[tilespmem:$0x64F0] =	vst v16  }
0x2d: {  	[tilespmem:s13], [sflag:$0x1] =	stream.indirect.gather [hbm4b:s1+s11], $0x80, s12, s11, $0xb8;
	[tilespmem:$0x16700] =	vst v63  }
0x2e: {  	s25 =	simm.s32 $0x100;
	s28 =	simm.s32 $0x0;
	s0 =	simm.s32 $0x0  }
0x2f: {  	[tilespmem:s15], [sflag:$0x1] =	stream.indirect.gather [hbm4b:s1+s11], $0x80, s14, s11, $0xb8;
	[tilespmem:$0x16700] =	vst v63  }
.LBB2_2:
0x30: {  	s30 =	sshll.u32 s28, $0x9  }
0x31: {  	v16 =	vld [tilespmem:s30+$0x100];
	_ =	sdelay $0x4  }
0x32: {  	v16 =	vshrl.u32 v16, $0x2  }
0x33: {  	[tilespmem:$0x6500] =	vst v16  }
0x34: {  	v16 =	vld [tilespmem:s30+$0x110];
	_ =	sdelay $0x4  }
0x35: {  	v16 =	vshrl.u32 v16, $0x2  }
0x36: {  	[tilespmem:$0x6510] =	vst v16  }
0x37: {  	v16 =	vld [tilespmem:s30+$0x120];
	_ =	sdelay $0x4  }
0x38: {  	v16 =	vshrl.u32 v16, $0x2  }
0x39: {  	[tilespmem:$0x6520] =	vst v16  }
0x3a: {  	v16 =	vld [tilespmem:s30+$0x130];
	_ =	sdelay $0x4  }
0x3b: {  	v16 =	vshrl.u32 v16, $0x2  }
0x3c: {  	[tilespmem:$0x6530] =	vst v16  }
0x3d: {  	v16 =	vld [tilespmem:s30+$0x140];
	_ =	sdelay $0x4  }
0x3e: {  	v16 =	vshrl.u32 v16, $0x2  }
0x3f: {  	[tilespmem:$0x6540] =	vst v16  }
0x40: {  	v16 =	vld [tilespmem:s30+$0x150];
	_ =	sdelay $0x4  }
0x41: {  	v16 =	vshrl.u32 v16, $0x2  }
0x42: {  	[tilespmem:$0x6550] =	vst v16  }
0x43: {  	v16 =	vld [tilespmem:s30+$0x160];
	_ =	sdelay $0x4  }
0x44: {  	v16 =	vshrl.u32 v16, $0x2  }
0x45: {  	[tilespmem:$0x6560] =	vst v16  }
0x46: {  	v16 =	vld [tilespmem:s30+$0x170];
	_ =	sdelay $0x4  }
0x47: {  	v16 =	vshrl.u32 v16, $0x2  }
0x48: {  	[tilespmem:$0x6570] =	vst v16  }
0x49: {  	v16 =	vld [tilespmem:s30+$0x180];
	_ =	sdelay $0x4  }
0x4a: {  	v16 =	vshrl.u32 v16, $0x2  }
0x4b: {  	[tilespmem:$0x6580] =	vst v16  }
0x4c: {  	v16 =	vld [tilespmem:s30+$0x190];
	_ =	sdelay $0x4  }
0x4d: {  	v16 =	vshrl.u32 v16, $0x2  }
0x4e: {  	[tilespmem:$0x6590] =	vst v16  }
0x4f: {  	v16 =	vld [tilespmem:s30+$0x1A0];
	_ =	sdelay $0x4  }
0x50: {  	v16 =	vshrl.u32 v16, $0x2  }
0x51: {  	[tilespmem:$0x65A0] =	vst v16  }
0x52: {  	v16 =	vld [tilespmem:s30+$0x1B0];
	_ =	sdelay $0x4  }
0x53: {  	v16 =	vshrl.u32 v16, $0x2  }
0x54: {  	[tilespmem:$0x65B0] =	vst v16  }
0x55: {  	v16 =	vld [tilespmem:s30+$0x1C0];
	_ =	sdelay $0x4  }
0x56: {  	v16 =	vshrl.u32 v16, $0x2  }
0x57: {  	[tilespmem:$0x65C0] =	vst v16  }
0x58: {  	v16 =	vld [tilespmem:s30+$0x1D0];
	_ =	sdelay $0x4  }
0x59: {  	v16 =	vshrl.u32 v16, $0x2  }
0x5a: {  	[tilespmem:$0x65D0] =	vst v16  }
0x5b: {  	v16 =	vld [tilespmem:s30+$0x1E0];
	_ =	sdelay $0x4  }
0x5c: {  	v16 =	vshrl.u32 v16, $0x2  }
0x5d: {  	[tilespmem:$0x65E0] =	vst v16  }
0x5e: {  	v16 =	vld [tilespmem:s30+$0x1F0];
	_ =	sdelay $0x4  }
0x5f: {  	p0 =	seq.s32 s28, $0x0;
	v16 =	vshrl.u32 v16, $0x2  }
0x60: {  	s2 =	simm.s32 @!p0 $0x4;
	[tilespmem:$0x65F0] =	vst v16  }
0x61: {  	_ =	swait.ge @!p0 [sflag:s2], $0x8000  }
0x62: {  	[sflag:s2] =	ssyncset.done @!p0 $0x0  }
0x63: {  	[sflag:s2] =	ssyncadd.s32 @!p0 $0xFFFF8000  }
0x64: {  	[tilespmem:s17], [sflag:$0x2] =	stream.indirect.gather [hbm4b:s1+s11], $0x80, s16, s11, $0xb8;
	[tilespmem:$0x16700] =	vst v63  }
0x65: {  	_ = 	snop  }
0x66: {  	[tilespmem:s19], [sflag:$0x2] =	stream.indirect.gather [hbm4b:s1+s11], $0x80, s18, s11, $0xb8;
	[tilespmem:$0x16700] =	vst v63  }
0x67: {  	_ =	swait.ge [sflag:s20], $0x8000  }
0x68: {  	[sflag:s20] =	ssyncset.done $0x0  }
0x69: {  	[sflag:s20] =	ssyncadd.s32 $0xFFFF8000  }
0x6a: {  	v21 =	vld [tilespmem:$0x16640]  }
0x6b: {  	v19 =	vld [tilespmem:$0x16650]  }
0x6c: {  	v17 =	vld [tilespmem:$0x16660]  }
0x6d: {  	v16 =	vld [tilespmem:$0x16670]  }
0x6e: {  	v23 =	vld [tilespmem:$0x16680]  }
0x6f: {  	v22 =	vld [tilespmem:$0x16690]  }
0x70: {  	v20 =	vld [tilespmem:$0x166A0]  }
0x71: {  	s31 =	simm.s32 $0x0;
	v18 =	vld [tilespmem:$0x166B0]  }
0x72: {  	s3 =	simm.s32 $0x2000;
	s26 =	smov.u32 s0;
	s29 =	sor.u32 $0x100, s30;
	v24 =	vld [tilespmem:s0+$0x0]  }
.LBB2_3:
0x73: {  	p0 =	sne.s32 s3, $0x1E000;
	_ =	sdelay $0x3  }
0x74: {  	v25 =	vshrl.u32 v24, $0x1  }
0x75: {  	v24 =	vand.u32 $0x1, v24;
	v25 =	vand.u32 $0x1, v25  }
0x76: {  	v24 =	vcvt.s32.f32 v24;
	v25 =	vcvt.s32.f32 v25;
	_ =	sdelay $0x1  }
0x77: {  	v26 =	vperm.xlane v24, v1;
	v27 =	vperm.xlane v25, v1  }
0x78: {  	v28 =	vperm.xlane v24, v0;
	v29 =	vperm.xlane v25, v0  }
0x79: {  	v30 =	vmul.f32 v26, v21;
	v31 =	vmul.f32 v27, v23  }
0x7a: {  	v32 =	vmul.f32 v26, v19;
	v33 =	vmul.f32 v27, v22  }
0x7b: {  	v34 =	vmul.f32 v27, v20;
	v30 =	vadd.f32 v31, v30;
	v31 =	vmul.f32 v26, v17  }
0x7c: {  	s2 =	sshra.s32 s31, $0x2;
	s31 =	smov.u32 s3;
	v27 =	vmul.f32 v27, v18;
	v32 =	vadd.f32 v33, v32;
	v26 =	vmul.f32 v26, v16  }
0x7d: {  	v33 =	vmul.f32 v29, v23;
	[tilespmem:s2+$0x6600] =	vst.add.f32.msk $0xffff, v30;
	v30 =	vadd.f32 v34, v31;
	v31 =	vmul.f32 v28, v21  }
0x7e: {  	v26 =	vadd.f32 v27, v26;
	v27 =	vmul.f32 v28, v19;
	[tilespmem:s2+$0x6610] =	vst.add.f32.msk $0xffff, v32;
	v32 =	vmul.f32 v29, v22  }
0x7f: {  	[tilespmem:s2+$0x6620] =	vst.add.f32.msk $0xffff, v30;
	v30 =	vadd.f32 v33, v31;
	v31 =	vmul.f32 v28, v17;
	v33 =	vmul.f32 v29, v20  }
0x80: {  	[tilespmem:s2+$0x6630] =	vst.add.f32.msk $0xffff, v26;
	v26 =	vadd.f32 v32, v27;
	v27 =	vmul.f32 v28, v16;
	v28 =	vmul.f32 v29, v18  }
0x81: {  	[tilespmem:s2+$0x6680] =	vst.add.f32.msk $0xffff, v30;
	v29 =	vadd.f32 v33, v31;
	v30 =	vperm.xlane v24, v2;
	v31 =	vperm.xlane v25, v2  }
0x82: {  	[tilespmem:s2+$0x6690] =	vst.add.f32.msk $0xffff, v26;
	v26 =	vadd.f32 v28, v27;
	v27 =	vperm.xlane v24, v3;
	v28 =	vperm.xlane v25, v3  }
0x83: {  	[tilespmem:s2+$0x66A0] =	vst.add.f32.msk $0xffff, v29;
	v29 =	vmul.f32 v30, v21;
	v32 =	vmul.f32 v31, v23  }
0x84: {  	v33 =	vmul.f32 v31, v22;
	[tilespmem:s2+$0x66B0] =	vst.add.f32.msk $0xffff, v26;
	v26 =	vmul.f32 v30, v19  }
0x85: {  	v34 =	vmul.f32 v31, v20;
	v29 =	vadd.f32 v32, v29;
	v32 =	vmul.f32 v30, v17  }
0x86: {  	v31 =	vmul.f32 v31, v18;
	v30 =	vmul.f32 v30, v16;
	v26 =	vadd.f32 v33, v26  }
0x87: {  	v33 =	vmul.f32 v28, v23;
	[tilespmem:s2+$0x6700] =	vst.add.f32.msk $0xffff, v29;
	v29 =	vadd.f32 v34, v32;
	v32 =	vmul.f32 v27, v21  }
0x88: {  	[tilespmem:s2+$0x6710] =	vst.add.f32.msk $0xffff, v26;
	v26 =	vadd.f32 v31, v30;
	v30 =	vmul.f32 v27, v19;
	v31 =	vmul.f32 v28, v22  }
0x89: {  	[tilespmem:s2+$0x6720] =	vst.add.f32.msk $0xffff, v29;
	v29 =	vadd.f32 v33, v32;
	v32 =	vmul.f32 v27, v17;
	v33 =	vmul.f32 v28, v20  }
0x8a: {  	v27 =	vmul.f32 v27, v16;
	v28 =	vmul.f32 v28, v18;
	[tilespmem:s2+$0x6730] =	vst.add.f32.msk $0xffff, v26;
	v26 =	vadd.f32 v31, v30  }
0x8b: {  	v30 =	vperm.xlane v24, v4;
	v31 =	vperm.xlane v25, v4;
	[tilespmem:s2+$0x6780] =	vst.add.f32.msk $0xffff, v29;
	v29 =	vadd.f32 v33, v32  }
0x8c: {  	[tilespmem:s2+$0x6790] =	vst.add.f32.msk $0xffff, v26;
	v26 =	vadd.f32 v28, v27;
	v27 =	vperm.xlane v24, v5;
	v28 =	vperm.xlane v25, v5  }
0x8d: {  	v32 =	vmul.f32 v31, v23;
	[tilespmem:s2+$0x67A0] =	vst.add.f32.msk $0xffff, v29;
	v29 =	vmul.f32 v30, v21  }
0x8e: {  	v33 =	vmul.f32 v31, v22;
	[tilespmem:s2+$0x67B0] =	vst.add.f32.msk $0xffff, v26;
	v26 =	vmul.f32 v30, v19  }
0x8f: {  	v34 =	vmul.f32 v31, v20;
	v29 =	vadd.f32 v32, v29;
	v32 =	vmul.f32 v30, v17  }
0x90: {  	v31 =	vmul.f32 v31, v18;
	v30 =	vmul.f32 v30, v16;
	v26 =	vadd.f32 v33, v26  }
0x91: {  	v33 =	vmul.f32 v28, v23;
	[tilespmem:s2+$0x6800] =	vst.add.f32.msk $0xffff, v29;
	v29 =	vadd.f32 v34, v32;
	v32 =	vmul.f32 v27, v21  }
0x92: {  	[tilespmem:s2+$0x6810] =	vst.add.f32.msk $0xffff, v26;
	v26 =	vadd.f32 v31, v30;
	v30 =	vmul.f32 v27, v19;
	v31 =	vmul.f32 v28, v22  }
0x93: {  	[tilespmem:s2+$0x6820] =	vst.add.f32.msk $0xffff, v29;
	v29 =	vadd.f32 v33, v32;
	v32 =	vmul.f32 v27, v17;
	v33 =	vmul.f32 v28, v20  }
0x94: {  	v27 =	vmul.f32 v27, v16;
	v28 =	vmul.f32 v28, v18;
	[tilespmem:s2+$0x6830] =	vst.add.f32.msk $0xffff, v26;
	v26 =	vadd.f32 v31, v30  }
0x95: {  	v30 =	vperm.xlane v24, v6;
	v31 =	vperm.xlane v25, v6;
	[tilespmem:s2+$0x6880] =	vst.add.f32.msk $0xffff, v29;
	v29 =	vadd.f32 v33, v32  }
0x96: {  	[tilespmem:s2+$0x6890] =	vst.add.f32.msk $0xffff, v26;
	v26 =	vadd.f32 v28, v27;
	v27 =	vperm.xlane v24, v7;
	v28 =	vperm.xlane v25, v7  }
0x97: {  	v32 =	vmul.f32 v31, v23;
	[tilespmem:s2+$0x68A0] =	vst.add.f32.msk $0xffff, v29;
	v29 =	vmul.f32 v30, v21  }
0x98: {  	v33 =	vmul.f32 v31, v22;
	[tilespmem:s2+$0x68B0] =	vst.add.f32.msk $0xffff, v26;
	v26 =	vmul.f32 v30, v19  }
0x99: {  	v34 =	vmul.f32 v31, v20;
	v29 =	vadd.f32 v32, v29;
	v32 =	vmul.f32 v30, v17  }
0x9a: {  	v31 =	vmul.f32 v31, v18;
	v30 =	vmul.f32 v30, v16;
	v26 =	vadd.f32 v33, v26  }
0x9b: {  	v33 =	vmul.f32 v28, v23;
	[tilespmem:s2+$0x6900] =	vst.add.f32.msk $0xffff, v29;
	v29 =	vadd.f32 v34, v32;
	v32 =	vmul.f32 v27, v21  }
0x9c: {  	[tilespmem:s2+$0x6910] =	vst.add.f32.msk $0xffff, v26;
	v26 =	vadd.f32 v31, v30;
	v30 =	vmul.f32 v27, v19;
	v31 =	vmul.f32 v28, v22  }
0x9d: {  	[tilespmem:s2+$0x6920] =	vst.add.f32.msk $0xffff, v29;
	v29 =	vadd.f32 v33, v32;
	v32 =	vmul.f32 v27, v17;
	v33 =	vmul.f32 v28, v20  }
0x9e: {  	v27 =	vmul.f32 v27, v16;
	v28 =	vmul.f32 v28, v18;
	[tilespmem:s2+$0x6930] =	vst.add.f32.msk $0xffff, v26;
	v26 =	vadd.f32 v31, v30  }
0x9f: {  	v30 =	vperm.xlane v24, v8;
	v31 =	vperm.xlane v25, v8;
	[tilespmem:s2+$0x6980] =	vst.add.f32.msk $0xffff, v29;
	v29 =	vadd.f32 v33, v32  }
0xa0: {  	[tilespmem:s2+$0x6990] =	vst.add.f32.msk $0xffff, v26;
	v26 =	vadd.f32 v28, v27;
	v27 =	vperm.xlane v24, v9;
	v28 =	vperm.xlane v25, v9  }
0xa1: {  	v32 =	vmul.f32 v31, v23;
	[tilespmem:s2+$0x69A0] =	vst.add.f32.msk $0xffff, v29;
	v29 =	vmul.f32 v30, v21  }
0xa2: {  	v33 =	vmul.f32 v31, v22;
	[tilespmem:s2+$0x69B0] =	vst.add.f32.msk $0xffff, v26;
	v26 =	vmul.f32 v30, v19  }
0xa3: {  	v34 =	vmul.f32 v31, v20;
	v29 =	vadd.f32 v32, v29;
	v32 =	vmul.f32 v30, v17  }
0xa4: {  	v31 =	vmul.f32 v31, v18;
	v30 =	vmul.f32 v30, v16;
	v26 =	vadd.f32 v33, v26  }
0xa5: {  	v33 =	vmul.f32 v28, v23;
	[tilespmem:s2+$0x6A00] =	vst.add.f32.msk $0xffff, v29;
	v29 =	vadd.f32 v34, v32;
	v32 =	vmul.f32 v27, v21  }
0xa6: {  	[tilespmem:s2+$0x6A10] =	vst.add.f32.msk $0xffff, v26;
	v26 =	vadd.f32 v31, v30;
	v30 =	vmul.f32 v27, v19;
	v31 =	vmul.f32 v28, v22  }
0xa7: {  	[tilespmem:s2+$0x6A20] =	vst.add.f32.msk $0xffff, v29;
	v29 =	vadd.f32 v33, v32;
	v32 =	vmul.f32 v27, v17;
	v33 =	vmul.f32 v28, v20  }
0xa8: {  	v27 =	vmul.f32 v27, v16;
	v28 =	vmul.f32 v28, v18;
	[tilespmem:s2+$0x6A30] =	vst.add.f32.msk $0xffff, v26;
	v26 =	vadd.f32 v31, v30  }
0xa9: {  	v30 =	vperm.xlane v24, v10;
	v31 =	vperm.xlane v25, v10;
	[tilespmem:s2+$0x6A80] =	vst.add.f32.msk $0xffff, v29;
	v29 =	vadd.f32 v33, v32  }
0xaa: {  	[tilespmem:s2+$0x6A90] =	vst.add.f32.msk $0xffff, v26;
	v26 =	vadd.f32 v28, v27;
	v27 =	vperm.xlane v24, v11;
	v28 =	vperm.xlane v25, v11  }
0xab: {  	v32 =	vmul.f32 v31, v23;
	[tilespmem:s2+$0x6AA0] =	vst.add.f32.msk $0xffff, v29;
	v29 =	vmul.f32 v30, v21  }
0xac: {  	v33 =	vmul.f32 v31, v22;
	[tilespmem:s2+$0x6AB0] =	vst.add.f32.msk $0xffff, v26;
	v26 =	vmul.f32 v30, v19  }
0xad: {  	v34 =	vmul.f32 v31, v20;
	v29 =	vadd.f32 v32, v29;
	v32 =	vmul.f32 v30, v17  }
0xae: {  	v31 =	vmul.f32 v31, v18;
	v30 =	vmul.f32 v30, v16;
	v26 =	vadd.f32 v33, v26  }
0xaf: {  	v33 =	vmul.f32 v28, v23;
	[tilespmem:s2+$0x6B00] =	vst.add.f32.msk $0xffff, v29;
	v29 =	vadd.f32 v34, v32;
	v32 =	vmul.f32 v27, v21  }
0xb0: {  	[tilespmem:s2+$0x6B10] =	vst.add.f32.msk $0xffff, v26;
	v26 =	vadd.f32 v31, v30;
	v30 =	vmul.f32 v27, v19;
	v31 =	vmul.f32 v28, v22  }
0xb1: {  	[tilespmem:s2+$0x6B20] =	vst.add.f32.msk $0xffff, v29;
	v29 =	vadd.f32 v33, v32;
	v32 =	vmul.f32 v27, v17;
	v33 =	vmul.f32 v28, v20  }
0xb2: {  	v27 =	vmul.f32 v27, v16;
	v28 =	vmul.f32 v28, v18;
	[tilespmem:s2+$0x6B30] =	vst.add.f32.msk $0xffff, v26;
	v26 =	vadd.f32 v31, v30  }
0xb3: {  	v30 =	vperm.xlane v24, v12;
	v31 =	vperm.xlane v25, v12;
	[tilespmem:s2+$0x6B80] =	vst.add.f32.msk $0xffff, v29;
	v29 =	vadd.f32 v33, v32  }
0xb4: {  	[tilespmem:s2+$0x6B90] =	vst.add.f32.msk $0xffff, v26;
	v26 =	vadd.f32 v28, v27;
	v27 =	vperm.xlane v24, v13;
	v28 =	vperm.xlane v25, v13  }
0xb5: {  	v32 =	vmul.f32 v31, v23;
	[tilespmem:s2+$0x6BA0] =	vst.add.f32.msk $0xffff, v29;
	v29 =	vmul.f32 v30, v21  }
0xb6: {  	v33 =	vmul.f32 v31, v22;
	[tilespmem:s2+$0x6BB0] =	vst.add.f32.msk $0xffff, v26;
	v26 =	vmul.f32 v30, v19  }
0xb7: {  	v34 =	vmul.f32 v31, v20;
	v29 =	vadd.f32 v32, v29;
	v32 =	vmul.f32 v30, v17  }
0xb8: {  	v31 =	vmul.f32 v31, v18;
	v30 =	vmul.f32 v30, v16;
	v26 =	vadd.f32 v33, v26  }
0xb9: {  	v33 =	vmul.f32 v28, v23;
	[tilespmem:s2+$0x6C00] =	vst.add.f32.msk $0xffff, v29;
	v29 =	vadd.f32 v34, v32;
	v32 =	vmul.f32 v27, v21  }
0xba: {  	[tilespmem:s2+$0x6C10] =	vst.add.f32.msk $0xffff, v26;
	v26 =	vadd.f32 v31, v30;
	v30 =	vmul.f32 v27, v19;
	v31 =	vmul.f32 v28, v22  }
0xbb: {  	[tilespmem:s2+$0x6C20] =	vst.add.f32.msk $0xffff, v29;
	v29 =	vadd.f32 v33, v32;
	v32 =	vmul.f32 v27, v17;
	v33 =	vmul.f32 v28, v20  }
0xbc: {  	v27 =	vmul.f32 v27, v16;
	v28 =	vmul.f32 v28, v18;
	[tilespmem:s2+$0x6C30] =	vst.add.f32.msk $0xffff, v26;
	v26 =	vadd.f32 v31, v30  }
0xbd: {  	v30 =	vperm.xlane v24, v14;
	v31 =	vperm.xlane v25, v14;
	[tilespmem:s2+$0x6C80] =	vst.add.f32.msk $0xffff, v29;
	v29 =	vadd.f32 v33, v32  }
0xbe: {  	v24 =	vperm.xlane v24, v15;
	v25 =	vperm.xlane v25, v15;
	[tilespmem:s2+$0x6C90] =	vst.add.f32.msk $0xffff, v26;
	v26 =	vadd.f32 v28, v27  }
0xbf: {  	v27 =	vmul.f32 v30, v21;
	v28 =	vmul.f32 v31, v23;
	[tilespmem:s2+$0x6CA0] =	vst.add.f32.msk $0xffff, v29  }
0xc0: {  	v29 =	vmul.f32 v31, v22;
	[tilespmem:s2+$0x6CB0] =	vst.add.f32.msk $0xffff, v26;
	v26 =	vmul.f32 v30, v19  }
0xc1: {  	v32 =	vmul.f32 v31, v20;
	v27 =	vadd.f32 v28, v27;
	v28 =	vmul.f32 v30, v17  }
0xc2: {  	v26 =	vadd.f32 v29, v26;
	v29 =	vmul.f32 v30, v16;
	v30 =	vmul.f32 v31, v18  }
0xc3: {  	v31 =	vmul.f32 v25, v23;
	[tilespmem:s2+$0x6D00] =	vst.add.f32.msk $0xffff, v27;
	v27 =	vadd.f32 v32, v28;
	v28 =	vmul.f32 v24, v21  }
0xc4: {  	[tilespmem:s2+$0x6D10] =	vst.add.f32.msk $0xffff, v26;
	v26 =	vadd.f32 v30, v29;
	v29 =	vmul.f32 v24, v19;
	v30 =	vmul.f32 v25, v22  }
0xc5: {  	[tilespmem:s2+$0x6D20] =	vst.add.f32.msk $0xffff, v27;
	v27 =	vadd.f32 v31, v28;
	v28 =	vmul.f32 v24, v17;
	v31 =	vmul.f32 v25, v20  }
0xc6: {  	v24 =	vmul.f32 v24, v16;
	v25 =	vmul.f32 v25, v18;
	[tilespmem:s2+$0x6D30] =	vst.add.f32.msk $0xffff, v26;
	v26 =	vadd.f32 v30, v29  }
.Ltmp0:
0xc7: {  	[tilespmem:s2+$0x6D80] =	vst.add.f32.msk $0xffff, v27;
	v27 =	vadd.f32 v31, v28;
	(pc) =	sbr.rel @p0 .LBB2_3-.Ltmp0, $4  }
0xc8: {  	v24 =	vadd.f32 v25, v24;
	[tilespmem:s2+$0x6D90] =	vst.add.f32.msk $0xffff, v26  }
0xc9: {  	[tilespmem:s2+$0x6DA0] =	vst.add.f32.msk $0xffff, v27  }
0xca: {  	s26 =	sadd.s32 $0x10, s26;
	[tilespmem:s2+$0x6DB0] =	vst.add.f32.msk $0xffff, v24  }
0xcb: {  	s3 =	sadd.s32 $0x2000, s3;
	v24 =	vld [tilespmem:s26+$0x0]  }
0xcc: {  	_ =	sdelay $0x3  }
0xcd: {  	v25 =	vshrl.u32 v24, $0x1;
	v24 =	vand.u32 $0x1, v24  }
0xce: {  	v25 =	vand.u32 $0x1, v25;
	v24 =	vcvt.s32.f32 v24  }
0xcf: {  	v25 =	vcvt.s32.f32 v25  }
0xd0: {  	v26 =	vperm.xlane v24, v1;
	v28 =	vperm.xlane v24, v0  }
0xd1: {  	v42 =	vperm.xlane v24, v2;
	v44 =	vperm.xlane v24, v3  }
0xd2: {  	v61 =	vperm.xlane v24, v4;
	v27 =	vperm.xlane v25, v1  }
0xd3: {  	v29 =	vperm.xlane v25, v0;
	v43 =	vperm.xlane v25, v2  }
0xd4: {  	v45 =	vperm.xlane v25, v3;
	v62 =	vperm.xlane v25, v4  }
0xd5: {  	v63 =	vperm.xlane v25, v5;
	v30 =	vmul.f32 v26, v21  }
0xd6: {  	v32 =	vmul.f32 v26, v19;
	v34 =	vmul.f32 v26, v17  }
0xd7: {  	v26 =	vmul.f32 v26, v16;
	v36 =	vmul.f32 v28, v21  }
0xd8: {  	v38 =	vmul.f32 v28, v19;
	v40 =	vmul.f32 v28, v17  }
0xd9: {  	v28 =	vmul.f32 v28, v16;
	v46 =	vmul.f32 v42, v21  }
0xda: {  	v48 =	vmul.f32 v42, v19;
	v50 =	vmul.f32 v42, v17  }
0xdb: {  	v42 =	vmul.f32 v42, v16;
	v52 =	vmul.f32 v44, v21  }
0xdc: {  	v54 =	vmul.f32 v44, v19;
	v31 =	vmul.f32 v27, v23  }
0xdd: {  	v33 =	vmul.f32 v27, v22;
	v35 =	vmul.f32 v27, v20  }
0xde: {  	v27 =	vmul.f32 v27, v18;
	v37 =	vmul.f32 v29, v23  }
0xdf: {  	v39 =	vmul.f32 v29, v22;
	v41 =	vmul.f32 v29, v20  }
0xe0: {  	v29 =	vmul.f32 v29, v18;
	v47 =	vmul.f32 v43, v23  }
0xe1: {  	v49 =	vmul.f32 v43, v22;
	v51 =	vmul.f32 v43, v20  }
0xe2: {  	v43 =	vmul.f32 v43, v18;
	v53 =	vmul.f32 v45, v23  }
0xe3: {  	v55 =	vmul.f32 v45, v22;
	v56 =	vmul.f32 v45, v20  }
0xe4: {  	v30 =	vadd.f32 v31, v30;
	v31 =	vmul.f32 v44, v17;
	v32 =	vadd.f32 v33, v32  }
0xe5: {  	v33 =	vmul.f32 v44, v16;
	v44 =	vmul.f32 v45, v18;
	v60 =	vadd.f32 v35, v34  }
0xe6: {  	v26 =	vadd.f32 v27, v26;
	v27 =	vperm.xlane v24, v5;
	v45 =	vadd.f32 v37, v36  }
0xe7: {  	v36 =	vmul.f32 v61, v21;
	v37 =	vmul.f32 v62, v23;
	v57 =	vadd.f32 v41, v40  }
0xe8: {  	s2 =	sshra.s32 s31, $0x2;
	v40 =	vmul.f32 v61, v17;
	v41 =	vmul.f32 v62, v20;
	v58 =	vadd.f32 v47, v46  }
0xe9: {  	v35 =	vmul.f32 v63, v23;
	v46 =	vmul.f32 v63, v22;
	v59 =	vadd.f32 v51, v50;
	[tilespmem:s2+$0x6610] =	vst.add.f32.msk $0xffff, v32  }
0xea: {  	v50 =	vperm.xlane v25, v7;
	[tilespmem:s2+$0x6630] =	vst.add.f32.msk $0xffff, v26;
	v26 =	vadd.f32 v39, v38;
	v38 =	vmul.f32 v61, v19  }
0xeb: {  	[tilespmem:s2+$0x6620] =	vst.add.f32.msk $0xffff, v60;
	v39 =	vmul.f32 v62, v22;
	v34 =	vmul.f32 v27, v21  }
0xec: {  	[tilespmem:s2+$0x6680] =	vst.add.f32.msk $0xffff, v45;
	v45 =	vmul.f32 v27, v19;
	v47 =	vmul.f32 v27, v17  }
0xed: {  	[tilespmem:s2+$0x66A0] =	vst.add.f32.msk $0xffff, v57;
	v27 =	vmul.f32 v27, v16;
	v32 =	vmul.f32 v63, v18  }
0xee: {  	v60 =	vadd.f32 v53, v52;
	v52 =	vperm.xlane v25, v8;
	[tilespmem:s2+$0x6690] =	vst.add.f32.msk $0xffff, v26;
	v26 =	vadd.f32 v29, v28  }
0xef: {  	[tilespmem:s2+$0x6720] =	vst.add.f32.msk $0xffff, v59;
	v28 =	vmul.f32 v61, v16;
	v29 =	vmul.f32 v62, v18  }
0xf0: {  	v61 =	vperm.xlane v24, v6;
	v62 =	vperm.xlane v25, v6;
	[tilespmem:s2+$0x66B0] =	vst.add.f32.msk $0xffff, v26;
	v26 =	vadd.f32 v49, v48  }
0xf1: {  	[tilespmem:s2+$0x6780] =	vst.add.f32.msk $0xffff, v60;
	v48 =	vmul.f32 v63, v20;
	v49 =	vperm.xlane v24, v7;
	v63 =	vadd.f32 v56, v31  }
0xf2: {  	v56 =	vmul.f32 v61, v19;
	v57 =	vmul.f32 v62, v22;
	[tilespmem:s2+$0x6710] =	vst.add.f32.msk $0xffff, v26;
	v26 =	vadd.f32 v43, v42  }
0xf3: {  	v59 =	vmul.f32 v61, v17;
	v60 =	vmul.f32 v62, v20;
	[tilespmem:s2+$0x67A0] =	vst.add.f32.msk $0xffff, v63  }
0xf4: {  	v63 =	vadd.f32 v35, v34;
	v34 =	vmul.f32 v49, v17;
	[tilespmem:s2+$0x6730] =	vst.add.f32.msk $0xffff, v26;
	v26 =	vadd.f32 v55, v54  }
0xf5: {  	[tilespmem:s2+$0x6700] =	vst.add.f32.msk $0xffff, v58;
	v58 =	vadd.f32 v37, v36;
	v35 =	vmul.f32 v50, v20;
	v42 =	vmul.f32 v49, v16  }
0xf6: {  	v54 =	vmul.f32 v61, v21;
	v55 =	vmul.f32 v62, v23;
	[tilespmem:s2+$0x6790] =	vst.add.f32.msk $0xffff, v26;
	v26 =	vadd.f32 v44, v33  }
0xf7: {  	[tilespmem:s2+$0x6800] =	vst.add.f32.msk $0xffff, v58;
	v43 =	vmul.f32 v50, v18;
	v58 =	vadd.f32 v60, v59;
	v60 =	vmul.f32 v52, v20  }
0xf8: {  	v53 =	vadd.f32 v55, v54;
	v55 =	vmul.f32 v52, v23;
	[tilespmem:s2+$0x67B0] =	vst.add.f32.msk $0xffff, v26;
	v26 =	vadd.f32 v39, v38  }
0xf9: {  	v38 =	vmul.f32 v61, v16;
	v61 =	vmul.f32 v62, v18  }
0xfa: {  	v62 =	vadd.f32 v41, v40;
	v41 =	vmul.f32 v50, v23;
	[tilespmem:s2+$0x6810] =	vst.add.f32.msk $0xffff, v26;
	v26 =	vadd.f32 v29, v28  }
0xfb: {  	v29 =	vmul.f32 v50, v22;
	v50 =	vperm.xlane v24, v8  }
0xfc: {  	v40 =	vmul.f32 v49, v21;
	v28 =	vmul.f32 v49, v19;
	[tilespmem:s2+$0x6830] =	vst.add.f32.msk $0xffff, v26;
	v26 =	vadd.f32 v46, v45  }
0xfd: {  	[tilespmem:s2+$0x6820] =	vst.add.f32.msk $0xffff, v62;
	v62 =	vmul.f32 v52, v18;
	v54 =	vmul.f32 v50, v21  }
0xfe: {  	v59 =	vmul.f32 v50, v17;
	[tilespmem:s2+$0x6890] =	vst.add.f32.msk $0xffff, v26;
	v26 =	vadd.f32 v32, v27;
	v27 =	vperm.xlane v24, v9  }
0xff: {  	[tilespmem:s2+$0x6900] =	vst.add.f32.msk $0xffff, v53;
	v32 =	vperm.xlane v25, v9;
	v53 =	vadd.f32 v55, v54;
	v54 =	vperm.xlane v24, v10  }
0x100: {  	v55 =	vperm.xlane v25, v10;
	[tilespmem:s2+$0x68B0] =	vst.add.f32.msk $0xffff, v26;
	v26 =	vadd.f32 v57, v56;
	v56 =	vmul.f32 v50, v19  }
0x101: {  	[tilespmem:s2+$0x6880] =	vst.add.f32.msk $0xffff, v63;
	v49 =	vadd.f32 v48, v47;
	v57 =	vmul.f32 v52, v22;
	v45 =	vmul.f32 v27, v21  }
0x102: {  	[tilespmem:s2+$0x6920] =	vst.add.f32.msk $0xffff, v58;
	v46 =	vmul.f32 v32, v23;
	v48 =	vmul.f32 v27, v19  }
0x103: {  	v63 =	vadd.f32 v41, v40;
	[tilespmem:s2+$0x68A0] =	vst.add.f32.msk $0xffff, v49;
	v49 =	vmul.f32 v32, v22;
	v51 =	vmul.f32 v27, v17  }
0x104: {  	v52 =	vmul.f32 v32, v20;
	v27 =	vmul.f32 v27, v16;
	[tilespmem:s2+$0x6910] =	vst.add.f32.msk $0xffff, v26;
	v26 =	vadd.f32 v61, v38  }
0x105: {  	[tilespmem:s2+$0x6980] =	vst.add.f32.msk $0xffff, v63;
	v58 =	vadd.f32 v60, v59;
	v32 =	vmul.f32 v32, v18;
	v59 =	vmul.f32 v54, v21  }
0x106: {  	v60 =	vmul.f32 v55, v23;
	v44 =	vmul.f32 v54, v17;
	[tilespmem:s2+$0x6930] =	vst.add.f32.msk $0xffff, v26;
	v26 =	vadd.f32 v29, v28  }
0x107: {  	[tilespmem:s2+$0x6A20] =	vst.add.f32.msk $0xffff, v58;
	v47 =	vmul.f32 v55, v18;
	v58 =	vperm.xlane v25, v12;
	v63 =	vadd.f32 v46, v45  }
0x108: {  	v61 =	vmul.f32 v50, v16;
	v45 =	vmul.f32 v55, v20;
	[tilespmem:s2+$0x6990] =	vst.add.f32.msk $0xffff, v26;
	v26 =	vadd.f32 v43, v42  }
0x109: {  	v46 =	vmul.f32 v54, v16;
	v40 =	vmul.f32 v58, v22;
	[tilespmem:s2+$0x6A80] =	vst.add.f32.msk $0xffff, v63  }
0x10a: {  	v63 =	vmul.f32 v58, v23;
	v43 =	vmul.f32 v58, v20;
	[tilespmem:s2+$0x69B0] =	vst.add.f32.msk $0xffff, v26;
	v26 =	vadd.f32 v57, v56  }
0x10b: {  	[tilespmem:s2+$0x6A00] =	vst.add.f32.msk $0xffff, v53;
	v50 =	vadd.f32 v35, v34;
	v56 =	vperm.xlane v24, v11;
	v57 =	vperm.xlane v25, v11  }
0x10c: {  	[tilespmem:s2+$0x6A10] =	vst.add.f32.msk $0xffff, v26;
	v26 =	vadd.f32 v62, v61;
	v61 =	vmul.f32 v54, v19;
	v62 =	vmul.f32 v55, v22  }
0x10d: {  	[tilespmem:s2+$0x69A0] =	vst.add.f32.msk $0xffff, v50;
	v50 =	vmul.f32 v57, v23;
	v53 =	vmul.f32 v56, v17  }
0x10e: {  	v54 =	vmul.f32 v57, v20;
	v33 =	vmul.f32 v56, v16  }
0x10f: {  	v55 =	vmul.f32 v57, v18;
	[tilespmem:s2+$0x6A30] =	vst.add.f32.msk $0xffff, v26;
	v26 =	vadd.f32 v49, v48;
	v49 =	vmul.f32 v56, v21  }
0x110: {  	v48 =	vadd.f32 v52, v51;
	v51 =	vmul.f32 v57, v22;
	v57 =	vperm.xlane v24, v12  }
0x111: {  	v52 =	vadd.f32 v60, v59;
	v59 =	vperm.xlane v24, v13;
	v60 =	vperm.xlane v25, v13  }
0x112: {  	[tilespmem:s2+$0x6600] =	vst.add.f32.msk $0xffff, v30;
	v41 =	vadd.f32 v54, v53;
	v54 =	vperm.xlane v24, v14;
	v24 =	vperm.xlane v24, v15  }
0x113: {  	[tilespmem:s2+$0x6A90] =	vst.add.f32.msk $0xffff, v26;
	v26 =	vadd.f32 v32, v27;
	v27 =	vmul.f32 v56, v19;
	v42 =	vmul.f32 v57, v17  }
0x114: {  	[tilespmem:s2+$0x6AA0] =	vst.add.f32.msk $0xffff, v48;
	v56 =	vadd.f32 v45, v44;
	v44 =	vmul.f32 v57, v16;
	v45 =	vmul.f32 v58, v18  }
0x115: {  	[tilespmem:s2+$0x6B00] =	vst.add.f32.msk $0xffff, v52;
	v48 =	vmul.f32 v60, v23;
	v52 =	vmul.f32 v60, v20  }
0x116: {  	v28 =	vmul.f32 v59, v16;
	v29 =	vmul.f32 v60, v18;
	[tilespmem:s2+$0x6AB0] =	vst.add.f32.msk $0xffff, v26;
	v26 =	vadd.f32 v62, v61  }
0x117: {  	v58 =	vmul.f32 v54, v19;
	[tilespmem:s2+$0x6B20] =	vst.add.f32.msk $0xffff, v56;
	v61 =	vadd.f32 v50, v49;
	v62 =	vmul.f32 v57, v21  }
0x118: {  	v49 =	vmul.f32 v60, v22;
	v56 =	vmul.f32 v54, v21;
	[tilespmem:s2+$0x6B10] =	vst.add.f32.msk $0xffff, v26;
	v26 =	vadd.f32 v47, v46  }
0x119: {  	[tilespmem:s2+$0x6BA0] =	vst.add.f32.msk $0xffff, v41;
	v60 =	vmul.f32 v54, v17;
	v46 =	vadd.f32 v63, v62;
	v47 =	vmul.f32 v59, v21  }
0x11a: {  	v62 =	vmul.f32 v54, v16;
	v21 =	vmul.f32 v24, v21;
	[tilespmem:s2+$0x6B30] =	vst.add.f32.msk $0xffff, v26;
	v26 =	vadd.f32 v51, v27  }
0x11b: {  	v50 =	vadd.f32 v43, v42;
	[tilespmem:s2+$0x6B80] =	vst.add.f32.msk $0xffff, v61;
	v16 =	vmul.f32 v24, v16;
	v27 =	vmul.f32 v57, v19  }
0x11c: {  	v51 =	vmul.f32 v59, v17;
	[tilespmem:s2+$0x6B90] =	vst.add.f32.msk $0xffff, v26;
	v26 =	vadd.f32 v55, v33;
	v55 =	vperm.xlane v25, v14  }
0x11d: {  	[tilespmem:s2+$0x6C20] =	vst.add.f32.msk $0xffff, v50;
	v17 =	vmul.f32 v24, v17;
	v25 =	vperm.xlane v25, v15  }
0x11e: {  	[tilespmem:s2+$0x6BB0] =	vst.add.f32.msk $0xffff, v26;
	v26 =	vadd.f32 v40, v27;
	v27 =	vmul.f32 v59, v19;
	v57 =	vmul.f32 v55, v23  }
0x11f: {  	[tilespmem:s2+$0x6C00] =	vst.add.f32.msk $0xffff, v46;
	v53 =	vadd.f32 v48, v47;
	v59 =	vmul.f32 v55, v22;
	v23 =	vmul.f32 v25, v23  }
0x120: {  	v19 =	vmul.f32 v24, v19;
	v22 =	vmul.f32 v25, v22;
	[tilespmem:s2+$0x6C10] =	vst.add.f32.msk $0xffff, v26;
	v26 =	vadd.f32 v45, v44  }
0x121: {  	[tilespmem:s2+$0x6C80] =	vst.add.f32.msk $0xffff, v53;
	v61 =	vmul.f32 v55, v20;
	v20 =	vmul.f32 v25, v20;
	v21 =	vadd.f32 v23, v21  }
0x122: {  	v63 =	vmul.f32 v55, v18;
	v18 =	vmul.f32 v25, v18;
	v19 =	vadd.f32 v22, v19;
	[tilespmem:s2+$0x6C30] =	vst.add.f32.msk $0xffff, v26  }
0x123: {  	v17 =	vadd.f32 v20, v17;
	[tilespmem:s2+$0x6D80] =	vst.add.f32.msk $0xffff, v21  }
0x124: {  	v16 =	vadd.f32 v18, v16;
	[tilespmem:s2+$0x6D90] =	vst.add.f32.msk $0xffff, v19  }
0x125: {  	v26 =	vadd.f32 v49, v27;
	[tilespmem:s2+$0x6DA0] =	vst.add.f32.msk $0xffff, v17  }
0x126: {  	v27 =	vadd.f32 v52, v51;
	[tilespmem:s2+$0x6DB0] =	vst.add.f32.msk $0xffff, v16  }
0x127: {  	[tilespmem:s2+$0x6C90] =	vst.add.f32.msk $0xffff, v26;
	v26 =	vadd.f32 v29, v28  }
0x128: {  	[tilespmem:s2+$0x6CA0] =	vst.add.f32.msk $0xffff, v27;
	v27 =	vadd.f32 v57, v56  }
0x129: {  	[tilespmem:s2+$0x6CB0] =	vst.add.f32.msk $0xffff, v26;
	v26 =	vadd.f32 v59, v58  }
0x12a: {  	[tilespmem:s2+$0x6D00] =	vst.add.f32.msk $0xffff, v27;
	v27 =	vadd.f32 v61, v60  }
0x12b: {  	s3 =	sadd.s32 s6, s30;
	[tilespmem:s2+$0x6D10] =	vst.add.f32.msk $0xffff, v26;
	v26 =	vadd.f32 v63, v62  }
0x12c: {  	s3 =	sshll.u32 s3, $0x4;
	[tilespmem:s2+$0x6D20] =	vst.add.f32.msk $0xffff, v27  }
0x12d: {  	p0 =	seq.s32 s28, $0x31;
	s31 =	sadd.s32 s4, s3;
	[tilespmem:s2+$0x6D30] =	vst.add.f32.msk $0xffff, v26  }
0x12e: {  	[hbm4b:s31+s5] =	stream.linear.scatter [tilespmem:s13], [sflag:$0x3], $0x8000, $0x38;
	[tilespmem:$0x16700] =	vst v63  }
0x12f: {  	v16 =	vld @!p0 [tilespmem:s30+$0x200];
	_ =	sdelay $0x4  }
0x130: {  	v16 =	vshrl.u32 @!p0 v16, $0x2  }
0x131: {  	[tilespmem:$0x6400] =	vst @!p0 v16  }
0x132: {  	v16 =	vld @!p0 [tilespmem:s30+$0x210];
	_ =	sdelay $0x4  }
0x133: {  	v16 =	vshrl.u32 @!p0 v16, $0x2  }
0x134: {  	[tilespmem:$0x6410] =	vst @!p0 v16  }
0x135: {  	v16 =	vld @!p0 [tilespmem:s30+$0x220];
	_ =	sdelay $0x4  }
0x136: {  	v16 =	vshrl.u32 @!p0 v16, $0x2  }
0x137: {  	[tilespmem:$0x6420] =	vst @!p0 v16  }
0x138: {  	v16 =	vld @!p0 [tilespmem:s30+$0x230];
	_ =	sdelay $0x4  }
0x139: {  	v16 =	vshrl.u32 @!p0 v16, $0x2  }
0x13a: {  	[tilespmem:$0x6430] =	vst @!p0 v16  }
0x13b: {  	v16 =	vld @!p0 [tilespmem:s30+$0x240];
	_ =	sdelay $0x4  }
0x13c: {  	v16 =	vshrl.u32 @!p0 v16, $0x2  }
0x13d: {  	[tilespmem:$0x6440] =	vst @!p0 v16  }
0x13e: {  	v16 =	vld @!p0 [tilespmem:s30+$0x250];
	_ =	sdelay $0x4  }
0x13f: {  	v16 =	vshrl.u32 @!p0 v16, $0x2  }
0x140: {  	[tilespmem:$0x6450] =	vst @!p0 v16  }
0x141: {  	v16 =	vld @!p0 [tilespmem:s30+$0x260];
	_ =	sdelay $0x4  }
0x142: {  	v16 =	vshrl.u32 @!p0 v16, $0x2  }
0x143: {  	[tilespmem:$0x6460] =	vst @!p0 v16  }
0x144: {  	v16 =	vld @!p0 [tilespmem:s30+$0x270];
	_ =	sdelay $0x4  }
0x145: {  	v16 =	vshrl.u32 @!p0 v16, $0x2  }
0x146: {  	[tilespmem:$0x6470] =	vst @!p0 v16  }
0x147: {  	v16 =	vld @!p0 [tilespmem:s30+$0x280];
	_ =	sdelay $0x4  }
0x148: {  	v16 =	vshrl.u32 @!p0 v16, $0x2  }
0x149: {  	[tilespmem:$0x6480] =	vst @!p0 v16  }
0x14a: {  	v16 =	vld @!p0 [tilespmem:s30+$0x290];
	_ =	sdelay $0x4  }
0x14b: {  	v16 =	vshrl.u32 @!p0 v16, $0x2  }
0x14c: {  	[tilespmem:$0x6490] =	vst @!p0 v16  }
0x14d: {  	v16 =	vld @!p0 [tilespmem:s30+$0x2A0];
	_ =	sdelay $0x4  }
0x14e: {  	v16 =	vshrl.u32 @!p0 v16, $0x2  }
0x14f: {  	[tilespmem:$0x64A0] =	vst @!p0 v16  }
0x150: {  	v16 =	vld @!p0 [tilespmem:s30+$0x2B0];
	_ =	sdelay $0x4  }
0x151: {  	v16 =	vshrl.u32 @!p0 v16, $0x2  }
0x152: {  	[tilespmem:$0x64B0] =	vst @!p0 v16  }
0x153: {  	v16 =	vld @!p0 [tilespmem:s30+$0x2C0];
	_ =	sdelay $0x4  }
0x154: {  	v16 =	vshrl.u32 @!p0 v16, $0x2  }
0x155: {  	[tilespmem:$0x64C0] =	vst @!p0 v16  }
0x156: {  	v16 =	vld @!p0 [tilespmem:s30+$0x2D0];
	_ =	sdelay $0x4  }
0x157: {  	v16 =	vshrl.u32 @!p0 v16, $0x2  }
0x158: {  	[tilespmem:$0x64D0] =	vst @!p0 v16  }
0x159: {  	v16 =	vld @!p0 [tilespmem:s30+$0x2E0];
	_ =	sdelay $0x4  }
0x15a: {  	v16 =	vshrl.u32 @!p0 v16, $0x2  }
0x15b: {  	[tilespmem:$0x64E0] =	vst @!p0 v16  }
0x15c: {  	v16 =	vld @!p0 [tilespmem:s30+$0x2F0];
	_ =	sdelay $0x4  }
0x15d: {  	v16 =	vshrl.u32 @!p0 v16, $0x2  }
0x15e: {  	s2 =	simm.s32 @!p0 $0x3;
	[tilespmem:$0x64F0] =	vst @!p0 v16  }
0x15f: {  	_ =	swait.ge @!p0 [sflag:s2], $0x8000  }
0x160: {  	s26 =	simm.s32 @!p0 $0x6600;
	[sflag:s2] =	ssyncset.done @!p0 $0x0  }
0x161: {  	s3 =	simm.s32 @!p0 $0x6400;
	[sflag:s2] =	ssyncadd.s32 @!p0 $0xFFFF8000;
	s2 =	simm.s32 @!p0 $0x80  }
0x162: {  	[tilespmem:s26], [sflag:$0x1] =	stream.indirect.gather @!p0 [hbm4b:s1+s2], $0x80, s3, s2, $0xb8;
	[tilespmem:$0x16700] =	vst v63  }
0x163: {  	s3 =	simm.s32 @!p0 $0x6480;
	s26 =	simm.s32 @!p0 $0xA600  }
0x164: {  	[tilespmem:s26], [sflag:$0x1] =	stream.indirect.gather @!p0 [hbm4b:s1+s2], $0x80, s3, s2, $0xb8;
	[tilespmem:$0x16700] =	vst v63  }
0x165: {  	_ =	swait.ge [sflag:s21], $0x8000  }
0x166: {  	[sflag:s21] =	ssyncset.done $0x0  }
0x167: {  	[sflag:s21] =	ssyncadd.s32 $0xFFFF8000  }
0x168: {  	v21 =	vld [tilespmem:$0x16640]  }
0x169: {  	v19 =	vld [tilespmem:$0x16650]  }
0x16a: {  	v17 =	vld [tilespmem:$0x16660]  }
0x16b: {  	v16 =	vld [tilespmem:$0x16670]  }
0x16c: {  	v23 =	vld [tilespmem:$0x16680]  }
0x16d: {  	v22 =	vld [tilespmem:$0x16690]  }
0x16e: {  	v20 =	vld [tilespmem:$0x166A0]  }
0x16f: {  	v18 =	vld [tilespmem:$0x166B0]  }
0x170: {  	s30 =	simm.s32 $0x0;
	s3 =	simm.s32 $0x2000;
	s26 =	smov.u32 s25;
	v24 =	vld [tilespmem:s25+$0x0]  }
.LBB2_5:
0x171: {  	p0 =	sne.s32 s3, $0x1E000;
	_ =	sdelay $0x3  }
0x172: {  	v25 =	vshrl.u32 v24, $0x1  }
0x173: {  	v24 =	vand.u32 $0x1, v24;
	v25 =	vand.u32 $0x1, v25  }
0x174: {  	v24 =	vcvt.s32.f32 v24;
	v25 =	vcvt.s32.f32 v25;
	_ =	sdelay $0x1  }
0x175: {  	v26 =	vperm.xlane v24, v1;
	v27 =	vperm.xlane v25, v1  }
0x176: {  	v28 =	vperm.xlane v24, v0;
	v29 =	vperm.xlane v25, v0  }
0x177: {  	v30 =	vmul.f32 v26, v21;
	v31 =	vmul.f32 v27, v23  }
0x178: {  	v32 =	vmul.f32 v26, v19;
	v33 =	vmul.f32 v27, v22  }
0x179: {  	v34 =	vmul.f32 v27, v20;
	v30 =	vadd.f32 v31, v30;
	v31 =	vmul.f32 v26, v17  }
0x17a: {  	s2 =	sshra.s32 s30, $0x2;
	s30 =	smov.u32 s3;
	v27 =	vmul.f32 v27, v18;
	v32 =	vadd.f32 v33, v32;
	v26 =	vmul.f32 v26, v16  }
0x17b: {  	v33 =	vmul.f32 v29, v23;
	[tilespmem:s2+$0xE600] =	vst.add.f32.msk $0xffff, v30;
	v30 =	vadd.f32 v34, v31;
	v31 =	vmul.f32 v28, v21  }
0x17c: {  	v26 =	vadd.f32 v27, v26;
	v27 =	vmul.f32 v28, v19;
	[tilespmem:s2+$0xE610] =	vst.add.f32.msk $0xffff, v32;
	v32 =	vmul.f32 v29, v22  }
0x17d: {  	[tilespmem:s2+$0xE620] =	vst.add.f32.msk $0xffff, v30;
	v30 =	vadd.f32 v33, v31;
	v31 =	vmul.f32 v28, v17;
	v33 =	vmul.f32 v29, v20  }
0x17e: {  	[tilespmem:s2+$0xE630] =	vst.add.f32.msk $0xffff, v26;
	v26 =	vadd.f32 v32, v27;
	v27 =	vmul.f32 v28, v16;
	v28 =	vmul.f32 v29, v18  }
0x17f: {  	[tilespmem:s2+$0xE680] =	vst.add.f32.msk $0xffff, v30;
	v29 =	vadd.f32 v33, v31;
	v30 =	vperm.xlane v24, v2;
	v31 =	vperm.xlane v25, v2  }
0x180: {  	[tilespmem:s2+$0xE690] =	vst.add.f32.msk $0xffff, v26;
	v26 =	vadd.f32 v28, v27;
	v27 =	vperm.xlane v24, v3;
	v28 =	vperm.xlane v25, v3  }
0x181: {  	[tilespmem:s2+$0xE6A0] =	vst.add.f32.msk $0xffff, v29;
	v29 =	vmul.f32 v30, v21;
	v32 =	vmul.f32 v31, v23  }
0x182: {  	v33 =	vmul.f32 v31, v22;
	[tilespmem:s2+$0xE6B0] =	vst.add.f32.msk $0xffff, v26;
	v26 =	vmul.f32 v30, v19  }
0x183: {  	v34 =	vmul.f32 v31, v20;
	v29 =	vadd.f32 v32, v29;
	v32 =	vmul.f32 v30, v17  }
0x184: {  	v31 =	vmul.f32 v31, v18;
	v30 =	vmul.f32 v30, v16;
	v26 =	vadd.f32 v33, v26  }
0x185: {  	v33 =	vmul.f32 v28, v23;
	[tilespmem:s2+$0xE700] =	vst.add.f32.msk $0xffff, v29;
	v29 =	vadd.f32 v34, v32;
	v32 =	vmul.f32 v27, v21  }
0x186: {  	[tilespmem:s2+$0xE710] =	vst.add.f32.msk $0xffff, v26;
	v26 =	vadd.f32 v31, v30;
	v30 =	vmul.f32 v27, v19;
	v31 =	vmul.f32 v28, v22  }
0x187: {  	[tilespmem:s2+$0xE720] =	vst.add.f32.msk $0xffff, v29;
	v29 =	vadd.f32 v33, v32;
	v32 =	vmul.f32 v27, v17;
	v33 =	vmul.f32 v28, v20  }
0x188: {  	v27 =	vmul.f32 v27, v16;
	v28 =	vmul.f32 v28, v18;
	[tilespmem:s2+$0xE730] =	vst.add.f32.msk $0xffff, v26;
	v26 =	vadd.f32 v31, v30  }
0x189: {  	v30 =	vperm.xlane v24, v4;
	v31 =	vperm.xlane v25, v4;
	[tilespmem:s2+$0xE780] =	vst.add.f32.msk $0xffff, v29;
	v29 =	vadd.f32 v33, v32  }
0x18a: {  	[tilespmem:s2+$0xE790] =	vst.add.f32.msk $0xffff, v26;
	v26 =	vadd.f32 v28, v27;
	v27 =	vperm.xlane v24, v5;
	v28 =	vperm.xlane v25, v5  }
0x18b: {  	v32 =	vmul.f32 v31, v23;
	[tilespmem:s2+$0xE7A0] =	vst.add.f32.msk $0xffff, v29;
	v29 =	vmul.f32 v30, v21  }
0x18c: {  	v33 =	vmul.f32 v31, v22;
	[tilespmem:s2+$0xE7B0] =	vst.add.f32.msk $0xffff, v26;
	v26 =	vmul.f32 v30, v19  }
0x18d: {  	v34 =	vmul.f32 v31, v20;
	v29 =	vadd.f32 v32, v29;
	v32 =	vmul.f32 v30, v17  }
0x18e: {  	v31 =	vmul.f32 v31, v18;
	v30 =	vmul.f32 v30, v16;
	v26 =	vadd.f32 v33, v26  }
0x18f: {  	v33 =	vmul.f32 v28, v23;
	[tilespmem:s2+$0xE800] =	vst.add.f32.msk $0xffff, v29;
	v29 =	vadd.f32 v34, v32;
	v32 =	vmul.f32 v27, v21  }
0x190: {  	[tilespmem:s2+$0xE810] =	vst.add.f32.msk $0xffff, v26;
	v26 =	vadd.f32 v31, v30;
	v30 =	vmul.f32 v27, v19;
	v31 =	vmul.f32 v28, v22  }
0x191: {  	[tilespmem:s2+$0xE820] =	vst.add.f32.msk $0xffff, v29;
	v29 =	vadd.f32 v33, v32;
	v32 =	vmul.f32 v27, v17;
	v33 =	vmul.f32 v28, v20  }
0x192: {  	v27 =	vmul.f32 v27, v16;
	v28 =	vmul.f32 v28, v18;
	[tilespmem:s2+$0xE830] =	vst.add.f32.msk $0xffff, v26;
	v26 =	vadd.f32 v31, v30  }
0x193: {  	v30 =	vperm.xlane v24, v6;
	v31 =	vperm.xlane v25, v6;
	[tilespmem:s2+$0xE880] =	vst.add.f32.msk $0xffff, v29;
	v29 =	vadd.f32 v33, v32  }
0x194: {  	[tilespmem:s2+$0xE890] =	vst.add.f32.msk $0xffff, v26;
	v26 =	vadd.f32 v28, v27;
	v27 =	vperm.xlane v24, v7;
	v28 =	vperm.xlane v25, v7  }
0x195: {  	v32 =	vmul.f32 v31, v23;
	[tilespmem:s2+$0xE8A0] =	vst.add.f32.msk $0xffff, v29;
	v29 =	vmul.f32 v30, v21  }
0x196: {  	v33 =	vmul.f32 v31, v22;
	[tilespmem:s2+$0xE8B0] =	vst.add.f32.msk $0xffff, v26;
	v26 =	vmul.f32 v30, v19  }
0x197: {  	v34 =	vmul.f32 v31, v20;
	v29 =	vadd.f32 v32, v29;
	v32 =	vmul.f32 v30, v17  }
0x198: {  	v31 =	vmul.f32 v31, v18;
	v30 =	vmul.f32 v30, v16;
	v26 =	vadd.f32 v33, v26  }
0x199: {  	v33 =	vmul.f32 v28, v23;
	[tilespmem:s2+$0xE900] =	vst.add.f32.msk $0xffff, v29;
	v29 =	vadd.f32 v34, v32;
	v32 =	vmul.f32 v27, v21  }
0x19a: {  	[tilespmem:s2+$0xE910] =	vst.add.f32.msk $0xffff, v26;
	v26 =	vadd.f32 v31, v30;
	v30 =	vmul.f32 v27, v19;
	v31 =	vmul.f32 v28, v22  }
0x19b: {  	[tilespmem:s2+$0xE920] =	vst.add.f32.msk $0xffff, v29;
	v29 =	vadd.f32 v33, v32;
	v32 =	vmul.f32 v27, v17;
	v33 =	vmul.f32 v28, v20  }
0x19c: {  	v27 =	vmul.f32 v27, v16;
	v28 =	vmul.f32 v28, v18;
	[tilespmem:s2+$0xE930] =	vst.add.f32.msk $0xffff, v26;
	v26 =	vadd.f32 v31, v30  }
0x19d: {  	v30 =	vperm.xlane v24, v8;
	v31 =	vperm.xlane v25, v8;
	[tilespmem:s2+$0xE980] =	vst.add.f32.msk $0xffff, v29;
	v29 =	vadd.f32 v33, v32  }
0x19e: {  	[tilespmem:s2+$0xE990] =	vst.add.f32.msk $0xffff, v26;
	v26 =	vadd.f32 v28, v27;
	v27 =	vperm.xlane v24, v9;
	v28 =	vperm.xlane v25, v9  }
0x19f: {  	v32 =	vmul.f32 v31, v23;
	[tilespmem:s2+$0xE9A0] =	vst.add.f32.msk $0xffff, v29;
	v29 =	vmul.f32 v30, v21  }
0x1a0: {  	v33 =	vmul.f32 v31, v22;
	[tilespmem:s2+$0xE9B0] =	vst.add.f32.msk $0xffff, v26;
	v26 =	vmul.f32 v30, v19  }
0x1a1: {  	v34 =	vmul.f32 v31, v20;
	v29 =	vadd.f32 v32, v29;
	v32 =	vmul.f32 v30, v17  }
0x1a2: {  	v31 =	vmul.f32 v31, v18;
	v30 =	vmul.f32 v30, v16;
	v26 =	vadd.f32 v33, v26  }
0x1a3: {  	v33 =	vmul.f32 v28, v23;
	[tilespmem:s2+$0xEA00] =	vst.add.f32.msk $0xffff, v29;
	v29 =	vadd.f32 v34, v32;
	v32 =	vmul.f32 v27, v21  }
0x1a4: {  	[tilespmem:s2+$0xEA10] =	vst.add.f32.msk $0xffff, v26;
	v26 =	vadd.f32 v31, v30;
	v30 =	vmul.f32 v27, v19;
	v31 =	vmul.f32 v28, v22  }
0x1a5: {  	[tilespmem:s2+$0xEA20] =	vst.add.f32.msk $0xffff, v29;
	v29 =	vadd.f32 v33, v32;
	v32 =	vmul.f32 v27, v17;
	v33 =	vmul.f32 v28, v20  }
0x1a6: {  	v27 =	vmul.f32 v27, v16;
	v28 =	vmul.f32 v28, v18;
	[tilespmem:s2+$0xEA30] =	vst.add.f32.msk $0xffff, v26;
	v26 =	vadd.f32 v31, v30  }
0x1a7: {  	v30 =	vperm.xlane v24, v10;
	v31 =	vperm.xlane v25, v10;
	[tilespmem:s2+$0xEA80] =	vst.add.f32.msk $0xffff, v29;
	v29 =	vadd.f32 v33, v32  }
0x1a8: {  	[tilespmem:s2+$0xEA90] =	vst.add.f32.msk $0xffff, v26;
	v26 =	vadd.f32 v28, v27;
	v27 =	vperm.xlane v24, v11;
	v28 =	vperm.xlane v25, v11  }
0x1a9: {  	v32 =	vmul.f32 v31, v23;
	[tilespmem:s2+$0xEAA0] =	vst.add.f32.msk $0xffff, v29;
	v29 =	vmul.f32 v30, v21  }
0x1aa: {  	v33 =	vmul.f32 v31, v22;
	[tilespmem:s2+$0xEAB0] =	vst.add.f32.msk $0xffff, v26;
	v26 =	vmul.f32 v30, v19  }
0x1ab: {  	v34 =	vmul.f32 v31, v20;
	v29 =	vadd.f32 v32, v29;
	v32 =	vmul.f32 v30, v17  }
0x1ac: {  	v31 =	vmul.f32 v31, v18;
	v30 =	vmul.f32 v30, v16;
	v26 =	vadd.f32 v33, v26  }
0x1ad: {  	v33 =	vmul.f32 v28, v23;
	[tilespmem:s2+$0xEB00] =	vst.add.f32.msk $0xffff, v29;
	v29 =	vadd.f32 v34, v32;
	v32 =	vmul.f32 v27, v21  }
0x1ae: {  	[tilespmem:s2+$0xEB10] =	vst.add.f32.msk $0xffff, v26;
	v26 =	vadd.f32 v31, v30;
	v30 =	vmul.f32 v27, v19;
	v31 =	vmul.f32 v28, v22  }
0x1af: {  	[tilespmem:s2+$0xEB20] =	vst.add.f32.msk $0xffff, v29;
	v29 =	vadd.f32 v33, v32;
	v32 =	vmul.f32 v27, v17;
	v33 =	vmul.f32 v28, v20  }
0x1b0: {  	v27 =	vmul.f32 v27, v16;
	v28 =	vmul.f32 v28, v18;
	[tilespmem:s2+$0xEB30] =	vst.add.f32.msk $0xffff, v26;
	v26 =	vadd.f32 v31, v30  }
0x1b1: {  	v30 =	vperm.xlane v24, v12;
	v31 =	vperm.xlane v25, v12;
	[tilespmem:s2+$0xEB80] =	vst.add.f32.msk $0xffff, v29;
	v29 =	vadd.f32 v33, v32  }
0x1b2: {  	[tilespmem:s2+$0xEB90] =	vst.add.f32.msk $0xffff, v26;
	v26 =	vadd.f32 v28, v27;
	v27 =	vperm.xlane v24, v13;
	v28 =	vperm.xlane v25, v13  }
0x1b3: {  	v32 =	vmul.f32 v31, v23;
	[tilespmem:s2+$0xEBA0] =	vst.add.f32.msk $0xffff, v29;
	v29 =	vmul.f32 v30, v21  }
0x1b4: {  	v33 =	vmul.f32 v31, v22;
	[tilespmem:s2+$0xEBB0] =	vst.add.f32.msk $0xffff, v26;
	v26 =	vmul.f32 v30, v19  }
0x1b5: {  	v34 =	vmul.f32 v31, v20;
	v29 =	vadd.f32 v32, v29;
	v32 =	vmul.f32 v30, v17  }
0x1b6: {  	v31 =	vmul.f32 v31, v18;
	v30 =	vmul.f32 v30, v16;
	v26 =	vadd.f32 v33, v26  }
0x1b7: {  	v33 =	vmul.f32 v28, v23;
	[tilespmem:s2+$0xEC00] =	vst.add.f32.msk $0xffff, v29;
	v29 =	vadd.f32 v34, v32;
	v32 =	vmul.f32 v27, v21  }
0x1b8: {  	[tilespmem:s2+$0xEC10] =	vst.add.f32.msk $0xffff, v26;
	v26 =	vadd.f32 v31, v30;
	v30 =	vmul.f32 v27, v19;
	v31 =	vmul.f32 v28, v22  }
0x1b9: {  	[tilespmem:s2+$0xEC20] =	vst.add.f32.msk $0xffff, v29;
	v29 =	vadd.f32 v33, v32;
	v32 =	vmul.f32 v27, v17;
	v33 =	vmul.f32 v28, v20  }
0x1ba: {  	v27 =	vmul.f32 v27, v16;
	v28 =	vmul.f32 v28, v18;
	[tilespmem:s2+$0xEC30] =	vst.add.f32.msk $0xffff, v26;
	v26 =	vadd.f32 v31, v30  }
0x1bb: {  	v30 =	vperm.xlane v24, v14;
	v31 =	vperm.xlane v25, v14;
	[tilespmem:s2+$0xEC80] =	vst.add.f32.msk $0xffff, v29;
	v29 =	vadd.f32 v33, v32  }
0x1bc: {  	v24 =	vperm.xlane v24, v15;
	v25 =	vperm.xlane v25, v15;
	[tilespmem:s2+$0xEC90] =	vst.add.f32.msk $0xffff, v26;
	v26 =	vadd.f32 v28, v27  }
0x1bd: {  	v27 =	vmul.f32 v30, v21;
	v28 =	vmul.f32 v31, v23;
	[tilespmem:s2+$0xECA0] =	vst.add.f32.msk $0xffff, v29  }
0x1be: {  	v29 =	vmul.f32 v31, v22;
	[tilespmem:s2+$0xECB0] =	vst.add.f32.msk $0xffff, v26;
	v26 =	vmul.f32 v30, v19  }
0x1bf: {  	v32 =	vmul.f32 v31, v20;
	v27 =	vadd.f32 v28, v27;
	v28 =	vmul.f32 v30, v17  }
0x1c0: {  	v26 =	vadd.f32 v29, v26;
	v29 =	vmul.f32 v30, v16;
	v30 =	vmul.f32 v31, v18  }
0x1c1: {  	v31 =	vmul.f32 v25, v23;
	[tilespmem:s2+$0xED00] =	vst.add.f32.msk $0xffff, v27;
	v27 =	vadd.f32 v32, v28;
	v28 =	vmul.f32 v24, v21  }
0x1c2: {  	[tilespmem:s2+$0xED10] =	vst.add.f32.msk $0xffff, v26;
	v26 =	vadd.f32 v30, v29;
	v29 =	vmul.f32 v24, v19;
	v30 =	vmul.f32 v25, v22  }
0x1c3: {  	[tilespmem:s2+$0xED20] =	vst.add.f32.msk $0xffff, v27;
	v27 =	vadd.f32 v31, v28;
	v28 =	vmul.f32 v24, v17;
	v31 =	vmul.f32 v25, v20  }
0x1c4: {  	v24 =	vmul.f32 v24, v16;
	v25 =	vmul.f32 v25, v18;
	[tilespmem:s2+$0xED30] =	vst.add.f32.msk $0xffff, v26;
	v26 =	vadd.f32 v30, v29  }
.Ltmp1:
0x1c5: {  	[tilespmem:s2+$0xED80] =	vst.add.f32.msk $0xffff, v27;
	v27 =	vadd.f32 v31, v28;
	(pc) =	sbr.rel @p0 .LBB2_5-.Ltmp1, $4  }
0x1c6: {  	v24 =	vadd.f32 v25, v24;
	[tilespmem:s2+$0xED90] =	vst.add.f32.msk $0xffff, v26  }
0x1c7: {  	[tilespmem:s2+$0xEDA0] =	vst.add.f32.msk $0xffff, v27  }
0x1c8: {  	s26 =	sadd.s32 $0x10, s26;
	[tilespmem:s2+$0xEDB0] =	vst.add.f32.msk $0xffff, v24  }
0x1c9: {  	s3 =	sadd.s32 $0x2000, s3;
	v24 =	vld [tilespmem:s26+$0x0]  }
0x1ca: {  	_ =	sdelay $0x3  }
0x1cb: {  	v25 =	vshrl.u32 v24, $0x1;
	v62 =	vand.u32 $0x1, v24  }
0x1cc: {  	v25 =	vand.u32 $0x1, v25;
	v24 =	vcvt.s32.f32 v62  }
0x1cd: {  	v25 =	vcvt.s32.f32 v25  }
0x1ce: {  	v26 =	vperm.xlane v24, v1;
	v28 =	vperm.xlane v24, v0  }
0x1cf: {  	v42 =	vperm.xlane v24, v2;
	v44 =	vperm.xlane v24, v3  }
0x1d0: {  	v27 =	vperm.xlane v25, v1;
	v29 =	vperm.xlane v25, v0  }
0x1d1: {  	v43 =	vperm.xlane v25, v2;
	v45 =	vperm.xlane v25, v3  }
0x1d2: {  	v57 =	vperm.xlane v25, v4;
	v30 =	vmul.f32 v26, v21  }
0x1d3: {  	v32 =	vmul.f32 v26, v19;
	v34 =	vmul.f32 v26, v17  }
0x1d4: {  	v26 =	vmul.f32 v26, v16;
	v36 =	vmul.f32 v28, v21  }
0x1d5: {  	v38 =	vmul.f32 v28, v19;
	v40 =	vmul.f32 v28, v17  }
0x1d6: {  	v28 =	vmul.f32 v28, v16;
	v46 =	vmul.f32 v42, v21  }
0x1d7: {  	v48 =	vmul.f32 v42, v19;
	v50 =	vmul.f32 v42, v17  }
0x1d8: {  	v42 =	vmul.f32 v42, v16;
	v52 =	vmul.f32 v44, v21  }
0x1d9: {  	v54 =	vmul.f32 v44, v19;
	v31 =	vmul.f32 v27, v23  }
0x1da: {  	v33 =	vmul.f32 v27, v22;
	v35 =	vmul.f32 v27, v20  }
0x1db: {  	v27 =	vmul.f32 v27, v18;
	v37 =	vmul.f32 v29, v23  }
0x1dc: {  	v39 =	vmul.f32 v29, v22;
	v41 =	vmul.f32 v29, v20  }
0x1dd: {  	v29 =	vmul.f32 v29, v18;
	v47 =	vmul.f32 v43, v23  }
0x1de: {  	v49 =	vmul.f32 v43, v22;
	v51 =	vmul.f32 v43, v20  }
0x1df: {  	v43 =	vmul.f32 v43, v18;
	v53 =	vmul.f32 v45, v23  }
0x1e0: {  	v55 =	vmul.f32 v45, v22;
	v56 =	vmul.f32 v45, v20;
	v30 =	vadd.f32 v31, v30  }
0x1e1: {  	v31 =	vmul.f32 v44, v17;
	v32 =	vadd.f32 v33, v32;
	v33 =	vmul.f32 v44, v16  }
0x1e2: {  	v44 =	vmul.f32 v45, v18;
	v63 =	vadd.f32 v35, v34;
	v45 =	vperm.xlane v24, v4  }
0x1e3: {  	v26 =	vadd.f32 v27, v26;
	v27 =	vperm.xlane v24, v5;
	v58 =	vadd.f32 v37, v36  }
0x1e4: {  	s2 =	sshra.s32 s30, $0x2;
	v37 =	vmul.f32 v57, v23;
	v59 =	vadd.f32 v39, v38;
	v39 =	vmul.f32 v57, v22  }
0x1e5: {  	v60 =	vadd.f32 v41, v40;
	v41 =	vmul.f32 v57, v20;
	v61 =	vadd.f32 v29, v28;
	[tilespmem:s2+$0xE600] =	vst.add.f32.msk $0xffff, v30  }
0x1e6: {  	v29 =	vmul.f32 v57, v18;
	v57 =	vadd.f32 v51, v50;
	v50 =	vperm.xlane v25, v7;
	[tilespmem:s2+$0xE610] =	vst.add.f32.msk $0xffff, v32  }
0x1e7: {  	v32 =	vperm.xlane v25, v5;
	[tilespmem:s2+$0xE620] =	vst.add.f32.msk $0xffff, v63;
	v36 =	vmul.f32 v45, v21  }
0x1e8: {  	[tilespmem:s2+$0xE630] =	vst.add.f32.msk $0xffff, v26;
	v38 =	vmul.f32 v45, v19;
	v40 =	vmul.f32 v45, v17  }
0x1e9: {  	[tilespmem:s2+$0xE680] =	vst.add.f32.msk $0xffff, v58;
	v28 =	vmul.f32 v45, v16;
	v34 =	vmul.f32 v27, v21  }
0x1ea: {  	v62 =	vadd.f32 v47, v46;
	[tilespmem:s2+$0xE690] =	vst.add.f32.msk $0xffff, v59;
	v45 =	vmul.f32 v27, v19;
	v47 =	vmul.f32 v27, v17  }
0x1eb: {  	[tilespmem:s2+$0xE6A0] =	vst.add.f32.msk $0xffff, v60;
	v63 =	vadd.f32 v49, v48;
	v27 =	vmul.f32 v27, v16;
	v60 =	vperm.xlane v24, v6  }
0x1ec: {  	[tilespmem:s2+$0xE6B0] =	vst.add.f32.msk $0xffff, v61;
	v58 =	vadd.f32 v43, v42;
	v61 =	vperm.xlane v25, v6;
	v49 =	vperm.xlane v24, v7  }
0x1ed: {  	[tilespmem:s2+$0xE700] =	vst.add.f32.msk $0xffff, v62;
	v59 =	vadd.f32 v53, v52;
	v43 =	vmul.f32 v50, v18;
	v35 =	vmul.f32 v32, v23  }
0x1ee: {  	[tilespmem:s2+$0xE720] =	vst.add.f32.msk $0xffff, v57;
	v62 =	vadd.f32 v55, v54;
	v46 =	vmul.f32 v32, v22;
	v48 =	vmul.f32 v32, v20  }
0x1ef: {  	[tilespmem:s2+$0xE710] =	vst.add.f32.msk $0xffff, v63;
	v32 =	vmul.f32 v32, v18;
	v63 =	vadd.f32 v56, v31;
	v31 =	vmul.f32 v60, v21  }
0x1f0: {  	v55 =	vadd.f32 v44, v33;
	[tilespmem:s2+$0xE730] =	vst.add.f32.msk $0xffff, v58;
	v54 =	vmul.f32 v61, v23;
	v33 =	vmul.f32 v60, v19  }
0x1f1: {  	[tilespmem:s2+$0xE780] =	vst.add.f32.msk $0xffff, v59;
	v44 =	vmul.f32 v61, v22;
	v56 =	vadd.f32 v37, v36;
	v57 =	vmul.f32 v60, v17  }
0x1f2: {  	[tilespmem:s2+$0xE790] =	vst.add.f32.msk $0xffff, v62;
	v58 =	vmul.f32 v61, v20;
	v59 =	vadd.f32 v39, v38;
	v38 =	vmul.f32 v60, v16  }
0x1f3: {  	[tilespmem:s2+$0xE7B0] =	vst.add.f32.msk $0xffff, v55;
	v39 =	vmul.f32 v61, v18;
	v60 =	vadd.f32 v41, v40;
	v40 =	vmul.f32 v49, v21  }
0x1f4: {  	v41 =	vmul.f32 v50, v23;
	v61 =	vadd.f32 v29, v28;
	v28 =	vmul.f32 v49, v19;
	[tilespmem:s2+$0xE7A0] =	vst.add.f32.msk $0xffff, v63  }
0x1f5: {  	v29 =	vmul.f32 v50, v22;
	v42 =	vmul.f32 v49, v16;
	[tilespmem:s2+$0xE800] =	vst.add.f32.msk $0xffff, v56;
	v62 =	vadd.f32 v35, v34  }
0x1f6: {  	[tilespmem:s2+$0xE810] =	vst.add.f32.msk $0xffff, v59;
	v34 =	vmul.f32 v49, v17;
	v35 =	vmul.f32 v50, v20;
	v63 =	vadd.f32 v46, v45  }
0x1f7: {  	[tilespmem:s2+$0xE820] =	vst.add.f32.msk $0xffff, v60;
	v48 =	vadd.f32 v48, v47;
	v49 =	vperm.xlane v24, v8;
	v50 =	vperm.xlane v25, v8  }
0x1f8: {  	[tilespmem:s2+$0xE830] =	vst.add.f32.msk $0xffff, v61;
	v52 =	vadd.f32 v32, v27;
	v27 =	vperm.xlane v24, v9;
	v32 =	vperm.xlane v25, v9  }
0x1f9: {  	v53 =	vadd.f32 v54, v31;
	[tilespmem:s2+$0xE880] =	vst.add.f32.msk $0xffff, v62;
	v54 =	vmul.f32 v49, v21;
	v55 =	vmul.f32 v50, v23  }
0x1fa: {  	v56 =	vadd.f32 v44, v33;
	[tilespmem:s2+$0xE890] =	vst.add.f32.msk $0xffff, v63;
	v33 =	vmul.f32 v49, v19;
	v44 =	vmul.f32 v50, v22  }
0x1fb: {  	v57 =	vadd.f32 v58, v57;
	[tilespmem:s2+$0xE8A0] =	vst.add.f32.msk $0xffff, v48;
	v58 =	vmul.f32 v49, v17;
	v59 =	vmul.f32 v50, v20  }
0x1fc: {  	[tilespmem:s2+$0xE8B0] =	vst.add.f32.msk $0xffff, v52;
	v61 =	vmul.f32 v49, v16;
	v62 =	vmul.f32 v50, v18  }
0x1fd: {  	[tilespmem:s2+$0xE900] =	vst.add.f32.msk $0xffff, v53;
	v63 =	vadd.f32 v41, v40;
	v40 =	vmul.f32 v27, v21;
	v45 =	vmul.f32 v32, v23  }
0x1fe: {  	v60 =	vadd.f32 v39, v38;
	[tilespmem:s2+$0xE910] =	vst.add.f32.msk $0xffff, v56;
	v48 =	vmul.f32 v27, v19;
	v49 =	vmul.f32 v32, v22  }
0x1ff: {  	v46 =	vadd.f32 v29, v28;
	[tilespmem:s2+$0xE920] =	vst.add.f32.msk $0xffff, v57;
	v51 =	vmul.f32 v27, v17;
	v52 =	vmul.f32 v32, v20  }
0x200: {  	[tilespmem:s2+$0xE930] =	vst.add.f32.msk $0xffff, v60;
	v50 =	vadd.f32 v35, v34;
	v27 =	vmul.f32 v27, v16;
	v32 =	vmul.f32 v32, v18  }
0x201: {  	[tilespmem:s2+$0xE990] =	vst.add.f32.msk $0xffff, v46;
	v53 =	vadd.f32 v43, v42;
	v56 =	vperm.xlane v25, v10;
	v43 =	vperm.xlane v25, v11  }
0x202: {  	v41 =	vperm.xlane v24, v13;
	v42 =	vperm.xlane v25, v13;
	[tilespmem:s2+$0xE980] =	vst.add.f32.msk $0xffff, v63  }
0x203: {  	[tilespmem:s2+$0xE9A0] =	vst.add.f32.msk $0xffff, v50;
	v54 =	vadd.f32 v55, v54;
	v55 =	vperm.xlane v24, v10;
	v57 =	vadd.f32 v44, v33  }
0x204: {  	[tilespmem:s2+$0xE9B0] =	vst.add.f32.msk $0xffff, v53;
	v33 =	vperm.xlane v24, v11;
	v58 =	vadd.f32 v59, v58;
	v60 =	vmul.f32 v56, v23  }
0x205: {  	v61 =	vadd.f32 v62, v61;
	v63 =	vmul.f32 v56, v22;
	v44 =	vadd.f32 v45, v40;
	[tilespmem:s2+$0xEA00] =	vst.add.f32.msk $0xffff, v54  }
0x206: {  	v46 =	vmul.f32 v56, v20;
	v47 =	vadd.f32 v49, v48;
	v49 =	vmul.f32 v56, v18;
	[tilespmem:s2+$0xEA10] =	vst.add.f32.msk $0xffff, v57  }
0x207: {  	v50 =	vadd.f32 v52, v51;
	v52 =	vmul.f32 v43, v23;
	v28 =	vmul.f32 v41, v16;
	[tilespmem:s2+$0xEA20] =	vst.add.f32.msk $0xffff, v58  }
0x208: {  	v29 =	vmul.f32 v42, v18;
	v59 =	vmul.f32 v55, v21;
	[tilespmem:s2+$0xEA30] =	vst.add.f32.msk $0xffff, v61  }
0x209: {  	v62 =	vmul.f32 v55, v19;
	v45 =	vmul.f32 v55, v17;
	[tilespmem:s2+$0xEA80] =	vst.add.f32.msk $0xffff, v44  }
0x20a: {  	v53 =	vadd.f32 v32, v27;
	v48 =	vmul.f32 v55, v16;
	v51 =	vmul.f32 v33, v21;
	[tilespmem:s2+$0xEA90] =	vst.add.f32.msk $0xffff, v47  }
0x20b: {  	v54 =	vmul.f32 v33, v19;
	v55 =	vmul.f32 v43, v22;
	[tilespmem:s2+$0xEAA0] =	vst.add.f32.msk $0xffff, v50;
	v56 =	vadd.f32 v60, v59  }
0x20c: {  	v57 =	vmul.f32 v33, v17;
	v58 =	vmul.f32 v43, v20;
	[tilespmem:s2+$0xEAB0] =	vst.add.f32.msk $0xffff, v53;
	v59 =	vadd.f32 v63, v62  }
0x20d: {  	v33 =	vmul.f32 v33, v16;
	v60 =	vmul.f32 v43, v18;
	v61 =	vadd.f32 v46, v45;
	[tilespmem:s2+$0xEB00] =	vst.add.f32.msk $0xffff, v56  }
0x20e: {  	v62 =	vperm.xlane v24, v12;
	v63 =	vperm.xlane v25, v12;
	v40 =	vadd.f32 v49, v48;
	[tilespmem:s2+$0xEB10] =	vst.add.f32.msk $0xffff, v59  }
0x20f: {  	v43 =	vadd.f32 v52, v51;
	v49 =	vadd.f32 v58, v57;
	v57 =	vmul.f32 v42, v23;
	[tilespmem:s2+$0xEB20] =	vst.add.f32.msk $0xffff, v61  }
0x210: {  	v46 =	vadd.f32 v55, v54;
	v44 =	vmul.f32 v62, v21;
	v45 =	vmul.f32 v63, v23;
	[tilespmem:s2+$0xEB30] =	vst.add.f32.msk $0xffff, v40  }
0x211: {  	v47 =	vmul.f32 v62, v19;
	v48 =	vmul.f32 v63, v22;
	[tilespmem:s2+$0xEB80] =	vst.add.f32.msk $0xffff, v43  }
0x212: {  	v50 =	vmul.f32 v62, v17;
	v51 =	vmul.f32 v63, v20;
	[tilespmem:s2+$0xEB90] =	vst.add.f32.msk $0xffff, v46;
	v52 =	vadd.f32 v60, v33  }
0x213: {  	v53 =	vmul.f32 v62, v16;
	v54 =	vmul.f32 v63, v18;
	[tilespmem:s2+$0xEBA0] =	vst.add.f32.msk $0xffff, v49;
	v55 =	vadd.f32 v45, v44  }
0x214: {  	v56 =	vmul.f32 v41, v21;
	v59 =	vmul.f32 v41, v19;
	[tilespmem:s2+$0xEBB0] =	vst.add.f32.msk $0xffff, v52;
	v58 =	vadd.f32 v48, v47  }
0x215: {  	v60 =	vmul.f32 v42, v22;
	v62 =	vmul.f32 v41, v17;
	v61 =	vadd.f32 v51, v50;
	[tilespmem:s2+$0xEC00] =	vst.add.f32.msk $0xffff, v55  }
0x216: {  	v63 =	vmul.f32 v42, v20;
	v41 =	vperm.xlane v24, v14;
	v39 =	vadd.f32 v54, v53;
	[tilespmem:s2+$0xEC10] =	vst.add.f32.msk $0xffff, v58  }
0x217: {  	v42 =	vperm.xlane v25, v14;
	v24 =	vperm.xlane v24, v15;
	v40 =	vadd.f32 v57, v56;
	[tilespmem:s2+$0xEC20] =	vst.add.f32.msk $0xffff, v61  }
0x218: {  	v25 =	vperm.xlane v25, v15;
	v43 =	vadd.f32 v60, v59;
	v45 =	vmul.f32 v41, v21;
	[tilespmem:s2+$0xEC30] =	vst.add.f32.msk $0xffff, v39  }
0x219: {  	v44 =	vadd.f32 v63, v62;
	v46 =	vmul.f32 v42, v23;
	v48 =	vmul.f32 v41, v19;
	[tilespmem:s2+$0xEC80] =	vst.add.f32.msk $0xffff, v40  }
0x21a: {  	v47 =	vadd.f32 v29, v28;
	v49 =	vmul.f32 v42, v22;
	v51 =	vmul.f32 v41, v17;
	[tilespmem:s2+$0xEC90] =	vst.add.f32.msk $0xffff, v43  }
0x21b: {  	v52 =	vmul.f32 v42, v20;
	v54 =	vmul.f32 v41, v16;
	[tilespmem:s2+$0xECA0] =	vst.add.f32.msk $0xffff, v44;
	v50 =	vadd.f32 v46, v45  }
0x21c: {  	v17 =	vmul.f32 v24, v17;
	v62 =	vmul.f32 v25, v20;
	[tilespmem:s2+$0xECB0] =	vst.add.f32.msk $0xffff, v47;
	v53 =	vadd.f32 v49, v48  }
0x21d: {  	v16 =	vmul.f32 v24, v16;
	v63 =	vmul.f32 v25, v18;
	v56 =	vadd.f32 v52, v51;
	[tilespmem:s2+$0xED00] =	vst.add.f32.msk $0xffff, v50  }
0x21e: {  	v55 =	vmul.f32 v42, v18;
	v17 =	vadd.f32 v62, v17;
	[tilespmem:s2+$0xED10] =	vst.add.f32.msk $0xffff, v53  }
0x21f: {  	s28 =	sadd.s32 $0x1, s28;
	v57 =	vmul.f32 v24, v21;
	v58 =	vmul.f32 v25, v23;
	v16 =	vadd.f32 v63, v16;
	[tilespmem:s2+$0xED20] =	vst.add.f32.msk $0xffff, v56  }
0x220: {  	p0 =	sne.s32 s28, $0x32;
	v60 =	vmul.f32 v24, v19;
	v61 =	vmul.f32 v25, v22;
	v59 =	vadd.f32 v55, v54;
	[tilespmem:s2+$0xEDA0] =	vst.add.f32.msk $0xffff, v17  }
.Ltmp2:
0x221: {  	s3 =	sadd.s32 s6, s29;
	v21 =	vadd.f32 v58, v57;
	[tilespmem:s2+$0xEDB0] =	vst.add.f32.msk $0xffff, v16;
	(pc) =	sbr.rel @p0 .LBB2_2-.Ltmp2, $4  }
0x222: {  	s3 =	sshll.u32 s3, $0x4;
	v19 =	vadd.f32 v61, v60;
	[tilespmem:s2+$0xED30] =	vst.add.f32.msk $0xffff, v59  }
0x223: {  	s3 =	sand.u32 $0x1FFFF000, s3;
	[tilespmem:s2+$0xED80] =	vst.add.f32.msk $0xffff, v21  }
0x224: {  	s0 =	sadd.s32 $0x200, s0;
	s25 =	sadd.s32 $0x200, s25;
	s31 =	sadd.s32 s4, s3;
	[tilespmem:s2+$0xED90] =	vst.add.f32.msk $0xffff, v19  }
0x225: {  	[hbm4b:s31+s5] =	stream.linear.scatter [tilespmem:s17], [sflag:$0x4], $0x8000, $0x38;
	[tilespmem:$0x16700] =	vst v63  }
0x226: {  	s24 =	sadd.s32 $0x1, s24  }
0x227: {  	_ =	swait.ge [sflag:s22], $0x8000;
	p0 =	sne.s32 s24, s8  }
.Ltmp3:
0x228: {  	[sflag:s22] =	ssyncset.done $0x0;
	(pc) =	sbr.rel @p0 .LBB2_1-.Ltmp3, $4  }
0x229: {  	[sflag:s22] =	ssyncadd.s32 $0xFFFF8000  }
0x22a: {  	_ =	swait.ge [sflag:s23], $0x8000  }
0x22b: {  	[sflag:s23] =	ssyncset.done $0x0  }
0x22c: {  	[sflag:s23] =	ssyncadd.s32 $0xFFFF8000  }
0x22d: {  	_ =	sfence.sel $0x180000  }
0x22e: {  	[bflag:$0x0] =	sbarrier.arrive $0xFFFF  }
0x22f: {  	_ =	strace $0x90000047  }
0x230: {  	s0 =	stileid.u32;
	[bflag:$0x2] =	sbarrier.arrive $0xFFFF  }
0x231: {  	p0 =	sne.s32 s0, $0x0;
	s0 =	rddreg [dreg:$0x4]  }
0x232: {  	s0 =	sadd.s32 @!p0 $0x100000, s0  }
0x233: {  	[sflag:s0] =	ssyncadd.tile.s32 @!p0 $0x1;
	_ =	shalt  }
.Lfunc_end2:
_tile_overlayer_lowered:
.L_overlay_start_2:
0x234: {  	(tag) =	ssettag $0x2  }
0x235: {  	s0 =	rddreg [dreg:$0x0];
	s2 =	stileid.u32  }
0x236: {  	s1 =	rddreg [dreg:$0x1];
	p0 =	sne.s32 s2, $0x0  }
0x237: {  	s3 =	rddreg [dreg:$0x2];
	[bflag:$0x3] =	sbarrier.arrive $0xFFFF;
	s2 =	simm.s32 @!p0 $0x1C05  }
0x238: {  	[timem:s3], [sflag:s2] =	dma.local @!p0 [hbm:s0], s1  }
0x239: {  	s0 =	simm.s32 @!p0 $0x5  }
0x23a: {  	_ =	swait.ge @!p0 [sflag:s0], s1  }
0x23b: {  	s1 =	ssub.s32 @!p0 $0x0, s1;
	[sflag:s0] =	ssyncset.done @!p0 $0x0  }
0x23c: {  	[sflag:s0] =	ssyncadd.s32 @!p0 s1  }
0x23d: {  	[bflag:$0x3] =	sbarrier.arrive $0xFFFF  }
0x23e: {  	_ =	shalt  }

</sc_bundles>
